<compile_context>
chip_gen: v7x
topology: tpu7x:2x2x1
jax: 0.10.2.dev20260603
libtpu: 0.0.44.dev20260713+nightly
codegen_flags: <defaults>
</compile_context>

<pallas_src>
import dataclasses
import functools

import jax
import jax.numpy as jnp
from jax import lax
from jax.experimental import pallas as pl
from jax.experimental.pallas import tpu as pltpu
from jax.experimental.pallas import tpu_sc as plsc

_SPARSITY = 0.1


def _stage_a_body(F, x_ref, w1t_ref, b1_ref, w2t_ref, a1_ref, c1_ref,
                  a2_ref, c2_ref, a3_ref,
                  keys_ref, u_ref, vf_ref, b2_ref, c2t_ref, a3s_ref):
    x = x_ref[...]
    h = jax.nn.relu(jnp.dot(x, w1t_ref[...]) + b1_ref[...])
    sc = jnp.dot(h, w2t_ref[...])
    b = jax.lax.bitcast_convert_type(sc, jnp.int32)
    neg = jax.lax.shift_right_arithmetic(b, 31)
    ukey = b ^ (neg | jnp.int32(-2147483648))
    n = ukey.shape[0]
    keys_ref[...] = ukey.reshape(n // 128, 128)
    a1 = a1_ref[...]
    hiprec = jax.lax.Precision.HIGHEST
    u_ref[...] = jax.lax.dot_general(
        x, a1[:, :F], (((1,), (1,)), ((), ())),
        precision=hiprec)
    a1kv = a1[:, F:2 * F] + a1[:, 2 * F:]
    vf = jax.lax.dot_general(
        x, a1kv, (((1,), (1,)), ((), ())),
        precision=hiprec) + c1_ref[...]
    vf_ref[...] = jnp.concatenate(
        [vf, jnp.zeros_like(vf)], axis=1)
    a2t = jnp.transpose(a2_ref[...])
    z = jnp.zeros_like(a2t)
    rows = [jnp.concatenate([a2t if q == p else z for q in range(4)],
                            axis=1) for p in range(4)]
    b2_ref[...] = jnp.concatenate(rows, axis=0).astype(jnp.bfloat16)
    c2r = c2_ref[...]
    c2t_ref[...] = jnp.concatenate([c2r] * 4, axis=1)
    a3t = jnp.transpose(a3_ref[...])
    a3s_ref[...] = jnp.concatenate([a3t] * 4, axis=0)


def _run_stage_a(x, W1T, b1, W2T, A1, c1, A2, c2, A3):
    n, F = x.shape
    return pl.pallas_call(
        functools.partial(_stage_a_body, F),
        out_shape=(
            jax.ShapeDtypeStruct((n // 128, 128), jnp.int32),
            jax.ShapeDtypeStruct((n, 64), jnp.float32),
            jax.ShapeDtypeStruct((n, 128), jnp.float32),
            jax.ShapeDtypeStruct((256, 128), jnp.bfloat16),
            jax.ShapeDtypeStruct((1, 128), jnp.float32),
            jax.ShapeDtypeStruct((128, F), jnp.float32),
        ),
    )(x, W1T, b1, W2T, A1, c1, A2, c2, A3)


def _make_sc_select(S, K, KP):
    n_vregs = S // 16
    n_rows = KP // 16
    mesh = plsc.VectorSubcoreMesh(core_axis_name="c", subcore_axis_name="s")

    def body(keys_hbm, vf_hbm, out_hbm, key_v, idx_v, vbuf, hist_v, sem):
        cid = lax.axis_index("c")
        sid = lax.axis_index("s")

        @pl.when(sid == 0)
        def _():
            base = cid * S
            pltpu.sync_copy(keys_hbm.at[pl.ds(base, S)], key_v)

            iot = lax.iota(jnp.int32, 16)
            ones = jnp.zeros((16,), jnp.int32) + 1

            prefix = jnp.int32(0)
            k_rem = jnp.int32(K)
            for p in range(4):
                shift = 24 - 8 * p
                for r in range(16):
                    hist_v[r] = jnp.zeros((16,), jnp.int32)

                pfx = prefix

                @pl.loop(0, n_vregs)
                def _(i, shift=shift, p=p, pfx=pfx):
                    kk = key_v[pl.ds(i * 16, 16)]
                    byte = lax.shift_right_logical(kk, shift) & jnp.int32(255)
                    row = lax.shift_right_logical(byte, 4)
                    col = byte & jnp.int32(15)
                    if p == 0:
                        plsc.addupdate_scatter(hist_v, [row, col], ones)
                    else:
                        act = lax.shift_right_logical(
                            kk, shift + 8) == pfx
                        plsc.addupdate_scatter(hist_v, [row, col], ones,
                                               mask=act)

                carry = jnp.int32(0)
                best = jnp.int32(0)
                for r in range(15, -1, -1):
                    h = hist_v[r]
                    tot = jnp.sum(h)
                    incl = plsc.cumsum(h)
                    ge = (carry + tot) - incl + h
                    cand = jnp.max(jnp.where(ge >= k_rem,
                                             iot + 16 * r, 0))
                    best = jnp.maximum(best, cand)
                    carry = carry + tot
                bsel = best
                accv = jnp.zeros((16,), jnp.int32)
                for r in range(16):
                    accv = accv + jnp.where(iot + 16 * r > bsel,
                                            hist_v[r], 0)
                cnt_gt = jnp.sum(accv)
                prefix = prefix * 256 + bsel
                k_rem = k_rem - cnt_gt

            utarget = prefix
            need = k_rem
            ngt = K - need
            sgn = jnp.int32(-2147483648)
            tvx = utarget ^ sgn

            for r in range(n_rows):
                idx_v[r] = jnp.zeros((16,), jnp.int32) + base

            def sbody(i, packed):
                cgt = packed // 8192
                ceq = packed - cgt * 8192
                kk = key_v[pl.ds(i * 16, 16)]
                gt = (kk ^ sgn) > tvx
                eq = kk == utarget
                gti = jnp.where(gt, 1, 0).astype(jnp.int32)
                eqi = jnp.where(eq, 1, 0).astype(jnp.int32)
                pgt = plsc.cumsum(gti) + cgt
                peq = plsc.cumsum(eqi) + ceq
                slot = jnp.where(gt, pgt - 1, ngt + peq - 1)
                slot = jnp.minimum(slot, jnp.int32(KP - 1))
                slot = jnp.maximum(slot, jnp.int32(0))
                m = gt | (eq & (peq <= need))
                tok = lax.iota(jnp.int32, 16) + (i * 16 + base)
                row = lax.shift_right_arithmetic(slot, 4)
                col = slot & jnp.int32(15)
                plsc.store_scatter(idx_v, [row, col], tok, mask=m)
                return ((cgt + jnp.sum(gti)) * 8192 + (ceq + jnp.sum(eqi)))

            lax.fori_loop(0, n_vregs, sbody, jnp.int32(0))

            copies = []
            for r in range(n_rows):
                copies.append(pltpu.async_copy(
                    vf_hbm.at[idx_v.at[r]],
                    vbuf.at[pl.ds(r * 16, 16)], sem))
            for c in copies:
                c.wait()
            pltpu.sync_copy(vbuf, out_hbm.at[cid])

    cp = pltpu.CompilerParams()
    if "needs_layout_passes" in pltpu.CompilerParams.__dataclass_fields__:
        cp = dataclasses.replace(cp, needs_layout_passes=False)
    return functools.partial(
        pl.kernel, body,
        out_type=jax.ShapeDtypeStruct((2, KP, 128), jnp.float32),
        mesh=mesh,
        compiler_params=cp,
        scratch_types=[
            pltpu.VMEM((S,), jnp.int32),
            pltpu.VMEM((KP // 16, 16), jnp.int32),
            pltpu.VMEM((KP, 128), jnp.float32),
            pltpu.VMEM((16, 16), jnp.int32),
            pltpu.SemaphoreType.DMA,
        ],
    )()


def _stage_c_body(groups, inv_k, u_ref, v2_ref, b2_ref, c2_ref, a3_ref,
                  c3_ref, out_ref):
    u = u_ref[0]
    u4 = jnp.concatenate([u, u, u, u], axis=1)
    v52 = v2_ref[0]
    b2b = b2_ref[...]
    c2t = c2_ref[...]
    ts = u.shape[0]
    acc = jnp.zeros((ts, 128), jnp.float32)
    for jg in range(groups):
        vrow = v52[jg:jg + 1, :]
        h = jax.nn.relu(u4 + vrow)
        g = jnp.dot(h.astype(jnp.bfloat16), b2b,
                    preferred_element_type=jnp.float32)
        acc = acc + jax.nn.relu(g + c2t)
    out = jax.lax.dot_general(
        acc * inv_k, a3_ref[...], (((1,), (0,)), ((), ())),
        precision=jax.lax.Precision.HIGHEST) + c3_ref[...]
    out_ref[0] = out


def _run_stage_c(u3, v2, b2, c2t, a3s, c3r, K, TS):
    B, S, _ = u3.shape
    G = v2.shape[1]
    body = functools.partial(_stage_c_body, G, 1.0 / K)
    return pl.pallas_call(
        body,
        grid=(B, S // TS),
        in_specs=[
            pl.BlockSpec((1, TS, 64), lambda b, i: (b, i, 0)),
            pl.BlockSpec((1, G, 256), lambda b, i: (b, 0, 0)),
            pl.BlockSpec((256, 128), lambda b, i: (0, 0)),
            pl.BlockSpec((1, 128), lambda b, i: (0, 0)),
            pl.BlockSpec((128, 10), lambda b, i: (0, 0)),
            pl.BlockSpec((1, 10), lambda b, i: (0, 0)),
        ],
        out_specs=pl.BlockSpec((1, TS, 10), lambda b, i: (b, i, 0)),
        out_shape=jax.ShapeDtypeStruct((B, S, 10), jnp.float32),
    )(u3, v2, b2, c2t, a3s, c3r)


def kernel(full, W1, b1, W2, b2, A1, c1, A2, c2, A3, c3):
    B, S, F = full.shape
    K = max(1, int(S * _SPARSITY))
    KP = ((K + 15) // 16) * 16
    G = K // 4

    x = full.reshape(B * S, F)
    keys, u, vf, b2blk, c2t, a3s = _run_stage_a(
        x, W1.T, b1.reshape(1, 32), W2.T, A1, c1.reshape(1, 64),
        A2, c2.reshape(1, 32), A3)

    sc_select = _make_sc_select(S, K, KP)
    v = sc_select(keys.reshape(B * S), vf)

    u3 = u.reshape(B, S, 64)
    v2 = v[:, :K, :64].reshape(B, G, 256)

    out = _run_stage_c(u3, v2, b2blk, c2t, a3s, c3.reshape(1, F), K, TS=2048)
    return out

# --- scband reference (transcript-rebuilt; emitter-appended) ---
"""Pipeline reference for scband-attention-approximator-14396730376896 (READ-ONLY COPY).

The authoritative reference and input builder live on the scoring server;
editing this copy changes nothing except your own understanding.
"""

import jax, jax.numpy as jnp
import numpy as np

B, S, F = 2, 2048, 10
SPARSITY = 0.1

def _lin(k, out_d, in_d):
    return jax.random.normal(k, (out_d, in_d), dtype=jnp.float32) * (1.0 / np.sqrt(in_d))

def setup_inputs(seed: int = 0) -> dict:
    key = jax.random.key(seed)
    ks = jax.random.split(key, 7)
    full = jax.random.normal(ks[0], (B, S, F), dtype=jnp.float32)
    W1 = _lin(ks[1], 32, F); b1 = jnp.zeros((32,), jnp.float32)
    W2 = _lin(ks[2], 1, 32); b2 = jnp.zeros((1,), jnp.float32)
    A1 = _lin(ks[3], 64, 3 * F); c1 = jnp.zeros((64,), jnp.float32)
    A2 = _lin(ks[4], 32, 64); c2 = jnp.zeros((32,), jnp.float32)
    A3 = _lin(ks[5], F, 32); c3 = jnp.zeros((F,), jnp.float32)
    return {"full": full, "W1": W1, "b1": b1, "W2": W2, "b2": b2,
            "A1": A1, "c1": c1, "A2": A2, "c2": c2, "A3": A3, "c3": c3}

def reference(full, W1, b1, W2, b2, A1, c1, A2, c2, A3, c3):
    b, s, f = full.shape
    # importance scorer: Linear(F,32) -> ReLU -> Linear(32,1)
    h = jax.nn.relu(full @ W1.T + b1)
    scores = (h @ W2.T + b2)[..., 0]  # [B, S]
    k = max(1, int(s * SPARSITY))
    _, top_idx = jax.lax.top_k(scores, k)  # [B, k]
    # gather selected keys/values (keys == values == full tokens)
    kv = jnp.take_along_axis(full, top_idx[:, :, None], axis=1)  # [B, k, F]
    q = jnp.broadcast_to(full[:, :, None, :], (b, s, k, f))
    kvb = jnp.broadcast_to(kv[:, None, :, :], (b, s, k, f))
    qkv = jnp.concatenate([q, kvb, kvb], axis=-1)  # [B, S, k, 3F]
    x = jax.nn.relu(qkv @ A1.T + c1)
    x = jax.nn.relu(x @ A2.T + c2)
    x = x @ A3.T + c3  # [B, S, k, F]
    return x.mean(axis=2)  # [B, S, F]

if __name__ == "__main__":
    import jax
    _d = setup_inputs()
    print(jax.jit(kernel)(*tuple(_d.values())))

</pallas_src>

<mosaic_0001>
#map = affine_map<(d0, d1) -> (0)>
#map1 = affine_map<(d0, d1) -> (0, 0)>
#map2 = affine_map<(d0, d1) -> (0, 0, 0)>
module attributes {stable_mosaic.version = 14 : i64} {
  func.func @body(%arg0: i32, %arg1: i32, %arg2: memref<4096xi32, #tpu.memory_space<hbm>>, %arg3: memref<4096x128xf32, #tpu.memory_space<hbm>>, %arg4: memref<2x208x128xf32, #tpu.memory_space<hbm>>, %arg5: memref<2048xi32, #tpu.memory_space<vmem>>, %arg6: memref<13x16xi32, #tpu.memory_space<vmem>>, %arg7: memref<208x128xf32, #tpu.memory_space<vmem>>, %arg8: memref<16x16xi32, #tpu.memory_space<vmem>>, %arg9: memref<!tpu.dma_semaphore, #tpu.memory_space<semaphore_mem>>) attributes {dimension_semantics = [#tpu.dimension_semantics<core_parallel>, #tpu.dimension_semantics<subcore_parallel>], iteration_bounds = array<i64: 2, 16>, scalar_prefetch = 0 : i64, scratch_operands = 5 : i64, tpu.core_type = #tpu.core_type<sc_vector_subcore>, window_params = [{transform_indices = #map}, {transform_indices = #map1}, {transform_indices = #map2}]} {
    %eq3A = arith.constant 0 : i32
    %eq3A_0 = arith.cmpi eq, %arg1, %eq3A : i32
    %convert_element_type3A = arith.extui %eq3A_0 : i1 to i32
    %cond3A = arith.constant 0 : i32
    %cond3A_1 = arith.cmpi ne, %convert_element_type3A, %cond3A : i32
    scf.if %cond3A_1 {
      %mul3A = arith.constant 2048 : i32
      %mul3A_2 = arith.muli %arg0, %mul3A : i32
      "tpu.region"() ({
        %run_scoped3A = tpu.sem_alloc : memref<!tpu.dma_semaphore, #tpu.memory_space<semaphore_mem>>
        %dma_start3A_3785 = tpu.memref_slice %arg2[%mul3A_2] : memref<4096xi32, #tpu.memory_space<hbm>> -> memref<2048xi32, #tpu.memory_space<hbm>>
        %dma_start3A_3786 = tpu.memref_slice %arg2[%mul3A_2] : memref<4096xi32, #tpu.memory_space<hbm>> -> memref<2048xi32, #tpu.memory_space<hbm>>
        tpu.enqueue_dma source(%dma_start3A_3786 : memref<2048xi32, #tpu.memory_space<hbm>>) target(%arg5 : memref<2048xi32, #tpu.memory_space<vmem>>) target_semaphore(%run_scoped3A : memref<!tpu.dma_semaphore, #tpu.memory_space<semaphore_mem>>)
        %dma_wait3A_3787 = tpu.memref_slice %arg2[%mul3A_2] : memref<4096xi32, #tpu.memory_space<hbm>> -> memref<2048xi32, #tpu.memory_space<hbm>>
        %dma_wait3A_3788 = tpu.memref_slice %arg2[%mul3A_2] : memref<4096xi32, #tpu.memory_space<hbm>> -> memref<2048xi32, #tpu.memory_space<hbm>>
        tpu.wait_dma2 semaphore(%run_scoped3A : memref<!tpu.dma_semaphore, #tpu.memory_space<semaphore_mem>>) src(%dma_wait3A_3788 : memref<2048xi32, #tpu.memory_space<hbm>>) dst(%arg5 : memref<2048xi32, #tpu.memory_space<vmem>>)
        tpu.yield
      }) : () -> ()
      %iota3A = tpu.iota {dimensions = array<i32: 0>} : vector<16xi32>
      %broadcast_in_dim3A = arith.constant 0 : i32
      %broadcast_in_dim3A_3 = vector.broadcast %broadcast_in_dim3A : i32 to vector<16xi32>
      %add3A = arith.constant 1 : i32
      %add3A_4 = vector.broadcast %add3A : i32 to vector<16xi32>
      %add3A_5 = arith.addi %broadcast_in_dim3A_3, %add3A_4 : vector<16xi32>
      %broadcast_in_dim3A_6 = arith.constant 0 : i32
      %broadcast_in_dim3A_7 = vector.broadcast %broadcast_in_dim3A_6 : i32 to vector<16xi32>
      %swap3A = arith.constant 0 : i32
      %swap3A_8 = arith.index_cast %swap3A : i32 to index
      %swap3A_9 = arith.constant 0 : index
      %swap3A_10 = tpu.vector_load %arg8[%swap3A_8, %swap3A_9] {strides = array<i32>} : memref<16x16xi32, #tpu.memory_space<vmem>>, vector<16xi32>,
      tpu.vector_store %arg8[%swap3A_8, %swap3A_9], %broadcast_in_dim3A_7 {strides = array<i32>} : memref<16x16xi32, #tpu.memory_space<vmem>>, vector<16xi32>,
      %broadcast_in_dim3A_11 = arith.constant 0 : i32
      %broadcast_in_dim3A_12 = vector.broadcast %broadcast_in_dim3A_11 : i32 to vector<16xi32>
      %swap3A_13 = arith.constant 1 : i32
      %swap3A_14 = arith.index_cast %swap3A_13 : i32 to index
      %swap3A_15 = arith.constant 0 : index
      %swap3A_16 = tpu.vector_load %arg8[%swap3A_14, %swap3A_15] {strides = array<i32>} : memref<16x16xi32, #tpu.memory_space<vmem>>, vector<16xi32>,
      tpu.vector_store %arg8[%swap3A_14, %swap3A_15], %broadcast_in_dim3A_12 {strides = array<i32>} : memref<16x16xi32, #tpu.memory_space<vmem>>, vector<16xi32>,
      %broadcast_in_dim3A_17 = arith.constant 0 : i32
      %broadcast_in_dim3A_18 = vector.broadcast %broadcast_in_dim3A_17 : i32 to vector<16xi32>
      %swap3A_19 = arith.constant 2 : i32
      %swap3A_20 = arith.index_cast %swap3A_19 : i32 to index
      %swap3A_21 = arith.constant 0 : index
      %swap3A_22 = tpu.vector_load %arg8[%swap3A_20, %swap3A_21] {strides = array<i32>} : memref<16x16xi32, #tpu.memory_space<vmem>>, vector<16xi32>,
      tpu.vector_store %arg8[%swap3A_20, %swap3A_21], %broadcast_in_dim3A_18 {strides = array<i32>} : memref<16x16xi32, #tpu.memory_space<vmem>>, vector<16xi32>,
      %broadcast_in_dim3A_23 = arith.constant 0 : i32
      %broadcast_in_dim3A_24 = vector.broadcast %broadcast_in_dim3A_23 : i32 to vector<16xi32>
      %swap3A_25 = arith.constant 3 : i32
      %swap3A_26 = arith.index_cast %swap3A_25 : i32 to index
      %swap3A_27 = arith.constant 0 : index
      %swap3A_28 = tpu.vector_load %arg8[%swap3A_26, %swap3A_27] {strides = array<i32>} : memref<16x16xi32, #tpu.memory_space<vmem>>, vector<16xi32>,
      tpu.vector_store %arg8[%swap3A_26, %swap3A_27], %broadcast_in_dim3A_24 {strides = array<i32>} : memref<16x16xi32, #tpu.memory_space<vmem>>, vector<16xi32>,
      %broadcast_in_dim3A_29 = arith.constant 0 : i32
      %broadcast_in_dim3A_30 = vector.broadcast %broadcast_in_dim3A_29 : i32 to vector<16xi32>
      %swap3A_31 = arith.constant 4 : i32
      %swap3A_32 = arith.index_cast %swap3A_31 : i32 to index
      %swap3A_33 = arith.constant 0 : index
      %swap3A_34 = tpu.vector_load %arg8[%swap3A_32, %swap3A_33] {strides = array<i32>} : memref<16x16xi32, #tpu.memory_space<vmem>>, vector<16xi32>,
      tpu.vector_store %arg8[%swap3A_32, %swap3A_33], %broadcast_in_dim3A_30 {strides = array<i32>} : memref<16x16xi32, #tpu.memory_space<vmem>>, vector<16xi32>,
      %broadcast_in_dim3A_35 = arith.constant 0 : i32
      %broadcast_in_dim3A_36 = vector.broadcast %broadcast_in_dim3A_35 : i32 to vector<16xi32>
      %swap3A_37 = arith.constant 5 : i32
      %swap3A_38 = arith.index_cast %swap3A_37 : i32 to index
      %swap3A_39 = arith.constant 0 : index
      %swap3A_40 = tpu.vector_load %arg8[%swap3A_38, %swap3A_39] {strides = array<i32>} : memref<16x16xi32, #tpu.memory_space<vmem>>, vector<16xi32>,
      tpu.vector_store %arg8[%swap3A_38, %swap3A_39], %broadcast_in_dim3A_36 {strides = array<i32>} : memref<16x16xi32, #tpu.memory_space<vmem>>, vector<16xi32>,
      %broadcast_in_dim3A_41 = arith.constant 0 : i32
      %broadcast_in_dim3A_42 = vector.broadcast %broadcast_in_dim3A_41 : i32 to vector<16xi32>
      %swap3A_43 = arith.constant 6 : i32
      %swap3A_44 = arith.index_cast %swap3A_43 : i32 to index
      %swap3A_45 = arith.constant 0 : index
      %swap3A_46 = tpu.vector_load %arg8[%swap3A_44, %swap3A_45] {strides = array<i32>} : memref<16x16xi32, #tpu.memory_space<vmem>>, vector<16xi32>,
      tpu.vector_store %arg8[%swap3A_44, %swap3A_45], %broadcast_in_dim3A_42 {strides = array<i32>} : memref<16x16xi32, #tpu.memory_space<vmem>>, vector<16xi32>,
      %broadcast_in_dim3A_47 = arith.constant 0 : i32
      %broadcast_in_dim3A_48 = vector.broadcast %broadcast_in_dim3A_47 : i32 to vector<16xi32>
      %swap3A_49 = arith.constant 7 : i32
      %swap3A_50 = arith.index_cast %swap3A_49 : i32 to index
      %swap3A_51 = arith.constant 0 : index
      %swap3A_52 = tpu.vector_load %arg8[%swap3A_50, %swap3A_51] {strides = array<i32>} : memref<16x16xi32, #tpu.memory_space<vmem>>, vector<16xi32>,
      tpu.vector_store %arg8[%swap3A_50, %swap3A_51], %broadcast_in_dim3A_48 {strides = array<i32>} : memref<16x16xi32, #tpu.memory_space<vmem>>, vector<16xi32>,
      %broadcast_in_dim3A_53 = arith.constant 0 : i32
      %broadcast_in_dim3A_54 = vector.broadcast %broadcast_in_dim3A_53 : i32 to vector<16xi32>
      %swap3A_55 = arith.constant 8 : i32
      %swap3A_56 = arith.index_cast %swap3A_55 : i32 to index
      %swap3A_57 = arith.constant 0 : index
      %swap3A_58 = tpu.vector_load %arg8[%swap3A_56, %swap3A_57] {strides = array<i32>} : memref<16x16xi32, #tpu.memory_space<vmem>>, vector<16xi32>,
      tpu.vector_store %arg8[%swap3A_56, %swap3A_57], %broadcast_in_dim3A_54 {strides = array<i32>} : memref<16x16xi32, #tpu.memory_space<vmem>>, vector<16xi32>,
      %broadcast_in_dim3A_59 = arith.constant 0 : i32
      %broadcast_in_dim3A_60 = vector.broadcast %broadcast_in_dim3A_59 : i32 to vector<16xi32>
      %swap3A_61 = arith.constant 9 : i32
      %swap3A_62 = arith.index_cast %swap3A_61 : i32 to index
      %swap3A_63 = arith.constant 0 : index
      %swap3A_64 = tpu.vector_load %arg8[%swap3A_62, %swap3A_63] {strides = array<i32>} : memref<16x16xi32, #tpu.memory_space<vmem>>, vector<16xi32>,
      tpu.vector_store %arg8[%swap3A_62, %swap3A_63], %broadcast_in_dim3A_60 {strides = array<i32>} : memref<16x16xi32, #tpu.memory_space<vmem>>, vector<16xi32>,
      %broadcast_in_dim3A_65 = arith.constant 0 : i32
      %broadcast_in_dim3A_66 = vector.broadcast %broadcast_in_dim3A_65 : i32 to vector<16xi32>
      %swap3A_67 = arith.constant 10 : i32
      %swap3A_68 = arith.index_cast %swap3A_67 : i32 to index
      %swap3A_69 = arith.constant 0 : index
      %swap3A_70 = tpu.vector_load %arg8[%swap3A_68, %swap3A_69] {strides = array<i32>} : memref<16x16xi32, #tpu.memory_space<vmem>>, vector<16xi32>,
      tpu.vector_store %arg8[%swap3A_68, %swap3A_69], %broadcast_in_dim3A_66 {strides = array<i32>} : memref<16x16xi32, #tpu.memory_space<vmem>>, vector<16xi32>,
      %broadcast_in_dim3A_71 = arith.constant 0 : i32
      %broadcast_in_dim3A_72 = vector.broadcast %broadcast_in_dim3A_71 : i32 to vector<16xi32>
      %swap3A_73 = arith.constant 11 : i32
      %swap3A_74 = arith.index_cast %swap3A_73 : i32 to index
      %swap3A_75 = arith.constant 0 : index
      %swap3A_76 = tpu.vector_load %arg8[%swap3A_74, %swap3A_75] {strides = array<i32>} : memref<16x16xi32, #tpu.memory_space<vmem>>, vector<16xi32>,
      tpu.vector_store %arg8[%swap3A_74, %swap3A_75], %broadcast_in_dim3A_72 {strides = array<i32>} : memref<16x16xi32, #tpu.memory_space<vmem>>, vector<16xi32>,
      %broadcast_in_dim3A_77 = arith.constant 0 : i32
      %broadcast_in_dim3A_78 = vector.broadcast %broadcast_in_dim3A_77 : i32 to vector<16xi32>
      %swap3A_79 = arith.constant 12 : i32
      %swap3A_80 = arith.index_cast %swap3A_79 : i32 to index
      %swap3A_81 = arith.constant 0 : index
      %swap3A_82 = tpu.vector_load %arg8[%swap3A_80, %swap3A_81] {strides = array<i32>} : memref<16x16xi32, #tpu.memory_space<vmem>>, vector<16xi32>,
      tpu.vector_store %arg8[%swap3A_80, %swap3A_81], %broadcast_in_dim3A_78 {strides = array<i32>} : memref<16x16xi32, #tpu.memory_space<vmem>>, vector<16xi32>,
      %broadcast_in_dim3A_83 = arith.constant 0 : i32
      %broadcast_in_dim3A_84 = vector.broadcast %broadcast_in_dim3A_83 : i32 to vector<16xi32>
      %swap3A_85 = arith.constant 13 : i32
      %swap3A_86 = arith.index_cast %swap3A_85 : i32 to index
      %swap3A_87 = arith.constant 0 : index
      %swap3A_88 = tpu.vector_load %arg8[%swap3A_86, %swap3A_87] {strides = array<i32>} : memref<16x16xi32, #tpu.memory_space<vmem>>, vector<16xi32>,
      tpu.vector_store %arg8[%swap3A_86, %swap3A_87], %broadcast_in_dim3A_84 {strides = array<i32>} : memref<16x16xi32, #tpu.memory_space<vmem>>, vector<16xi32>,
      %broadcast_in_dim3A_89 = arith.constant 0 : i32
      %broadcast_in_dim3A_90 = vector.broadcast %broadcast_in_dim3A_89 : i32 to vector<16xi32>
      %swap3A_91 = arith.constant 14 : i32
      %swap3A_92 = arith.index_cast %swap3A_91 : i32 to index
      %swap3A_93 = arith.constant 0 : index
      %swap3A_94 = tpu.vector_load %arg8[%swap3A_92, %swap3A_93] {strides = array<i32>} : memref<16x16xi32, #tpu.memory_space<vmem>>, vector<16xi32>,
      tpu.vector_store %arg8[%swap3A_92, %swap3A_93], %broadcast_in_dim3A_90 {strides = array<i32>} : memref<16x16xi32, #tpu.memory_space<vmem>>, vector<16xi32>,
      %broadcast_in_dim3A_95 = arith.constant 0 : i32
      %broadcast_in_dim3A_96 = vector.broadcast %broadcast_in_dim3A_95 : i32 to vector<16xi32>
      %swap3A_97 = arith.constant 15 : i32
      %swap3A_98 = arith.index_cast %swap3A_97 : i32 to index
      %swap3A_99 = arith.constant 0 : index
      %swap3A_100 = tpu.vector_load %arg8[%swap3A_98, %swap3A_99] {strides = array<i32>} : memref<16x16xi32, #tpu.memory_space<vmem>>, vector<16xi32>,
      tpu.vector_store %arg8[%swap3A_98, %swap3A_99], %broadcast_in_dim3A_96 {strides = array<i32>} : memref<16x16xi32, #tpu.memory_space<vmem>>, vector<16xi32>,
      %scan3A = arith.constant 0 : i32
      %scan3A_101 = arith.constant 128 : i32
      %scan3A_102 = arith.addi %scan3A, %scan3A_101 : i32
      %scan3A_103 = arith.constant 1 : i32
      scf.for %scan3A_3785 = %scan3A to %scan3A_102 step %scan3A_103  : i32 {
        %mul3A_3786 = arith.constant 1 : i32
        %mul3A_3787 = arith.muli %scan3A_3785, %mul3A_3786 : i32
        %add3A_3788 = arith.constant 0 : i32
        %add3A_3789 = arith.addi %add3A_3788, %mul3A_3787 : i32
        %mul3A_3790 = arith.constant 16 : i32
        %mul3A_3791 = arith.muli %add3A_3789, %mul3A_3790 : i32
        %get3A_3792 = arith.index_cast %mul3A_3791 : i32 to index
        %get3A_3793 = tpu.vector_load %arg5[%get3A_3792] {strides = array<i32>} : memref<2048xi32, #tpu.memory_space<vmem>>, vector<16xi32>,
        %shift_right_logical3A = arith.constant 24 : i32
        %shift_right_logical3A_3794 = vector.broadcast %shift_right_logical3A : i32 to vector<16xi32>
        %shift_right_logical3A_3795 = arith.shrui %get3A_3793, %shift_right_logical3A_3794 : vector<16xi32>
        %and3A = arith.constant 255 : i32
        %and3A_3796 = vector.broadcast %and3A : i32 to vector<16xi32>
        %and3A_3797 = arith.andi %shift_right_logical3A_3795, %and3A_3796 : vector<16xi32>
        %shift_right_logical3A_3798 = arith.constant 4 : i32
        %shift_right_logical3A_3799 = vector.broadcast %shift_right_logical3A_3798 : i32 to vector<16xi32>
        %shift_right_logical3A_3800 = arith.shrui %and3A_3797, %shift_right_logical3A_3799 : vector<16xi32>
        %and3A_3801 = arith.constant 15 : i32
        %and3A_3802 = vector.broadcast %and3A_3801 : i32 to vector<16xi32>
        %and3A_3803 = arith.andi %and3A_3797, %and3A_3802 : vector<16xi32>
        tpu.vector_store_idx %arg8[%shift_right_logical3A_3800, %and3A_3803], %add3A_5 {add = true} : memref<16x16xi32, #tpu.memory_space<vmem>>[vector<16xi32>, vector<16xi32>], vector<16xi32>,
      }
      %scan3A_104 = arith.constant 128 : i32
      %get3A = arith.constant 15 : i32
      %get3A_105 = arith.index_cast %get3A : i32 to index
      %get3A_106 = arith.constant 0 : index
      %get3A_107 = tpu.vector_load %arg8[%get3A_105, %get3A_106] {strides = array<i32>} : memref<16x16xi32, #tpu.memory_space<vmem>>, vector<16xi32>,
      %reduce_sum3A = arith.constant true
      %reduce_sum3A_108 = vector.broadcast %reduce_sum3A : i1 to vector<16xi1>
      %reduce_sum3A_109 = tpu.scan <sum>, %get3A_107 masked %reduce_sum3A_108 : vector<16xi32>, vector<16xi1> -> vector<16xi32>
      %reduce_sum3A_110 = vector.extract %reduce_sum3A_109[15] : i32 from vector<16xi32>
      %broadcast_in_dim3A_111 = arith.constant true
      %broadcast_in_dim3A_112 = vector.broadcast %broadcast_in_dim3A_111 : i1 to vector<16xi1>
      %masked_cumsum3A = tpu.scan <sum>, %get3A_107 masked %broadcast_in_dim3A_112 : vector<16xi32>, vector<16xi1> -> vector<16xi32>
      %add3A_113 = arith.constant 0 : i32
      %add3A_114 = arith.addi %add3A_113, %reduce_sum3A_110 : i32
      %sub3A = vector.broadcast %add3A_114 : i32 to vector<16xi32>
      %sub3A_115 = arith.subi %sub3A, %masked_cumsum3A : vector<16xi32>
      %add3A_116 = arith.addi %sub3A_115, %get3A_107 : vector<16xi32>
      %ge3A = arith.constant 204 : i32
      %ge3A_117 = vector.broadcast %ge3A : i32 to vector<16xi32>
      %ge3A_118 = arith.cmpi sge, %add3A_116, %ge3A_117 : vector<16xi32>
      %add3A_119 = arith.constant 240 : i32
      %add3A_120 = vector.broadcast %add3A_119 : i32 to vector<16xi32>
      %add3A_121 = arith.addi %iota3A, %add3A_120 : vector<16xi32>
      %jit3A = arith.constant 0 : i32
      %broadcast_in_dim3A_122 = vector.broadcast %jit3A : i32 to vector<16xi32>
      %select_n3A = arith.select %ge3A_118, %add3A_121, %broadcast_in_dim3A_122 : vector<16xi1>, vector<16xi32>
      %reduce_max3A = arith.constant true
      %reduce_max3A_123 = vector.broadcast %reduce_max3A : i1 to vector<16xi1>
      %reduce_max3A_124 = arith.constant -2147483648 : i32
      %reduce_max3A_125 = vector.broadcast %reduce_max3A_124 : i32 to vector<16xi32>
      %reduce_max3A_126 = arith.xori %select_n3A, %reduce_max3A_125 : vector<16xi32>
      %reduce_max3A_127 = tpu.scan <max>, %reduce_max3A_126 masked %reduce_max3A_123 : vector<16xi32>, vector<16xi1> -> vector<16xi32>
      %reduce_max3A_128 = arith.xori %reduce_max3A_127, %reduce_max3A_125 : vector<16xi32>
      %reduce_max3A_129 = vector.extract %reduce_max3A_128[15] : i32 from vector<16xi32>
      %max3A = arith.constant 0 : i32
      %max3A_130 = arith.maxsi %max3A, %reduce_max3A_129 : i32
      %add3A_131 = arith.constant 0 : i32
      %add3A_132 = arith.addi %add3A_131, %reduce_sum3A_110 : i32
      %get3A_133 = arith.constant 14 : i32
      %get3A_134 = arith.index_cast %get3A_133 : i32 to index
      %get3A_135 = arith.constant 0 : index
      %get3A_136 = tpu.vector_load %arg8[%get3A_134, %get3A_135] {strides = array<i32>} : memref<16x16xi32, #tpu.memory_space<vmem>>, vector<16xi32>,
      %reduce_sum3A_137 = arith.constant true
      %reduce_sum3A_138 = vector.broadcast %reduce_sum3A_137 : i1 to vector<16xi1>
      %reduce_sum3A_139 = tpu.scan <sum>, %get3A_136 masked %reduce_sum3A_138 : vector<16xi32>, vector<16xi1> -> vector<16xi32>
      %reduce_sum3A_140 = vector.extract %reduce_sum3A_139[15] : i32 from vector<16xi32>
      %broadcast_in_dim3A_141 = arith.constant true
      %broadcast_in_dim3A_142 = vector.broadcast %broadcast_in_dim3A_141 : i1 to vector<16xi1>
      %masked_cumsum3A_143 = tpu.scan <sum>, %get3A_136 masked %broadcast_in_dim3A_142 : vector<16xi32>, vector<16xi1> -> vector<16xi32>
      %add3A_144 = arith.addi %add3A_132, %reduce_sum3A_140 : i32
      %sub3A_145 = vector.broadcast %add3A_144 : i32 to vector<16xi32>
      %sub3A_146 = arith.subi %sub3A_145, %masked_cumsum3A_143 : vector<16xi32>
      %add3A_147 = arith.addi %sub3A_146, %get3A_136 : vector<16xi32>
      %ge3A_148 = arith.constant 204 : i32
      %ge3A_149 = vector.broadcast %ge3A_148 : i32 to vector<16xi32>
      %ge3A_150 = arith.cmpi sge, %add3A_147, %ge3A_149 : vector<16xi32>
      %add3A_151 = arith.constant 224 : i32
      %add3A_152 = vector.broadcast %add3A_151 : i32 to vector<16xi32>
      %add3A_153 = arith.addi %iota3A, %add3A_152 : vector<16xi32>
      %jit3A_154 = arith.constant 0 : i32
      %broadcast_in_dim3A_155 = vector.broadcast %jit3A_154 : i32 to vector<16xi32>
      %select_n3A_156 = arith.select %ge3A_150, %add3A_153, %broadcast_in_dim3A_155 : vector<16xi1>, vector<16xi32>
      %reduce_max3A_157 = arith.constant true
      %reduce_max3A_158 = vector.broadcast %reduce_max3A_157 : i1 to vector<16xi1>
      %reduce_max3A_159 = arith.constant -2147483648 : i32
      %reduce_max3A_160 = vector.broadcast %reduce_max3A_159 : i32 to vector<16xi32>
      %reduce_max3A_161 = arith.xori %select_n3A_156, %reduce_max3A_160 : vector<16xi32>
      %reduce_max3A_162 = tpu.scan <max>, %reduce_max3A_161 masked %reduce_max3A_158 : vector<16xi32>, vector<16xi1> -> vector<16xi32>
      %reduce_max3A_163 = arith.xori %reduce_max3A_162, %reduce_max3A_160 : vector<16xi32>
      %reduce_max3A_164 = vector.extract %reduce_max3A_163[15] : i32 from vector<16xi32>
      %max3A_165 = arith.maxsi %max3A_130, %reduce_max3A_164 : i32
      %add3A_166 = arith.addi %add3A_132, %reduce_sum3A_140 : i32
      %get3A_167 = arith.constant 13 : i32
      %get3A_168 = arith.index_cast %get3A_167 : i32 to index
      %get3A_169 = arith.constant 0 : index
      %get3A_170 = tpu.vector_load %arg8[%get3A_168, %get3A_169] {strides = array<i32>} : memref<16x16xi32, #tpu.memory_space<vmem>>, vector<16xi32>,
      %reduce_sum3A_171 = arith.constant true
      %reduce_sum3A_172 = vector.broadcast %reduce_sum3A_171 : i1 to vector<16xi1>
      %reduce_sum3A_173 = tpu.scan <sum>, %get3A_170 masked %reduce_sum3A_172 : vector<16xi32>, vector<16xi1> -> vector<16xi32>
      %reduce_sum3A_174 = vector.extract %reduce_sum3A_173[15] : i32 from vector<16xi32>
      %broadcast_in_dim3A_175 = arith.constant true
      %broadcast_in_dim3A_176 = vector.broadcast %broadcast_in_dim3A_175 : i1 to vector<16xi1>
      %masked_cumsum3A_177 = tpu.scan <sum>, %get3A_170 masked %broadcast_in_dim3A_176 : vector<16xi32>, vector<16xi1> -> vector<16xi32>
      %add3A_178 = arith.addi %add3A_166, %reduce_sum3A_174 : i32
      %sub3A_179 = vector.broadcast %add3A_178 : i32 to vector<16xi32>
      %sub3A_180 = arith.subi %sub3A_179, %masked_cumsum3A_177 : vector<16xi32>
      %add3A_181 = arith.addi %sub3A_180, %get3A_170 : vector<16xi32>
      %ge3A_182 = arith.constant 204 : i32
      %ge3A_183 = vector.broadcast %ge3A_182 : i32 to vector<16xi32>
      %ge3A_184 = arith.cmpi sge, %add3A_181, %ge3A_183 : vector<16xi32>
      %add3A_185 = arith.constant 208 : i32
      %add3A_186 = vector.broadcast %add3A_185 : i32 to vector<16xi32>
      %add3A_187 = arith.addi %iota3A, %add3A_186 : vector<16xi32>
      %jit3A_188 = arith.constant 0 : i32
      %broadcast_in_dim3A_189 = vector.broadcast %jit3A_188 : i32 to vector<16xi32>
      %select_n3A_190 = arith.select %ge3A_184, %add3A_187, %broadcast_in_dim3A_189 : vector<16xi1>, vector<16xi32>
      %reduce_max3A_191 = arith.constant true
      %reduce_max3A_192 = vector.broadcast %reduce_max3A_191 : i1 to vector<16xi1>
      %reduce_max3A_193 = arith.constant -2147483648 : i32
      %reduce_max3A_194 = vector.broadcast %reduce_max3A_193 : i32 to vector<16xi32>
      %reduce_max3A_195 = arith.xori %select_n3A_190, %reduce_max3A_194 : vector<16xi32>
      %reduce_max3A_196 = tpu.scan <max>, %reduce_max3A_195 masked %reduce_max3A_192 : vector<16xi32>, vector<16xi1> -> vector<16xi32>
      %reduce_max3A_197 = arith.xori %reduce_max3A_196, %reduce_max3A_194 : vector<16xi32>
      %reduce_max3A_198 = vector.extract %reduce_max3A_197[15] : i32 from vector<16xi32>
      %max3A_199 = arith.maxsi %max3A_165, %reduce_max3A_198 : i32
      %add3A_200 = arith.addi %add3A_166, %reduce_sum3A_174 : i32
      %get3A_201 = arith.constant 12 : i32
      %get3A_202 = arith.index_cast %get3A_201 : i32 to index
      %get3A_203 = arith.constant 0 : index
      %get3A_204 = tpu.vector_load %arg8[%get3A_202, %get3A_203] {strides = array<i32>} : memref<16x16xi32, #tpu.memory_space<vmem>>, vector<16xi32>,
      %reduce_sum3A_205 = arith.constant true
      %reduce_sum3A_206 = vector.broadcast %reduce_sum3A_205 : i1 to vector<16xi1>
      %reduce_sum3A_207 = tpu.scan <sum>, %get3A_204 masked %reduce_sum3A_206 : vector<16xi32>, vector<16xi1> -> vector<16xi32>
      %reduce_sum3A_208 = vector.extract %reduce_sum3A_207[15] : i32 from vector<16xi32>
      %broadcast_in_dim3A_209 = arith.constant true
      %broadcast_in_dim3A_210 = vector.broadcast %broadcast_in_dim3A_209 : i1 to vector<16xi1>
      %masked_cumsum3A_211 = tpu.scan <sum>, %get3A_204 masked %broadcast_in_dim3A_210 : vector<16xi32>, vector<16xi1> -> vector<16xi32>
      %add3A_212 = arith.addi %add3A_200, %reduce_sum3A_208 : i32
      %sub3A_213 = vector.broadcast %add3A_212 : i32 to vector<16xi32>
      %sub3A_214 = arith.subi %sub3A_213, %masked_cumsum3A_211 : vector<16xi32>
      %add3A_215 = arith.addi %sub3A_214, %get3A_204 : vector<16xi32>
      %ge3A_216 = arith.constant 204 : i32
      %ge3A_217 = vector.broadcast %ge3A_216 : i32 to vector<16xi32>
      %ge3A_218 = arith.cmpi sge, %add3A_215, %ge3A_217 : vector<16xi32>
      %add3A_219 = arith.constant 192 : i32
      %add3A_220 = vector.broadcast %add3A_219 : i32 to vector<16xi32>
      %add3A_221 = arith.addi %iota3A, %add3A_220 : vector<16xi32>
      %jit3A_222 = arith.constant 0 : i32
      %broadcast_in_dim3A_223 = vector.broadcast %jit3A_222 : i32 to vector<16xi32>
      %select_n3A_224 = arith.select %ge3A_218, %add3A_221, %broadcast_in_dim3A_223 : vector<16xi1>, vector<16xi32>
      %reduce_max3A_225 = arith.constant true
      %reduce_max3A_226 = vector.broadcast %reduce_max3A_225 : i1 to vector<16xi1>
      %reduce_max3A_227 = arith.constant -2147483648 : i32
      %reduce_max3A_228 = vector.broadcast %reduce_max3A_227 : i32 to vector<16xi32>
      %reduce_max3A_229 = arith.xori %select_n3A_224, %reduce_max3A_228 : vector<16xi32>
      %reduce_max3A_230 = tpu.scan <max>, %reduce_max3A_229 masked %reduce_max3A_226 : vector<16xi32>, vector<16xi1> -> vector<16xi32>
      %reduce_max3A_231 = arith.xori %reduce_max3A_230, %reduce_max3A_228 : vector<16xi32>
      %reduce_max3A_232 = vector.extract %reduce_max3A_231[15] : i32 from vector<16xi32>
      %max3A_233 = arith.maxsi %max3A_199, %reduce_max3A_232 : i32
      %add3A_234 = arith.addi %add3A_200, %reduce_sum3A_208 : i32
      %get3A_235 = arith.constant 11 : i32
      %get3A_236 = arith.index_cast %get3A_235 : i32 to index
      %get3A_237 = arith.constant 0 : index
      %get3A_238 = tpu.vector_load %arg8[%get3A_236, %get3A_237] {strides = array<i32>} : memref<16x16xi32, #tpu.memory_space<vmem>>, vector<16xi32>,
      %reduce_sum3A_239 = arith.constant true
      %reduce_sum3A_240 = vector.broadcast %reduce_sum3A_239 : i1 to vector<16xi1>
      %reduce_sum3A_241 = tpu.scan <sum>, %get3A_238 masked %reduce_sum3A_240 : vector<16xi32>, vector<16xi1> -> vector<16xi32>
      %reduce_sum3A_242 = vector.extract %reduce_sum3A_241[15] : i32 from vector<16xi32>
      %broadcast_in_dim3A_243 = arith.constant true
      %broadcast_in_dim3A_244 = vector.broadcast %broadcast_in_dim3A_243 : i1 to vector<16xi1>
      %masked_cumsum3A_245 = tpu.scan <sum>, %get3A_238 masked %broadcast_in_dim3A_244 : vector<16xi32>, vector<16xi1> -> vector<16xi32>
      %add3A_246 = arith.addi %add3A_234, %reduce_sum3A_242 : i32
      %sub3A_247 = vector.broadcast %add3A_246 : i32 to vector<16xi32>
      %sub3A_248 = arith.subi %sub3A_247, %masked_cumsum3A_245 : vector<16xi32>
      %add3A_249 = arith.addi %sub3A_248, %get3A_238 : vector<16xi32>
      %ge3A_250 = arith.constant 204 : i32
      %ge3A_251 = vector.broadcast %ge3A_250 : i32 to vector<16xi32>
      %ge3A_252 = arith.cmpi sge, %add3A_249, %ge3A_251 : vector<16xi32>
      %add3A_253 = arith.constant 176 : i32
      %add3A_254 = vector.broadcast %add3A_253 : i32 to vector<16xi32>
      %add3A_255 = arith.addi %iota3A, %add3A_254 : vector<16xi32>
      %jit3A_256 = arith.constant 0 : i32
      %broadcast_in_dim3A_257 = vector.broadcast %jit3A_256 : i32 to vector<16xi32>
      %select_n3A_258 = arith.select %ge3A_252, %add3A_255, %broadcast_in_dim3A_257 : vector<16xi1>, vector<16xi32>
      %reduce_max3A_259 = arith.constant true
      %reduce_max3A_260 = vector.broadcast %reduce_max3A_259 : i1 to vector<16xi1>
      %reduce_max3A_261 = arith.constant -2147483648 : i32
      %reduce_max3A_262 = vector.broadcast %reduce_max3A_261 : i32 to vector<16xi32>
      %reduce_max3A_263 = arith.xori %select_n3A_258, %reduce_max3A_262 : vector<16xi32>
      %reduce_max3A_264 = tpu.scan <max>, %reduce_max3A_263 masked %reduce_max3A_260 : vector<16xi32>, vector<16xi1> -> vector<16xi32>
      %reduce_max3A_265 = arith.xori %reduce_max3A_264, %reduce_max3A_262 : vector<16xi32>
      %reduce_max3A_266 = vector.extract %reduce_max3A_265[15] : i32 from vector<16xi32>
      %max3A_267 = arith.maxsi %max3A_233, %reduce_max3A_266 : i32
      %add3A_268 = arith.addi %add3A_234, %reduce_sum3A_242 : i32
      %get3A_269 = arith.constant 10 : i32
      %get3A_270 = arith.index_cast %get3A_269 : i32 to index
      %get3A_271 = arith.constant 0 : index
      %get3A_272 = tpu.vector_load %arg8[%get3A_270, %get3A_271] {strides = array<i32>} : memref<16x16xi32, #tpu.memory_space<vmem>>, vector<16xi32>,
      %reduce_sum3A_273 = arith.constant true
      %reduce_sum3A_274 = vector.broadcast %reduce_sum3A_273 : i1 to vector<16xi1>
      %reduce_sum3A_275 = tpu.scan <sum>, %get3A_272 masked %reduce_sum3A_274 : vector<16xi32>, vector<16xi1> -> vector<16xi32>
      %reduce_sum3A_276 = vector.extract %reduce_sum3A_275[15] : i32 from vector<16xi32>
      %broadcast_in_dim3A_277 = arith.constant true
      %broadcast_in_dim3A_278 = vector.broadcast %broadcast_in_dim3A_277 : i1 to vector<16xi1>
      %masked_cumsum3A_279 = tpu.scan <sum>, %get3A_272 masked %broadcast_in_dim3A_278 : vector<16xi32>, vector<16xi1> -> vector<16xi32>
      %add3A_280 = arith.addi %add3A_268, %reduce_sum3A_276 : i32
      %sub3A_281 = vector.broadcast %add3A_280 : i32 to vector<16xi32>
      %sub3A_282 = arith.subi %sub3A_281, %masked_cumsum3A_279 : vector<16xi32>
      %add3A_283 = arith.addi %sub3A_282, %get3A_272 : vector<16xi32>
      %ge3A_284 = arith.constant 204 : i32
      %ge3A_285 = vector.broadcast %ge3A_284 : i32 to vector<16xi32>
      %ge3A_286 = arith.cmpi sge, %add3A_283, %ge3A_285 : vector<16xi32>
      %add3A_287 = arith.constant 160 : i32
      %add3A_288 = vector.broadcast %add3A_287 : i32 to vector<16xi32>
      %add3A_289 = arith.addi %iota3A, %add3A_288 : vector<16xi32>
      %jit3A_290 = arith.constant 0 : i32
      %broadcast_in_dim3A_291 = vector.broadcast %jit3A_290 : i32 to vector<16xi32>
      %select_n3A_292 = arith.select %ge3A_286, %add3A_289, %broadcast_in_dim3A_291 : vector<16xi1>, vector<16xi32>
      %reduce_max3A_293 = arith.constant true
      %reduce_max3A_294 = vector.broadcast %reduce_max3A_293 : i1 to vector<16xi1>
      %reduce_max3A_295 = arith.constant -2147483648 : i32
      %reduce_max3A_296 = vector.broadcast %reduce_max3A_295 : i32 to vector<16xi32>
      %reduce_max3A_297 = arith.xori %select_n3A_292, %reduce_max3A_296 : vector<16xi32>
      %reduce_max3A_298 = tpu.scan <max>, %reduce_max3A_297 masked %reduce_max3A_294 : vector<16xi32>, vector<16xi1> -> vector<16xi32>
      %reduce_max3A_299 = arith.xori %reduce_max3A_298, %reduce_max3A_296 : vector<16xi32>
      %reduce_max3A_300 = vector.extract %reduce_max3A_299[15] : i32 from vector<16xi32>
      %max3A_301 = arith.maxsi %max3A_267, %reduce_max3A_300 : i32
      %add3A_302 = arith.addi %add3A_268, %reduce_sum3A_276 : i32
      %get3A_303 = arith.constant 9 : i32
      %get3A_304 = arith.index_cast %get3A_303 : i32 to index
      %get3A_305 = arith.constant 0 : index
      %get3A_306 = tpu.vector_load %arg8[%get3A_304, %get3A_305] {strides = array<i32>} : memref<16x16xi32, #tpu.memory_space<vmem>>, vector<16xi32>,
      %reduce_sum3A_307 = arith.constant true
      %reduce_sum3A_308 = vector.broadcast %reduce_sum3A_307 : i1 to vector<16xi1>
      %reduce_sum3A_309 = tpu.scan <sum>, %get3A_306 masked %reduce_sum3A_308 : vector<16xi32>, vector<16xi1> -> vector<16xi32>
      %reduce_sum3A_310 = vector.extract %reduce_sum3A_309[15] : i32 from vector<16xi32>
      %broadcast_in_dim3A_311 = arith.constant true
      %broadcast_in_dim3A_312 = vector.broadcast %broadcast_in_dim3A_311 : i1 to vector<16xi1>
      %masked_cumsum3A_313 = tpu.scan <sum>, %get3A_306 masked %broadcast_in_dim3A_312 : vector<16xi32>, vector<16xi1> -> vector<16xi32>
      %add3A_314 = arith.addi %add3A_302, %reduce_sum3A_310 : i32
      %sub3A_315 = vector.broadcast %add3A_314 : i32 to vector<16xi32>
      %sub3A_316 = arith.subi %sub3A_315, %masked_cumsum3A_313 : vector<16xi32>
      %add3A_317 = arith.addi %sub3A_316, %get3A_306 : vector<16xi32>
      %ge3A_318 = arith.constant 204 : i32
      %ge3A_319 = vector.broadcast %ge3A_318 : i32 to vector<16xi32>
      %ge3A_320 = arith.cmpi sge, %add3A_317, %ge3A_319 : vector<16xi32>
      %add3A_321 = arith.constant 144 : i32
      %add3A_322 = vector.broadcast %add3A_321 : i32 to vector<16xi32>
      %add3A_323 = arith.addi %iota3A, %add3A_322 : vector<16xi32>
      %jit3A_324 = arith.constant 0 : i32
      %broadcast_in_dim3A_325 = vector.broadcast %jit3A_324 : i32 to vector<16xi32>
      %select_n3A_326 = arith.select %ge3A_320, %add3A_323, %broadcast_in_dim3A_325 : vector<16xi1>, vector<16xi32>
      %reduce_max3A_327 = arith.constant true
      %reduce_max3A_328 = vector.broadcast %reduce_max3A_327 : i1 to vector<16xi1>
      %reduce_max3A_329 = arith.constant -2147483648 : i32
      %reduce_max3A_330 = vector.broadcast %reduce_max3A_329 : i32 to vector<16xi32>
      %reduce_max3A_331 = arith.xori %select_n3A_326, %reduce_max3A_330 : vector<16xi32>
      %reduce_max3A_332 = tpu.scan <max>, %reduce_max3A_331 masked %reduce_max3A_328 : vector<16xi32>, vector<16xi1> -> vector<16xi32>
      %reduce_max3A_333 = arith.xori %reduce_max3A_332, %reduce_max3A_330 : vector<16xi32>
      %reduce_max3A_334 = vector.extract %reduce_max3A_333[15] : i32 from vector<16xi32>
      %max3A_335 = arith.maxsi %max3A_301, %reduce_max3A_334 : i32
      %add3A_336 = arith.addi %add3A_302, %reduce_sum3A_310 : i32
      %get3A_337 = arith.constant 8 : i32
      %get3A_338 = arith.index_cast %get3A_337 : i32 to index
      %get3A_339 = arith.constant 0 : index
      %get3A_340 = tpu.vector_load %arg8[%get3A_338, %get3A_339] {strides = array<i32>} : memref<16x16xi32, #tpu.memory_space<vmem>>, vector<16xi32>,
      %reduce_sum3A_341 = arith.constant true
      %reduce_sum3A_342 = vector.broadcast %reduce_sum3A_341 : i1 to vector<16xi1>
      %reduce_sum3A_343 = tpu.scan <sum>, %get3A_340 masked %reduce_sum3A_342 : vector<16xi32>, vector<16xi1> -> vector<16xi32>
      %reduce_sum3A_344 = vector.extract %reduce_sum3A_343[15] : i32 from vector<16xi32>
      %broadcast_in_dim3A_345 = arith.constant true
      %broadcast_in_dim3A_346 = vector.broadcast %broadcast_in_dim3A_345 : i1 to vector<16xi1>
      %masked_cumsum3A_347 = tpu.scan <sum>, %get3A_340 masked %broadcast_in_dim3A_346 : vector<16xi32>, vector<16xi1> -> vector<16xi32>
      %add3A_348 = arith.addi %add3A_336, %reduce_sum3A_344 : i32
      %sub3A_349 = vector.broadcast %add3A_348 : i32 to vector<16xi32>
      %sub3A_350 = arith.subi %sub3A_349, %masked_cumsum3A_347 : vector<16xi32>
      %add3A_351 = arith.addi %sub3A_350, %get3A_340 : vector<16xi32>
      %ge3A_352 = arith.constant 204 : i32
      %ge3A_353 = vector.broadcast %ge3A_352 : i32 to vector<16xi32>
      %ge3A_354 = arith.cmpi sge, %add3A_351, %ge3A_353 : vector<16xi32>
      %add3A_355 = arith.constant 128 : i32
      %add3A_356 = vector.broadcast %add3A_355 : i32 to vector<16xi32>
      %add3A_357 = arith.addi %iota3A, %add3A_356 : vector<16xi32>
      %jit3A_358 = arith.constant 0 : i32
      %broadcast_in_dim3A_359 = vector.broadcast %jit3A_358 : i32 to vector<16xi32>
      %select_n3A_360 = arith.select %ge3A_354, %add3A_357, %broadcast_in_dim3A_359 : vector<16xi1>, vector<16xi32>
      %reduce_max3A_361 = arith.constant true
      %reduce_max3A_362 = vector.broadcast %reduce_max3A_361 : i1 to vector<16xi1>
      %reduce_max3A_363 = arith.constant -2147483648 : i32
      %reduce_max3A_364 = vector.broadcast %reduce_max3A_363 : i32 to vector<16xi32>
      %reduce_max3A_365 = arith.xori %select_n3A_360, %reduce_max3A_364 : vector<16xi32>
      %reduce_max3A_366 = tpu.scan <max>, %reduce_max3A_365 masked %reduce_max3A_362 : vector<16xi32>, vector<16xi1> -> vector<16xi32>
      %reduce_max3A_367 = arith.xori %reduce_max3A_366, %reduce_max3A_364 : vector<16xi32>
      %reduce_max3A_368 = vector.extract %reduce_max3A_367[15] : i32 from vector<16xi32>
      %max3A_369 = arith.maxsi %max3A_335, %reduce_max3A_368 : i32
      %add3A_370 = arith.addi %add3A_336, %reduce_sum3A_344 : i32
      %get3A_371 = arith.constant 7 : i32
      %get3A_372 = arith.index_cast %get3A_371 : i32 to index
      %get3A_373 = arith.constant 0 : index
      %get3A_374 = tpu.vector_load %arg8[%get3A_372, %get3A_373] {strides = array<i32>} : memref<16x16xi32, #tpu.memory_space<vmem>>, vector<16xi32>,
      %reduce_sum3A_375 = arith.constant true
      %reduce_sum3A_376 = vector.broadcast %reduce_sum3A_375 : i1 to vector<16xi1>
      %reduce_sum3A_377 = tpu.scan <sum>, %get3A_374 masked %reduce_sum3A_376 : vector<16xi32>, vector<16xi1> -> vector<16xi32>
      %reduce_sum3A_378 = vector.extract %reduce_sum3A_377[15] : i32 from vector<16xi32>
      %broadcast_in_dim3A_379 = arith.constant true
      %broadcast_in_dim3A_380 = vector.broadcast %broadcast_in_dim3A_379 : i1 to vector<16xi1>
      %masked_cumsum3A_381 = tpu.scan <sum>, %get3A_374 masked %broadcast_in_dim3A_380 : vector<16xi32>, vector<16xi1> -> vector<16xi32>
      %add3A_382 = arith.addi %add3A_370, %reduce_sum3A_378 : i32
      %sub3A_383 = vector.broadcast %add3A_382 : i32 to vector<16xi32>
      %sub3A_384 = arith.subi %sub3A_383, %masked_cumsum3A_381 : vector<16xi32>
      %add3A_385 = arith.addi %sub3A_384, %get3A_374 : vector<16xi32>
      %ge3A_386 = arith.constant 204 : i32
      %ge3A_387 = vector.broadcast %ge3A_386 : i32 to vector<16xi32>
      %ge3A_388 = arith.cmpi sge, %add3A_385, %ge3A_387 : vector<16xi32>
      %add3A_389 = arith.constant 112 : i32
      %add3A_390 = vector.broadcast %add3A_389 : i32 to vector<16xi32>
      %add3A_391 = arith.addi %iota3A, %add3A_390 : vector<16xi32>
      %jit3A_392 = arith.constant 0 : i32
      %broadcast_in_dim3A_393 = vector.broadcast %jit3A_392 : i32 to vector<16xi32>
      %select_n3A_394 = arith.select %ge3A_388, %add3A_391, %broadcast_in_dim3A_393 : vector<16xi1>, vector<16xi32>
      %reduce_max3A_395 = arith.constant true
      %reduce_max3A_396 = vector.broadcast %reduce_max3A_395 : i1 to vector<16xi1>
      %reduce_max3A_397 = arith.constant -2147483648 : i32
      %reduce_max3A_398 = vector.broadcast %reduce_max3A_397 : i32 to vector<16xi32>
      %reduce_max3A_399 = arith.xori %select_n3A_394, %reduce_max3A_398 : vector<16xi32>
      %reduce_max3A_400 = tpu.scan <max>, %reduce_max3A_399 masked %reduce_max3A_396 : vector<16xi32>, vector<16xi1> -> vector<16xi32>
      %reduce_max3A_401 = arith.xori %reduce_max3A_400, %reduce_max3A_398 : vector<16xi32>
      %reduce_max3A_402 = vector.extract %reduce_max3A_401[15] : i32 from vector<16xi32>
      %max3A_403 = arith.maxsi %max3A_369, %reduce_max3A_402 : i32
      %add3A_404 = arith.addi %add3A_370, %reduce_sum3A_378 : i32
      %get3A_405 = arith.constant 6 : i32
      %get3A_406 = arith.index_cast %get3A_405 : i32 to index
      %get3A_407 = arith.constant 0 : index
      %get3A_408 = tpu.vector_load %arg8[%get3A_406, %get3A_407] {strides = array<i32>} : memref<16x16xi32, #tpu.memory_space<vmem>>, vector<16xi32>,
      %reduce_sum3A_409 = arith.constant true
      %reduce_sum3A_410 = vector.broadcast %reduce_sum3A_409 : i1 to vector<16xi1>
      %reduce_sum3A_411 = tpu.scan <sum>, %get3A_408 masked %reduce_sum3A_410 : vector<16xi32>, vector<16xi1> -> vector<16xi32>
      %reduce_sum3A_412 = vector.extract %reduce_sum3A_411[15] : i32 from vector<16xi32>
      %broadcast_in_dim3A_413 = arith.constant true
      %broadcast_in_dim3A_414 = vector.broadcast %broadcast_in_dim3A_413 : i1 to vector<16xi1>
      %masked_cumsum3A_415 = tpu.scan <sum>, %get3A_408 masked %broadcast_in_dim3A_414 : vector<16xi32>, vector<16xi1> -> vector<16xi32>
      %add3A_416 = arith.addi %add3A_404, %reduce_sum3A_412 : i32
      %sub3A_417 = vector.broadcast %add3A_416 : i32 to vector<16xi32>
      %sub3A_418 = arith.subi %sub3A_417, %masked_cumsum3A_415 : vector<16xi32>
      %add3A_419 = arith.addi %sub3A_418, %get3A_408 : vector<16xi32>
      %ge3A_420 = arith.constant 204 : i32
      %ge3A_421 = vector.broadcast %ge3A_420 : i32 to vector<16xi32>
      %ge3A_422 = arith.cmpi sge, %add3A_419, %ge3A_421 : vector<16xi32>
      %add3A_423 = arith.constant 96 : i32
      %add3A_424 = vector.broadcast %add3A_423 : i32 to vector<16xi32>
      %add3A_425 = arith.addi %iota3A, %add3A_424 : vector<16xi32>
      %jit3A_426 = arith.constant 0 : i32
      %broadcast_in_dim3A_427 = vector.broadcast %jit3A_426 : i32 to vector<16xi32>
      %select_n3A_428 = arith.select %ge3A_422, %add3A_425, %broadcast_in_dim3A_427 : vector<16xi1>, vector<16xi32>
      %reduce_max3A_429 = arith.constant true
      %reduce_max3A_430 = vector.broadcast %reduce_max3A_429 : i1 to vector<16xi1>
      %reduce_max3A_431 = arith.constant -2147483648 : i32
      %reduce_max3A_432 = vector.broadcast %reduce_max3A_431 : i32 to vector<16xi32>
      %reduce_max3A_433 = arith.xori %select_n3A_428, %reduce_max3A_432 : vector<16xi32>
      %reduce_max3A_434 = tpu.scan <max>, %reduce_max3A_433 masked %reduce_max3A_430 : vector<16xi32>, vector<16xi1> -> vector<16xi32>
      %reduce_max3A_435 = arith.xori %reduce_max3A_434, %reduce_max3A_432 : vector<16xi32>
      %reduce_max3A_436 = vector.extract %reduce_max3A_435[15] : i32 from vector<16xi32>
      %max3A_437 = arith.maxsi %max3A_403, %reduce_max3A_436 : i32
      %add3A_438 = arith.addi %add3A_404, %reduce_sum3A_412 : i32
      %get3A_439 = arith.constant 5 : i32
      %get3A_440 = arith.index_cast %get3A_439 : i32 to index
      %get3A_441 = arith.constant 0 : index
      %get3A_442 = tpu.vector_load %arg8[%get3A_440, %get3A_441] {strides = array<i32>} : memref<16x16xi32, #tpu.memory_space<vmem>>, vector<16xi32>,
      %reduce_sum3A_443 = arith.constant true
      %reduce_sum3A_444 = vector.broadcast %reduce_sum3A_443 : i1 to vector<16xi1>
      %reduce_sum3A_445 = tpu.scan <sum>, %get3A_442 masked %reduce_sum3A_444 : vector<16xi32>, vector<16xi1> -> vector<16xi32>
      %reduce_sum3A_446 = vector.extract %reduce_sum3A_445[15] : i32 from vector<16xi32>
      %broadcast_in_dim3A_447 = arith.constant true
      %broadcast_in_dim3A_448 = vector.broadcast %broadcast_in_dim3A_447 : i1 to vector<16xi1>
      %masked_cumsum3A_449 = tpu.scan <sum>, %get3A_442 masked %broadcast_in_dim3A_448 : vector<16xi32>, vector<16xi1> -> vector<16xi32>
      %add3A_450 = arith.addi %add3A_438, %reduce_sum3A_446 : i32
      %sub3A_451 = vector.broadcast %add3A_450 : i32 to vector<16xi32>
      %sub3A_452 = arith.subi %sub3A_451, %masked_cumsum3A_449 : vector<16xi32>
      %add3A_453 = arith.addi %sub3A_452, %get3A_442 : vector<16xi32>
      %ge3A_454 = arith.constant 204 : i32
      %ge3A_455 = vector.broadcast %ge3A_454 : i32 to vector<16xi32>
      %ge3A_456 = arith.cmpi sge, %add3A_453, %ge3A_455 : vector<16xi32>
      %add3A_457 = arith.constant 80 : i32
      %add3A_458 = vector.broadcast %add3A_457 : i32 to vector<16xi32>
      %add3A_459 = arith.addi %iota3A, %add3A_458 : vector<16xi32>
      %jit3A_460 = arith.constant 0 : i32
      %broadcast_in_dim3A_461 = vector.broadcast %jit3A_460 : i32 to vector<16xi32>
      %select_n3A_462 = arith.select %ge3A_456, %add3A_459, %broadcast_in_dim3A_461 : vector<16xi1>, vector<16xi32>
      %reduce_max3A_463 = arith.constant true
      %reduce_max3A_464 = vector.broadcast %reduce_max3A_463 : i1 to vector<16xi1>
      %reduce_max3A_465 = arith.constant -2147483648 : i32
      %reduce_max3A_466 = vector.broadcast %reduce_max3A_465 : i32 to vector<16xi32>
      %reduce_max3A_467 = arith.xori %select_n3A_462, %reduce_max3A_466 : vector<16xi32>
      %reduce_max3A_468 = tpu.scan <max>, %reduce_max3A_467 masked %reduce_max3A_464 : vector<16xi32>, vector<16xi1> -> vector<16xi32>
      %reduce_max3A_469 = arith.xori %reduce_max3A_468, %reduce_max3A_466 : vector<16xi32>
      %reduce_max3A_470 = vector.extract %reduce_max3A_469[15] : i32 from vector<16xi32>
      %max3A_471 = arith.maxsi %max3A_437, %reduce_max3A_470 : i32
      %add3A_472 = arith.addi %add3A_438, %reduce_sum3A_446 : i32
      %get3A_473 = arith.constant 4 : i32
      %get3A_474 = arith.index_cast %get3A_473 : i32 to index
      %get3A_475 = arith.constant 0 : index
      %get3A_476 = tpu.vector_load %arg8[%get3A_474, %get3A_475] {strides = array<i32>} : memref<16x16xi32, #tpu.memory_space<vmem>>, vector<16xi32>,
      %reduce_sum3A_477 = arith.constant true
      %reduce_sum3A_478 = vector.broadcast %reduce_sum3A_477 : i1 to vector<16xi1>
      %reduce_sum3A_479 = tpu.scan <sum>, %get3A_476 masked %reduce_sum3A_478 : vector<16xi32>, vector<16xi1> -> vector<16xi32>
      %reduce_sum3A_480 = vector.extract %reduce_sum3A_479[15] : i32 from vector<16xi32>
      %broadcast_in_dim3A_481 = arith.constant true
      %broadcast_in_dim3A_482 = vector.broadcast %broadcast_in_dim3A_481 : i1 to vector<16xi1>
      %masked_cumsum3A_483 = tpu.scan <sum>, %get3A_476 masked %broadcast_in_dim3A_482 : vector<16xi32>, vector<16xi1> -> vector<16xi32>
      %add3A_484 = arith.addi %add3A_472, %reduce_sum3A_480 : i32
      %sub3A_485 = vector.broadcast %add3A_484 : i32 to vector<16xi32>
      %sub3A_486 = arith.subi %sub3A_485, %masked_cumsum3A_483 : vector<16xi32>
      %add3A_487 = arith.addi %sub3A_486, %get3A_476 : vector<16xi32>
      %ge3A_488 = arith.constant 204 : i32
      %ge3A_489 = vector.broadcast %ge3A_488 : i32 to vector<16xi32>
      %ge3A_490 = arith.cmpi sge, %add3A_487, %ge3A_489 : vector<16xi32>
      %add3A_491 = arith.constant 64 : i32
      %add3A_492 = vector.broadcast %add3A_491 : i32 to vector<16xi32>
      %add3A_493 = arith.addi %iota3A, %add3A_492 : vector<16xi32>
      %jit3A_494 = arith.constant 0 : i32
      %broadcast_in_dim3A_495 = vector.broadcast %jit3A_494 : i32 to vector<16xi32>
      %select_n3A_496 = arith.select %ge3A_490, %add3A_493, %broadcast_in_dim3A_495 : vector<16xi1>, vector<16xi32>
      %reduce_max3A_497 = arith.constant true
      %reduce_max3A_498 = vector.broadcast %reduce_max3A_497 : i1 to vector<16xi1>
      %reduce_max3A_499 = arith.constant -2147483648 : i32
      %reduce_max3A_500 = vector.broadcast %reduce_max3A_499 : i32 to vector<16xi32>
      %reduce_max3A_501 = arith.xori %select_n3A_496, %reduce_max3A_500 : vector<16xi32>
      %reduce_max3A_502 = tpu.scan <max>, %reduce_max3A_501 masked %reduce_max3A_498 : vector<16xi32>, vector<16xi1> -> vector<16xi32>
      %reduce_max3A_503 = arith.xori %reduce_max3A_502, %reduce_max3A_500 : vector<16xi32>
      %reduce_max3A_504 = vector.extract %reduce_max3A_503[15] : i32 from vector<16xi32>
      %max3A_505 = arith.maxsi %max3A_471, %reduce_max3A_504 : i32
      %add3A_506 = arith.addi %add3A_472, %reduce_sum3A_480 : i32
      %get3A_507 = arith.constant 3 : i32
      %get3A_508 = arith.index_cast %get3A_507 : i32 to index
      %get3A_509 = arith.constant 0 : index
      %get3A_510 = tpu.vector_load %arg8[%get3A_508, %get3A_509] {strides = array<i32>} : memref<16x16xi32, #tpu.memory_space<vmem>>, vector<16xi32>,
      %reduce_sum3A_511 = arith.constant true
      %reduce_sum3A_512 = vector.broadcast %reduce_sum3A_511 : i1 to vector<16xi1>
      %reduce_sum3A_513 = tpu.scan <sum>, %get3A_510 masked %reduce_sum3A_512 : vector<16xi32>, vector<16xi1> -> vector<16xi32>
      %reduce_sum3A_514 = vector.extract %reduce_sum3A_513[15] : i32 from vector<16xi32>
      %broadcast_in_dim3A_515 = arith.constant true
      %broadcast_in_dim3A_516 = vector.broadcast %broadcast_in_dim3A_515 : i1 to vector<16xi1>
      %masked_cumsum3A_517 = tpu.scan <sum>, %get3A_510 masked %broadcast_in_dim3A_516 : vector<16xi32>, vector<16xi1> -> vector<16xi32>
      %add3A_518 = arith.addi %add3A_506, %reduce_sum3A_514 : i32
      %sub3A_519 = vector.broadcast %add3A_518 : i32 to vector<16xi32>
      %sub3A_520 = arith.subi %sub3A_519, %masked_cumsum3A_517 : vector<16xi32>
      %add3A_521 = arith.addi %sub3A_520, %get3A_510 : vector<16xi32>
      %ge3A_522 = arith.constant 204 : i32
      %ge3A_523 = vector.broadcast %ge3A_522 : i32 to vector<16xi32>
      %ge3A_524 = arith.cmpi sge, %add3A_521, %ge3A_523 : vector<16xi32>
      %add3A_525 = arith.constant 48 : i32
      %add3A_526 = vector.broadcast %add3A_525 : i32 to vector<16xi32>
      %add3A_527 = arith.addi %iota3A, %add3A_526 : vector<16xi32>
      %jit3A_528 = arith.constant 0 : i32
      %broadcast_in_dim3A_529 = vector.broadcast %jit3A_528 : i32 to vector<16xi32>
      %select_n3A_530 = arith.select %ge3A_524, %add3A_527, %broadcast_in_dim3A_529 : vector<16xi1>, vector<16xi32>
      %reduce_max3A_531 = arith.constant true
      %reduce_max3A_532 = vector.broadcast %reduce_max3A_531 : i1 to vector<16xi1>
      %reduce_max3A_533 = arith.constant -2147483648 : i32
      %reduce_max3A_534 = vector.broadcast %reduce_max3A_533 : i32 to vector<16xi32>
      %reduce_max3A_535 = arith.xori %select_n3A_530, %reduce_max3A_534 : vector<16xi32>
      %reduce_max3A_536 = tpu.scan <max>, %reduce_max3A_535 masked %reduce_max3A_532 : vector<16xi32>, vector<16xi1> -> vector<16xi32>
      %reduce_max3A_537 = arith.xori %reduce_max3A_536, %reduce_max3A_534 : vector<16xi32>
      %reduce_max3A_538 = vector.extract %reduce_max3A_537[15] : i32 from vector<16xi32>
      %max3A_539 = arith.maxsi %max3A_505, %reduce_max3A_538 : i32
      %add3A_540 = arith.addi %add3A_506, %reduce_sum3A_514 : i32
      %get3A_541 = arith.constant 2 : i32
      %get3A_542 = arith.index_cast %get3A_541 : i32 to index
      %get3A_543 = arith.constant 0 : index
      %get3A_544 = tpu.vector_load %arg8[%get3A_542, %get3A_543] {strides = array<i32>} : memref<16x16xi32, #tpu.memory_space<vmem>>, vector<16xi32>,
      %reduce_sum3A_545 = arith.constant true
      %reduce_sum3A_546 = vector.broadcast %reduce_sum3A_545 : i1 to vector<16xi1>
      %reduce_sum3A_547 = tpu.scan <sum>, %get3A_544 masked %reduce_sum3A_546 : vector<16xi32>, vector<16xi1> -> vector<16xi32>
      %reduce_sum3A_548 = vector.extract %reduce_sum3A_547[15] : i32 from vector<16xi32>
      %broadcast_in_dim3A_549 = arith.constant true
      %broadcast_in_dim3A_550 = vector.broadcast %broadcast_in_dim3A_549 : i1 to vector<16xi1>
      %masked_cumsum3A_551 = tpu.scan <sum>, %get3A_544 masked %broadcast_in_dim3A_550 : vector<16xi32>, vector<16xi1> -> vector<16xi32>
      %add3A_552 = arith.addi %add3A_540, %reduce_sum3A_548 : i32
      %sub3A_553 = vector.broadcast %add3A_552 : i32 to vector<16xi32>
      %sub3A_554 = arith.subi %sub3A_553, %masked_cumsum3A_551 : vector<16xi32>
      %add3A_555 = arith.addi %sub3A_554, %get3A_544 : vector<16xi32>
      %ge3A_556 = arith.constant 204 : i32
      %ge3A_557 = vector.broadcast %ge3A_556 : i32 to vector<16xi32>
      %ge3A_558 = arith.cmpi sge, %add3A_555, %ge3A_557 : vector<16xi32>
      %add3A_559 = arith.constant 32 : i32
      %add3A_560 = vector.broadcast %add3A_559 : i32 to vector<16xi32>
      %add3A_561 = arith.addi %iota3A, %add3A_560 : vector<16xi32>
      %jit3A_562 = arith.constant 0 : i32
      %broadcast_in_dim3A_563 = vector.broadcast %jit3A_562 : i32 to vector<16xi32>
      %select_n3A_564 = arith.select %ge3A_558, %add3A_561, %broadcast_in_dim3A_563 : vector<16xi1>, vector<16xi32>
      %reduce_max3A_565 = arith.constant true
      %reduce_max3A_566 = vector.broadcast %reduce_max3A_565 : i1 to vector<16xi1>
      %reduce_max3A_567 = arith.constant -2147483648 : i32
      %reduce_max3A_568 = vector.broadcast %reduce_max3A_567 : i32 to vector<16xi32>
      %reduce_max3A_569 = arith.xori %select_n3A_564, %reduce_max3A_568 : vector<16xi32>
      %reduce_max3A_570 = tpu.scan <max>, %reduce_max3A_569 masked %reduce_max3A_566 : vector<16xi32>, vector<16xi1> -> vector<16xi32>
      %reduce_max3A_571 = arith.xori %reduce_max3A_570, %reduce_max3A_568 : vector<16xi32>
      %reduce_max3A_572 = vector.extract %reduce_max3A_571[15] : i32 from vector<16xi32>
      %max3A_573 = arith.maxsi %max3A_539, %reduce_max3A_572 : i32
      %add3A_574 = arith.addi %add3A_540, %reduce_sum3A_548 : i32
      %get3A_575 = arith.constant 1 : i32
      %get3A_576 = arith.index_cast %get3A_575 : i32 to index
      %get3A_577 = arith.constant 0 : index
      %get3A_578 = tpu.vector_load %arg8[%get3A_576, %get3A_577] {strides = array<i32>} : memref<16x16xi32, #tpu.memory_space<vmem>>, vector<16xi32>,
      %reduce_sum3A_579 = arith.constant true
      %reduce_sum3A_580 = vector.broadcast %reduce_sum3A_579 : i1 to vector<16xi1>
      %reduce_sum3A_581 = tpu.scan <sum>, %get3A_578 masked %reduce_sum3A_580 : vector<16xi32>, vector<16xi1> -> vector<16xi32>
      %reduce_sum3A_582 = vector.extract %reduce_sum3A_581[15] : i32 from vector<16xi32>
      %broadcast_in_dim3A_583 = arith.constant true
      %broadcast_in_dim3A_584 = vector.broadcast %broadcast_in_dim3A_583 : i1 to vector<16xi1>
      %masked_cumsum3A_585 = tpu.scan <sum>, %get3A_578 masked %broadcast_in_dim3A_584 : vector<16xi32>, vector<16xi1> -> vector<16xi32>
      %add3A_586 = arith.addi %add3A_574, %reduce_sum3A_582 : i32
      %sub3A_587 = vector.broadcast %add3A_586 : i32 to vector<16xi32>
      %sub3A_588 = arith.subi %sub3A_587, %masked_cumsum3A_585 : vector<16xi32>
      %add3A_589 = arith.addi %sub3A_588, %get3A_578 : vector<16xi32>
      %ge3A_590 = arith.constant 204 : i32
      %ge3A_591 = vector.broadcast %ge3A_590 : i32 to vector<16xi32>
      %ge3A_592 = arith.cmpi sge, %add3A_589, %ge3A_591 : vector<16xi32>
      %add3A_593 = arith.constant 16 : i32
      %add3A_594 = vector.broadcast %add3A_593 : i32 to vector<16xi32>
      %add3A_595 = arith.addi %iota3A, %add3A_594 : vector<16xi32>
      %jit3A_596 = arith.constant 0 : i32
      %broadcast_in_dim3A_597 = vector.broadcast %jit3A_596 : i32 to vector<16xi32>
      %select_n3A_598 = arith.select %ge3A_592, %add3A_595, %broadcast_in_dim3A_597 : vector<16xi1>, vector<16xi32>
      %reduce_max3A_599 = arith.constant true
      %reduce_max3A_600 = vector.broadcast %reduce_max3A_599 : i1 to vector<16xi1>
      %reduce_max3A_601 = arith.constant -2147483648 : i32
      %reduce_max3A_602 = vector.broadcast %reduce_max3A_601 : i32 to vector<16xi32>
      %reduce_max3A_603 = arith.xori %select_n3A_598, %reduce_max3A_602 : vector<16xi32>
      %reduce_max3A_604 = tpu.scan <max>, %reduce_max3A_603 masked %reduce_max3A_600 : vector<16xi32>, vector<16xi1> -> vector<16xi32>
      %reduce_max3A_605 = arith.xori %reduce_max3A_604, %reduce_max3A_602 : vector<16xi32>
      %reduce_max3A_606 = vector.extract %reduce_max3A_605[15] : i32 from vector<16xi32>
      %max3A_607 = arith.maxsi %max3A_573, %reduce_max3A_606 : i32
      %add3A_608 = arith.addi %add3A_574, %reduce_sum3A_582 : i32
      %get3A_609 = arith.constant 0 : i32
      %get3A_610 = arith.index_cast %get3A_609 : i32 to index
      %get3A_611 = arith.constant 0 : index
      %get3A_612 = tpu.vector_load %arg8[%get3A_610, %get3A_611] {strides = array<i32>} : memref<16x16xi32, #tpu.memory_space<vmem>>, vector<16xi32>,
      %reduce_sum3A_613 = arith.constant true
      %reduce_sum3A_614 = vector.broadcast %reduce_sum3A_613 : i1 to vector<16xi1>
      %reduce_sum3A_615 = tpu.scan <sum>, %get3A_612 masked %reduce_sum3A_614 : vector<16xi32>, vector<16xi1> -> vector<16xi32>
      %reduce_sum3A_616 = vector.extract %reduce_sum3A_615[15] : i32 from vector<16xi32>
      %broadcast_in_dim3A_617 = arith.constant true
      %broadcast_in_dim3A_618 = vector.broadcast %broadcast_in_dim3A_617 : i1 to vector<16xi1>
      %masked_cumsum3A_619 = tpu.scan <sum>, %get3A_612 masked %broadcast_in_dim3A_618 : vector<16xi32>, vector<16xi1> -> vector<16xi32>
      %add3A_620 = arith.addi %add3A_608, %reduce_sum3A_616 : i32
      %sub3A_621 = vector.broadcast %add3A_620 : i32 to vector<16xi32>
      %sub3A_622 = arith.subi %sub3A_621, %masked_cumsum3A_619 : vector<16xi32>
      %add3A_623 = arith.addi %sub3A_622, %get3A_612 : vector<16xi32>
      %ge3A_624 = arith.constant 204 : i32
      %ge3A_625 = vector.broadcast %ge3A_624 : i32 to vector<16xi32>
      %ge3A_626 = arith.cmpi sge, %add3A_623, %ge3A_625 : vector<16xi32>
      %add3A_627 = arith.constant 0 : i32
      %add3A_628 = vector.broadcast %add3A_627 : i32 to vector<16xi32>
      %add3A_629 = arith.addi %iota3A, %add3A_628 : vector<16xi32>
      %jit3A_630 = arith.constant 0 : i32
      %broadcast_in_dim3A_631 = vector.broadcast %jit3A_630 : i32 to vector<16xi32>
      %select_n3A_632 = arith.select %ge3A_626, %add3A_629, %broadcast_in_dim3A_631 : vector<16xi1>, vector<16xi32>
      %reduce_max3A_633 = arith.constant true
      %reduce_max3A_634 = vector.broadcast %reduce_max3A_633 : i1 to vector<16xi1>
      %reduce_max3A_635 = arith.constant -2147483648 : i32
      %reduce_max3A_636 = vector.broadcast %reduce_max3A_635 : i32 to vector<16xi32>
      %reduce_max3A_637 = arith.xori %select_n3A_632, %reduce_max3A_636 : vector<16xi32>
      %reduce_max3A_638 = tpu.scan <max>, %reduce_max3A_637 masked %reduce_max3A_634 : vector<16xi32>, vector<16xi1> -> vector<16xi32>
      %reduce_max3A_639 = arith.xori %reduce_max3A_638, %reduce_max3A_636 : vector<16xi32>
      %reduce_max3A_640 = vector.extract %reduce_max3A_639[15] : i32 from vector<16xi32>
      %max3A_641 = arith.maxsi %max3A_607, %reduce_max3A_640 : i32
      %add3A_642 = arith.addi %add3A_608, %reduce_sum3A_616 : i32
      %broadcast_in_dim3A_643 = arith.constant 0 : i32
      %broadcast_in_dim3A_644 = vector.broadcast %broadcast_in_dim3A_643 : i32 to vector<16xi32>
      %add3A_645 = arith.constant 0 : i32
      %add3A_646 = vector.broadcast %add3A_645 : i32 to vector<16xi32>
      %add3A_647 = arith.addi %iota3A, %add3A_646 : vector<16xi32>
      %gt3A = vector.broadcast %max3A_641 : i32 to vector<16xi32>
      %gt3A_648 = arith.cmpi sgt, %add3A_647, %gt3A : vector<16xi32>
      %get3A_649 = arith.constant 0 : i32
      %get3A_650 = arith.index_cast %get3A_649 : i32 to index
      %get3A_651 = arith.constant 0 : index
      %get3A_652 = tpu.vector_load %arg8[%get3A_650, %get3A_651] {strides = array<i32>} : memref<16x16xi32, #tpu.memory_space<vmem>>, vector<16xi32>,
      %jit3A_653 = arith.constant 0 : i32
      %broadcast_in_dim3A_654 = vector.broadcast %jit3A_653 : i32 to vector<16xi32>
      %select_n3A_655 = arith.select %gt3A_648, %get3A_652, %broadcast_in_dim3A_654 : vector<16xi1>, vector<16xi32>
      %add3A_656 = arith.addi %broadcast_in_dim3A_644, %select_n3A_655 : vector<16xi32>
      %add3A_657 = arith.constant 16 : i32
      %add3A_658 = vector.broadcast %add3A_657 : i32 to vector<16xi32>
      %add3A_659 = arith.addi %iota3A, %add3A_658 : vector<16xi32>
      %gt3A_660 = vector.broadcast %max3A_641 : i32 to vector<16xi32>
      %gt3A_661 = arith.cmpi sgt, %add3A_659, %gt3A_660 : vector<16xi32>
      %get3A_662 = arith.constant 1 : i32
      %get3A_663 = arith.index_cast %get3A_662 : i32 to index
      %get3A_664 = arith.constant 0 : index
      %get3A_665 = tpu.vector_load %arg8[%get3A_663, %get3A_664] {strides = array<i32>} : memref<16x16xi32, #tpu.memory_space<vmem>>, vector<16xi32>,
      %jit3A_666 = arith.constant 0 : i32
      %broadcast_in_dim3A_667 = vector.broadcast %jit3A_666 : i32 to vector<16xi32>
      %select_n3A_668 = arith.select %gt3A_661, %get3A_665, %broadcast_in_dim3A_667 : vector<16xi1>, vector<16xi32>
      %add3A_669 = arith.addi %add3A_656, %select_n3A_668 : vector<16xi32>
      %add3A_670 = arith.constant 32 : i32
      %add3A_671 = vector.broadcast %add3A_670 : i32 to vector<16xi32>
      %add3A_672 = arith.addi %iota3A, %add3A_671 : vector<16xi32>
      %gt3A_673 = vector.broadcast %max3A_641 : i32 to vector<16xi32>
      %gt3A_674 = arith.cmpi sgt, %add3A_672, %gt3A_673 : vector<16xi32>
      %get3A_675 = arith.constant 2 : i32
      %get3A_676 = arith.index_cast %get3A_675 : i32 to index
      %get3A_677 = arith.constant 0 : index
      %get3A_678 = tpu.vector_load %arg8[%get3A_676, %get3A_677] {strides = array<i32>} : memref<16x16xi32, #tpu.memory_space<vmem>>, vector<16xi32>,
      %jit3A_679 = arith.constant 0 : i32
      %broadcast_in_dim3A_680 = vector.broadcast %jit3A_679 : i32 to vector<16xi32>
      %select_n3A_681 = arith.select %gt3A_674, %get3A_678, %broadcast_in_dim3A_680 : vector<16xi1>, vector<16xi32>
      %add3A_682 = arith.addi %add3A_669, %select_n3A_681 : vector<16xi32>
      %add3A_683 = arith.constant 48 : i32
      %add3A_684 = vector.broadcast %add3A_683 : i32 to vector<16xi32>
      %add3A_685 = arith.addi %iota3A, %add3A_684 : vector<16xi32>
      %gt3A_686 = vector.broadcast %max3A_641 : i32 to vector<16xi32>
      %gt3A_687 = arith.cmpi sgt, %add3A_685, %gt3A_686 : vector<16xi32>
      %get3A_688 = arith.constant 3 : i32
      %get3A_689 = arith.index_cast %get3A_688 : i32 to index
      %get3A_690 = arith.constant 0 : index
      %get3A_691 = tpu.vector_load %arg8[%get3A_689, %get3A_690] {strides = array<i32>} : memref<16x16xi32, #tpu.memory_space<vmem>>, vector<16xi32>,
      %jit3A_692 = arith.constant 0 : i32
      %broadcast_in_dim3A_693 = vector.broadcast %jit3A_692 : i32 to vector<16xi32>
      %select_n3A_694 = arith.select %gt3A_687, %get3A_691, %broadcast_in_dim3A_693 : vector<16xi1>, vector<16xi32>
      %add3A_695 = arith.addi %add3A_682, %select_n3A_694 : vector<16xi32>
      %add3A_696 = arith.constant 64 : i32
      %add3A_697 = vector.broadcast %add3A_696 : i32 to vector<16xi32>
      %add3A_698 = arith.addi %iota3A, %add3A_697 : vector<16xi32>
      %gt3A_699 = vector.broadcast %max3A_641 : i32 to vector<16xi32>
      %gt3A_700 = arith.cmpi sgt, %add3A_698, %gt3A_699 : vector<16xi32>
      %get3A_701 = arith.constant 4 : i32
      %get3A_702 = arith.index_cast %get3A_701 : i32 to index
      %get3A_703 = arith.constant 0 : index
      %get3A_704 = tpu.vector_load %arg8[%get3A_702, %get3A_703] {strides = array<i32>} : memref<16x16xi32, #tpu.memory_space<vmem>>, vector<16xi32>,
      %jit3A_705 = arith.constant 0 : i32
      %broadcast_in_dim3A_706 = vector.broadcast %jit3A_705 : i32 to vector<16xi32>
      %select_n3A_707 = arith.select %gt3A_700, %get3A_704, %broadcast_in_dim3A_706 : vector<16xi1>, vector<16xi32>
      %add3A_708 = arith.addi %add3A_695, %select_n3A_707 : vector<16xi32>
      %add3A_709 = arith.constant 80 : i32
      %add3A_710 = vector.broadcast %add3A_709 : i32 to vector<16xi32>
      %add3A_711 = arith.addi %iota3A, %add3A_710 : vector<16xi32>
      %gt3A_712 = vector.broadcast %max3A_641 : i32 to vector<16xi32>
      %gt3A_713 = arith.cmpi sgt, %add3A_711, %gt3A_712 : vector<16xi32>
      %get3A_714 = arith.constant 5 : i32
      %get3A_715 = arith.index_cast %get3A_714 : i32 to index
      %get3A_716 = arith.constant 0 : index
      %get3A_717 = tpu.vector_load %arg8[%get3A_715, %get3A_716] {strides = array<i32>} : memref<16x16xi32, #tpu.memory_space<vmem>>, vector<16xi32>,
      %jit3A_718 = arith.constant 0 : i32
      %broadcast_in_dim3A_719 = vector.broadcast %jit3A_718 : i32 to vector<16xi32>
      %select_n3A_720 = arith.select %gt3A_713, %get3A_717, %broadcast_in_dim3A_719 : vector<16xi1>, vector<16xi32>
      %add3A_721 = arith.addi %add3A_708, %select_n3A_720 : vector<16xi32>
      %add3A_722 = arith.constant 96 : i32
      %add3A_723 = vector.broadcast %add3A_722 : i32 to vector<16xi32>
      %add3A_724 = arith.addi %iota3A, %add3A_723 : vector<16xi32>
      %gt3A_725 = vector.broadcast %max3A_641 : i32 to vector<16xi32>
      %gt3A_726 = arith.cmpi sgt, %add3A_724, %gt3A_725 : vector<16xi32>
      %get3A_727 = arith.constant 6 : i32
      %get3A_728 = arith.index_cast %get3A_727 : i32 to index
      %get3A_729 = arith.constant 0 : index
      %get3A_730 = tpu.vector_load %arg8[%get3A_728, %get3A_729] {strides = array<i32>} : memref<16x16xi32, #tpu.memory_space<vmem>>, vector<16xi32>,
      %jit3A_731 = arith.constant 0 : i32
      %broadcast_in_dim3A_732 = vector.broadcast %jit3A_731 : i32 to vector<16xi32>
      %select_n3A_733 = arith.select %gt3A_726, %get3A_730, %broadcast_in_dim3A_732 : vector<16xi1>, vector<16xi32>
      %add3A_734 = arith.addi %add3A_721, %select_n3A_733 : vector<16xi32>
      %add3A_735 = arith.constant 112 : i32
      %add3A_736 = vector.broadcast %add3A_735 : i32 to vector<16xi32>
      %add3A_737 = arith.addi %iota3A, %add3A_736 : vector<16xi32>
      %gt3A_738 = vector.broadcast %max3A_641 : i32 to vector<16xi32>
      %gt3A_739 = arith.cmpi sgt, %add3A_737, %gt3A_738 : vector<16xi32>
      %get3A_740 = arith.constant 7 : i32
      %get3A_741 = arith.index_cast %get3A_740 : i32 to index
      %get3A_742 = arith.constant 0 : index
      %get3A_743 = tpu.vector_load %arg8[%get3A_741, %get3A_742] {strides = array<i32>} : memref<16x16xi32, #tpu.memory_space<vmem>>, vector<16xi32>,
      %jit3A_744 = arith.constant 0 : i32
      %broadcast_in_dim3A_745 = vector.broadcast %jit3A_744 : i32 to vector<16xi32>
      %select_n3A_746 = arith.select %gt3A_739, %get3A_743, %broadcast_in_dim3A_745 : vector<16xi1>, vector<16xi32>
      %add3A_747 = arith.addi %add3A_734, %select_n3A_746 : vector<16xi32>
      %add3A_748 = arith.constant 128 : i32
      %add3A_749 = vector.broadcast %add3A_748 : i32 to vector<16xi32>
      %add3A_750 = arith.addi %iota3A, %add3A_749 : vector<16xi32>
      %gt3A_751 = vector.broadcast %max3A_641 : i32 to vector<16xi32>
      %gt3A_752 = arith.cmpi sgt, %add3A_750, %gt3A_751 : vector<16xi32>
      %get3A_753 = arith.constant 8 : i32
      %get3A_754 = arith.index_cast %get3A_753 : i32 to index
      %get3A_755 = arith.constant 0 : index
      %get3A_756 = tpu.vector_load %arg8[%get3A_754, %get3A_755] {strides = array<i32>} : memref<16x16xi32, #tpu.memory_space<vmem>>, vector<16xi32>,
      %jit3A_757 = arith.constant 0 : i32
      %broadcast_in_dim3A_758 = vector.broadcast %jit3A_757 : i32 to vector<16xi32>
      %select_n3A_759 = arith.select %gt3A_752, %get3A_756, %broadcast_in_dim3A_758 : vector<16xi1>, vector<16xi32>
      %add3A_760 = arith.addi %add3A_747, %select_n3A_759 : vector<16xi32>
      %add3A_761 = arith.constant 144 : i32
      %add3A_762 = vector.broadcast %add3A_761 : i32 to vector<16xi32>
      %add3A_763 = arith.addi %iota3A, %add3A_762 : vector<16xi32>
      %gt3A_764 = vector.broadcast %max3A_641 : i32 to vector<16xi32>
      %gt3A_765 = arith.cmpi sgt, %add3A_763, %gt3A_764 : vector<16xi32>
      %get3A_766 = arith.constant 9 : i32
      %get3A_767 = arith.index_cast %get3A_766 : i32 to index
      %get3A_768 = arith.constant 0 : index
      %get3A_769 = tpu.vector_load %arg8[%get3A_767, %get3A_768] {strides = array<i32>} : memref<16x16xi32, #tpu.memory_space<vmem>>, vector<16xi32>,
      %jit3A_770 = arith.constant 0 : i32
      %broadcast_in_dim3A_771 = vector.broadcast %jit3A_770 : i32 to vector<16xi32>
      %select_n3A_772 = arith.select %gt3A_765, %get3A_769, %broadcast_in_dim3A_771 : vector<16xi1>, vector<16xi32>
      %add3A_773 = arith.addi %add3A_760, %select_n3A_772 : vector<16xi32>
      %add3A_774 = arith.constant 160 : i32
      %add3A_775 = vector.broadcast %add3A_774 : i32 to vector<16xi32>
      %add3A_776 = arith.addi %iota3A, %add3A_775 : vector<16xi32>
      %gt3A_777 = vector.broadcast %max3A_641 : i32 to vector<16xi32>
      %gt3A_778 = arith.cmpi sgt, %add3A_776, %gt3A_777 : vector<16xi32>
      %get3A_779 = arith.constant 10 : i32
      %get3A_780 = arith.index_cast %get3A_779 : i32 to index
      %get3A_781 = arith.constant 0 : index
      %get3A_782 = tpu.vector_load %arg8[%get3A_780, %get3A_781] {strides = array<i32>} : memref<16x16xi32, #tpu.memory_space<vmem>>, vector<16xi32>,
      %jit3A_783 = arith.constant 0 : i32
      %broadcast_in_dim3A_784 = vector.broadcast %jit3A_783 : i32 to vector<16xi32>
      %select_n3A_785 = arith.select %gt3A_778, %get3A_782, %broadcast_in_dim3A_784 : vector<16xi1>, vector<16xi32>
      %add3A_786 = arith.addi %add3A_773, %select_n3A_785 : vector<16xi32>
      %add3A_787 = arith.constant 176 : i32
      %add3A_788 = vector.broadcast %add3A_787 : i32 to vector<16xi32>
      %add3A_789 = arith.addi %iota3A, %add3A_788 : vector<16xi32>
      %gt3A_790 = vector.broadcast %max3A_641 : i32 to vector<16xi32>
      %gt3A_791 = arith.cmpi sgt, %add3A_789, %gt3A_790 : vector<16xi32>
      %get3A_792 = arith.constant 11 : i32
      %get3A_793 = arith.index_cast %get3A_792 : i32 to index
      %get3A_794 = arith.constant 0 : index
      %get3A_795 = tpu.vector_load %arg8[%get3A_793, %get3A_794] {strides = array<i32>} : memref<16x16xi32, #tpu.memory_space<vmem>>, vector<16xi32>,
      %jit3A_796 = arith.constant 0 : i32
      %broadcast_in_dim3A_797 = vector.broadcast %jit3A_796 : i32 to vector<16xi32>
      %select_n3A_798 = arith.select %gt3A_791, %get3A_795, %broadcast_in_dim3A_797 : vector<16xi1>, vector<16xi32>
      %add3A_799 = arith.addi %add3A_786, %select_n3A_798 : vector<16xi32>
      %add3A_800 = arith.constant 192 : i32
      %add3A_801 = vector.broadcast %add3A_800 : i32 to vector<16xi32>
      %add3A_802 = arith.addi %iota3A, %add3A_801 : vector<16xi32>
      %gt3A_803 = vector.broadcast %max3A_641 : i32 to vector<16xi32>
      %gt3A_804 = arith.cmpi sgt, %add3A_802, %gt3A_803 : vector<16xi32>
      %get3A_805 = arith.constant 12 : i32
      %get3A_806 = arith.index_cast %get3A_805 : i32 to index
      %get3A_807 = arith.constant 0 : index
      %get3A_808 = tpu.vector_load %arg8[%get3A_806, %get3A_807] {strides = array<i32>} : memref<16x16xi32, #tpu.memory_space<vmem>>, vector<16xi32>,
      %jit3A_809 = arith.constant 0 : i32
      %broadcast_in_dim3A_810 = vector.broadcast %jit3A_809 : i32 to vector<16xi32>
      %select_n3A_811 = arith.select %gt3A_804, %get3A_808, %broadcast_in_dim3A_810 : vector<16xi1>, vector<16xi32>
      %add3A_812 = arith.addi %add3A_799, %select_n3A_811 : vector<16xi32>
      %add3A_813 = arith.constant 208 : i32
      %add3A_814 = vector.broadcast %add3A_813 : i32 to vector<16xi32>
      %add3A_815 = arith.addi %iota3A, %add3A_814 : vector<16xi32>
      %gt3A_816 = vector.broadcast %max3A_641 : i32 to vector<16xi32>
      %gt3A_817 = arith.cmpi sgt, %add3A_815, %gt3A_816 : vector<16xi32>
      %get3A_818 = arith.constant 13 : i32
      %get3A_819 = arith.index_cast %get3A_818 : i32 to index
      %get3A_820 = arith.constant 0 : index
      %get3A_821 = tpu.vector_load %arg8[%get3A_819, %get3A_820] {strides = array<i32>} : memref<16x16xi32, #tpu.memory_space<vmem>>, vector<16xi32>,
      %jit3A_822 = arith.constant 0 : i32
      %broadcast_in_dim3A_823 = vector.broadcast %jit3A_822 : i32 to vector<16xi32>
      %select_n3A_824 = arith.select %gt3A_817, %get3A_821, %broadcast_in_dim3A_823 : vector<16xi1>, vector<16xi32>
      %add3A_825 = arith.addi %add3A_812, %select_n3A_824 : vector<16xi32>
      %add3A_826 = arith.constant 224 : i32
      %add3A_827 = vector.broadcast %add3A_826 : i32 to vector<16xi32>
      %add3A_828 = arith.addi %iota3A, %add3A_827 : vector<16xi32>
      %gt3A_829 = vector.broadcast %max3A_641 : i32 to vector<16xi32>
      %gt3A_830 = arith.cmpi sgt, %add3A_828, %gt3A_829 : vector<16xi32>
      %get3A_831 = arith.constant 14 : i32
      %get3A_832 = arith.index_cast %get3A_831 : i32 to index
      %get3A_833 = arith.constant 0 : index
      %get3A_834 = tpu.vector_load %arg8[%get3A_832, %get3A_833] {strides = array<i32>} : memref<16x16xi32, #tpu.memory_space<vmem>>, vector<16xi32>,
      %jit3A_835 = arith.constant 0 : i32
      %broadcast_in_dim3A_836 = vector.broadcast %jit3A_835 : i32 to vector<16xi32>
      %select_n3A_837 = arith.select %gt3A_830, %get3A_834, %broadcast_in_dim3A_836 : vector<16xi1>, vector<16xi32>
      %add3A_838 = arith.addi %add3A_825, %select_n3A_837 : vector<16xi32>
      %add3A_839 = arith.constant 240 : i32
      %add3A_840 = vector.broadcast %add3A_839 : i32 to vector<16xi32>
      %add3A_841 = arith.addi %iota3A, %add3A_840 : vector<16xi32>
      %gt3A_842 = vector.broadcast %max3A_641 : i32 to vector<16xi32>
      %gt3A_843 = arith.cmpi sgt, %add3A_841, %gt3A_842 : vector<16xi32>
      %get3A_844 = arith.constant 15 : i32
      %get3A_845 = arith.index_cast %get3A_844 : i32 to index
      %get3A_846 = arith.constant 0 : index
      %get3A_847 = tpu.vector_load %arg8[%get3A_845, %get3A_846] {strides = array<i32>} : memref<16x16xi32, #tpu.memory_space<vmem>>, vector<16xi32>,
      %jit3A_848 = arith.constant 0 : i32
      %broadcast_in_dim3A_849 = vector.broadcast %jit3A_848 : i32 to vector<16xi32>
      %select_n3A_850 = arith.select %gt3A_843, %get3A_847, %broadcast_in_dim3A_849 : vector<16xi1>, vector<16xi32>
      %add3A_851 = arith.addi %add3A_838, %select_n3A_850 : vector<16xi32>
      %reduce_sum3A_852 = arith.constant true
      %reduce_sum3A_853 = vector.broadcast %reduce_sum3A_852 : i1 to vector<16xi1>
      %reduce_sum3A_854 = tpu.scan <sum>, %add3A_851 masked %reduce_sum3A_853 : vector<16xi32>, vector<16xi1> -> vector<16xi32>
      %reduce_sum3A_855 = vector.extract %reduce_sum3A_854[15] : i32 from vector<16xi32>
      %mul3A_856 = arith.constant 0 : i32
      %mul3A_857 = arith.constant 256 : i32
      %mul3A_858 = arith.muli %mul3A_856, %mul3A_857 : i32
      %add3A_859 = arith.addi %mul3A_858, %max3A_641 : i32
      %sub3A_860 = arith.constant 204 : i32
      %sub3A_861 = arith.subi %sub3A_860, %reduce_sum3A_855 : i32
      %broadcast_in_dim3A_862 = arith.constant 0 : i32
      %broadcast_in_dim3A_863 = vector.broadcast %broadcast_in_dim3A_862 : i32 to vector<16xi32>
      %swap3A_864 = arith.constant 0 : i32
      %swap3A_865 = arith.index_cast %swap3A_864 : i32 to index
      %swap3A_866 = arith.constant 0 : index
      %swap3A_867 = tpu.vector_load %arg8[%swap3A_865, %swap3A_866] {strides = array<i32>} : memref<16x16xi32, #tpu.memory_space<vmem>>, vector<16xi32>,
      tpu.vector_store %arg8[%swap3A_865, %swap3A_866], %broadcast_in_dim3A_863 {strides = array<i32>} : memref<16x16xi32, #tpu.memory_space<vmem>>, vector<16xi32>,
      %broadcast_in_dim3A_868 = arith.constant 0 : i32
      %broadcast_in_dim3A_869 = vector.broadcast %broadcast_in_dim3A_868 : i32 to vector<16xi32>
      %swap3A_870 = arith.constant 1 : i32
      %swap3A_871 = arith.index_cast %swap3A_870 : i32 to index
      %swap3A_872 = arith.constant 0 : index
      %swap3A_873 = tpu.vector_load %arg8[%swap3A_871, %swap3A_872] {strides = array<i32>} : memref<16x16xi32, #tpu.memory_space<vmem>>, vector<16xi32>,
      tpu.vector_store %arg8[%swap3A_871, %swap3A_872], %broadcast_in_dim3A_869 {strides = array<i32>} : memref<16x16xi32, #tpu.memory_space<vmem>>, vector<16xi32>,
      %broadcast_in_dim3A_874 = arith.constant 0 : i32
      %broadcast_in_dim3A_875 = vector.broadcast %broadcast_in_dim3A_874 : i32 to vector<16xi32>
      %swap3A_876 = arith.constant 2 : i32
      %swap3A_877 = arith.index_cast %swap3A_876 : i32 to index
      %swap3A_878 = arith.constant 0 : index
      %swap3A_879 = tpu.vector_load %arg8[%swap3A_877, %swap3A_878] {strides = array<i32>} : memref<16x16xi32, #tpu.memory_space<vmem>>, vector<16xi32>,
      tpu.vector_store %arg8[%swap3A_877, %swap3A_878], %broadcast_in_dim3A_875 {strides = array<i32>} : memref<16x16xi32, #tpu.memory_space<vmem>>, vector<16xi32>,
      %broadcast_in_dim3A_880 = arith.constant 0 : i32
      %broadcast_in_dim3A_881 = vector.broadcast %broadcast_in_dim3A_880 : i32 to vector<16xi32>
      %swap3A_882 = arith.constant 3 : i32
      %swap3A_883 = arith.index_cast %swap3A_882 : i32 to index
      %swap3A_884 = arith.constant 0 : index
      %swap3A_885 = tpu.vector_load %arg8[%swap3A_883, %swap3A_884] {strides = array<i32>} : memref<16x16xi32, #tpu.memory_space<vmem>>, vector<16xi32>,
      tpu.vector_store %arg8[%swap3A_883, %swap3A_884], %broadcast_in_dim3A_881 {strides = array<i32>} : memref<16x16xi32, #tpu.memory_space<vmem>>, vector<16xi32>,
      %broadcast_in_dim3A_886 = arith.constant 0 : i32
      %broadcast_in_dim3A_887 = vector.broadcast %broadcast_in_dim3A_886 : i32 to vector<16xi32>
      %swap3A_888 = arith.constant 4 : i32
      %swap3A_889 = arith.index_cast %swap3A_888 : i32 to index
      %swap3A_890 = arith.constant 0 : index
      %swap3A_891 = tpu.vector_load %arg8[%swap3A_889, %swap3A_890] {strides = array<i32>} : memref<16x16xi32, #tpu.memory_space<vmem>>, vector<16xi32>,
      tpu.vector_store %arg8[%swap3A_889, %swap3A_890], %broadcast_in_dim3A_887 {strides = array<i32>} : memref<16x16xi32, #tpu.memory_space<vmem>>, vector<16xi32>,
      %broadcast_in_dim3A_892 = arith.constant 0 : i32
      %broadcast_in_dim3A_893 = vector.broadcast %broadcast_in_dim3A_892 : i32 to vector<16xi32>
      %swap3A_894 = arith.constant 5 : i32
      %swap3A_895 = arith.index_cast %swap3A_894 : i32 to index
      %swap3A_896 = arith.constant 0 : index
      %swap3A_897 = tpu.vector_load %arg8[%swap3A_895, %swap3A_896] {strides = array<i32>} : memref<16x16xi32, #tpu.memory_space<vmem>>, vector<16xi32>,
      tpu.vector_store %arg8[%swap3A_895, %swap3A_896], %broadcast_in_dim3A_893 {strides = array<i32>} : memref<16x16xi32, #tpu.memory_space<vmem>>, vector<16xi32>,
      %broadcast_in_dim3A_898 = arith.constant 0 : i32
      %broadcast_in_dim3A_899 = vector.broadcast %broadcast_in_dim3A_898 : i32 to vector<16xi32>
      %swap3A_900 = arith.constant 6 : i32
      %swap3A_901 = arith.index_cast %swap3A_900 : i32 to index
      %swap3A_902 = arith.constant 0 : index
      %swap3A_903 = tpu.vector_load %arg8[%swap3A_901, %swap3A_902] {strides = array<i32>} : memref<16x16xi32, #tpu.memory_space<vmem>>, vector<16xi32>,
      tpu.vector_store %arg8[%swap3A_901, %swap3A_902], %broadcast_in_dim3A_899 {strides = array<i32>} : memref<16x16xi32, #tpu.memory_space<vmem>>, vector<16xi32>,
      %broadcast_in_dim3A_904 = arith.constant 0 : i32
      %broadcast_in_dim3A_905 = vector.broadcast %broadcast_in_dim3A_904 : i32 to vector<16xi32>
      %swap3A_906 = arith.constant 7 : i32
      %swap3A_907 = arith.index_cast %swap3A_906 : i32 to index
      %swap3A_908 = arith.constant 0 : index
      %swap3A_909 = tpu.vector_load %arg8[%swap3A_907, %swap3A_908] {strides = array<i32>} : memref<16x16xi32, #tpu.memory_space<vmem>>, vector<16xi32>,
      tpu.vector_store %arg8[%swap3A_907, %swap3A_908], %broadcast_in_dim3A_905 {strides = array<i32>} : memref<16x16xi32, #tpu.memory_space<vmem>>, vector<16xi32>,
      %broadcast_in_dim3A_910 = arith.constant 0 : i32
      %broadcast_in_dim3A_911 = vector.broadcast %broadcast_in_dim3A_910 : i32 to vector<16xi32>
      %swap3A_912 = arith.constant 8 : i32
      %swap3A_913 = arith.index_cast %swap3A_912 : i32 to index
      %swap3A_914 = arith.constant 0 : index
      %swap3A_915 = tpu.vector_load %arg8[%swap3A_913, %swap3A_914] {strides = array<i32>} : memref<16x16xi32, #tpu.memory_space<vmem>>, vector<16xi32>,
      tpu.vector_store %arg8[%swap3A_913, %swap3A_914], %broadcast_in_dim3A_911 {strides = array<i32>} : memref<16x16xi32, #tpu.memory_space<vmem>>, vector<16xi32>,
      %broadcast_in_dim3A_916 = arith.constant 0 : i32
      %broadcast_in_dim3A_917 = vector.broadcast %broadcast_in_dim3A_916 : i32 to vector<16xi32>
      %swap3A_918 = arith.constant 9 : i32
      %swap3A_919 = arith.index_cast %swap3A_918 : i32 to index
      %swap3A_920 = arith.constant 0 : index
      %swap3A_921 = tpu.vector_load %arg8[%swap3A_919, %swap3A_920] {strides = array<i32>} : memref<16x16xi32, #tpu.memory_space<vmem>>, vector<16xi32>,
      tpu.vector_store %arg8[%swap3A_919, %swap3A_920], %broadcast_in_dim3A_917 {strides = array<i32>} : memref<16x16xi32, #tpu.memory_space<vmem>>, vector<16xi32>,
      %broadcast_in_dim3A_922 = arith.constant 0 : i32
      %broadcast_in_dim3A_923 = vector.broadcast %broadcast_in_dim3A_922 : i32 to vector<16xi32>
      %swap3A_924 = arith.constant 10 : i32
      %swap3A_925 = arith.index_cast %swap3A_924 : i32 to index
      %swap3A_926 = arith.constant 0 : index
      %swap3A_927 = tpu.vector_load %arg8[%swap3A_925, %swap3A_926] {strides = array<i32>} : memref<16x16xi32, #tpu.memory_space<vmem>>, vector<16xi32>,
      tpu.vector_store %arg8[%swap3A_925, %swap3A_926], %broadcast_in_dim3A_923 {strides = array<i32>} : memref<16x16xi32, #tpu.memory_space<vmem>>, vector<16xi32>,
      %broadcast_in_dim3A_928 = arith.constant 0 : i32
      %broadcast_in_dim3A_929 = vector.broadcast %broadcast_in_dim3A_928 : i32 to vector<16xi32>
      %swap3A_930 = arith.constant 11 : i32
      %swap3A_931 = arith.index_cast %swap3A_930 : i32 to index
      %swap3A_932 = arith.constant 0 : index
      %swap3A_933 = tpu.vector_load %arg8[%swap3A_931, %swap3A_932] {strides = array<i32>} : memref<16x16xi32, #tpu.memory_space<vmem>>, vector<16xi32>,
      tpu.vector_store %arg8[%swap3A_931, %swap3A_932], %broadcast_in_dim3A_929 {strides = array<i32>} : memref<16x16xi32, #tpu.memory_space<vmem>>, vector<16xi32>,
      %broadcast_in_dim3A_934 = arith.constant 0 : i32
      %broadcast_in_dim3A_935 = vector.broadcast %broadcast_in_dim3A_934 : i32 to vector<16xi32>
      %swap3A_936 = arith.constant 12 : i32
      %swap3A_937 = arith.index_cast %swap3A_936 : i32 to index
      %swap3A_938 = arith.constant 0 : index
      %swap3A_939 = tpu.vector_load %arg8[%swap3A_937, %swap3A_938] {strides = array<i32>} : memref<16x16xi32, #tpu.memory_space<vmem>>, vector<16xi32>,
      tpu.vector_store %arg8[%swap3A_937, %swap3A_938], %broadcast_in_dim3A_935 {strides = array<i32>} : memref<16x16xi32, #tpu.memory_space<vmem>>, vector<16xi32>,
      %broadcast_in_dim3A_940 = arith.constant 0 : i32
      %broadcast_in_dim3A_941 = vector.broadcast %broadcast_in_dim3A_940 : i32 to vector<16xi32>
      %swap3A_942 = arith.constant 13 : i32
      %swap3A_943 = arith.index_cast %swap3A_942 : i32 to index
      %swap3A_944 = arith.constant 0 : index
      %swap3A_945 = tpu.vector_load %arg8[%swap3A_943, %swap3A_944] {strides = array<i32>} : memref<16x16xi32, #tpu.memory_space<vmem>>, vector<16xi32>,
      tpu.vector_store %arg8[%swap3A_943, %swap3A_944], %broadcast_in_dim3A_941 {strides = array<i32>} : memref<16x16xi32, #tpu.memory_space<vmem>>, vector<16xi32>,
      %broadcast_in_dim3A_946 = arith.constant 0 : i32
      %broadcast_in_dim3A_947 = vector.broadcast %broadcast_in_dim3A_946 : i32 to vector<16xi32>
      %swap3A_948 = arith.constant 14 : i32
      %swap3A_949 = arith.index_cast %swap3A_948 : i32 to index
      %swap3A_950 = arith.constant 0 : index
      %swap3A_951 = tpu.vector_load %arg8[%swap3A_949, %swap3A_950] {strides = array<i32>} : memref<16x16xi32, #tpu.memory_space<vmem>>, vector<16xi32>,
      tpu.vector_store %arg8[%swap3A_949, %swap3A_950], %broadcast_in_dim3A_947 {strides = array<i32>} : memref<16x16xi32, #tpu.memory_space<vmem>>, vector<16xi32>,
      %broadcast_in_dim3A_952 = arith.constant 0 : i32
      %broadcast_in_dim3A_953 = vector.broadcast %broadcast_in_dim3A_952 : i32 to vector<16xi32>
      %swap3A_954 = arith.constant 15 : i32
      %swap3A_955 = arith.index_cast %swap3A_954 : i32 to index
      %swap3A_956 = arith.constant 0 : index
      %swap3A_957 = tpu.vector_load %arg8[%swap3A_955, %swap3A_956] {strides = array<i32>} : memref<16x16xi32, #tpu.memory_space<vmem>>, vector<16xi32>,
      tpu.vector_store %arg8[%swap3A_955, %swap3A_956], %broadcast_in_dim3A_953 {strides = array<i32>} : memref<16x16xi32, #tpu.memory_space<vmem>>, vector<16xi32>,
      %scan3A_958 = arith.constant 0 : i32
      %scan3A_959 = arith.constant 128 : i32
      %scan3A_960 = arith.addi %scan3A_958, %scan3A_959 : i32
      %scan3A_961 = arith.constant 1 : i32
      scf.for %scan3A_3785 = %scan3A_958 to %scan3A_960 step %scan3A_961  : i32 {
        %mul3A_3786 = arith.constant 1 : i32
        %mul3A_3787 = arith.muli %scan3A_3785, %mul3A_3786 : i32
        %add3A_3788 = arith.constant 0 : i32
        %add3A_3789 = arith.addi %add3A_3788, %mul3A_3787 : i32
        %mul3A_3790 = arith.constant 16 : i32
        %mul3A_3791 = arith.muli %add3A_3789, %mul3A_3790 : i32
        %get3A_3792 = arith.index_cast %mul3A_3791 : i32 to index
        %get3A_3793 = tpu.vector_load %arg5[%get3A_3792] {strides = array<i32>} : memref<2048xi32, #tpu.memory_space<vmem>>, vector<16xi32>,
        %shift_right_logical3A = arith.constant 16 : i32
        %shift_right_logical3A_3794 = vector.broadcast %shift_right_logical3A : i32 to vector<16xi32>
        %shift_right_logical3A_3795 = arith.shrui %get3A_3793, %shift_right_logical3A_3794 : vector<16xi32>
        %and3A = arith.constant 255 : i32
        %and3A_3796 = vector.broadcast %and3A : i32 to vector<16xi32>
        %and3A_3797 = arith.andi %shift_right_logical3A_3795, %and3A_3796 : vector<16xi32>
        %shift_right_logical3A_3798 = arith.constant 4 : i32
        %shift_right_logical3A_3799 = vector.broadcast %shift_right_logical3A_3798 : i32 to vector<16xi32>
        %shift_right_logical3A_3800 = arith.shrui %and3A_3797, %shift_right_logical3A_3799 : vector<16xi32>
        %and3A_3801 = arith.constant 15 : i32
        %and3A_3802 = vector.broadcast %and3A_3801 : i32 to vector<16xi32>
        %and3A_3803 = arith.andi %and3A_3797, %and3A_3802 : vector<16xi32>
        %shift_right_logical3A_3804 = arith.constant 24 : i32
        %shift_right_logical3A_3805 = vector.broadcast %shift_right_logical3A_3804 : i32 to vector<16xi32>
        %shift_right_logical3A_3806 = arith.shrui %get3A_3793, %shift_right_logical3A_3805 : vector<16xi32>
        %eq3A_3807 = vector.broadcast %add3A_859 : i32 to vector<16xi32>
        %eq3A_3808 = arith.cmpi eq, %shift_right_logical3A_3806, %eq3A_3807 : vector<16xi32>
        tpu.vector_store_idx %arg8[%shift_right_logical3A_3800, %and3A_3803], %add3A_5 masked %eq3A_3808 {add = true} : memref<16x16xi32, #tpu.memory_space<vmem>>[vector<16xi32>, vector<16xi32>], vector<16xi32>, vector<16xi1>
      }
      %scan3A_962 = arith.constant 128 : i32
      %get3A_963 = arith.constant 15 : i32
      %get3A_964 = arith.index_cast %get3A_963 : i32 to index
      %get3A_965 = arith.constant 0 : index
      %get3A_966 = tpu.vector_load %arg8[%get3A_964, %get3A_965] {strides = array<i32>} : memref<16x16xi32, #tpu.memory_space<vmem>>, vector<16xi32>,
      %reduce_sum3A_967 = arith.constant true
      %reduce_sum3A_968 = vector.broadcast %reduce_sum3A_967 : i1 to vector<16xi1>
      %reduce_sum3A_969 = tpu.scan <sum>, %get3A_966 masked %reduce_sum3A_968 : vector<16xi32>, vector<16xi1> -> vector<16xi32>
      %reduce_sum3A_970 = vector.extract %reduce_sum3A_969[15] : i32 from vector<16xi32>
      %broadcast_in_dim3A_971 = arith.constant true
      %broadcast_in_dim3A_972 = vector.broadcast %broadcast_in_dim3A_971 : i1 to vector<16xi1>
      %masked_cumsum3A_973 = tpu.scan <sum>, %get3A_966 masked %broadcast_in_dim3A_972 : vector<16xi32>, vector<16xi1> -> vector<16xi32>
      %add3A_974 = arith.constant 0 : i32
      %add3A_975 = arith.addi %add3A_974, %reduce_sum3A_970 : i32
      %sub3A_976 = vector.broadcast %add3A_975 : i32 to vector<16xi32>
      %sub3A_977 = arith.subi %sub3A_976, %masked_cumsum3A_973 : vector<16xi32>
      %add3A_978 = arith.addi %sub3A_977, %get3A_966 : vector<16xi32>
      %ge3A_979 = vector.broadcast %sub3A_861 : i32 to vector<16xi32>
      %ge3A_980 = arith.cmpi sge, %add3A_978, %ge3A_979 : vector<16xi32>
      %add3A_981 = arith.constant 240 : i32
      %add3A_982 = vector.broadcast %add3A_981 : i32 to vector<16xi32>
      %add3A_983 = arith.addi %iota3A, %add3A_982 : vector<16xi32>
      %jit3A_984 = arith.constant 0 : i32
      %broadcast_in_dim3A_985 = vector.broadcast %jit3A_984 : i32 to vector<16xi32>
      %select_n3A_986 = arith.select %ge3A_980, %add3A_983, %broadcast_in_dim3A_985 : vector<16xi1>, vector<16xi32>
      %reduce_max3A_987 = arith.constant true
      %reduce_max3A_988 = vector.broadcast %reduce_max3A_987 : i1 to vector<16xi1>
      %reduce_max3A_989 = arith.constant -2147483648 : i32
      %reduce_max3A_990 = vector.broadcast %reduce_max3A_989 : i32 to vector<16xi32>
      %reduce_max3A_991 = arith.xori %select_n3A_986, %reduce_max3A_990 : vector<16xi32>
      %reduce_max3A_992 = tpu.scan <max>, %reduce_max3A_991 masked %reduce_max3A_988 : vector<16xi32>, vector<16xi1> -> vector<16xi32>
      %reduce_max3A_993 = arith.xori %reduce_max3A_992, %reduce_max3A_990 : vector<16xi32>
      %reduce_max3A_994 = vector.extract %reduce_max3A_993[15] : i32 from vector<16xi32>
      %max3A_995 = arith.constant 0 : i32
      %max3A_996 = arith.maxsi %max3A_995, %reduce_max3A_994 : i32
      %add3A_997 = arith.constant 0 : i32
      %add3A_998 = arith.addi %add3A_997, %reduce_sum3A_970 : i32
      %get3A_999 = arith.constant 14 : i32
      %get3A_1000 = arith.index_cast %get3A_999 : i32 to index
      %get3A_1001 = arith.constant 0 : index
      %get3A_1002 = tpu.vector_load %arg8[%get3A_1000, %get3A_1001] {strides = array<i32>} : memref<16x16xi32, #tpu.memory_space<vmem>>, vector<16xi32>,
      %reduce_sum3A_1003 = arith.constant true
      %reduce_sum3A_1004 = vector.broadcast %reduce_sum3A_1003 : i1 to vector<16xi1>
      %reduce_sum3A_1005 = tpu.scan <sum>, %get3A_1002 masked %reduce_sum3A_1004 : vector<16xi32>, vector<16xi1> -> vector<16xi32>
      %reduce_sum3A_1006 = vector.extract %reduce_sum3A_1005[15] : i32 from vector<16xi32>
      %broadcast_in_dim3A_1007 = arith.constant true
      %broadcast_in_dim3A_1008 = vector.broadcast %broadcast_in_dim3A_1007 : i1 to vector<16xi1>
      %masked_cumsum3A_1009 = tpu.scan <sum>, %get3A_1002 masked %broadcast_in_dim3A_1008 : vector<16xi32>, vector<16xi1> -> vector<16xi32>
      %add3A_1010 = arith.addi %add3A_998, %reduce_sum3A_1006 : i32
      %sub3A_1011 = vector.broadcast %add3A_1010 : i32 to vector<16xi32>
      %sub3A_1012 = arith.subi %sub3A_1011, %masked_cumsum3A_1009 : vector<16xi32>
      %add3A_1013 = arith.addi %sub3A_1012, %get3A_1002 : vector<16xi32>
      %ge3A_1014 = vector.broadcast %sub3A_861 : i32 to vector<16xi32>
      %ge3A_1015 = arith.cmpi sge, %add3A_1013, %ge3A_1014 : vector<16xi32>
      %add3A_1016 = arith.constant 224 : i32
      %add3A_1017 = vector.broadcast %add3A_1016 : i32 to vector<16xi32>
      %add3A_1018 = arith.addi %iota3A, %add3A_1017 : vector<16xi32>
      %jit3A_1019 = arith.constant 0 : i32
      %broadcast_in_dim3A_1020 = vector.broadcast %jit3A_1019 : i32 to vector<16xi32>
      %select_n3A_1021 = arith.select %ge3A_1015, %add3A_1018, %broadcast_in_dim3A_1020 : vector<16xi1>, vector<16xi32>
      %reduce_max3A_1022 = arith.constant true
      %reduce_max3A_1023 = vector.broadcast %reduce_max3A_1022 : i1 to vector<16xi1>
      %reduce_max3A_1024 = arith.constant -2147483648 : i32
      %reduce_max3A_1025 = vector.broadcast %reduce_max3A_1024 : i32 to vector<16xi32>
      %reduce_max3A_1026 = arith.xori %select_n3A_1021, %reduce_max3A_1025 : vector<16xi32>
      %reduce_max3A_1027 = tpu.scan <max>, %reduce_max3A_1026 masked %reduce_max3A_1023 : vector<16xi32>, vector<16xi1> -> vector<16xi32>
      %reduce_max3A_1028 = arith.xori %reduce_max3A_1027, %reduce_max3A_1025 : vector<16xi32>
      %reduce_max3A_1029 = vector.extract %reduce_max3A_1028[15] : i32 from vector<16xi32>
      %max3A_1030 = arith.maxsi %max3A_996, %reduce_max3A_1029 : i32
      %add3A_1031 = arith.addi %add3A_998, %reduce_sum3A_1006 : i32
      %get3A_1032 = arith.constant 13 : i32
      %get3A_1033 = arith.index_cast %get3A_1032 : i32 to index
      %get3A_1034 = arith.constant 0 : index
      %get3A_1035 = tpu.vector_load %arg8[%get3A_1033, %get3A_1034] {strides = array<i32>} : memref<16x16xi32, #tpu.memory_space<vmem>>, vector<16xi32>,
      %reduce_sum3A_1036 = arith.constant true
      %reduce_sum3A_1037 = vector.broadcast %reduce_sum3A_1036 : i1 to vector<16xi1>
      %reduce_sum3A_1038 = tpu.scan <sum>, %get3A_1035 masked %reduce_sum3A_1037 : vector<16xi32>, vector<16xi1> -> vector<16xi32>
      %reduce_sum3A_1039 = vector.extract %reduce_sum3A_1038[15] : i32 from vector<16xi32>
      %broadcast_in_dim3A_1040 = arith.constant true
      %broadcast_in_dim3A_1041 = vector.broadcast %broadcast_in_dim3A_1040 : i1 to vector<16xi1>
      %masked_cumsum3A_1042 = tpu.scan <sum>, %get3A_1035 masked %broadcast_in_dim3A_1041 : vector<16xi32>, vector<16xi1> -> vector<16xi32>
      %add3A_1043 = arith.addi %add3A_1031, %reduce_sum3A_1039 : i32
      %sub3A_1044 = vector.broadcast %add3A_1043 : i32 to vector<16xi32>
      %sub3A_1045 = arith.subi %sub3A_1044, %masked_cumsum3A_1042 : vector<16xi32>
      %add3A_1046 = arith.addi %sub3A_1045, %get3A_1035 : vector<16xi32>
      %ge3A_1047 = vector.broadcast %sub3A_861 : i32 to vector<16xi32>
      %ge3A_1048 = arith.cmpi sge, %add3A_1046, %ge3A_1047 : vector<16xi32>
      %add3A_1049 = arith.constant 208 : i32
      %add3A_1050 = vector.broadcast %add3A_1049 : i32 to vector<16xi32>
      %add3A_1051 = arith.addi %iota3A, %add3A_1050 : vector<16xi32>
      %jit3A_1052 = arith.constant 0 : i32
      %broadcast_in_dim3A_1053 = vector.broadcast %jit3A_1052 : i32 to vector<16xi32>
      %select_n3A_1054 = arith.select %ge3A_1048, %add3A_1051, %broadcast_in_dim3A_1053 : vector<16xi1>, vector<16xi32>
      %reduce_max3A_1055 = arith.constant true
      %reduce_max3A_1056 = vector.broadcast %reduce_max3A_1055 : i1 to vector<16xi1>
      %reduce_max3A_1057 = arith.constant -2147483648 : i32
      %reduce_max3A_1058 = vector.broadcast %reduce_max3A_1057 : i32 to vector<16xi32>
      %reduce_max3A_1059 = arith.xori %select_n3A_1054, %reduce_max3A_1058 : vector<16xi32>
      %reduce_max3A_1060 = tpu.scan <max>, %reduce_max3A_1059 masked %reduce_max3A_1056 : vector<16xi32>, vector<16xi1> -> vector<16xi32>
      %reduce_max3A_1061 = arith.xori %reduce_max3A_1060, %reduce_max3A_1058 : vector<16xi32>
      %reduce_max3A_1062 = vector.extract %reduce_max3A_1061[15] : i32 from vector<16xi32>
      %max3A_1063 = arith.maxsi %max3A_1030, %reduce_max3A_1062 : i32
      %add3A_1064 = arith.addi %add3A_1031, %reduce_sum3A_1039 : i32
      %get3A_1065 = arith.constant 12 : i32
      %get3A_1066 = arith.index_cast %get3A_1065 : i32 to index
      %get3A_1067 = arith.constant 0 : index
      %get3A_1068 = tpu.vector_load %arg8[%get3A_1066, %get3A_1067] {strides = array<i32>} : memref<16x16xi32, #tpu.memory_space<vmem>>, vector<16xi32>,
      %reduce_sum3A_1069 = arith.constant true
      %reduce_sum3A_1070 = vector.broadcast %reduce_sum3A_1069 : i1 to vector<16xi1>
      %reduce_sum3A_1071 = tpu.scan <sum>, %get3A_1068 masked %reduce_sum3A_1070 : vector<16xi32>, vector<16xi1> -> vector<16xi32>
      %reduce_sum3A_1072 = vector.extract %reduce_sum3A_1071[15] : i32 from vector<16xi32>
      %broadcast_in_dim3A_1073 = arith.constant true
      %broadcast_in_dim3A_1074 = vector.broadcast %broadcast_in_dim3A_1073 : i1 to vector<16xi1>
      %masked_cumsum3A_1075 = tpu.scan <sum>, %get3A_1068 masked %broadcast_in_dim3A_1074 : vector<16xi32>, vector<16xi1> -> vector<16xi32>
      %add3A_1076 = arith.addi %add3A_1064, %reduce_sum3A_1072 : i32
      %sub3A_1077 = vector.broadcast %add3A_1076 : i32 to vector<16xi32>
      %sub3A_1078 = arith.subi %sub3A_1077, %masked_cumsum3A_1075 : vector<16xi32>
      %add3A_1079 = arith.addi %sub3A_1078, %get3A_1068 : vector<16xi32>
      %ge3A_1080 = vector.broadcast %sub3A_861 : i32 to vector<16xi32>
      %ge3A_1081 = arith.cmpi sge, %add3A_1079, %ge3A_1080 : vector<16xi32>
      %add3A_1082 = arith.constant 192 : i32
      %add3A_1083 = vector.broadcast %add3A_1082 : i32 to vector<16xi32>
      %add3A_1084 = arith.addi %iota3A, %add3A_1083 : vector<16xi32>
      %jit3A_1085 = arith.constant 0 : i32
      %broadcast_in_dim3A_1086 = vector.broadcast %jit3A_1085 : i32 to vector<16xi32>
      %select_n3A_1087 = arith.select %ge3A_1081, %add3A_1084, %broadcast_in_dim3A_1086 : vector<16xi1>, vector<16xi32>
      %reduce_max3A_1088 = arith.constant true
      %reduce_max3A_1089 = vector.broadcast %reduce_max3A_1088 : i1 to vector<16xi1>
      %reduce_max3A_1090 = arith.constant -2147483648 : i32
      %reduce_max3A_1091 = vector.broadcast %reduce_max3A_1090 : i32 to vector<16xi32>
      %reduce_max3A_1092 = arith.xori %select_n3A_1087, %reduce_max3A_1091 : vector<16xi32>
      %reduce_max3A_1093 = tpu.scan <max>, %reduce_max3A_1092 masked %reduce_max3A_1089 : vector<16xi32>, vector<16xi1> -> vector<16xi32>
      %reduce_max3A_1094 = arith.xori %reduce_max3A_1093, %reduce_max3A_1091 : vector<16xi32>
      %reduce_max3A_1095 = vector.extract %reduce_max3A_1094[15] : i32 from vector<16xi32>
      %max3A_1096 = arith.maxsi %max3A_1063, %reduce_max3A_1095 : i32
      %add3A_1097 = arith.addi %add3A_1064, %reduce_sum3A_1072 : i32
      %get3A_1098 = arith.constant 11 : i32
      %get3A_1099 = arith.index_cast %get3A_1098 : i32 to index
      %get3A_1100 = arith.constant 0 : index
      %get3A_1101 = tpu.vector_load %arg8[%get3A_1099, %get3A_1100] {strides = array<i32>} : memref<16x16xi32, #tpu.memory_space<vmem>>, vector<16xi32>,
      %reduce_sum3A_1102 = arith.constant true
      %reduce_sum3A_1103 = vector.broadcast %reduce_sum3A_1102 : i1 to vector<16xi1>
      %reduce_sum3A_1104 = tpu.scan <sum>, %get3A_1101 masked %reduce_sum3A_1103 : vector<16xi32>, vector<16xi1> -> vector<16xi32>
      %reduce_sum3A_1105 = vector.extract %reduce_sum3A_1104[15] : i32 from vector<16xi32>
      %broadcast_in_dim3A_1106 = arith.constant true
      %broadcast_in_dim3A_1107 = vector.broadcast %broadcast_in_dim3A_1106 : i1 to vector<16xi1>
      %masked_cumsum3A_1108 = tpu.scan <sum>, %get3A_1101 masked %broadcast_in_dim3A_1107 : vector<16xi32>, vector<16xi1> -> vector<16xi32>
      %add3A_1109 = arith.addi %add3A_1097, %reduce_sum3A_1105 : i32
      %sub3A_1110 = vector.broadcast %add3A_1109 : i32 to vector<16xi32>
      %sub3A_1111 = arith.subi %sub3A_1110, %masked_cumsum3A_1108 : vector<16xi32>
      %add3A_1112 = arith.addi %sub3A_1111, %get3A_1101 : vector<16xi32>
      %ge3A_1113 = vector.broadcast %sub3A_861 : i32 to vector<16xi32>
      %ge3A_1114 = arith.cmpi sge, %add3A_1112, %ge3A_1113 : vector<16xi32>
      %add3A_1115 = arith.constant 176 : i32
      %add3A_1116 = vector.broadcast %add3A_1115 : i32 to vector<16xi32>
      %add3A_1117 = arith.addi %iota3A, %add3A_1116 : vector<16xi32>
      %jit3A_1118 = arith.constant 0 : i32
      %broadcast_in_dim3A_1119 = vector.broadcast %jit3A_1118 : i32 to vector<16xi32>
      %select_n3A_1120 = arith.select %ge3A_1114, %add3A_1117, %broadcast_in_dim3A_1119 : vector<16xi1>, vector<16xi32>
      %reduce_max3A_1121 = arith.constant true
      %reduce_max3A_1122 = vector.broadcast %reduce_max3A_1121 : i1 to vector<16xi1>
      %reduce_max3A_1123 = arith.constant -2147483648 : i32
      %reduce_max3A_1124 = vector.broadcast %reduce_max3A_1123 : i32 to vector<16xi32>
      %reduce_max3A_1125 = arith.xori %select_n3A_1120, %reduce_max3A_1124 : vector<16xi32>
      %reduce_max3A_1126 = tpu.scan <max>, %reduce_max3A_1125 masked %reduce_max3A_1122 : vector<16xi32>, vector<16xi1> -> vector<16xi32>
      %reduce_max3A_1127 = arith.xori %reduce_max3A_1126, %reduce_max3A_1124 : vector<16xi32>
      %reduce_max3A_1128 = vector.extract %reduce_max3A_1127[15] : i32 from vector<16xi32>
      %max3A_1129 = arith.maxsi %max3A_1096, %reduce_max3A_1128 : i32
      %add3A_1130 = arith.addi %add3A_1097, %reduce_sum3A_1105 : i32
      %get3A_1131 = arith.constant 10 : i32
      %get3A_1132 = arith.index_cast %get3A_1131 : i32 to index
      %get3A_1133 = arith.constant 0 : index
      %get3A_1134 = tpu.vector_load %arg8[%get3A_1132, %get3A_1133] {strides = array<i32>} : memref<16x16xi32, #tpu.memory_space<vmem>>, vector<16xi32>,
      %reduce_sum3A_1135 = arith.constant true
      %reduce_sum3A_1136 = vector.broadcast %reduce_sum3A_1135 : i1 to vector<16xi1>
      %reduce_sum3A_1137 = tpu.scan <sum>, %get3A_1134 masked %reduce_sum3A_1136 : vector<16xi32>, vector<16xi1> -> vector<16xi32>
      %reduce_sum3A_1138 = vector.extract %reduce_sum3A_1137[15] : i32 from vector<16xi32>
      %broadcast_in_dim3A_1139 = arith.constant true
      %broadcast_in_dim3A_1140 = vector.broadcast %broadcast_in_dim3A_1139 : i1 to vector<16xi1>
      %masked_cumsum3A_1141 = tpu.scan <sum>, %get3A_1134 masked %broadcast_in_dim3A_1140 : vector<16xi32>, vector<16xi1> -> vector<16xi32>
      %add3A_1142 = arith.addi %add3A_1130, %reduce_sum3A_1138 : i32
      %sub3A_1143 = vector.broadcast %add3A_1142 : i32 to vector<16xi32>
      %sub3A_1144 = arith.subi %sub3A_1143, %masked_cumsum3A_1141 : vector<16xi32>
      %add3A_1145 = arith.addi %sub3A_1144, %get3A_1134 : vector<16xi32>
      %ge3A_1146 = vector.broadcast %sub3A_861 : i32 to vector<16xi32>
      %ge3A_1147 = arith.cmpi sge, %add3A_1145, %ge3A_1146 : vector<16xi32>
      %add3A_1148 = arith.constant 160 : i32
      %add3A_1149 = vector.broadcast %add3A_1148 : i32 to vector<16xi32>
      %add3A_1150 = arith.addi %iota3A, %add3A_1149 : vector<16xi32>
      %jit3A_1151 = arith.constant 0 : i32
      %broadcast_in_dim3A_1152 = vector.broadcast %jit3A_1151 : i32 to vector<16xi32>
      %select_n3A_1153 = arith.select %ge3A_1147, %add3A_1150, %broadcast_in_dim3A_1152 : vector<16xi1>, vector<16xi32>
      %reduce_max3A_1154 = arith.constant true
      %reduce_max3A_1155 = vector.broadcast %reduce_max3A_1154 : i1 to vector<16xi1>
      %reduce_max3A_1156 = arith.constant -2147483648 : i32
      %reduce_max3A_1157 = vector.broadcast %reduce_max3A_1156 : i32 to vector<16xi32>
      %reduce_max3A_1158 = arith.xori %select_n3A_1153, %reduce_max3A_1157 : vector<16xi32>
      %reduce_max3A_1159 = tpu.scan <max>, %reduce_max3A_1158 masked %reduce_max3A_1155 : vector<16xi32>, vector<16xi1> -> vector<16xi32>
      %reduce_max3A_1160 = arith.xori %reduce_max3A_1159, %reduce_max3A_1157 : vector<16xi32>
      %reduce_max3A_1161 = vector.extract %reduce_max3A_1160[15] : i32 from vector<16xi32>
      %max3A_1162 = arith.maxsi %max3A_1129, %reduce_max3A_1161 : i32
      %add3A_1163 = arith.addi %add3A_1130, %reduce_sum3A_1138 : i32
      %get3A_1164 = arith.constant 9 : i32
      %get3A_1165 = arith.index_cast %get3A_1164 : i32 to index
      %get3A_1166 = arith.constant 0 : index
      %get3A_1167 = tpu.vector_load %arg8[%get3A_1165, %get3A_1166] {strides = array<i32>} : memref<16x16xi32, #tpu.memory_space<vmem>>, vector<16xi32>,
      %reduce_sum3A_1168 = arith.constant true
      %reduce_sum3A_1169 = vector.broadcast %reduce_sum3A_1168 : i1 to vector<16xi1>
      %reduce_sum3A_1170 = tpu.scan <sum>, %get3A_1167 masked %reduce_sum3A_1169 : vector<16xi32>, vector<16xi1> -> vector<16xi32>
      %reduce_sum3A_1171 = vector.extract %reduce_sum3A_1170[15] : i32 from vector<16xi32>
      %broadcast_in_dim3A_1172 = arith.constant true
      %broadcast_in_dim3A_1173 = vector.broadcast %broadcast_in_dim3A_1172 : i1 to vector<16xi1>
      %masked_cumsum3A_1174 = tpu.scan <sum>, %get3A_1167 masked %broadcast_in_dim3A_1173 : vector<16xi32>, vector<16xi1> -> vector<16xi32>
      %add3A_1175 = arith.addi %add3A_1163, %reduce_sum3A_1171 : i32
      %sub3A_1176 = vector.broadcast %add3A_1175 : i32 to vector<16xi32>
      %sub3A_1177 = arith.subi %sub3A_1176, %masked_cumsum3A_1174 : vector<16xi32>
      %add3A_1178 = arith.addi %sub3A_1177, %get3A_1167 : vector<16xi32>
      %ge3A_1179 = vector.broadcast %sub3A_861 : i32 to vector<16xi32>
      %ge3A_1180 = arith.cmpi sge, %add3A_1178, %ge3A_1179 : vector<16xi32>
      %add3A_1181 = arith.constant 144 : i32
      %add3A_1182 = vector.broadcast %add3A_1181 : i32 to vector<16xi32>
      %add3A_1183 = arith.addi %iota3A, %add3A_1182 : vector<16xi32>
      %jit3A_1184 = arith.constant 0 : i32
      %broadcast_in_dim3A_1185 = vector.broadcast %jit3A_1184 : i32 to vector<16xi32>
      %select_n3A_1186 = arith.select %ge3A_1180, %add3A_1183, %broadcast_in_dim3A_1185 : vector<16xi1>, vector<16xi32>
      %reduce_max3A_1187 = arith.constant true
      %reduce_max3A_1188 = vector.broadcast %reduce_max3A_1187 : i1 to vector<16xi1>
      %reduce_max3A_1189 = arith.constant -2147483648 : i32
      %reduce_max3A_1190 = vector.broadcast %reduce_max3A_1189 : i32 to vector<16xi32>
      %reduce_max3A_1191 = arith.xori %select_n3A_1186, %reduce_max3A_1190 : vector<16xi32>
      %reduce_max3A_1192 = tpu.scan <max>, %reduce_max3A_1191 masked %reduce_max3A_1188 : vector<16xi32>, vector<16xi1> -> vector<16xi32>
      %reduce_max3A_1193 = arith.xori %reduce_max3A_1192, %reduce_max3A_1190 : vector<16xi32>
      %reduce_max3A_1194 = vector.extract %reduce_max3A_1193[15] : i32 from vector<16xi32>
      %max3A_1195 = arith.maxsi %max3A_1162, %reduce_max3A_1194 : i32
      %add3A_1196 = arith.addi %add3A_1163, %reduce_sum3A_1171 : i32
      %get3A_1197 = arith.constant 8 : i32
      %get3A_1198 = arith.index_cast %get3A_1197 : i32 to index
      %get3A_1199 = arith.constant 0 : index
      %get3A_1200 = tpu.vector_load %arg8[%get3A_1198, %get3A_1199] {strides = array<i32>} : memref<16x16xi32, #tpu.memory_space<vmem>>, vector<16xi32>,
      %reduce_sum3A_1201 = arith.constant true
      %reduce_sum3A_1202 = vector.broadcast %reduce_sum3A_1201 : i1 to vector<16xi1>
      %reduce_sum3A_1203 = tpu.scan <sum>, %get3A_1200 masked %reduce_sum3A_1202 : vector<16xi32>, vector<16xi1> -> vector<16xi32>
      %reduce_sum3A_1204 = vector.extract %reduce_sum3A_1203[15] : i32 from vector<16xi32>
      %broadcast_in_dim3A_1205 = arith.constant true
      %broadcast_in_dim3A_1206 = vector.broadcast %broadcast_in_dim3A_1205 : i1 to vector<16xi1>
      %masked_cumsum3A_1207 = tpu.scan <sum>, %get3A_1200 masked %broadcast_in_dim3A_1206 : vector<16xi32>, vector<16xi1> -> vector<16xi32>
      %add3A_1208 = arith.addi %add3A_1196, %reduce_sum3A_1204 : i32
      %sub3A_1209 = vector.broadcast %add3A_1208 : i32 to vector<16xi32>
      %sub3A_1210 = arith.subi %sub3A_1209, %masked_cumsum3A_1207 : vector<16xi32>
      %add3A_1211 = arith.addi %sub3A_1210, %get3A_1200 : vector<16xi32>
      %ge3A_1212 = vector.broadcast %sub3A_861 : i32 to vector<16xi32>
      %ge3A_1213 = arith.cmpi sge, %add3A_1211, %ge3A_1212 : vector<16xi32>
      %add3A_1214 = arith.constant 128 : i32
      %add3A_1215 = vector.broadcast %add3A_1214 : i32 to vector<16xi32>
      %add3A_1216 = arith.addi %iota3A, %add3A_1215 : vector<16xi32>
      %jit3A_1217 = arith.constant 0 : i32
      %broadcast_in_dim3A_1218 = vector.broadcast %jit3A_1217 : i32 to vector<16xi32>
      %select_n3A_1219 = arith.select %ge3A_1213, %add3A_1216, %broadcast_in_dim3A_1218 : vector<16xi1>, vector<16xi32>
      %reduce_max3A_1220 = arith.constant true
      %reduce_max3A_1221 = vector.broadcast %reduce_max3A_1220 : i1 to vector<16xi1>
      %reduce_max3A_1222 = arith.constant -2147483648 : i32
      %reduce_max3A_1223 = vector.broadcast %reduce_max3A_1222 : i32 to vector<16xi32>
      %reduce_max3A_1224 = arith.xori %select_n3A_1219, %reduce_max3A_1223 : vector<16xi32>
      %reduce_max3A_1225 = tpu.scan <max>, %reduce_max3A_1224 masked %reduce_max3A_1221 : vector<16xi32>, vector<16xi1> -> vector<16xi32>
      %reduce_max3A_1226 = arith.xori %reduce_max3A_1225, %reduce_max3A_1223 : vector<16xi32>
      %reduce_max3A_1227 = vector.extract %reduce_max3A_1226[15] : i32 from vector<16xi32>
      %max3A_1228 = arith.maxsi %max3A_1195, %reduce_max3A_1227 : i32
      %add3A_1229 = arith.addi %add3A_1196, %reduce_sum3A_1204 : i32
      %get3A_1230 = arith.constant 7 : i32
      %get3A_1231 = arith.index_cast %get3A_1230 : i32 to index
      %get3A_1232 = arith.constant 0 : index
      %get3A_1233 = tpu.vector_load %arg8[%get3A_1231, %get3A_1232] {strides = array<i32>} : memref<16x16xi32, #tpu.memory_space<vmem>>, vector<16xi32>,
      %reduce_sum3A_1234 = arith.constant true
      %reduce_sum3A_1235 = vector.broadcast %reduce_sum3A_1234 : i1 to vector<16xi1>
      %reduce_sum3A_1236 = tpu.scan <sum>, %get3A_1233 masked %reduce_sum3A_1235 : vector<16xi32>, vector<16xi1> -> vector<16xi32>
      %reduce_sum3A_1237 = vector.extract %reduce_sum3A_1236[15] : i32 from vector<16xi32>
      %broadcast_in_dim3A_1238 = arith.constant true
      %broadcast_in_dim3A_1239 = vector.broadcast %broadcast_in_dim3A_1238 : i1 to vector<16xi1>
      %masked_cumsum3A_1240 = tpu.scan <sum>, %get3A_1233 masked %broadcast_in_dim3A_1239 : vector<16xi32>, vector<16xi1> -> vector<16xi32>
      %add3A_1241 = arith.addi %add3A_1229, %reduce_sum3A_1237 : i32
      %sub3A_1242 = vector.broadcast %add3A_1241 : i32 to vector<16xi32>
      %sub3A_1243 = arith.subi %sub3A_1242, %masked_cumsum3A_1240 : vector<16xi32>
      %add3A_1244 = arith.addi %sub3A_1243, %get3A_1233 : vector<16xi32>
      %ge3A_1245 = vector.broadcast %sub3A_861 : i32 to vector<16xi32>
      %ge3A_1246 = arith.cmpi sge, %add3A_1244, %ge3A_1245 : vector<16xi32>
      %add3A_1247 = arith.constant 112 : i32
      %add3A_1248 = vector.broadcast %add3A_1247 : i32 to vector<16xi32>
      %add3A_1249 = arith.addi %iota3A, %add3A_1248 : vector<16xi32>
      %jit3A_1250 = arith.constant 0 : i32
      %broadcast_in_dim3A_1251 = vector.broadcast %jit3A_1250 : i32 to vector<16xi32>
      %select_n3A_1252 = arith.select %ge3A_1246, %add3A_1249, %broadcast_in_dim3A_1251 : vector<16xi1>, vector<16xi32>
      %reduce_max3A_1253 = arith.constant true
      %reduce_max3A_1254 = vector.broadcast %reduce_max3A_1253 : i1 to vector<16xi1>
      %reduce_max3A_1255 = arith.constant -2147483648 : i32
      %reduce_max3A_1256 = vector.broadcast %reduce_max3A_1255 : i32 to vector<16xi32>
      %reduce_max3A_1257 = arith.xori %select_n3A_1252, %reduce_max3A_1256 : vector<16xi32>
      %reduce_max3A_1258 = tpu.scan <max>, %reduce_max3A_1257 masked %reduce_max3A_1254 : vector<16xi32>, vector<16xi1> -> vector<16xi32>
      %reduce_max3A_1259 = arith.xori %reduce_max3A_1258, %reduce_max3A_1256 : vector<16xi32>
      %reduce_max3A_1260 = vector.extract %reduce_max3A_1259[15] : i32 from vector<16xi32>
      %max3A_1261 = arith.maxsi %max3A_1228, %reduce_max3A_1260 : i32
      %add3A_1262 = arith.addi %add3A_1229, %reduce_sum3A_1237 : i32
      %get3A_1263 = arith.constant 6 : i32
      %get3A_1264 = arith.index_cast %get3A_1263 : i32 to index
      %get3A_1265 = arith.constant 0 : index
      %get3A_1266 = tpu.vector_load %arg8[%get3A_1264, %get3A_1265] {strides = array<i32>} : memref<16x16xi32, #tpu.memory_space<vmem>>, vector<16xi32>,
      %reduce_sum3A_1267 = arith.constant true
      %reduce_sum3A_1268 = vector.broadcast %reduce_sum3A_1267 : i1 to vector<16xi1>
      %reduce_sum3A_1269 = tpu.scan <sum>, %get3A_1266 masked %reduce_sum3A_1268 : vector<16xi32>, vector<16xi1> -> vector<16xi32>
      %reduce_sum3A_1270 = vector.extract %reduce_sum3A_1269[15] : i32 from vector<16xi32>
      %broadcast_in_dim3A_1271 = arith.constant true
      %broadcast_in_dim3A_1272 = vector.broadcast %broadcast_in_dim3A_1271 : i1 to vector<16xi1>
      %masked_cumsum3A_1273 = tpu.scan <sum>, %get3A_1266 masked %broadcast_in_dim3A_1272 : vector<16xi32>, vector<16xi1> -> vector<16xi32>
      %add3A_1274 = arith.addi %add3A_1262, %reduce_sum3A_1270 : i32
      %sub3A_1275 = vector.broadcast %add3A_1274 : i32 to vector<16xi32>
      %sub3A_1276 = arith.subi %sub3A_1275, %masked_cumsum3A_1273 : vector<16xi32>
      %add3A_1277 = arith.addi %sub3A_1276, %get3A_1266 : vector<16xi32>
      %ge3A_1278 = vector.broadcast %sub3A_861 : i32 to vector<16xi32>
      %ge3A_1279 = arith.cmpi sge, %add3A_1277, %ge3A_1278 : vector<16xi32>
      %add3A_1280 = arith.constant 96 : i32
      %add3A_1281 = vector.broadcast %add3A_1280 : i32 to vector<16xi32>
      %add3A_1282 = arith.addi %iota3A, %add3A_1281 : vector<16xi32>
      %jit3A_1283 = arith.constant 0 : i32
      %broadcast_in_dim3A_1284 = vector.broadcast %jit3A_1283 : i32 to vector<16xi32>
      %select_n3A_1285 = arith.select %ge3A_1279, %add3A_1282, %broadcast_in_dim3A_1284 : vector<16xi1>, vector<16xi32>
      %reduce_max3A_1286 = arith.constant true
      %reduce_max3A_1287 = vector.broadcast %reduce_max3A_1286 : i1 to vector<16xi1>
      %reduce_max3A_1288 = arith.constant -2147483648 : i32
      %reduce_max3A_1289 = vector.broadcast %reduce_max3A_1288 : i32 to vector<16xi32>
      %reduce_max3A_1290 = arith.xori %select_n3A_1285, %reduce_max3A_1289 : vector<16xi32>
      %reduce_max3A_1291 = tpu.scan <max>, %reduce_max3A_1290 masked %reduce_max3A_1287 : vector<16xi32>, vector<16xi1> -> vector<16xi32>
      %reduce_max3A_1292 = arith.xori %reduce_max3A_1291, %reduce_max3A_1289 : vector<16xi32>
      %reduce_max3A_1293 = vector.extract %reduce_max3A_1292[15] : i32 from vector<16xi32>
      %max3A_1294 = arith.maxsi %max3A_1261, %reduce_max3A_1293 : i32
      %add3A_1295 = arith.addi %add3A_1262, %reduce_sum3A_1270 : i32
      %get3A_1296 = arith.constant 5 : i32
      %get3A_1297 = arith.index_cast %get3A_1296 : i32 to index
      %get3A_1298 = arith.constant 0 : index
      %get3A_1299 = tpu.vector_load %arg8[%get3A_1297, %get3A_1298] {strides = array<i32>} : memref<16x16xi32, #tpu.memory_space<vmem>>, vector<16xi32>,
      %reduce_sum3A_1300 = arith.constant true
      %reduce_sum3A_1301 = vector.broadcast %reduce_sum3A_1300 : i1 to vector<16xi1>
      %reduce_sum3A_1302 = tpu.scan <sum>, %get3A_1299 masked %reduce_sum3A_1301 : vector<16xi32>, vector<16xi1> -> vector<16xi32>
      %reduce_sum3A_1303 = vector.extract %reduce_sum3A_1302[15] : i32 from vector<16xi32>
      %broadcast_in_dim3A_1304 = arith.constant true
      %broadcast_in_dim3A_1305 = vector.broadcast %broadcast_in_dim3A_1304 : i1 to vector<16xi1>
      %masked_cumsum3A_1306 = tpu.scan <sum>, %get3A_1299 masked %broadcast_in_dim3A_1305 : vector<16xi32>, vector<16xi1> -> vector<16xi32>
      %add3A_1307 = arith.addi %add3A_1295, %reduce_sum3A_1303 : i32
      %sub3A_1308 = vector.broadcast %add3A_1307 : i32 to vector<16xi32>
      %sub3A_1309 = arith.subi %sub3A_1308, %masked_cumsum3A_1306 : vector<16xi32>
      %add3A_1310 = arith.addi %sub3A_1309, %get3A_1299 : vector<16xi32>
      %ge3A_1311 = vector.broadcast %sub3A_861 : i32 to vector<16xi32>
      %ge3A_1312 = arith.cmpi sge, %add3A_1310, %ge3A_1311 : vector<16xi32>
      %add3A_1313 = arith.constant 80 : i32
      %add3A_1314 = vector.broadcast %add3A_1313 : i32 to vector<16xi32>
      %add3A_1315 = arith.addi %iota3A, %add3A_1314 : vector<16xi32>
      %jit3A_1316 = arith.constant 0 : i32
      %broadcast_in_dim3A_1317 = vector.broadcast %jit3A_1316 : i32 to vector<16xi32>
      %select_n3A_1318 = arith.select %ge3A_1312, %add3A_1315, %broadcast_in_dim3A_1317 : vector<16xi1>, vector<16xi32>
      %reduce_max3A_1319 = arith.constant true
      %reduce_max3A_1320 = vector.broadcast %reduce_max3A_1319 : i1 to vector<16xi1>
      %reduce_max3A_1321 = arith.constant -2147483648 : i32
      %reduce_max3A_1322 = vector.broadcast %reduce_max3A_1321 : i32 to vector<16xi32>
      %reduce_max3A_1323 = arith.xori %select_n3A_1318, %reduce_max3A_1322 : vector<16xi32>
      %reduce_max3A_1324 = tpu.scan <max>, %reduce_max3A_1323 masked %reduce_max3A_1320 : vector<16xi32>, vector<16xi1> -> vector<16xi32>
      %reduce_max3A_1325 = arith.xori %reduce_max3A_1324, %reduce_max3A_1322 : vector<16xi32>
      %reduce_max3A_1326 = vector.extract %reduce_max3A_1325[15] : i32 from vector<16xi32>
      %max3A_1327 = arith.maxsi %max3A_1294, %reduce_max3A_1326 : i32
      %add3A_1328 = arith.addi %add3A_1295, %reduce_sum3A_1303 : i32
      %get3A_1329 = arith.constant 4 : i32
      %get3A_1330 = arith.index_cast %get3A_1329 : i32 to index
      %get3A_1331 = arith.constant 0 : index
      %get3A_1332 = tpu.vector_load %arg8[%get3A_1330, %get3A_1331] {strides = array<i32>} : memref<16x16xi32, #tpu.memory_space<vmem>>, vector<16xi32>,
      %reduce_sum3A_1333 = arith.constant true
      %reduce_sum3A_1334 = vector.broadcast %reduce_sum3A_1333 : i1 to vector<16xi1>
      %reduce_sum3A_1335 = tpu.scan <sum>, %get3A_1332 masked %reduce_sum3A_1334 : vector<16xi32>, vector<16xi1> -> vector<16xi32>
      %reduce_sum3A_1336 = vector.extract %reduce_sum3A_1335[15] : i32 from vector<16xi32>
      %broadcast_in_dim3A_1337 = arith.constant true
      %broadcast_in_dim3A_1338 = vector.broadcast %broadcast_in_dim3A_1337 : i1 to vector<16xi1>
      %masked_cumsum3A_1339 = tpu.scan <sum>, %get3A_1332 masked %broadcast_in_dim3A_1338 : vector<16xi32>, vector<16xi1> -> vector<16xi32>
      %add3A_1340 = arith.addi %add3A_1328, %reduce_sum3A_1336 : i32
      %sub3A_1341 = vector.broadcast %add3A_1340 : i32 to vector<16xi32>
      %sub3A_1342 = arith.subi %sub3A_1341, %masked_cumsum3A_1339 : vector<16xi32>
      %add3A_1343 = arith.addi %sub3A_1342, %get3A_1332 : vector<16xi32>
      %ge3A_1344 = vector.broadcast %sub3A_861 : i32 to vector<16xi32>
      %ge3A_1345 = arith.cmpi sge, %add3A_1343, %ge3A_1344 : vector<16xi32>
      %add3A_1346 = arith.constant 64 : i32
      %add3A_1347 = vector.broadcast %add3A_1346 : i32 to vector<16xi32>
      %add3A_1348 = arith.addi %iota3A, %add3A_1347 : vector<16xi32>
      %jit3A_1349 = arith.constant 0 : i32
      %broadcast_in_dim3A_1350 = vector.broadcast %jit3A_1349 : i32 to vector<16xi32>
      %select_n3A_1351 = arith.select %ge3A_1345, %add3A_1348, %broadcast_in_dim3A_1350 : vector<16xi1>, vector<16xi32>
      %reduce_max3A_1352 = arith.constant true
      %reduce_max3A_1353 = vector.broadcast %reduce_max3A_1352 : i1 to vector<16xi1>
      %reduce_max3A_1354 = arith.constant -2147483648 : i32
      %reduce_max3A_1355 = vector.broadcast %reduce_max3A_1354 : i32 to vector<16xi32>
      %reduce_max3A_1356 = arith.xori %select_n3A_1351, %reduce_max3A_1355 : vector<16xi32>
      %reduce_max3A_1357 = tpu.scan <max>, %reduce_max3A_1356 masked %reduce_max3A_1353 : vector<16xi32>, vector<16xi1> -> vector<16xi32>
      %reduce_max3A_1358 = arith.xori %reduce_max3A_1357, %reduce_max3A_1355 : vector<16xi32>
      %reduce_max3A_1359 = vector.extract %reduce_max3A_1358[15] : i32 from vector<16xi32>
      %max3A_1360 = arith.maxsi %max3A_1327, %reduce_max3A_1359 : i32
      %add3A_1361 = arith.addi %add3A_1328, %reduce_sum3A_1336 : i32
      %get3A_1362 = arith.constant 3 : i32
      %get3A_1363 = arith.index_cast %get3A_1362 : i32 to index
      %get3A_1364 = arith.constant 0 : index
      %get3A_1365 = tpu.vector_load %arg8[%get3A_1363, %get3A_1364] {strides = array<i32>} : memref<16x16xi32, #tpu.memory_space<vmem>>, vector<16xi32>,
      %reduce_sum3A_1366 = arith.constant true
      %reduce_sum3A_1367 = vector.broadcast %reduce_sum3A_1366 : i1 to vector<16xi1>
      %reduce_sum3A_1368 = tpu.scan <sum>, %get3A_1365 masked %reduce_sum3A_1367 : vector<16xi32>, vector<16xi1> -> vector<16xi32>
      %reduce_sum3A_1369 = vector.extract %reduce_sum3A_1368[15] : i32 from vector<16xi32>
      %broadcast_in_dim3A_1370 = arith.constant true
      %broadcast_in_dim3A_1371 = vector.broadcast %broadcast_in_dim3A_1370 : i1 to vector<16xi1>
      %masked_cumsum3A_1372 = tpu.scan <sum>, %get3A_1365 masked %broadcast_in_dim3A_1371 : vector<16xi32>, vector<16xi1> -> vector<16xi32>
      %add3A_1373 = arith.addi %add3A_1361, %reduce_sum3A_1369 : i32
      %sub3A_1374 = vector.broadcast %add3A_1373 : i32 to vector<16xi32>
      %sub3A_1375 = arith.subi %sub3A_1374, %masked_cumsum3A_1372 : vector<16xi32>
      %add3A_1376 = arith.addi %sub3A_1375, %get3A_1365 : vector<16xi32>
      %ge3A_1377 = vector.broadcast %sub3A_861 : i32 to vector<16xi32>
      %ge3A_1378 = arith.cmpi sge, %add3A_1376, %ge3A_1377 : vector<16xi32>
      %add3A_1379 = arith.constant 48 : i32
      %add3A_1380 = vector.broadcast %add3A_1379 : i32 to vector<16xi32>
      %add3A_1381 = arith.addi %iota3A, %add3A_1380 : vector<16xi32>
      %jit3A_1382 = arith.constant 0 : i32
      %broadcast_in_dim3A_1383 = vector.broadcast %jit3A_1382 : i32 to vector<16xi32>
      %select_n3A_1384 = arith.select %ge3A_1378, %add3A_1381, %broadcast_in_dim3A_1383 : vector<16xi1>, vector<16xi32>
      %reduce_max3A_1385 = arith.constant true
      %reduce_max3A_1386 = vector.broadcast %reduce_max3A_1385 : i1 to vector<16xi1>
      %reduce_max3A_1387 = arith.constant -2147483648 : i32
      %reduce_max3A_1388 = vector.broadcast %reduce_max3A_1387 : i32 to vector<16xi32>
      %reduce_max3A_1389 = arith.xori %select_n3A_1384, %reduce_max3A_1388 : vector<16xi32>
      %reduce_max3A_1390 = tpu.scan <max>, %reduce_max3A_1389 masked %reduce_max3A_1386 : vector<16xi32>, vector<16xi1> -> vector<16xi32>
      %reduce_max3A_1391 = arith.xori %reduce_max3A_1390, %reduce_max3A_1388 : vector<16xi32>
      %reduce_max3A_1392 = vector.extract %reduce_max3A_1391[15] : i32 from vector<16xi32>
      %max3A_1393 = arith.maxsi %max3A_1360, %reduce_max3A_1392 : i32
      %add3A_1394 = arith.addi %add3A_1361, %reduce_sum3A_1369 : i32
      %get3A_1395 = arith.constant 2 : i32
      %get3A_1396 = arith.index_cast %get3A_1395 : i32 to index
      %get3A_1397 = arith.constant 0 : index
      %get3A_1398 = tpu.vector_load %arg8[%get3A_1396, %get3A_1397] {strides = array<i32>} : memref<16x16xi32, #tpu.memory_space<vmem>>, vector<16xi32>,
      %reduce_sum3A_1399 = arith.constant true
      %reduce_sum3A_1400 = vector.broadcast %reduce_sum3A_1399 : i1 to vector<16xi1>
      %reduce_sum3A_1401 = tpu.scan <sum>, %get3A_1398 masked %reduce_sum3A_1400 : vector<16xi32>, vector<16xi1> -> vector<16xi32>
      %reduce_sum3A_1402 = vector.extract %reduce_sum3A_1401[15] : i32 from vector<16xi32>
      %broadcast_in_dim3A_1403 = arith.constant true
      %broadcast_in_dim3A_1404 = vector.broadcast %broadcast_in_dim3A_1403 : i1 to vector<16xi1>
      %masked_cumsum3A_1405 = tpu.scan <sum>, %get3A_1398 masked %broadcast_in_dim3A_1404 : vector<16xi32>, vector<16xi1> -> vector<16xi32>
      %add3A_1406 = arith.addi %add3A_1394, %reduce_sum3A_1402 : i32
      %sub3A_1407 = vector.broadcast %add3A_1406 : i32 to vector<16xi32>
      %sub3A_1408 = arith.subi %sub3A_1407, %masked_cumsum3A_1405 : vector<16xi32>
      %add3A_1409 = arith.addi %sub3A_1408, %get3A_1398 : vector<16xi32>
      %ge3A_1410 = vector.broadcast %sub3A_861 : i32 to vector<16xi32>
      %ge3A_1411 = arith.cmpi sge, %add3A_1409, %ge3A_1410 : vector<16xi32>
      %add3A_1412 = arith.constant 32 : i32
      %add3A_1413 = vector.broadcast %add3A_1412 : i32 to vector<16xi32>
      %add3A_1414 = arith.addi %iota3A, %add3A_1413 : vector<16xi32>
      %jit3A_1415 = arith.constant 0 : i32
      %broadcast_in_dim3A_1416 = vector.broadcast %jit3A_1415 : i32 to vector<16xi32>
      %select_n3A_1417 = arith.select %ge3A_1411, %add3A_1414, %broadcast_in_dim3A_1416 : vector<16xi1>, vector<16xi32>
      %reduce_max3A_1418 = arith.constant true
      %reduce_max3A_1419 = vector.broadcast %reduce_max3A_1418 : i1 to vector<16xi1>
      %reduce_max3A_1420 = arith.constant -2147483648 : i32
      %reduce_max3A_1421 = vector.broadcast %reduce_max3A_1420 : i32 to vector<16xi32>
      %reduce_max3A_1422 = arith.xori %select_n3A_1417, %reduce_max3A_1421 : vector<16xi32>
      %reduce_max3A_1423 = tpu.scan <max>, %reduce_max3A_1422 masked %reduce_max3A_1419 : vector<16xi32>, vector<16xi1> -> vector<16xi32>
      %reduce_max3A_1424 = arith.xori %reduce_max3A_1423, %reduce_max3A_1421 : vector<16xi32>
      %reduce_max3A_1425 = vector.extract %reduce_max3A_1424[15] : i32 from vector<16xi32>
      %max3A_1426 = arith.maxsi %max3A_1393, %reduce_max3A_1425 : i32
      %add3A_1427 = arith.addi %add3A_1394, %reduce_sum3A_1402 : i32
      %get3A_1428 = arith.constant 1 : i32
      %get3A_1429 = arith.index_cast %get3A_1428 : i32 to index
      %get3A_1430 = arith.constant 0 : index
      %get3A_1431 = tpu.vector_load %arg8[%get3A_1429, %get3A_1430] {strides = array<i32>} : memref<16x16xi32, #tpu.memory_space<vmem>>, vector<16xi32>,
      %reduce_sum3A_1432 = arith.constant true
      %reduce_sum3A_1433 = vector.broadcast %reduce_sum3A_1432 : i1 to vector<16xi1>
      %reduce_sum3A_1434 = tpu.scan <sum>, %get3A_1431 masked %reduce_sum3A_1433 : vector<16xi32>, vector<16xi1> -> vector<16xi32>
      %reduce_sum3A_1435 = vector.extract %reduce_sum3A_1434[15] : i32 from vector<16xi32>
      %broadcast_in_dim3A_1436 = arith.constant true
      %broadcast_in_dim3A_1437 = vector.broadcast %broadcast_in_dim3A_1436 : i1 to vector<16xi1>
      %masked_cumsum3A_1438 = tpu.scan <sum>, %get3A_1431 masked %broadcast_in_dim3A_1437 : vector<16xi32>, vector<16xi1> -> vector<16xi32>
      %add3A_1439 = arith.addi %add3A_1427, %reduce_sum3A_1435 : i32
      %sub3A_1440 = vector.broadcast %add3A_1439 : i32 to vector<16xi32>
      %sub3A_1441 = arith.subi %sub3A_1440, %masked_cumsum3A_1438 : vector<16xi32>
      %add3A_1442 = arith.addi %sub3A_1441, %get3A_1431 : vector<16xi32>
      %ge3A_1443 = vector.broadcast %sub3A_861 : i32 to vector<16xi32>
      %ge3A_1444 = arith.cmpi sge, %add3A_1442, %ge3A_1443 : vector<16xi32>
      %add3A_1445 = arith.constant 16 : i32
      %add3A_1446 = vector.broadcast %add3A_1445 : i32 to vector<16xi32>
      %add3A_1447 = arith.addi %iota3A, %add3A_1446 : vector<16xi32>
      %jit3A_1448 = arith.constant 0 : i32
      %broadcast_in_dim3A_1449 = vector.broadcast %jit3A_1448 : i32 to vector<16xi32>
      %select_n3A_1450 = arith.select %ge3A_1444, %add3A_1447, %broadcast_in_dim3A_1449 : vector<16xi1>, vector<16xi32>
      %reduce_max3A_1451 = arith.constant true
      %reduce_max3A_1452 = vector.broadcast %reduce_max3A_1451 : i1 to vector<16xi1>
      %reduce_max3A_1453 = arith.constant -2147483648 : i32
      %reduce_max3A_1454 = vector.broadcast %reduce_max3A_1453 : i32 to vector<16xi32>
      %reduce_max3A_1455 = arith.xori %select_n3A_1450, %reduce_max3A_1454 : vector<16xi32>
      %reduce_max3A_1456 = tpu.scan <max>, %reduce_max3A_1455 masked %reduce_max3A_1452 : vector<16xi32>, vector<16xi1> -> vector<16xi32>
      %reduce_max3A_1457 = arith.xori %reduce_max3A_1456, %reduce_max3A_1454 : vector<16xi32>
      %reduce_max3A_1458 = vector.extract %reduce_max3A_1457[15] : i32 from vector<16xi32>
      %max3A_1459 = arith.maxsi %max3A_1426, %reduce_max3A_1458 : i32
      %add3A_1460 = arith.addi %add3A_1427, %reduce_sum3A_1435 : i32
      %get3A_1461 = arith.constant 0 : i32
      %get3A_1462 = arith.index_cast %get3A_1461 : i32 to index
      %get3A_1463 = arith.constant 0 : index
      %get3A_1464 = tpu.vector_load %arg8[%get3A_1462, %get3A_1463] {strides = array<i32>} : memref<16x16xi32, #tpu.memory_space<vmem>>, vector<16xi32>,
      %reduce_sum3A_1465 = arith.constant true
      %reduce_sum3A_1466 = vector.broadcast %reduce_sum3A_1465 : i1 to vector<16xi1>
      %reduce_sum3A_1467 = tpu.scan <sum>, %get3A_1464 masked %reduce_sum3A_1466 : vector<16xi32>, vector<16xi1> -> vector<16xi32>
      %reduce_sum3A_1468 = vector.extract %reduce_sum3A_1467[15] : i32 from vector<16xi32>
      %broadcast_in_dim3A_1469 = arith.constant true
      %broadcast_in_dim3A_1470 = vector.broadcast %broadcast_in_dim3A_1469 : i1 to vector<16xi1>
      %masked_cumsum3A_1471 = tpu.scan <sum>, %get3A_1464 masked %broadcast_in_dim3A_1470 : vector<16xi32>, vector<16xi1> -> vector<16xi32>
      %add3A_1472 = arith.addi %add3A_1460, %reduce_sum3A_1468 : i32
      %sub3A_1473 = vector.broadcast %add3A_1472 : i32 to vector<16xi32>
      %sub3A_1474 = arith.subi %sub3A_1473, %masked_cumsum3A_1471 : vector<16xi32>
      %add3A_1475 = arith.addi %sub3A_1474, %get3A_1464 : vector<16xi32>
      %ge3A_1476 = vector.broadcast %sub3A_861 : i32 to vector<16xi32>
      %ge3A_1477 = arith.cmpi sge, %add3A_1475, %ge3A_1476 : vector<16xi32>
      %add3A_1478 = arith.constant 0 : i32
      %add3A_1479 = vector.broadcast %add3A_1478 : i32 to vector<16xi32>
      %add3A_1480 = arith.addi %iota3A, %add3A_1479 : vector<16xi32>
      %jit3A_1481 = arith.constant 0 : i32
      %broadcast_in_dim3A_1482 = vector.broadcast %jit3A_1481 : i32 to vector<16xi32>
      %select_n3A_1483 = arith.select %ge3A_1477, %add3A_1480, %broadcast_in_dim3A_1482 : vector<16xi1>, vector<16xi32>
      %reduce_max3A_1484 = arith.constant true
      %reduce_max3A_1485 = vector.broadcast %reduce_max3A_1484 : i1 to vector<16xi1>
      %reduce_max3A_1486 = arith.constant -2147483648 : i32
      %reduce_max3A_1487 = vector.broadcast %reduce_max3A_1486 : i32 to vector<16xi32>
      %reduce_max3A_1488 = arith.xori %select_n3A_1483, %reduce_max3A_1487 : vector<16xi32>
      %reduce_max3A_1489 = tpu.scan <max>, %reduce_max3A_1488 masked %reduce_max3A_1485 : vector<16xi32>, vector<16xi1> -> vector<16xi32>
      %reduce_max3A_1490 = arith.xori %reduce_max3A_1489, %reduce_max3A_1487 : vector<16xi32>
      %reduce_max3A_1491 = vector.extract %reduce_max3A_1490[15] : i32 from vector<16xi32>
      %max3A_1492 = arith.maxsi %max3A_1459, %reduce_max3A_1491 : i32
      %add3A_1493 = arith.addi %add3A_1460, %reduce_sum3A_1468 : i32
      %broadcast_in_dim3A_1494 = arith.constant 0 : i32
      %broadcast_in_dim3A_1495 = vector.broadcast %broadcast_in_dim3A_1494 : i32 to vector<16xi32>
      %add3A_1496 = arith.constant 0 : i32
      %add3A_1497 = vector.broadcast %add3A_1496 : i32 to vector<16xi32>
      %add3A_1498 = arith.addi %iota3A, %add3A_1497 : vector<16xi32>
      %gt3A_1499 = vector.broadcast %max3A_1492 : i32 to vector<16xi32>
      %gt3A_1500 = arith.cmpi sgt, %add3A_1498, %gt3A_1499 : vector<16xi32>
      %get3A_1501 = arith.constant 0 : i32
      %get3A_1502 = arith.index_cast %get3A_1501 : i32 to index
      %get3A_1503 = arith.constant 0 : index
      %get3A_1504 = tpu.vector_load %arg8[%get3A_1502, %get3A_1503] {strides = array<i32>} : memref<16x16xi32, #tpu.memory_space<vmem>>, vector<16xi32>,
      %jit3A_1505 = arith.constant 0 : i32
      %broadcast_in_dim3A_1506 = vector.broadcast %jit3A_1505 : i32 to vector<16xi32>
      %select_n3A_1507 = arith.select %gt3A_1500, %get3A_1504, %broadcast_in_dim3A_1506 : vector<16xi1>, vector<16xi32>
      %add3A_1508 = arith.addi %broadcast_in_dim3A_1495, %select_n3A_1507 : vector<16xi32>
      %add3A_1509 = arith.constant 16 : i32
      %add3A_1510 = vector.broadcast %add3A_1509 : i32 to vector<16xi32>
      %add3A_1511 = arith.addi %iota3A, %add3A_1510 : vector<16xi32>
      %gt3A_1512 = vector.broadcast %max3A_1492 : i32 to vector<16xi32>
      %gt3A_1513 = arith.cmpi sgt, %add3A_1511, %gt3A_1512 : vector<16xi32>
      %get3A_1514 = arith.constant 1 : i32
      %get3A_1515 = arith.index_cast %get3A_1514 : i32 to index
      %get3A_1516 = arith.constant 0 : index
      %get3A_1517 = tpu.vector_load %arg8[%get3A_1515, %get3A_1516] {strides = array<i32>} : memref<16x16xi32, #tpu.memory_space<vmem>>, vector<16xi32>,
      %jit3A_1518 = arith.constant 0 : i32
      %broadcast_in_dim3A_1519 = vector.broadcast %jit3A_1518 : i32 to vector<16xi32>
      %select_n3A_1520 = arith.select %gt3A_1513, %get3A_1517, %broadcast_in_dim3A_1519 : vector<16xi1>, vector<16xi32>
      %add3A_1521 = arith.addi %add3A_1508, %select_n3A_1520 : vector<16xi32>
      %add3A_1522 = arith.constant 32 : i32
      %add3A_1523 = vector.broadcast %add3A_1522 : i32 to vector<16xi32>
      %add3A_1524 = arith.addi %iota3A, %add3A_1523 : vector<16xi32>
      %gt3A_1525 = vector.broadcast %max3A_1492 : i32 to vector<16xi32>
      %gt3A_1526 = arith.cmpi sgt, %add3A_1524, %gt3A_1525 : vector<16xi32>
      %get3A_1527 = arith.constant 2 : i32
      %get3A_1528 = arith.index_cast %get3A_1527 : i32 to index
      %get3A_1529 = arith.constant 0 : index
      %get3A_1530 = tpu.vector_load %arg8[%get3A_1528, %get3A_1529] {strides = array<i32>} : memref<16x16xi32, #tpu.memory_space<vmem>>, vector<16xi32>,
      %jit3A_1531 = arith.constant 0 : i32
      %broadcast_in_dim3A_1532 = vector.broadcast %jit3A_1531 : i32 to vector<16xi32>
      %select_n3A_1533 = arith.select %gt3A_1526, %get3A_1530, %broadcast_in_dim3A_1532 : vector<16xi1>, vector<16xi32>
      %add3A_1534 = arith.addi %add3A_1521, %select_n3A_1533 : vector<16xi32>
      %add3A_1535 = arith.constant 48 : i32
      %add3A_1536 = vector.broadcast %add3A_1535 : i32 to vector<16xi32>
      %add3A_1537 = arith.addi %iota3A, %add3A_1536 : vector<16xi32>
      %gt3A_1538 = vector.broadcast %max3A_1492 : i32 to vector<16xi32>
      %gt3A_1539 = arith.cmpi sgt, %add3A_1537, %gt3A_1538 : vector<16xi32>
      %get3A_1540 = arith.constant 3 : i32
      %get3A_1541 = arith.index_cast %get3A_1540 : i32 to index
      %get3A_1542 = arith.constant 0 : index
      %get3A_1543 = tpu.vector_load %arg8[%get3A_1541, %get3A_1542] {strides = array<i32>} : memref<16x16xi32, #tpu.memory_space<vmem>>, vector<16xi32>,
      %jit3A_1544 = arith.constant 0 : i32
      %broadcast_in_dim3A_1545 = vector.broadcast %jit3A_1544 : i32 to vector<16xi32>
      %select_n3A_1546 = arith.select %gt3A_1539, %get3A_1543, %broadcast_in_dim3A_1545 : vector<16xi1>, vector<16xi32>
      %add3A_1547 = arith.addi %add3A_1534, %select_n3A_1546 : vector<16xi32>
      %add3A_1548 = arith.constant 64 : i32
      %add3A_1549 = vector.broadcast %add3A_1548 : i32 to vector<16xi32>
      %add3A_1550 = arith.addi %iota3A, %add3A_1549 : vector<16xi32>
      %gt3A_1551 = vector.broadcast %max3A_1492 : i32 to vector<16xi32>
      %gt3A_1552 = arith.cmpi sgt, %add3A_1550, %gt3A_1551 : vector<16xi32>
      %get3A_1553 = arith.constant 4 : i32
      %get3A_1554 = arith.index_cast %get3A_1553 : i32 to index
      %get3A_1555 = arith.constant 0 : index
      %get3A_1556 = tpu.vector_load %arg8[%get3A_1554, %get3A_1555] {strides = array<i32>} : memref<16x16xi32, #tpu.memory_space<vmem>>, vector<16xi32>,
      %jit3A_1557 = arith.constant 0 : i32
      %broadcast_in_dim3A_1558 = vector.broadcast %jit3A_1557 : i32 to vector<16xi32>
      %select_n3A_1559 = arith.select %gt3A_1552, %get3A_1556, %broadcast_in_dim3A_1558 : vector<16xi1>, vector<16xi32>
      %add3A_1560 = arith.addi %add3A_1547, %select_n3A_1559 : vector<16xi32>
      %add3A_1561 = arith.constant 80 : i32
      %add3A_1562 = vector.broadcast %add3A_1561 : i32 to vector<16xi32>
      %add3A_1563 = arith.addi %iota3A, %add3A_1562 : vector<16xi32>
      %gt3A_1564 = vector.broadcast %max3A_1492 : i32 to vector<16xi32>
      %gt3A_1565 = arith.cmpi sgt, %add3A_1563, %gt3A_1564 : vector<16xi32>
      %get3A_1566 = arith.constant 5 : i32
      %get3A_1567 = arith.index_cast %get3A_1566 : i32 to index
      %get3A_1568 = arith.constant 0 : index
      %get3A_1569 = tpu.vector_load %arg8[%get3A_1567, %get3A_1568] {strides = array<i32>} : memref<16x16xi32, #tpu.memory_space<vmem>>, vector<16xi32>,
      %jit3A_1570 = arith.constant 0 : i32
      %broadcast_in_dim3A_1571 = vector.broadcast %jit3A_1570 : i32 to vector<16xi32>
      %select_n3A_1572 = arith.select %gt3A_1565, %get3A_1569, %broadcast_in_dim3A_1571 : vector<16xi1>, vector<16xi32>
      %add3A_1573 = arith.addi %add3A_1560, %select_n3A_1572 : vector<16xi32>
      %add3A_1574 = arith.constant 96 : i32
      %add3A_1575 = vector.broadcast %add3A_1574 : i32 to vector<16xi32>
      %add3A_1576 = arith.addi %iota3A, %add3A_1575 : vector<16xi32>
      %gt3A_1577 = vector.broadcast %max3A_1492 : i32 to vector<16xi32>
      %gt3A_1578 = arith.cmpi sgt, %add3A_1576, %gt3A_1577 : vector<16xi32>
      %get3A_1579 = arith.constant 6 : i32
      %get3A_1580 = arith.index_cast %get3A_1579 : i32 to index
      %get3A_1581 = arith.constant 0 : index
      %get3A_1582 = tpu.vector_load %arg8[%get3A_1580, %get3A_1581] {strides = array<i32>} : memref<16x16xi32, #tpu.memory_space<vmem>>, vector<16xi32>,
      %jit3A_1583 = arith.constant 0 : i32
      %broadcast_in_dim3A_1584 = vector.broadcast %jit3A_1583 : i32 to vector<16xi32>
      %select_n3A_1585 = arith.select %gt3A_1578, %get3A_1582, %broadcast_in_dim3A_1584 : vector<16xi1>, vector<16xi32>
      %add3A_1586 = arith.addi %add3A_1573, %select_n3A_1585 : vector<16xi32>
      %add3A_1587 = arith.constant 112 : i32
      %add3A_1588 = vector.broadcast %add3A_1587 : i32 to vector<16xi32>
      %add3A_1589 = arith.addi %iota3A, %add3A_1588 : vector<16xi32>
      %gt3A_1590 = vector.broadcast %max3A_1492 : i32 to vector<16xi32>
      %gt3A_1591 = arith.cmpi sgt, %add3A_1589, %gt3A_1590 : vector<16xi32>
      %get3A_1592 = arith.constant 7 : i32
      %get3A_1593 = arith.index_cast %get3A_1592 : i32 to index
      %get3A_1594 = arith.constant 0 : index
      %get3A_1595 = tpu.vector_load %arg8[%get3A_1593, %get3A_1594] {strides = array<i32>} : memref<16x16xi32, #tpu.memory_space<vmem>>, vector<16xi32>,
      %jit3A_1596 = arith.constant 0 : i32
      %broadcast_in_dim3A_1597 = vector.broadcast %jit3A_1596 : i32 to vector<16xi32>
      %select_n3A_1598 = arith.select %gt3A_1591, %get3A_1595, %broadcast_in_dim3A_1597 : vector<16xi1>, vector<16xi32>
      %add3A_1599 = arith.addi %add3A_1586, %select_n3A_1598 : vector<16xi32>
      %add3A_1600 = arith.constant 128 : i32
      %add3A_1601 = vector.broadcast %add3A_1600 : i32 to vector<16xi32>
      %add3A_1602 = arith.addi %iota3A, %add3A_1601 : vector<16xi32>
      %gt3A_1603 = vector.broadcast %max3A_1492 : i32 to vector<16xi32>
      %gt3A_1604 = arith.cmpi sgt, %add3A_1602, %gt3A_1603 : vector<16xi32>
      %get3A_1605 = arith.constant 8 : i32
      %get3A_1606 = arith.index_cast %get3A_1605 : i32 to index
      %get3A_1607 = arith.constant 0 : index
      %get3A_1608 = tpu.vector_load %arg8[%get3A_1606, %get3A_1607] {strides = array<i32>} : memref<16x16xi32, #tpu.memory_space<vmem>>, vector<16xi32>,
      %jit3A_1609 = arith.constant 0 : i32
      %broadcast_in_dim3A_1610 = vector.broadcast %jit3A_1609 : i32 to vector<16xi32>
      %select_n3A_1611 = arith.select %gt3A_1604, %get3A_1608, %broadcast_in_dim3A_1610 : vector<16xi1>, vector<16xi32>
      %add3A_1612 = arith.addi %add3A_1599, %select_n3A_1611 : vector<16xi32>
      %add3A_1613 = arith.constant 144 : i32
      %add3A_1614 = vector.broadcast %add3A_1613 : i32 to vector<16xi32>
      %add3A_1615 = arith.addi %iota3A, %add3A_1614 : vector<16xi32>
      %gt3A_1616 = vector.broadcast %max3A_1492 : i32 to vector<16xi32>
      %gt3A_1617 = arith.cmpi sgt, %add3A_1615, %gt3A_1616 : vector<16xi32>
      %get3A_1618 = arith.constant 9 : i32
      %get3A_1619 = arith.index_cast %get3A_1618 : i32 to index
      %get3A_1620 = arith.constant 0 : index
      %get3A_1621 = tpu.vector_load %arg8[%get3A_1619, %get3A_1620] {strides = array<i32>} : memref<16x16xi32, #tpu.memory_space<vmem>>, vector<16xi32>,
      %jit3A_1622 = arith.constant 0 : i32
      %broadcast_in_dim3A_1623 = vector.broadcast %jit3A_1622 : i32 to vector<16xi32>
      %select_n3A_1624 = arith.select %gt3A_1617, %get3A_1621, %broadcast_in_dim3A_1623 : vector<16xi1>, vector<16xi32>
      %add3A_1625 = arith.addi %add3A_1612, %select_n3A_1624 : vector<16xi32>
      %add3A_1626 = arith.constant 160 : i32
      %add3A_1627 = vector.broadcast %add3A_1626 : i32 to vector<16xi32>
      %add3A_1628 = arith.addi %iota3A, %add3A_1627 : vector<16xi32>
      %gt3A_1629 = vector.broadcast %max3A_1492 : i32 to vector<16xi32>
      %gt3A_1630 = arith.cmpi sgt, %add3A_1628, %gt3A_1629 : vector<16xi32>
      %get3A_1631 = arith.constant 10 : i32
      %get3A_1632 = arith.index_cast %get3A_1631 : i32 to index
      %get3A_1633 = arith.constant 0 : index
      %get3A_1634 = tpu.vector_load %arg8[%get3A_1632, %get3A_1633] {strides = array<i32>} : memref<16x16xi32, #tpu.memory_space<vmem>>, vector<16xi32>,
      %jit3A_1635 = arith.constant 0 : i32
      %broadcast_in_dim3A_1636 = vector.broadcast %jit3A_1635 : i32 to vector<16xi32>
      %select_n3A_1637 = arith.select %gt3A_1630, %get3A_1634, %broadcast_in_dim3A_1636 : vector<16xi1>, vector<16xi32>
      %add3A_1638 = arith.addi %add3A_1625, %select_n3A_1637 : vector<16xi32>
      %add3A_1639 = arith.constant 176 : i32
      %add3A_1640 = vector.broadcast %add3A_1639 : i32 to vector<16xi32>
      %add3A_1641 = arith.addi %iota3A, %add3A_1640 : vector<16xi32>
      %gt3A_1642 = vector.broadcast %max3A_1492 : i32 to vector<16xi32>
      %gt3A_1643 = arith.cmpi sgt, %add3A_1641, %gt3A_1642 : vector<16xi32>
      %get3A_1644 = arith.constant 11 : i32
      %get3A_1645 = arith.index_cast %get3A_1644 : i32 to index
      %get3A_1646 = arith.constant 0 : index
      %get3A_1647 = tpu.vector_load %arg8[%get3A_1645, %get3A_1646] {strides = array<i32>} : memref<16x16xi32, #tpu.memory_space<vmem>>, vector<16xi32>,
      %jit3A_1648 = arith.constant 0 : i32
      %broadcast_in_dim3A_1649 = vector.broadcast %jit3A_1648 : i32 to vector<16xi32>
      %select_n3A_1650 = arith.select %gt3A_1643, %get3A_1647, %broadcast_in_dim3A_1649 : vector<16xi1>, vector<16xi32>
      %add3A_1651 = arith.addi %add3A_1638, %select_n3A_1650 : vector<16xi32>
      %add3A_1652 = arith.constant 192 : i32
      %add3A_1653 = vector.broadcast %add3A_1652 : i32 to vector<16xi32>
      %add3A_1654 = arith.addi %iota3A, %add3A_1653 : vector<16xi32>
      %gt3A_1655 = vector.broadcast %max3A_1492 : i32 to vector<16xi32>
      %gt3A_1656 = arith.cmpi sgt, %add3A_1654, %gt3A_1655 : vector<16xi32>
      %get3A_1657 = arith.constant 12 : i32
      %get3A_1658 = arith.index_cast %get3A_1657 : i32 to index
      %get3A_1659 = arith.constant 0 : index
      %get3A_1660 = tpu.vector_load %arg8[%get3A_1658, %get3A_1659] {strides = array<i32>} : memref<16x16xi32, #tpu.memory_space<vmem>>, vector<16xi32>,
      %jit3A_1661 = arith.constant 0 : i32
      %broadcast_in_dim3A_1662 = vector.broadcast %jit3A_1661 : i32 to vector<16xi32>
      %select_n3A_1663 = arith.select %gt3A_1656, %get3A_1660, %broadcast_in_dim3A_1662 : vector<16xi1>, vector<16xi32>
      %add3A_1664 = arith.addi %add3A_1651, %select_n3A_1663 : vector<16xi32>
      %add3A_1665 = arith.constant 208 : i32
      %add3A_1666 = vector.broadcast %add3A_1665 : i32 to vector<16xi32>
      %add3A_1667 = arith.addi %iota3A, %add3A_1666 : vector<16xi32>
      %gt3A_1668 = vector.broadcast %max3A_1492 : i32 to vector<16xi32>
      %gt3A_1669 = arith.cmpi sgt, %add3A_1667, %gt3A_1668 : vector<16xi32>
      %get3A_1670 = arith.constant 13 : i32
      %get3A_1671 = arith.index_cast %get3A_1670 : i32 to index
      %get3A_1672 = arith.constant 0 : index
      %get3A_1673 = tpu.vector_load %arg8[%get3A_1671, %get3A_1672] {strides = array<i32>} : memref<16x16xi32, #tpu.memory_space<vmem>>, vector<16xi32>,
      %jit3A_1674 = arith.constant 0 : i32
      %broadcast_in_dim3A_1675 = vector.broadcast %jit3A_1674 : i32 to vector<16xi32>
      %select_n3A_1676 = arith.select %gt3A_1669, %get3A_1673, %broadcast_in_dim3A_1675 : vector<16xi1>, vector<16xi32>
      %add3A_1677 = arith.addi %add3A_1664, %select_n3A_1676 : vector<16xi32>
      %add3A_1678 = arith.constant 224 : i32
      %add3A_1679 = vector.broadcast %add3A_1678 : i32 to vector<16xi32>
      %add3A_1680 = arith.addi %iota3A, %add3A_1679 : vector<16xi32>
      %gt3A_1681 = vector.broadcast %max3A_1492 : i32 to vector<16xi32>
      %gt3A_1682 = arith.cmpi sgt, %add3A_1680, %gt3A_1681 : vector<16xi32>
      %get3A_1683 = arith.constant 14 : i32
      %get3A_1684 = arith.index_cast %get3A_1683 : i32 to index
      %get3A_1685 = arith.constant 0 : index
      %get3A_1686 = tpu.vector_load %arg8[%get3A_1684, %get3A_1685] {strides = array<i32>} : memref<16x16xi32, #tpu.memory_space<vmem>>, vector<16xi32>,
      %jit3A_1687 = arith.constant 0 : i32
      %broadcast_in_dim3A_1688 = vector.broadcast %jit3A_1687 : i32 to vector<16xi32>
      %select_n3A_1689 = arith.select %gt3A_1682, %get3A_1686, %broadcast_in_dim3A_1688 : vector<16xi1>, vector<16xi32>
      %add3A_1690 = arith.addi %add3A_1677, %select_n3A_1689 : vector<16xi32>
      %add3A_1691 = arith.constant 240 : i32
      %add3A_1692 = vector.broadcast %add3A_1691 : i32 to vector<16xi32>
      %add3A_1693 = arith.addi %iota3A, %add3A_1692 : vector<16xi32>
      %gt3A_1694 = vector.broadcast %max3A_1492 : i32 to vector<16xi32>
      %gt3A_1695 = arith.cmpi sgt, %add3A_1693, %gt3A_1694 : vector<16xi32>
      %get3A_1696 = arith.constant 15 : i32
      %get3A_1697 = arith.index_cast %get3A_1696 : i32 to index
      %get3A_1698 = arith.constant 0 : index
      %get3A_1699 = tpu.vector_load %arg8[%get3A_1697, %get3A_1698] {strides = array<i32>} : memref<16x16xi32, #tpu.memory_space<vmem>>, vector<16xi32>,
      %jit3A_1700 = arith.constant 0 : i32
      %broadcast_in_dim3A_1701 = vector.broadcast %jit3A_1700 : i32 to vector<16xi32>
      %select_n3A_1702 = arith.select %gt3A_1695, %get3A_1699, %broadcast_in_dim3A_1701 : vector<16xi1>, vector<16xi32>
      %add3A_1703 = arith.addi %add3A_1690, %select_n3A_1702 : vector<16xi32>
      %reduce_sum3A_1704 = arith.constant true
      %reduce_sum3A_1705 = vector.broadcast %reduce_sum3A_1704 : i1 to vector<16xi1>
      %reduce_sum3A_1706 = tpu.scan <sum>, %add3A_1703 masked %reduce_sum3A_1705 : vector<16xi32>, vector<16xi1> -> vector<16xi32>
      %reduce_sum3A_1707 = vector.extract %reduce_sum3A_1706[15] : i32 from vector<16xi32>
      %mul3A_1708 = arith.constant 256 : i32
      %mul3A_1709 = arith.muli %add3A_859, %mul3A_1708 : i32
      %add3A_1710 = arith.addi %mul3A_1709, %max3A_1492 : i32
      %sub3A_1711 = arith.subi %sub3A_861, %reduce_sum3A_1707 : i32
      %broadcast_in_dim3A_1712 = arith.constant 0 : i32
      %broadcast_in_dim3A_1713 = vector.broadcast %broadcast_in_dim3A_1712 : i32 to vector<16xi32>
      %swap3A_1714 = arith.constant 0 : i32
      %swap3A_1715 = arith.index_cast %swap3A_1714 : i32 to index
      %swap3A_1716 = arith.constant 0 : index
      %swap3A_1717 = tpu.vector_load %arg8[%swap3A_1715, %swap3A_1716] {strides = array<i32>} : memref<16x16xi32, #tpu.memory_space<vmem>>, vector<16xi32>,
      tpu.vector_store %arg8[%swap3A_1715, %swap3A_1716], %broadcast_in_dim3A_1713 {strides = array<i32>} : memref<16x16xi32, #tpu.memory_space<vmem>>, vector<16xi32>,
      %broadcast_in_dim3A_1718 = arith.constant 0 : i32
      %broadcast_in_dim3A_1719 = vector.broadcast %broadcast_in_dim3A_1718 : i32 to vector<16xi32>
      %swap3A_1720 = arith.constant 1 : i32
      %swap3A_1721 = arith.index_cast %swap3A_1720 : i32 to index
      %swap3A_1722 = arith.constant 0 : index
      %swap3A_1723 = tpu.vector_load %arg8[%swap3A_1721, %swap3A_1722] {strides = array<i32>} : memref<16x16xi32, #tpu.memory_space<vmem>>, vector<16xi32>,
      tpu.vector_store %arg8[%swap3A_1721, %swap3A_1722], %broadcast_in_dim3A_1719 {strides = array<i32>} : memref<16x16xi32, #tpu.memory_space<vmem>>, vector<16xi32>,
      %broadcast_in_dim3A_1724 = arith.constant 0 : i32
      %broadcast_in_dim3A_1725 = vector.broadcast %broadcast_in_dim3A_1724 : i32 to vector<16xi32>
      %swap3A_1726 = arith.constant 2 : i32
      %swap3A_1727 = arith.index_cast %swap3A_1726 : i32 to index
      %swap3A_1728 = arith.constant 0 : index
      %swap3A_1729 = tpu.vector_load %arg8[%swap3A_1727, %swap3A_1728] {strides = array<i32>} : memref<16x16xi32, #tpu.memory_space<vmem>>, vector<16xi32>,
      tpu.vector_store %arg8[%swap3A_1727, %swap3A_1728], %broadcast_in_dim3A_1725 {strides = array<i32>} : memref<16x16xi32, #tpu.memory_space<vmem>>, vector<16xi32>,
      %broadcast_in_dim3A_1730 = arith.constant 0 : i32
      %broadcast_in_dim3A_1731 = vector.broadcast %broadcast_in_dim3A_1730 : i32 to vector<16xi32>
      %swap3A_1732 = arith.constant 3 : i32
      %swap3A_1733 = arith.index_cast %swap3A_1732 : i32 to index
      %swap3A_1734 = arith.constant 0 : index
      %swap3A_1735 = tpu.vector_load %arg8[%swap3A_1733, %swap3A_1734] {strides = array<i32>} : memref<16x16xi32, #tpu.memory_space<vmem>>, vector<16xi32>,
      tpu.vector_store %arg8[%swap3A_1733, %swap3A_1734], %broadcast_in_dim3A_1731 {strides = array<i32>} : memref<16x16xi32, #tpu.memory_space<vmem>>, vector<16xi32>,
      %broadcast_in_dim3A_1736 = arith.constant 0 : i32
      %broadcast_in_dim3A_1737 = vector.broadcast %broadcast_in_dim3A_1736 : i32 to vector<16xi32>
      %swap3A_1738 = arith.constant 4 : i32
      %swap3A_1739 = arith.index_cast %swap3A_1738 : i32 to index
      %swap3A_1740 = arith.constant 0 : index
      %swap3A_1741 = tpu.vector_load %arg8[%swap3A_1739, %swap3A_1740] {strides = array<i32>} : memref<16x16xi32, #tpu.memory_space<vmem>>, vector<16xi32>,
      tpu.vector_store %arg8[%swap3A_1739, %swap3A_1740], %broadcast_in_dim3A_1737 {strides = array<i32>} : memref<16x16xi32, #tpu.memory_space<vmem>>, vector<16xi32>,
      %broadcast_in_dim3A_1742 = arith.constant 0 : i32
      %broadcast_in_dim3A_1743 = vector.broadcast %broadcast_in_dim3A_1742 : i32 to vector<16xi32>
      %swap3A_1744 = arith.constant 5 : i32
      %swap3A_1745 = arith.index_cast %swap3A_1744 : i32 to index
      %swap3A_1746 = arith.constant 0 : index
      %swap3A_1747 = tpu.vector_load %arg8[%swap3A_1745, %swap3A_1746] {strides = array<i32>} : memref<16x16xi32, #tpu.memory_space<vmem>>, vector<16xi32>,
      tpu.vector_store %arg8[%swap3A_1745, %swap3A_1746], %broadcast_in_dim3A_1743 {strides = array<i32>} : memref<16x16xi32, #tpu.memory_space<vmem>>, vector<16xi32>,
      %broadcast_in_dim3A_1748 = arith.constant 0 : i32
      %broadcast_in_dim3A_1749 = vector.broadcast %broadcast_in_dim3A_1748 : i32 to vector<16xi32>
      %swap3A_1750 = arith.constant 6 : i32
      %swap3A_1751 = arith.index_cast %swap3A_1750 : i32 to index
      %swap3A_1752 = arith.constant 0 : index
      %swap3A_1753 = tpu.vector_load %arg8[%swap3A_1751, %swap3A_1752] {strides = array<i32>} : memref<16x16xi32, #tpu.memory_space<vmem>>, vector<16xi32>,
      tpu.vector_store %arg8[%swap3A_1751, %swap3A_1752], %broadcast_in_dim3A_1749 {strides = array<i32>} : memref<16x16xi32, #tpu.memory_space<vmem>>, vector<16xi32>,
      %broadcast_in_dim3A_1754 = arith.constant 0 : i32
      %broadcast_in_dim3A_1755 = vector.broadcast %broadcast_in_dim3A_1754 : i32 to vector<16xi32>
      %swap3A_1756 = arith.constant 7 : i32
      %swap3A_1757 = arith.index_cast %swap3A_1756 : i32 to index
      %swap3A_1758 = arith.constant 0 : index
      %swap3A_1759 = tpu.vector_load %arg8[%swap3A_1757, %swap3A_1758] {strides = array<i32>} : memref<16x16xi32, #tpu.memory_space<vmem>>, vector<16xi32>,
      tpu.vector_store %arg8[%swap3A_1757, %swap3A_1758], %broadcast_in_dim3A_1755 {strides = array<i32>} : memref<16x16xi32, #tpu.memory_space<vmem>>, vector<16xi32>,
      %broadcast_in_dim3A_1760 = arith.constant 0 : i32
      %broadcast_in_dim3A_1761 = vector.broadcast %broadcast_in_dim3A_1760 : i32 to vector<16xi32>
      %swap3A_1762 = arith.constant 8 : i32
      %swap3A_1763 = arith.index_cast %swap3A_1762 : i32 to index
      %swap3A_1764 = arith.constant 0 : index
      %swap3A_1765 = tpu.vector_load %arg8[%swap3A_1763, %swap3A_1764] {strides = array<i32>} : memref<16x16xi32, #tpu.memory_space<vmem>>, vector<16xi32>,
      tpu.vector_store %arg8[%swap3A_1763, %swap3A_1764], %broadcast_in_dim3A_1761 {strides = array<i32>} : memref<16x16xi32, #tpu.memory_space<vmem>>, vector<16xi32>,
      %broadcast_in_dim3A_1766 = arith.constant 0 : i32
      %broadcast_in_dim3A_1767 = vector.broadcast %broadcast_in_dim3A_1766 : i32 to vector<16xi32>
      %swap3A_1768 = arith.constant 9 : i32
      %swap3A_1769 = arith.index_cast %swap3A_1768 : i32 to index
      %swap3A_1770 = arith.constant 0 : index
      %swap3A_1771 = tpu.vector_load %arg8[%swap3A_1769, %swap3A_1770] {strides = array<i32>} : memref<16x16xi32, #tpu.memory_space<vmem>>, vector<16xi32>,
      tpu.vector_store %arg8[%swap3A_1769, %swap3A_1770], %broadcast_in_dim3A_1767 {strides = array<i32>} : memref<16x16xi32, #tpu.memory_space<vmem>>, vector<16xi32>,
      %broadcast_in_dim3A_1772 = arith.constant 0 : i32
      %broadcast_in_dim3A_1773 = vector.broadcast %broadcast_in_dim3A_1772 : i32 to vector<16xi32>
      %swap3A_1774 = arith.constant 10 : i32
      %swap3A_1775 = arith.index_cast %swap3A_1774 : i32 to index
      %swap3A_1776 = arith.constant 0 : index
      %swap3A_1777 = tpu.vector_load %arg8[%swap3A_1775, %swap3A_1776] {strides = array<i32>} : memref<16x16xi32, #tpu.memory_space<vmem>>, vector<16xi32>,
      tpu.vector_store %arg8[%swap3A_1775, %swap3A_1776], %broadcast_in_dim3A_1773 {strides = array<i32>} : memref<16x16xi32, #tpu.memory_space<vmem>>, vector<16xi32>,
      %broadcast_in_dim3A_1778 = arith.constant 0 : i32
      %broadcast_in_dim3A_1779 = vector.broadcast %broadcast_in_dim3A_1778 : i32 to vector<16xi32>
      %swap3A_1780 = arith.constant 11 : i32
      %swap3A_1781 = arith.index_cast %swap3A_1780 : i32 to index
      %swap3A_1782 = arith.constant 0 : index
      %swap3A_1783 = tpu.vector_load %arg8[%swap3A_1781, %swap3A_1782] {strides = array<i32>} : memref<16x16xi32, #tpu.memory_space<vmem>>, vector<16xi32>,
      tpu.vector_store %arg8[%swap3A_1781, %swap3A_1782], %broadcast_in_dim3A_1779 {strides = array<i32>} : memref<16x16xi32, #tpu.memory_space<vmem>>, vector<16xi32>,
      %broadcast_in_dim3A_1784 = arith.constant 0 : i32
      %broadcast_in_dim3A_1785 = vector.broadcast %broadcast_in_dim3A_1784 : i32 to vector<16xi32>
      %swap3A_1786 = arith.constant 12 : i32
      %swap3A_1787 = arith.index_cast %swap3A_1786 : i32 to index
      %swap3A_1788 = arith.constant 0 : index
      %swap3A_1789 = tpu.vector_load %arg8[%swap3A_1787, %swap3A_1788] {strides = array<i32>} : memref<16x16xi32, #tpu.memory_space<vmem>>, vector<16xi32>,
      tpu.vector_store %arg8[%swap3A_1787, %swap3A_1788], %broadcast_in_dim3A_1785 {strides = array<i32>} : memref<16x16xi32, #tpu.memory_space<vmem>>, vector<16xi32>,
      %broadcast_in_dim3A_1790 = arith.constant 0 : i32
      %broadcast_in_dim3A_1791 = vector.broadcast %broadcast_in_dim3A_1790 : i32 to vector<16xi32>
      %swap3A_1792 = arith.constant 13 : i32
      %swap3A_1793 = arith.index_cast %swap3A_1792 : i32 to index
      %swap3A_1794 = arith.constant 0 : index
      %swap3A_1795 = tpu.vector_load %arg8[%swap3A_1793, %swap3A_1794] {strides = array<i32>} : memref<16x16xi32, #tpu.memory_space<vmem>>, vector<16xi32>,
      tpu.vector_store %arg8[%swap3A_1793, %swap3A_1794], %broadcast_in_dim3A_1791 {strides = array<i32>} : memref<16x16xi32, #tpu.memory_space<vmem>>, vector<16xi32>,
      %broadcast_in_dim3A_1796 = arith.constant 0 : i32
      %broadcast_in_dim3A_1797 = vector.broadcast %broadcast_in_dim3A_1796 : i32 to vector<16xi32>
      %swap3A_1798 = arith.constant 14 : i32
      %swap3A_1799 = arith.index_cast %swap3A_1798 : i32 to index
      %swap3A_1800 = arith.constant 0 : index
      %swap3A_1801 = tpu.vector_load %arg8[%swap3A_1799, %swap3A_1800] {strides = array<i32>} : memref<16x16xi32, #tpu.memory_space<vmem>>, vector<16xi32>,
      tpu.vector_store %arg8[%swap3A_1799, %swap3A_1800], %broadcast_in_dim3A_1797 {strides = array<i32>} : memref<16x16xi32, #tpu.memory_space<vmem>>, vector<16xi32>,
      %broadcast_in_dim3A_1802 = arith.constant 0 : i32
      %broadcast_in_dim3A_1803 = vector.broadcast %broadcast_in_dim3A_1802 : i32 to vector<16xi32>
      %swap3A_1804 = arith.constant 15 : i32
      %swap3A_1805 = arith.index_cast %swap3A_1804 : i32 to index
      %swap3A_1806 = arith.constant 0 : index
      %swap3A_1807 = tpu.vector_load %arg8[%swap3A_1805, %swap3A_1806] {strides = array<i32>} : memref<16x16xi32, #tpu.memory_space<vmem>>, vector<16xi32>,
      tpu.vector_store %arg8[%swap3A_1805, %swap3A_1806], %broadcast_in_dim3A_1803 {strides = array<i32>} : memref<16x16xi32, #tpu.memory_space<vmem>>, vector<16xi32>,
      %scan3A_1808 = arith.constant 0 : i32
      %scan3A_1809 = arith.constant 128 : i32
      %scan3A_1810 = arith.addi %scan3A_1808, %scan3A_1809 : i32
      %scan3A_1811 = arith.constant 1 : i32
      scf.for %scan3A_3785 = %scan3A_1808 to %scan3A_1810 step %scan3A_1811  : i32 {
        %mul3A_3786 = arith.constant 1 : i32
        %mul3A_3787 = arith.muli %scan3A_3785, %mul3A_3786 : i32
        %add3A_3788 = arith.constant 0 : i32
        %add3A_3789 = arith.addi %add3A_3788, %mul3A_3787 : i32
        %mul3A_3790 = arith.constant 16 : i32
        %mul3A_3791 = arith.muli %add3A_3789, %mul3A_3790 : i32
        %get3A_3792 = arith.index_cast %mul3A_3791 : i32 to index
        %get3A_3793 = tpu.vector_load %arg5[%get3A_3792] {strides = array<i32>} : memref<2048xi32, #tpu.memory_space<vmem>>, vector<16xi32>,
        %shift_right_logical3A = arith.constant 8 : i32
        %shift_right_logical3A_3794 = vector.broadcast %shift_right_logical3A : i32 to vector<16xi32>
        %shift_right_logical3A_3795 = arith.shrui %get3A_3793, %shift_right_logical3A_3794 : vector<16xi32>
        %and3A = arith.constant 255 : i32
        %and3A_3796 = vector.broadcast %and3A : i32 to vector<16xi32>
        %and3A_3797 = arith.andi %shift_right_logical3A_3795, %and3A_3796 : vector<16xi32>
        %shift_right_logical3A_3798 = arith.constant 4 : i32
        %shift_right_logical3A_3799 = vector.broadcast %shift_right_logical3A_3798 : i32 to vector<16xi32>
        %shift_right_logical3A_3800 = arith.shrui %and3A_3797, %shift_right_logical3A_3799 : vector<16xi32>
        %and3A_3801 = arith.constant 15 : i32
        %and3A_3802 = vector.broadcast %and3A_3801 : i32 to vector<16xi32>
        %and3A_3803 = arith.andi %and3A_3797, %and3A_3802 : vector<16xi32>
        %shift_right_logical3A_3804 = arith.constant 16 : i32
        %shift_right_logical3A_3805 = vector.broadcast %shift_right_logical3A_3804 : i32 to vector<16xi32>
        %shift_right_logical3A_3806 = arith.shrui %get3A_3793, %shift_right_logical3A_3805 : vector<16xi32>
        %eq3A_3807 = vector.broadcast %add3A_1710 : i32 to vector<16xi32>
        %eq3A_3808 = arith.cmpi eq, %shift_right_logical3A_3806, %eq3A_3807 : vector<16xi32>
        tpu.vector_store_idx %arg8[%shift_right_logical3A_3800, %and3A_3803], %add3A_5 masked %eq3A_3808 {add = true} : memref<16x16xi32, #tpu.memory_space<vmem>>[vector<16xi32>, vector<16xi32>], vector<16xi32>, vector<16xi1>
      }
      %scan3A_1812 = arith.constant 128 : i32
      %get3A_1813 = arith.constant 15 : i32
      %get3A_1814 = arith.index_cast %get3A_1813 : i32 to index
      %get3A_1815 = arith.constant 0 : index
      %get3A_1816 = tpu.vector_load %arg8[%get3A_1814, %get3A_1815] {strides = array<i32>} : memref<16x16xi32, #tpu.memory_space<vmem>>, vector<16xi32>,
      %reduce_sum3A_1817 = arith.constant true
      %reduce_sum3A_1818 = vector.broadcast %reduce_sum3A_1817 : i1 to vector<16xi1>
      %reduce_sum3A_1819 = tpu.scan <sum>, %get3A_1816 masked %reduce_sum3A_1818 : vector<16xi32>, vector<16xi1> -> vector<16xi32>
      %reduce_sum3A_1820 = vector.extract %reduce_sum3A_1819[15] : i32 from vector<16xi32>
      %broadcast_in_dim3A_1821 = arith.constant true
      %broadcast_in_dim3A_1822 = vector.broadcast %broadcast_in_dim3A_1821 : i1 to vector<16xi1>
      %masked_cumsum3A_1823 = tpu.scan <sum>, %get3A_1816 masked %broadcast_in_dim3A_1822 : vector<16xi32>, vector<16xi1> -> vector<16xi32>
      %add3A_1824 = arith.constant 0 : i32
      %add3A_1825 = arith.addi %add3A_1824, %reduce_sum3A_1820 : i32
      %sub3A_1826 = vector.broadcast %add3A_1825 : i32 to vector<16xi32>
      %sub3A_1827 = arith.subi %sub3A_1826, %masked_cumsum3A_1823 : vector<16xi32>
      %add3A_1828 = arith.addi %sub3A_1827, %get3A_1816 : vector<16xi32>
      %ge3A_1829 = vector.broadcast %sub3A_1711 : i32 to vector<16xi32>
      %ge3A_1830 = arith.cmpi sge, %add3A_1828, %ge3A_1829 : vector<16xi32>
      %add3A_1831 = arith.constant 240 : i32
      %add3A_1832 = vector.broadcast %add3A_1831 : i32 to vector<16xi32>
      %add3A_1833 = arith.addi %iota3A, %add3A_1832 : vector<16xi32>
      %jit3A_1834 = arith.constant 0 : i32
      %broadcast_in_dim3A_1835 = vector.broadcast %jit3A_1834 : i32 to vector<16xi32>
      %select_n3A_1836 = arith.select %ge3A_1830, %add3A_1833, %broadcast_in_dim3A_1835 : vector<16xi1>, vector<16xi32>
      %reduce_max3A_1837 = arith.constant true
      %reduce_max3A_1838 = vector.broadcast %reduce_max3A_1837 : i1 to vector<16xi1>
      %reduce_max3A_1839 = arith.constant -2147483648 : i32
      %reduce_max3A_1840 = vector.broadcast %reduce_max3A_1839 : i32 to vector<16xi32>
      %reduce_max3A_1841 = arith.xori %select_n3A_1836, %reduce_max3A_1840 : vector<16xi32>
      %reduce_max3A_1842 = tpu.scan <max>, %reduce_max3A_1841 masked %reduce_max3A_1838 : vector<16xi32>, vector<16xi1> -> vector<16xi32>
      %reduce_max3A_1843 = arith.xori %reduce_max3A_1842, %reduce_max3A_1840 : vector<16xi32>
      %reduce_max3A_1844 = vector.extract %reduce_max3A_1843[15] : i32 from vector<16xi32>
      %max3A_1845 = arith.constant 0 : i32
      %max3A_1846 = arith.maxsi %max3A_1845, %reduce_max3A_1844 : i32
      %add3A_1847 = arith.constant 0 : i32
      %add3A_1848 = arith.addi %add3A_1847, %reduce_sum3A_1820 : i32
      %get3A_1849 = arith.constant 14 : i32
      %get3A_1850 = arith.index_cast %get3A_1849 : i32 to index
      %get3A_1851 = arith.constant 0 : index
      %get3A_1852 = tpu.vector_load %arg8[%get3A_1850, %get3A_1851] {strides = array<i32>} : memref<16x16xi32, #tpu.memory_space<vmem>>, vector<16xi32>,
      %reduce_sum3A_1853 = arith.constant true
      %reduce_sum3A_1854 = vector.broadcast %reduce_sum3A_1853 : i1 to vector<16xi1>
      %reduce_sum3A_1855 = tpu.scan <sum>, %get3A_1852 masked %reduce_sum3A_1854 : vector<16xi32>, vector<16xi1> -> vector<16xi32>
      %reduce_sum3A_1856 = vector.extract %reduce_sum3A_1855[15] : i32 from vector<16xi32>
      %broadcast_in_dim3A_1857 = arith.constant true
      %broadcast_in_dim3A_1858 = vector.broadcast %broadcast_in_dim3A_1857 : i1 to vector<16xi1>
      %masked_cumsum3A_1859 = tpu.scan <sum>, %get3A_1852 masked %broadcast_in_dim3A_1858 : vector<16xi32>, vector<16xi1> -> vector<16xi32>
      %add3A_1860 = arith.addi %add3A_1848, %reduce_sum3A_1856 : i32
      %sub3A_1861 = vector.broadcast %add3A_1860 : i32 to vector<16xi32>
      %sub3A_1862 = arith.subi %sub3A_1861, %masked_cumsum3A_1859 : vector<16xi32>
      %add3A_1863 = arith.addi %sub3A_1862, %get3A_1852 : vector<16xi32>
      %ge3A_1864 = vector.broadcast %sub3A_1711 : i32 to vector<16xi32>
      %ge3A_1865 = arith.cmpi sge, %add3A_1863, %ge3A_1864 : vector<16xi32>
      %add3A_1866 = arith.constant 224 : i32
      %add3A_1867 = vector.broadcast %add3A_1866 : i32 to vector<16xi32>
      %add3A_1868 = arith.addi %iota3A, %add3A_1867 : vector<16xi32>
      %jit3A_1869 = arith.constant 0 : i32
      %broadcast_in_dim3A_1870 = vector.broadcast %jit3A_1869 : i32 to vector<16xi32>
      %select_n3A_1871 = arith.select %ge3A_1865, %add3A_1868, %broadcast_in_dim3A_1870 : vector<16xi1>, vector<16xi32>
      %reduce_max3A_1872 = arith.constant true
      %reduce_max3A_1873 = vector.broadcast %reduce_max3A_1872 : i1 to vector<16xi1>
      %reduce_max3A_1874 = arith.constant -2147483648 : i32
      %reduce_max3A_1875 = vector.broadcast %reduce_max3A_1874 : i32 to vector<16xi32>
      %reduce_max3A_1876 = arith.xori %select_n3A_1871, %reduce_max3A_1875 : vector<16xi32>
      %reduce_max3A_1877 = tpu.scan <max>, %reduce_max3A_1876 masked %reduce_max3A_1873 : vector<16xi32>, vector<16xi1> -> vector<16xi32>
      %reduce_max3A_1878 = arith.xori %reduce_max3A_1877, %reduce_max3A_1875 : vector<16xi32>
      %reduce_max3A_1879 = vector.extract %reduce_max3A_1878[15] : i32 from vector<16xi32>
      %max3A_1880 = arith.maxsi %max3A_1846, %reduce_max3A_1879 : i32
      %add3A_1881 = arith.addi %add3A_1848, %reduce_sum3A_1856 : i32
      %get3A_1882 = arith.constant 13 : i32
      %get3A_1883 = arith.index_cast %get3A_1882 : i32 to index
      %get3A_1884 = arith.constant 0 : index
      %get3A_1885 = tpu.vector_load %arg8[%get3A_1883, %get3A_1884] {strides = array<i32>} : memref<16x16xi32, #tpu.memory_space<vmem>>, vector<16xi32>,
      %reduce_sum3A_1886 = arith.constant true
      %reduce_sum3A_1887 = vector.broadcast %reduce_sum3A_1886 : i1 to vector<16xi1>
      %reduce_sum3A_1888 = tpu.scan <sum>, %get3A_1885 masked %reduce_sum3A_1887 : vector<16xi32>, vector<16xi1> -> vector<16xi32>
      %reduce_sum3A_1889 = vector.extract %reduce_sum3A_1888[15] : i32 from vector<16xi32>
      %broadcast_in_dim3A_1890 = arith.constant true
      %broadcast_in_dim3A_1891 = vector.broadcast %broadcast_in_dim3A_1890 : i1 to vector<16xi1>
      %masked_cumsum3A_1892 = tpu.scan <sum>, %get3A_1885 masked %broadcast_in_dim3A_1891 : vector<16xi32>, vector<16xi1> -> vector<16xi32>
      %add3A_1893 = arith.addi %add3A_1881, %reduce_sum3A_1889 : i32
      %sub3A_1894 = vector.broadcast %add3A_1893 : i32 to vector<16xi32>
      %sub3A_1895 = arith.subi %sub3A_1894, %masked_cumsum3A_1892 : vector<16xi32>
      %add3A_1896 = arith.addi %sub3A_1895, %get3A_1885 : vector<16xi32>
      %ge3A_1897 = vector.broadcast %sub3A_1711 : i32 to vector<16xi32>
      %ge3A_1898 = arith.cmpi sge, %add3A_1896, %ge3A_1897 : vector<16xi32>
      %add3A_1899 = arith.constant 208 : i32
      %add3A_1900 = vector.broadcast %add3A_1899 : i32 to vector<16xi32>
      %add3A_1901 = arith.addi %iota3A, %add3A_1900 : vector<16xi32>
      %jit3A_1902 = arith.constant 0 : i32
      %broadcast_in_dim3A_1903 = vector.broadcast %jit3A_1902 : i32 to vector<16xi32>
      %select_n3A_1904 = arith.select %ge3A_1898, %add3A_1901, %broadcast_in_dim3A_1903 : vector<16xi1>, vector<16xi32>
      %reduce_max3A_1905 = arith.constant true
      %reduce_max3A_1906 = vector.broadcast %reduce_max3A_1905 : i1 to vector<16xi1>
      %reduce_max3A_1907 = arith.constant -2147483648 : i32
      %reduce_max3A_1908 = vector.broadcast %reduce_max3A_1907 : i32 to vector<16xi32>
      %reduce_max3A_1909 = arith.xori %select_n3A_1904, %reduce_max3A_1908 : vector<16xi32>
      %reduce_max3A_1910 = tpu.scan <max>, %reduce_max3A_1909 masked %reduce_max3A_1906 : vector<16xi32>, vector<16xi1> -> vector<16xi32>
      %reduce_max3A_1911 = arith.xori %reduce_max3A_1910, %reduce_max3A_1908 : vector<16xi32>
      %reduce_max3A_1912 = vector.extract %reduce_max3A_1911[15] : i32 from vector<16xi32>
      %max3A_1913 = arith.maxsi %max3A_1880, %reduce_max3A_1912 : i32
      %add3A_1914 = arith.addi %add3A_1881, %reduce_sum3A_1889 : i32
      %get3A_1915 = arith.constant 12 : i32
      %get3A_1916 = arith.index_cast %get3A_1915 : i32 to index
      %get3A_1917 = arith.constant 0 : index
      %get3A_1918 = tpu.vector_load %arg8[%get3A_1916, %get3A_1917] {strides = array<i32>} : memref<16x16xi32, #tpu.memory_space<vmem>>, vector<16xi32>,
      %reduce_sum3A_1919 = arith.constant true
      %reduce_sum3A_1920 = vector.broadcast %reduce_sum3A_1919 : i1 to vector<16xi1>
      %reduce_sum3A_1921 = tpu.scan <sum>, %get3A_1918 masked %reduce_sum3A_1920 : vector<16xi32>, vector<16xi1> -> vector<16xi32>
      %reduce_sum3A_1922 = vector.extract %reduce_sum3A_1921[15] : i32 from vector<16xi32>
      %broadcast_in_dim3A_1923 = arith.constant true
      %broadcast_in_dim3A_1924 = vector.broadcast %broadcast_in_dim3A_1923 : i1 to vector<16xi1>
      %masked_cumsum3A_1925 = tpu.scan <sum>, %get3A_1918 masked %broadcast_in_dim3A_1924 : vector<16xi32>, vector<16xi1> -> vector<16xi32>
      %add3A_1926 = arith.addi %add3A_1914, %reduce_sum3A_1922 : i32
      %sub3A_1927 = vector.broadcast %add3A_1926 : i32 to vector<16xi32>
      %sub3A_1928 = arith.subi %sub3A_1927, %masked_cumsum3A_1925 : vector<16xi32>
      %add3A_1929 = arith.addi %sub3A_1928, %get3A_1918 : vector<16xi32>
      %ge3A_1930 = vector.broadcast %sub3A_1711 : i32 to vector<16xi32>
      %ge3A_1931 = arith.cmpi sge, %add3A_1929, %ge3A_1930 : vector<16xi32>
      %add3A_1932 = arith.constant 192 : i32
      %add3A_1933 = vector.broadcast %add3A_1932 : i32 to vector<16xi32>
      %add3A_1934 = arith.addi %iota3A, %add3A_1933 : vector<16xi32>
      %jit3A_1935 = arith.constant 0 : i32
      %broadcast_in_dim3A_1936 = vector.broadcast %jit3A_1935 : i32 to vector<16xi32>
      %select_n3A_1937 = arith.select %ge3A_1931, %add3A_1934, %broadcast_in_dim3A_1936 : vector<16xi1>, vector<16xi32>
      %reduce_max3A_1938 = arith.constant true
      %reduce_max3A_1939 = vector.broadcast %reduce_max3A_1938 : i1 to vector<16xi1>
      %reduce_max3A_1940 = arith.constant -2147483648 : i32
      %reduce_max3A_1941 = vector.broadcast %reduce_max3A_1940 : i32 to vector<16xi32>
      %reduce_max3A_1942 = arith.xori %select_n3A_1937, %reduce_max3A_1941 : vector<16xi32>
      %reduce_max3A_1943 = tpu.scan <max>, %reduce_max3A_1942 masked %reduce_max3A_1939 : vector<16xi32>, vector<16xi1> -> vector<16xi32>
      %reduce_max3A_1944 = arith.xori %reduce_max3A_1943, %reduce_max3A_1941 : vector<16xi32>
      %reduce_max3A_1945 = vector.extract %reduce_max3A_1944[15] : i32 from vector<16xi32>
      %max3A_1946 = arith.maxsi %max3A_1913, %reduce_max3A_1945 : i32
      %add3A_1947 = arith.addi %add3A_1914, %reduce_sum3A_1922 : i32
      %get3A_1948 = arith.constant 11 : i32
      %get3A_1949 = arith.index_cast %get3A_1948 : i32 to index
      %get3A_1950 = arith.constant 0 : index
      %get3A_1951 = tpu.vector_load %arg8[%get3A_1949, %get3A_1950] {strides = array<i32>} : memref<16x16xi32, #tpu.memory_space<vmem>>, vector<16xi32>,
      %reduce_sum3A_1952 = arith.constant true
      %reduce_sum3A_1953 = vector.broadcast %reduce_sum3A_1952 : i1 to vector<16xi1>
      %reduce_sum3A_1954 = tpu.scan <sum>, %get3A_1951 masked %reduce_sum3A_1953 : vector<16xi32>, vector<16xi1> -> vector<16xi32>
      %reduce_sum3A_1955 = vector.extract %reduce_sum3A_1954[15] : i32 from vector<16xi32>
      %broadcast_in_dim3A_1956 = arith.constant true
      %broadcast_in_dim3A_1957 = vector.broadcast %broadcast_in_dim3A_1956 : i1 to vector<16xi1>
      %masked_cumsum3A_1958 = tpu.scan <sum>, %get3A_1951 masked %broadcast_in_dim3A_1957 : vector<16xi32>, vector<16xi1> -> vector<16xi32>
      %add3A_1959 = arith.addi %add3A_1947, %reduce_sum3A_1955 : i32
      %sub3A_1960 = vector.broadcast %add3A_1959 : i32 to vector<16xi32>
      %sub3A_1961 = arith.subi %sub3A_1960, %masked_cumsum3A_1958 : vector<16xi32>
      %add3A_1962 = arith.addi %sub3A_1961, %get3A_1951 : vector<16xi32>
      %ge3A_1963 = vector.broadcast %sub3A_1711 : i32 to vector<16xi32>
      %ge3A_1964 = arith.cmpi sge, %add3A_1962, %ge3A_1963 : vector<16xi32>
      %add3A_1965 = arith.constant 176 : i32
      %add3A_1966 = vector.broadcast %add3A_1965 : i32 to vector<16xi32>
      %add3A_1967 = arith.addi %iota3A, %add3A_1966 : vector<16xi32>
      %jit3A_1968 = arith.constant 0 : i32
      %broadcast_in_dim3A_1969 = vector.broadcast %jit3A_1968 : i32 to vector<16xi32>
      %select_n3A_1970 = arith.select %ge3A_1964, %add3A_1967, %broadcast_in_dim3A_1969 : vector<16xi1>, vector<16xi32>
      %reduce_max3A_1971 = arith.constant true
      %reduce_max3A_1972 = vector.broadcast %reduce_max3A_1971 : i1 to vector<16xi1>
      %reduce_max3A_1973 = arith.constant -2147483648 : i32
      %reduce_max3A_1974 = vector.broadcast %reduce_max3A_1973 : i32 to vector<16xi32>
      %reduce_max3A_1975 = arith.xori %select_n3A_1970, %reduce_max3A_1974 : vector<16xi32>
      %reduce_max3A_1976 = tpu.scan <max>, %reduce_max3A_1975 masked %reduce_max3A_1972 : vector<16xi32>, vector<16xi1> -> vector<16xi32>
      %reduce_max3A_1977 = arith.xori %reduce_max3A_1976, %reduce_max3A_1974 : vector<16xi32>
      %reduce_max3A_1978 = vector.extract %reduce_max3A_1977[15] : i32 from vector<16xi32>
      %max3A_1979 = arith.maxsi %max3A_1946, %reduce_max3A_1978 : i32
      %add3A_1980 = arith.addi %add3A_1947, %reduce_sum3A_1955 : i32
      %get3A_1981 = arith.constant 10 : i32
      %get3A_1982 = arith.index_cast %get3A_1981 : i32 to index
      %get3A_1983 = arith.constant 0 : index
      %get3A_1984 = tpu.vector_load %arg8[%get3A_1982, %get3A_1983] {strides = array<i32>} : memref<16x16xi32, #tpu.memory_space<vmem>>, vector<16xi32>,
      %reduce_sum3A_1985 = arith.constant true
      %reduce_sum3A_1986 = vector.broadcast %reduce_sum3A_1985 : i1 to vector<16xi1>
      %reduce_sum3A_1987 = tpu.scan <sum>, %get3A_1984 masked %reduce_sum3A_1986 : vector<16xi32>, vector<16xi1> -> vector<16xi32>
      %reduce_sum3A_1988 = vector.extract %reduce_sum3A_1987[15] : i32 from vector<16xi32>
      %broadcast_in_dim3A_1989 = arith.constant true
      %broadcast_in_dim3A_1990 = vector.broadcast %broadcast_in_dim3A_1989 : i1 to vector<16xi1>
      %masked_cumsum3A_1991 = tpu.scan <sum>, %get3A_1984 masked %broadcast_in_dim3A_1990 : vector<16xi32>, vector<16xi1> -> vector<16xi32>
      %add3A_1992 = arith.addi %add3A_1980, %reduce_sum3A_1988 : i32
      %sub3A_1993 = vector.broadcast %add3A_1992 : i32 to vector<16xi32>
      %sub3A_1994 = arith.subi %sub3A_1993, %masked_cumsum3A_1991 : vector<16xi32>
      %add3A_1995 = arith.addi %sub3A_1994, %get3A_1984 : vector<16xi32>
      %ge3A_1996 = vector.broadcast %sub3A_1711 : i32 to vector<16xi32>
      %ge3A_1997 = arith.cmpi sge, %add3A_1995, %ge3A_1996 : vector<16xi32>
      %add3A_1998 = arith.constant 160 : i32
      %add3A_1999 = vector.broadcast %add3A_1998 : i32 to vector<16xi32>
      %add3A_2000 = arith.addi %iota3A, %add3A_1999 : vector<16xi32>
      %jit3A_2001 = arith.constant 0 : i32
      %broadcast_in_dim3A_2002 = vector.broadcast %jit3A_2001 : i32 to vector<16xi32>
      %select_n3A_2003 = arith.select %ge3A_1997, %add3A_2000, %broadcast_in_dim3A_2002 : vector<16xi1>, vector<16xi32>
      %reduce_max3A_2004 = arith.constant true
      %reduce_max3A_2005 = vector.broadcast %reduce_max3A_2004 : i1 to vector<16xi1>
      %reduce_max3A_2006 = arith.constant -2147483648 : i32
      %reduce_max3A_2007 = vector.broadcast %reduce_max3A_2006 : i32 to vector<16xi32>
      %reduce_max3A_2008 = arith.xori %select_n3A_2003, %reduce_max3A_2007 : vector<16xi32>
      %reduce_max3A_2009 = tpu.scan <max>, %reduce_max3A_2008 masked %reduce_max3A_2005 : vector<16xi32>, vector<16xi1> -> vector<16xi32>
      %reduce_max3A_2010 = arith.xori %reduce_max3A_2009, %reduce_max3A_2007 : vector<16xi32>
      %reduce_max3A_2011 = vector.extract %reduce_max3A_2010[15] : i32 from vector<16xi32>
      %max3A_2012 = arith.maxsi %max3A_1979, %reduce_max3A_2011 : i32
      %add3A_2013 = arith.addi %add3A_1980, %reduce_sum3A_1988 : i32
      %get3A_2014 = arith.constant 9 : i32
      %get3A_2015 = arith.index_cast %get3A_2014 : i32 to index
      %get3A_2016 = arith.constant 0 : index
      %get3A_2017 = tpu.vector_load %arg8[%get3A_2015, %get3A_2016] {strides = array<i32>} : memref<16x16xi32, #tpu.memory_space<vmem>>, vector<16xi32>,
      %reduce_sum3A_2018 = arith.constant true
      %reduce_sum3A_2019 = vector.broadcast %reduce_sum3A_2018 : i1 to vector<16xi1>
      %reduce_sum3A_2020 = tpu.scan <sum>, %get3A_2017 masked %reduce_sum3A_2019 : vector<16xi32>, vector<16xi1> -> vector<16xi32>
      %reduce_sum3A_2021 = vector.extract %reduce_sum3A_2020[15] : i32 from vector<16xi32>
      %broadcast_in_dim3A_2022 = arith.constant true
      %broadcast_in_dim3A_2023 = vector.broadcast %broadcast_in_dim3A_2022 : i1 to vector<16xi1>
      %masked_cumsum3A_2024 = tpu.scan <sum>, %get3A_2017 masked %broadcast_in_dim3A_2023 : vector<16xi32>, vector<16xi1> -> vector<16xi32>
      %add3A_2025 = arith.addi %add3A_2013, %reduce_sum3A_2021 : i32
      %sub3A_2026 = vector.broadcast %add3A_2025 : i32 to vector<16xi32>
      %sub3A_2027 = arith.subi %sub3A_2026, %masked_cumsum3A_2024 : vector<16xi32>
      %add3A_2028 = arith.addi %sub3A_2027, %get3A_2017 : vector<16xi32>
      %ge3A_2029 = vector.broadcast %sub3A_1711 : i32 to vector<16xi32>
      %ge3A_2030 = arith.cmpi sge, %add3A_2028, %ge3A_2029 : vector<16xi32>
      %add3A_2031 = arith.constant 144 : i32
      %add3A_2032 = vector.broadcast %add3A_2031 : i32 to vector<16xi32>
      %add3A_2033 = arith.addi %iota3A, %add3A_2032 : vector<16xi32>
      %jit3A_2034 = arith.constant 0 : i32
      %broadcast_in_dim3A_2035 = vector.broadcast %jit3A_2034 : i32 to vector<16xi32>
      %select_n3A_2036 = arith.select %ge3A_2030, %add3A_2033, %broadcast_in_dim3A_2035 : vector<16xi1>, vector<16xi32>
      %reduce_max3A_2037 = arith.constant true
      %reduce_max3A_2038 = vector.broadcast %reduce_max3A_2037 : i1 to vector<16xi1>
      %reduce_max3A_2039 = arith.constant -2147483648 : i32
      %reduce_max3A_2040 = vector.broadcast %reduce_max3A_2039 : i32 to vector<16xi32>
      %reduce_max3A_2041 = arith.xori %select_n3A_2036, %reduce_max3A_2040 : vector<16xi32>
      %reduce_max3A_2042 = tpu.scan <max>, %reduce_max3A_2041 masked %reduce_max3A_2038 : vector<16xi32>, vector<16xi1> -> vector<16xi32>
      %reduce_max3A_2043 = arith.xori %reduce_max3A_2042, %reduce_max3A_2040 : vector<16xi32>
      %reduce_max3A_2044 = vector.extract %reduce_max3A_2043[15] : i32 from vector<16xi32>
      %max3A_2045 = arith.maxsi %max3A_2012, %reduce_max3A_2044 : i32
      %add3A_2046 = arith.addi %add3A_2013, %reduce_sum3A_2021 : i32
      %get3A_2047 = arith.constant 8 : i32
      %get3A_2048 = arith.index_cast %get3A_2047 : i32 to index
      %get3A_2049 = arith.constant 0 : index
      %get3A_2050 = tpu.vector_load %arg8[%get3A_2048, %get3A_2049] {strides = array<i32>} : memref<16x16xi32, #tpu.memory_space<vmem>>, vector<16xi32>,
      %reduce_sum3A_2051 = arith.constant true
      %reduce_sum3A_2052 = vector.broadcast %reduce_sum3A_2051 : i1 to vector<16xi1>
      %reduce_sum3A_2053 = tpu.scan <sum>, %get3A_2050 masked %reduce_sum3A_2052 : vector<16xi32>, vector<16xi1> -> vector<16xi32>
      %reduce_sum3A_2054 = vector.extract %reduce_sum3A_2053[15] : i32 from vector<16xi32>
      %broadcast_in_dim3A_2055 = arith.constant true
      %broadcast_in_dim3A_2056 = vector.broadcast %broadcast_in_dim3A_2055 : i1 to vector<16xi1>
      %masked_cumsum3A_2057 = tpu.scan <sum>, %get3A_2050 masked %broadcast_in_dim3A_2056 : vector<16xi32>, vector<16xi1> -> vector<16xi32>
      %add3A_2058 = arith.addi %add3A_2046, %reduce_sum3A_2054 : i32
      %sub3A_2059 = vector.broadcast %add3A_2058 : i32 to vector<16xi32>
      %sub3A_2060 = arith.subi %sub3A_2059, %masked_cumsum3A_2057 : vector<16xi32>
      %add3A_2061 = arith.addi %sub3A_2060, %get3A_2050 : vector<16xi32>
      %ge3A_2062 = vector.broadcast %sub3A_1711 : i32 to vector<16xi32>
      %ge3A_2063 = arith.cmpi sge, %add3A_2061, %ge3A_2062 : vector<16xi32>
      %add3A_2064 = arith.constant 128 : i32
      %add3A_2065 = vector.broadcast %add3A_2064 : i32 to vector<16xi32>
      %add3A_2066 = arith.addi %iota3A, %add3A_2065 : vector<16xi32>
      %jit3A_2067 = arith.constant 0 : i32
      %broadcast_in_dim3A_2068 = vector.broadcast %jit3A_2067 : i32 to vector<16xi32>
      %select_n3A_2069 = arith.select %ge3A_2063, %add3A_2066, %broadcast_in_dim3A_2068 : vector<16xi1>, vector<16xi32>
      %reduce_max3A_2070 = arith.constant true
      %reduce_max3A_2071 = vector.broadcast %reduce_max3A_2070 : i1 to vector<16xi1>
      %reduce_max3A_2072 = arith.constant -2147483648 : i32
      %reduce_max3A_2073 = vector.broadcast %reduce_max3A_2072 : i32 to vector<16xi32>
      %reduce_max3A_2074 = arith.xori %select_n3A_2069, %reduce_max3A_2073 : vector<16xi32>
      %reduce_max3A_2075 = tpu.scan <max>, %reduce_max3A_2074 masked %reduce_max3A_2071 : vector<16xi32>, vector<16xi1> -> vector<16xi32>
      %reduce_max3A_2076 = arith.xori %reduce_max3A_2075, %reduce_max3A_2073 : vector<16xi32>
      %reduce_max3A_2077 = vector.extract %reduce_max3A_2076[15] : i32 from vector<16xi32>
      %max3A_2078 = arith.maxsi %max3A_2045, %reduce_max3A_2077 : i32
      %add3A_2079 = arith.addi %add3A_2046, %reduce_sum3A_2054 : i32
      %get3A_2080 = arith.constant 7 : i32
      %get3A_2081 = arith.index_cast %get3A_2080 : i32 to index
      %get3A_2082 = arith.constant 0 : index
      %get3A_2083 = tpu.vector_load %arg8[%get3A_2081, %get3A_2082] {strides = array<i32>} : memref<16x16xi32, #tpu.memory_space<vmem>>, vector<16xi32>,
      %reduce_sum3A_2084 = arith.constant true
      %reduce_sum3A_2085 = vector.broadcast %reduce_sum3A_2084 : i1 to vector<16xi1>
      %reduce_sum3A_2086 = tpu.scan <sum>, %get3A_2083 masked %reduce_sum3A_2085 : vector<16xi32>, vector<16xi1> -> vector<16xi32>
      %reduce_sum3A_2087 = vector.extract %reduce_sum3A_2086[15] : i32 from vector<16xi32>
      %broadcast_in_dim3A_2088 = arith.constant true
      %broadcast_in_dim3A_2089 = vector.broadcast %broadcast_in_dim3A_2088 : i1 to vector<16xi1>
      %masked_cumsum3A_2090 = tpu.scan <sum>, %get3A_2083 masked %broadcast_in_dim3A_2089 : vector<16xi32>, vector<16xi1> -> vector<16xi32>
      %add3A_2091 = arith.addi %add3A_2079, %reduce_sum3A_2087 : i32
      %sub3A_2092 = vector.broadcast %add3A_2091 : i32 to vector<16xi32>
      %sub3A_2093 = arith.subi %sub3A_2092, %masked_cumsum3A_2090 : vector<16xi32>
      %add3A_2094 = arith.addi %sub3A_2093, %get3A_2083 : vector<16xi32>
      %ge3A_2095 = vector.broadcast %sub3A_1711 : i32 to vector<16xi32>
      %ge3A_2096 = arith.cmpi sge, %add3A_2094, %ge3A_2095 : vector<16xi32>
      %add3A_2097 = arith.constant 112 : i32
      %add3A_2098 = vector.broadcast %add3A_2097 : i32 to vector<16xi32>
      %add3A_2099 = arith.addi %iota3A, %add3A_2098 : vector<16xi32>
      %jit3A_2100 = arith.constant 0 : i32
      %broadcast_in_dim3A_2101 = vector.broadcast %jit3A_2100 : i32 to vector<16xi32>
      %select_n3A_2102 = arith.select %ge3A_2096, %add3A_2099, %broadcast_in_dim3A_2101 : vector<16xi1>, vector<16xi32>
      %reduce_max3A_2103 = arith.constant true
      %reduce_max3A_2104 = vector.broadcast %reduce_max3A_2103 : i1 to vector<16xi1>
      %reduce_max3A_2105 = arith.constant -2147483648 : i32
      %reduce_max3A_2106 = vector.broadcast %reduce_max3A_2105 : i32 to vector<16xi32>
      %reduce_max3A_2107 = arith.xori %select_n3A_2102, %reduce_max3A_2106 : vector<16xi32>
      %reduce_max3A_2108 = tpu.scan <max>, %reduce_max3A_2107 masked %reduce_max3A_2104 : vector<16xi32>, vector<16xi1> -> vector<16xi32>
      %reduce_max3A_2109 = arith.xori %reduce_max3A_2108, %reduce_max3A_2106 : vector<16xi32>
      %reduce_max3A_2110 = vector.extract %reduce_max3A_2109[15] : i32 from vector<16xi32>
      %max3A_2111 = arith.maxsi %max3A_2078, %reduce_max3A_2110 : i32
      %add3A_2112 = arith.addi %add3A_2079, %reduce_sum3A_2087 : i32
      %get3A_2113 = arith.constant 6 : i32
      %get3A_2114 = arith.index_cast %get3A_2113 : i32 to index
      %get3A_2115 = arith.constant 0 : index
      %get3A_2116 = tpu.vector_load %arg8[%get3A_2114, %get3A_2115] {strides = array<i32>} : memref<16x16xi32, #tpu.memory_space<vmem>>, vector<16xi32>,
      %reduce_sum3A_2117 = arith.constant true
      %reduce_sum3A_2118 = vector.broadcast %reduce_sum3A_2117 : i1 to vector<16xi1>
      %reduce_sum3A_2119 = tpu.scan <sum>, %get3A_2116 masked %reduce_sum3A_2118 : vector<16xi32>, vector<16xi1> -> vector<16xi32>
      %reduce_sum3A_2120 = vector.extract %reduce_sum3A_2119[15] : i32 from vector<16xi32>
      %broadcast_in_dim3A_2121 = arith.constant true
      %broadcast_in_dim3A_2122 = vector.broadcast %broadcast_in_dim3A_2121 : i1 to vector<16xi1>
      %masked_cumsum3A_2123 = tpu.scan <sum>, %get3A_2116 masked %broadcast_in_dim3A_2122 : vector<16xi32>, vector<16xi1> -> vector<16xi32>
      %add3A_2124 = arith.addi %add3A_2112, %reduce_sum3A_2120 : i32
      %sub3A_2125 = vector.broadcast %add3A_2124 : i32 to vector<16xi32>
      %sub3A_2126 = arith.subi %sub3A_2125, %masked_cumsum3A_2123 : vector<16xi32>
      %add3A_2127 = arith.addi %sub3A_2126, %get3A_2116 : vector<16xi32>
      %ge3A_2128 = vector.broadcast %sub3A_1711 : i32 to vector<16xi32>
      %ge3A_2129 = arith.cmpi sge, %add3A_2127, %ge3A_2128 : vector<16xi32>
      %add3A_2130 = arith.constant 96 : i32
      %add3A_2131 = vector.broadcast %add3A_2130 : i32 to vector<16xi32>
      %add3A_2132 = arith.addi %iota3A, %add3A_2131 : vector<16xi32>
      %jit3A_2133 = arith.constant 0 : i32
      %broadcast_in_dim3A_2134 = vector.broadcast %jit3A_2133 : i32 to vector<16xi32>
      %select_n3A_2135 = arith.select %ge3A_2129, %add3A_2132, %broadcast_in_dim3A_2134 : vector<16xi1>, vector<16xi32>
      %reduce_max3A_2136 = arith.constant true
      %reduce_max3A_2137 = vector.broadcast %reduce_max3A_2136 : i1 to vector<16xi1>
      %reduce_max3A_2138 = arith.constant -2147483648 : i32
      %reduce_max3A_2139 = vector.broadcast %reduce_max3A_2138 : i32 to vector<16xi32>
      %reduce_max3A_2140 = arith.xori %select_n3A_2135, %reduce_max3A_2139 : vector<16xi32>
      %reduce_max3A_2141 = tpu.scan <max>, %reduce_max3A_2140 masked %reduce_max3A_2137 : vector<16xi32>, vector<16xi1> -> vector<16xi32>
      %reduce_max3A_2142 = arith.xori %reduce_max3A_2141, %reduce_max3A_2139 : vector<16xi32>
      %reduce_max3A_2143 = vector.extract %reduce_max3A_2142[15] : i32 from vector<16xi32>
      %max3A_2144 = arith.maxsi %max3A_2111, %reduce_max3A_2143 : i32
      %add3A_2145 = arith.addi %add3A_2112, %reduce_sum3A_2120 : i32
      %get3A_2146 = arith.constant 5 : i32
      %get3A_2147 = arith.index_cast %get3A_2146 : i32 to index
      %get3A_2148 = arith.constant 0 : index
      %get3A_2149 = tpu.vector_load %arg8[%get3A_2147, %get3A_2148] {strides = array<i32>} : memref<16x16xi32, #tpu.memory_space<vmem>>, vector<16xi32>,
      %reduce_sum3A_2150 = arith.constant true
      %reduce_sum3A_2151 = vector.broadcast %reduce_sum3A_2150 : i1 to vector<16xi1>
      %reduce_sum3A_2152 = tpu.scan <sum>, %get3A_2149 masked %reduce_sum3A_2151 : vector<16xi32>, vector<16xi1> -> vector<16xi32>
      %reduce_sum3A_2153 = vector.extract %reduce_sum3A_2152[15] : i32 from vector<16xi32>
      %broadcast_in_dim3A_2154 = arith.constant true
      %broadcast_in_dim3A_2155 = vector.broadcast %broadcast_in_dim3A_2154 : i1 to vector<16xi1>
      %masked_cumsum3A_2156 = tpu.scan <sum>, %get3A_2149 masked %broadcast_in_dim3A_2155 : vector<16xi32>, vector<16xi1> -> vector<16xi32>
      %add3A_2157 = arith.addi %add3A_2145, %reduce_sum3A_2153 : i32
      %sub3A_2158 = vector.broadcast %add3A_2157 : i32 to vector<16xi32>
      %sub3A_2159 = arith.subi %sub3A_2158, %masked_cumsum3A_2156 : vector<16xi32>
      %add3A_2160 = arith.addi %sub3A_2159, %get3A_2149 : vector<16xi32>
      %ge3A_2161 = vector.broadcast %sub3A_1711 : i32 to vector<16xi32>
      %ge3A_2162 = arith.cmpi sge, %add3A_2160, %ge3A_2161 : vector<16xi32>
      %add3A_2163 = arith.constant 80 : i32
      %add3A_2164 = vector.broadcast %add3A_2163 : i32 to vector<16xi32>
      %add3A_2165 = arith.addi %iota3A, %add3A_2164 : vector<16xi32>
      %jit3A_2166 = arith.constant 0 : i32
      %broadcast_in_dim3A_2167 = vector.broadcast %jit3A_2166 : i32 to vector<16xi32>
      %select_n3A_2168 = arith.select %ge3A_2162, %add3A_2165, %broadcast_in_dim3A_2167 : vector<16xi1>, vector<16xi32>
      %reduce_max3A_2169 = arith.constant true
      %reduce_max3A_2170 = vector.broadcast %reduce_max3A_2169 : i1 to vector<16xi1>
      %reduce_max3A_2171 = arith.constant -2147483648 : i32
      %reduce_max3A_2172 = vector.broadcast %reduce_max3A_2171 : i32 to vector<16xi32>
      %reduce_max3A_2173 = arith.xori %select_n3A_2168, %reduce_max3A_2172 : vector<16xi32>
      %reduce_max3A_2174 = tpu.scan <max>, %reduce_max3A_2173 masked %reduce_max3A_2170 : vector<16xi32>, vector<16xi1> -> vector<16xi32>
      %reduce_max3A_2175 = arith.xori %reduce_max3A_2174, %reduce_max3A_2172 : vector<16xi32>
      %reduce_max3A_2176 = vector.extract %reduce_max3A_2175[15] : i32 from vector<16xi32>
      %max3A_2177 = arith.maxsi %max3A_2144, %reduce_max3A_2176 : i32
      %add3A_2178 = arith.addi %add3A_2145, %reduce_sum3A_2153 : i32
      %get3A_2179 = arith.constant 4 : i32
      %get3A_2180 = arith.index_cast %get3A_2179 : i32 to index
      %get3A_2181 = arith.constant 0 : index
      %get3A_2182 = tpu.vector_load %arg8[%get3A_2180, %get3A_2181] {strides = array<i32>} : memref<16x16xi32, #tpu.memory_space<vmem>>, vector<16xi32>,
      %reduce_sum3A_2183 = arith.constant true
      %reduce_sum3A_2184 = vector.broadcast %reduce_sum3A_2183 : i1 to vector<16xi1>
      %reduce_sum3A_2185 = tpu.scan <sum>, %get3A_2182 masked %reduce_sum3A_2184 : vector<16xi32>, vector<16xi1> -> vector<16xi32>
      %reduce_sum3A_2186 = vector.extract %reduce_sum3A_2185[15] : i32 from vector<16xi32>
      %broadcast_in_dim3A_2187 = arith.constant true
      %broadcast_in_dim3A_2188 = vector.broadcast %broadcast_in_dim3A_2187 : i1 to vector<16xi1>
      %masked_cumsum3A_2189 = tpu.scan <sum>, %get3A_2182 masked %broadcast_in_dim3A_2188 : vector<16xi32>, vector<16xi1> -> vector<16xi32>
      %add3A_2190 = arith.addi %add3A_2178, %reduce_sum3A_2186 : i32
      %sub3A_2191 = vector.broadcast %add3A_2190 : i32 to vector<16xi32>
      %sub3A_2192 = arith.subi %sub3A_2191, %masked_cumsum3A_2189 : vector<16xi32>
      %add3A_2193 = arith.addi %sub3A_2192, %get3A_2182 : vector<16xi32>
      %ge3A_2194 = vector.broadcast %sub3A_1711 : i32 to vector<16xi32>
      %ge3A_2195 = arith.cmpi sge, %add3A_2193, %ge3A_2194 : vector<16xi32>
      %add3A_2196 = arith.constant 64 : i32
      %add3A_2197 = vector.broadcast %add3A_2196 : i32 to vector<16xi32>
      %add3A_2198 = arith.addi %iota3A, %add3A_2197 : vector<16xi32>
      %jit3A_2199 = arith.constant 0 : i32
      %broadcast_in_dim3A_2200 = vector.broadcast %jit3A_2199 : i32 to vector<16xi32>
      %select_n3A_2201 = arith.select %ge3A_2195, %add3A_2198, %broadcast_in_dim3A_2200 : vector<16xi1>, vector<16xi32>
      %reduce_max3A_2202 = arith.constant true
      %reduce_max3A_2203 = vector.broadcast %reduce_max3A_2202 : i1 to vector<16xi1>
      %reduce_max3A_2204 = arith.constant -2147483648 : i32
      %reduce_max3A_2205 = vector.broadcast %reduce_max3A_2204 : i32 to vector<16xi32>
      %reduce_max3A_2206 = arith.xori %select_n3A_2201, %reduce_max3A_2205 : vector<16xi32>
      %reduce_max3A_2207 = tpu.scan <max>, %reduce_max3A_2206 masked %reduce_max3A_2203 : vector<16xi32>, vector<16xi1> -> vector<16xi32>
      %reduce_max3A_2208 = arith.xori %reduce_max3A_2207, %reduce_max3A_2205 : vector<16xi32>
      %reduce_max3A_2209 = vector.extract %reduce_max3A_2208[15] : i32 from vector<16xi32>
      %max3A_2210 = arith.maxsi %max3A_2177, %reduce_max3A_2209 : i32
      %add3A_2211 = arith.addi %add3A_2178, %reduce_sum3A_2186 : i32
      %get3A_2212 = arith.constant 3 : i32
      %get3A_2213 = arith.index_cast %get3A_2212 : i32 to index
      %get3A_2214 = arith.constant 0 : index
      %get3A_2215 = tpu.vector_load %arg8[%get3A_2213, %get3A_2214] {strides = array<i32>} : memref<16x16xi32, #tpu.memory_space<vmem>>, vector<16xi32>,
      %reduce_sum3A_2216 = arith.constant true
      %reduce_sum3A_2217 = vector.broadcast %reduce_sum3A_2216 : i1 to vector<16xi1>
      %reduce_sum3A_2218 = tpu.scan <sum>, %get3A_2215 masked %reduce_sum3A_2217 : vector<16xi32>, vector<16xi1> -> vector<16xi32>
      %reduce_sum3A_2219 = vector.extract %reduce_sum3A_2218[15] : i32 from vector<16xi32>
      %broadcast_in_dim3A_2220 = arith.constant true
      %broadcast_in_dim3A_2221 = vector.broadcast %broadcast_in_dim3A_2220 : i1 to vector<16xi1>
      %masked_cumsum3A_2222 = tpu.scan <sum>, %get3A_2215 masked %broadcast_in_dim3A_2221 : vector<16xi32>, vector<16xi1> -> vector<16xi32>
      %add3A_2223 = arith.addi %add3A_2211, %reduce_sum3A_2219 : i32
      %sub3A_2224 = vector.broadcast %add3A_2223 : i32 to vector<16xi32>
      %sub3A_2225 = arith.subi %sub3A_2224, %masked_cumsum3A_2222 : vector<16xi32>
      %add3A_2226 = arith.addi %sub3A_2225, %get3A_2215 : vector<16xi32>
      %ge3A_2227 = vector.broadcast %sub3A_1711 : i32 to vector<16xi32>
      %ge3A_2228 = arith.cmpi sge, %add3A_2226, %ge3A_2227 : vector<16xi32>
      %add3A_2229 = arith.constant 48 : i32
      %add3A_2230 = vector.broadcast %add3A_2229 : i32 to vector<16xi32>
      %add3A_2231 = arith.addi %iota3A, %add3A_2230 : vector<16xi32>
      %jit3A_2232 = arith.constant 0 : i32
      %broadcast_in_dim3A_2233 = vector.broadcast %jit3A_2232 : i32 to vector<16xi32>
      %select_n3A_2234 = arith.select %ge3A_2228, %add3A_2231, %broadcast_in_dim3A_2233 : vector<16xi1>, vector<16xi32>
      %reduce_max3A_2235 = arith.constant true
      %reduce_max3A_2236 = vector.broadcast %reduce_max3A_2235 : i1 to vector<16xi1>
      %reduce_max3A_2237 = arith.constant -2147483648 : i32
      %reduce_max3A_2238 = vector.broadcast %reduce_max3A_2237 : i32 to vector<16xi32>
      %reduce_max3A_2239 = arith.xori %select_n3A_2234, %reduce_max3A_2238 : vector<16xi32>
      %reduce_max3A_2240 = tpu.scan <max>, %reduce_max3A_2239 masked %reduce_max3A_2236 : vector<16xi32>, vector<16xi1> -> vector<16xi32>
      %reduce_max3A_2241 = arith.xori %reduce_max3A_2240, %reduce_max3A_2238 : vector<16xi32>
      %reduce_max3A_2242 = vector.extract %reduce_max3A_2241[15] : i32 from vector<16xi32>
      %max3A_2243 = arith.maxsi %max3A_2210, %reduce_max3A_2242 : i32
      %add3A_2244 = arith.addi %add3A_2211, %reduce_sum3A_2219 : i32
      %get3A_2245 = arith.constant 2 : i32
      %get3A_2246 = arith.index_cast %get3A_2245 : i32 to index
      %get3A_2247 = arith.constant 0 : index
      %get3A_2248 = tpu.vector_load %arg8[%get3A_2246, %get3A_2247] {strides = array<i32>} : memref<16x16xi32, #tpu.memory_space<vmem>>, vector<16xi32>,
      %reduce_sum3A_2249 = arith.constant true
      %reduce_sum3A_2250 = vector.broadcast %reduce_sum3A_2249 : i1 to vector<16xi1>
      %reduce_sum3A_2251 = tpu.scan <sum>, %get3A_2248 masked %reduce_sum3A_2250 : vector<16xi32>, vector<16xi1> -> vector<16xi32>
      %reduce_sum3A_2252 = vector.extract %reduce_sum3A_2251[15] : i32 from vector<16xi32>
      %broadcast_in_dim3A_2253 = arith.constant true
      %broadcast_in_dim3A_2254 = vector.broadcast %broadcast_in_dim3A_2253 : i1 to vector<16xi1>
      %masked_cumsum3A_2255 = tpu.scan <sum>, %get3A_2248 masked %broadcast_in_dim3A_2254 : vector<16xi32>, vector<16xi1> -> vector<16xi32>
      %add3A_2256 = arith.addi %add3A_2244, %reduce_sum3A_2252 : i32
      %sub3A_2257 = vector.broadcast %add3A_2256 : i32 to vector<16xi32>
      %sub3A_2258 = arith.subi %sub3A_2257, %masked_cumsum3A_2255 : vector<16xi32>
      %add3A_2259 = arith.addi %sub3A_2258, %get3A_2248 : vector<16xi32>
      %ge3A_2260 = vector.broadcast %sub3A_1711 : i32 to vector<16xi32>
      %ge3A_2261 = arith.cmpi sge, %add3A_2259, %ge3A_2260 : vector<16xi32>
      %add3A_2262 = arith.constant 32 : i32
      %add3A_2263 = vector.broadcast %add3A_2262 : i32 to vector<16xi32>
      %add3A_2264 = arith.addi %iota3A, %add3A_2263 : vector<16xi32>
      %jit3A_2265 = arith.constant 0 : i32
      %broadcast_in_dim3A_2266 = vector.broadcast %jit3A_2265 : i32 to vector<16xi32>
      %select_n3A_2267 = arith.select %ge3A_2261, %add3A_2264, %broadcast_in_dim3A_2266 : vector<16xi1>, vector<16xi32>
      %reduce_max3A_2268 = arith.constant true
      %reduce_max3A_2269 = vector.broadcast %reduce_max3A_2268 : i1 to vector<16xi1>
      %reduce_max3A_2270 = arith.constant -2147483648 : i32
      %reduce_max3A_2271 = vector.broadcast %reduce_max3A_2270 : i32 to vector<16xi32>
      %reduce_max3A_2272 = arith.xori %select_n3A_2267, %reduce_max3A_2271 : vector<16xi32>
      %reduce_max3A_2273 = tpu.scan <max>, %reduce_max3A_2272 masked %reduce_max3A_2269 : vector<16xi32>, vector<16xi1> -> vector<16xi32>
      %reduce_max3A_2274 = arith.xori %reduce_max3A_2273, %reduce_max3A_2271 : vector<16xi32>
      %reduce_max3A_2275 = vector.extract %reduce_max3A_2274[15] : i32 from vector<16xi32>
      %max3A_2276 = arith.maxsi %max3A_2243, %reduce_max3A_2275 : i32
      %add3A_2277 = arith.addi %add3A_2244, %reduce_sum3A_2252 : i32
      %get3A_2278 = arith.constant 1 : i32
      %get3A_2279 = arith.index_cast %get3A_2278 : i32 to index
      %get3A_2280 = arith.constant 0 : index
      %get3A_2281 = tpu.vector_load %arg8[%get3A_2279, %get3A_2280] {strides = array<i32>} : memref<16x16xi32, #tpu.memory_space<vmem>>, vector<16xi32>,
      %reduce_sum3A_2282 = arith.constant true
      %reduce_sum3A_2283 = vector.broadcast %reduce_sum3A_2282 : i1 to vector<16xi1>
      %reduce_sum3A_2284 = tpu.scan <sum>, %get3A_2281 masked %reduce_sum3A_2283 : vector<16xi32>, vector<16xi1> -> vector<16xi32>
      %reduce_sum3A_2285 = vector.extract %reduce_sum3A_2284[15] : i32 from vector<16xi32>
      %broadcast_in_dim3A_2286 = arith.constant true
      %broadcast_in_dim3A_2287 = vector.broadcast %broadcast_in_dim3A_2286 : i1 to vector<16xi1>
      %masked_cumsum3A_2288 = tpu.scan <sum>, %get3A_2281 masked %broadcast_in_dim3A_2287 : vector<16xi32>, vector<16xi1> -> vector<16xi32>
      %add3A_2289 = arith.addi %add3A_2277, %reduce_sum3A_2285 : i32
      %sub3A_2290 = vector.broadcast %add3A_2289 : i32 to vector<16xi32>
      %sub3A_2291 = arith.subi %sub3A_2290, %masked_cumsum3A_2288 : vector<16xi32>
      %add3A_2292 = arith.addi %sub3A_2291, %get3A_2281 : vector<16xi32>
      %ge3A_2293 = vector.broadcast %sub3A_1711 : i32 to vector<16xi32>
      %ge3A_2294 = arith.cmpi sge, %add3A_2292, %ge3A_2293 : vector<16xi32>
      %add3A_2295 = arith.constant 16 : i32
      %add3A_2296 = vector.broadcast %add3A_2295 : i32 to vector<16xi32>
      %add3A_2297 = arith.addi %iota3A, %add3A_2296 : vector<16xi32>
      %jit3A_2298 = arith.constant 0 : i32
      %broadcast_in_dim3A_2299 = vector.broadcast %jit3A_2298 : i32 to vector<16xi32>
      %select_n3A_2300 = arith.select %ge3A_2294, %add3A_2297, %broadcast_in_dim3A_2299 : vector<16xi1>, vector<16xi32>
      %reduce_max3A_2301 = arith.constant true
      %reduce_max3A_2302 = vector.broadcast %reduce_max3A_2301 : i1 to vector<16xi1>
      %reduce_max3A_2303 = arith.constant -2147483648 : i32
      %reduce_max3A_2304 = vector.broadcast %reduce_max3A_2303 : i32 to vector<16xi32>
      %reduce_max3A_2305 = arith.xori %select_n3A_2300, %reduce_max3A_2304 : vector<16xi32>
      %reduce_max3A_2306 = tpu.scan <max>, %reduce_max3A_2305 masked %reduce_max3A_2302 : vector<16xi32>, vector<16xi1> -> vector<16xi32>
      %reduce_max3A_2307 = arith.xori %reduce_max3A_2306, %reduce_max3A_2304 : vector<16xi32>
      %reduce_max3A_2308 = vector.extract %reduce_max3A_2307[15] : i32 from vector<16xi32>
      %max3A_2309 = arith.maxsi %max3A_2276, %reduce_max3A_2308 : i32
      %add3A_2310 = arith.addi %add3A_2277, %reduce_sum3A_2285 : i32
      %get3A_2311 = arith.constant 0 : i32
      %get3A_2312 = arith.index_cast %get3A_2311 : i32 to index
      %get3A_2313 = arith.constant 0 : index
      %get3A_2314 = tpu.vector_load %arg8[%get3A_2312, %get3A_2313] {strides = array<i32>} : memref<16x16xi32, #tpu.memory_space<vmem>>, vector<16xi32>,
      %reduce_sum3A_2315 = arith.constant true
      %reduce_sum3A_2316 = vector.broadcast %reduce_sum3A_2315 : i1 to vector<16xi1>
      %reduce_sum3A_2317 = tpu.scan <sum>, %get3A_2314 masked %reduce_sum3A_2316 : vector<16xi32>, vector<16xi1> -> vector<16xi32>
      %reduce_sum3A_2318 = vector.extract %reduce_sum3A_2317[15] : i32 from vector<16xi32>
      %broadcast_in_dim3A_2319 = arith.constant true
      %broadcast_in_dim3A_2320 = vector.broadcast %broadcast_in_dim3A_2319 : i1 to vector<16xi1>
      %masked_cumsum3A_2321 = tpu.scan <sum>, %get3A_2314 masked %broadcast_in_dim3A_2320 : vector<16xi32>, vector<16xi1> -> vector<16xi32>
      %add3A_2322 = arith.addi %add3A_2310, %reduce_sum3A_2318 : i32
      %sub3A_2323 = vector.broadcast %add3A_2322 : i32 to vector<16xi32>
      %sub3A_2324 = arith.subi %sub3A_2323, %masked_cumsum3A_2321 : vector<16xi32>
      %add3A_2325 = arith.addi %sub3A_2324, %get3A_2314 : vector<16xi32>
      %ge3A_2326 = vector.broadcast %sub3A_1711 : i32 to vector<16xi32>
      %ge3A_2327 = arith.cmpi sge, %add3A_2325, %ge3A_2326 : vector<16xi32>
      %add3A_2328 = arith.constant 0 : i32
      %add3A_2329 = vector.broadcast %add3A_2328 : i32 to vector<16xi32>
      %add3A_2330 = arith.addi %iota3A, %add3A_2329 : vector<16xi32>
      %jit3A_2331 = arith.constant 0 : i32
      %broadcast_in_dim3A_2332 = vector.broadcast %jit3A_2331 : i32 to vector<16xi32>
      %select_n3A_2333 = arith.select %ge3A_2327, %add3A_2330, %broadcast_in_dim3A_2332 : vector<16xi1>, vector<16xi32>
      %reduce_max3A_2334 = arith.constant true
      %reduce_max3A_2335 = vector.broadcast %reduce_max3A_2334 : i1 to vector<16xi1>
      %reduce_max3A_2336 = arith.constant -2147483648 : i32
      %reduce_max3A_2337 = vector.broadcast %reduce_max3A_2336 : i32 to vector<16xi32>
      %reduce_max3A_2338 = arith.xori %select_n3A_2333, %reduce_max3A_2337 : vector<16xi32>
      %reduce_max3A_2339 = tpu.scan <max>, %reduce_max3A_2338 masked %reduce_max3A_2335 : vector<16xi32>, vector<16xi1> -> vector<16xi32>
      %reduce_max3A_2340 = arith.xori %reduce_max3A_2339, %reduce_max3A_2337 : vector<16xi32>
      %reduce_max3A_2341 = vector.extract %reduce_max3A_2340[15] : i32 from vector<16xi32>
      %max3A_2342 = arith.maxsi %max3A_2309, %reduce_max3A_2341 : i32
      %add3A_2343 = arith.addi %add3A_2310, %reduce_sum3A_2318 : i32
      %broadcast_in_dim3A_2344 = arith.constant 0 : i32
      %broadcast_in_dim3A_2345 = vector.broadcast %broadcast_in_dim3A_2344 : i32 to vector<16xi32>
      %add3A_2346 = arith.constant 0 : i32
      %add3A_2347 = vector.broadcast %add3A_2346 : i32 to vector<16xi32>
      %add3A_2348 = arith.addi %iota3A, %add3A_2347 : vector<16xi32>
      %gt3A_2349 = vector.broadcast %max3A_2342 : i32 to vector<16xi32>
      %gt3A_2350 = arith.cmpi sgt, %add3A_2348, %gt3A_2349 : vector<16xi32>
      %get3A_2351 = arith.constant 0 : i32
      %get3A_2352 = arith.index_cast %get3A_2351 : i32 to index
      %get3A_2353 = arith.constant 0 : index
      %get3A_2354 = tpu.vector_load %arg8[%get3A_2352, %get3A_2353] {strides = array<i32>} : memref<16x16xi32, #tpu.memory_space<vmem>>, vector<16xi32>,
      %jit3A_2355 = arith.constant 0 : i32
      %broadcast_in_dim3A_2356 = vector.broadcast %jit3A_2355 : i32 to vector<16xi32>
      %select_n3A_2357 = arith.select %gt3A_2350, %get3A_2354, %broadcast_in_dim3A_2356 : vector<16xi1>, vector<16xi32>
      %add3A_2358 = arith.addi %broadcast_in_dim3A_2345, %select_n3A_2357 : vector<16xi32>
      %add3A_2359 = arith.constant 16 : i32
      %add3A_2360 = vector.broadcast %add3A_2359 : i32 to vector<16xi32>
      %add3A_2361 = arith.addi %iota3A, %add3A_2360 : vector<16xi32>
      %gt3A_2362 = vector.broadcast %max3A_2342 : i32 to vector<16xi32>
      %gt3A_2363 = arith.cmpi sgt, %add3A_2361, %gt3A_2362 : vector<16xi32>
      %get3A_2364 = arith.constant 1 : i32
      %get3A_2365 = arith.index_cast %get3A_2364 : i32 to index
      %get3A_2366 = arith.constant 0 : index
      %get3A_2367 = tpu.vector_load %arg8[%get3A_2365, %get3A_2366] {strides = array<i32>} : memref<16x16xi32, #tpu.memory_space<vmem>>, vector<16xi32>,
      %jit3A_2368 = arith.constant 0 : i32
      %broadcast_in_dim3A_2369 = vector.broadcast %jit3A_2368 : i32 to vector<16xi32>
      %select_n3A_2370 = arith.select %gt3A_2363, %get3A_2367, %broadcast_in_dim3A_2369 : vector<16xi1>, vector<16xi32>
      %add3A_2371 = arith.addi %add3A_2358, %select_n3A_2370 : vector<16xi32>
      %add3A_2372 = arith.constant 32 : i32
      %add3A_2373 = vector.broadcast %add3A_2372 : i32 to vector<16xi32>
      %add3A_2374 = arith.addi %iota3A, %add3A_2373 : vector<16xi32>
      %gt3A_2375 = vector.broadcast %max3A_2342 : i32 to vector<16xi32>
      %gt3A_2376 = arith.cmpi sgt, %add3A_2374, %gt3A_2375 : vector<16xi32>
      %get3A_2377 = arith.constant 2 : i32
      %get3A_2378 = arith.index_cast %get3A_2377 : i32 to index
      %get3A_2379 = arith.constant 0 : index
      %get3A_2380 = tpu.vector_load %arg8[%get3A_2378, %get3A_2379] {strides = array<i32>} : memref<16x16xi32, #tpu.memory_space<vmem>>, vector<16xi32>,
      %jit3A_2381 = arith.constant 0 : i32
      %broadcast_in_dim3A_2382 = vector.broadcast %jit3A_2381 : i32 to vector<16xi32>
      %select_n3A_2383 = arith.select %gt3A_2376, %get3A_2380, %broadcast_in_dim3A_2382 : vector<16xi1>, vector<16xi32>
      %add3A_2384 = arith.addi %add3A_2371, %select_n3A_2383 : vector<16xi32>
      %add3A_2385 = arith.constant 48 : i32
      %add3A_2386 = vector.broadcast %add3A_2385 : i32 to vector<16xi32>
      %add3A_2387 = arith.addi %iota3A, %add3A_2386 : vector<16xi32>
      %gt3A_2388 = vector.broadcast %max3A_2342 : i32 to vector<16xi32>
      %gt3A_2389 = arith.cmpi sgt, %add3A_2387, %gt3A_2388 : vector<16xi32>
      %get3A_2390 = arith.constant 3 : i32
      %get3A_2391 = arith.index_cast %get3A_2390 : i32 to index
      %get3A_2392 = arith.constant 0 : index
      %get3A_2393 = tpu.vector_load %arg8[%get3A_2391, %get3A_2392] {strides = array<i32>} : memref<16x16xi32, #tpu.memory_space<vmem>>, vector<16xi32>,
      %jit3A_2394 = arith.constant 0 : i32
      %broadcast_in_dim3A_2395 = vector.broadcast %jit3A_2394 : i32 to vector<16xi32>
      %select_n3A_2396 = arith.select %gt3A_2389, %get3A_2393, %broadcast_in_dim3A_2395 : vector<16xi1>, vector<16xi32>
      %add3A_2397 = arith.addi %add3A_2384, %select_n3A_2396 : vector<16xi32>
      %add3A_2398 = arith.constant 64 : i32
      %add3A_2399 = vector.broadcast %add3A_2398 : i32 to vector<16xi32>
      %add3A_2400 = arith.addi %iota3A, %add3A_2399 : vector<16xi32>
      %gt3A_2401 = vector.broadcast %max3A_2342 : i32 to vector<16xi32>
      %gt3A_2402 = arith.cmpi sgt, %add3A_2400, %gt3A_2401 : vector<16xi32>
      %get3A_2403 = arith.constant 4 : i32
      %get3A_2404 = arith.index_cast %get3A_2403 : i32 to index
      %get3A_2405 = arith.constant 0 : index
      %get3A_2406 = tpu.vector_load %arg8[%get3A_2404, %get3A_2405] {strides = array<i32>} : memref<16x16xi32, #tpu.memory_space<vmem>>, vector<16xi32>,
      %jit3A_2407 = arith.constant 0 : i32
      %broadcast_in_dim3A_2408 = vector.broadcast %jit3A_2407 : i32 to vector<16xi32>
      %select_n3A_2409 = arith.select %gt3A_2402, %get3A_2406, %broadcast_in_dim3A_2408 : vector<16xi1>, vector<16xi32>
      %add3A_2410 = arith.addi %add3A_2397, %select_n3A_2409 : vector<16xi32>
      %add3A_2411 = arith.constant 80 : i32
      %add3A_2412 = vector.broadcast %add3A_2411 : i32 to vector<16xi32>
      %add3A_2413 = arith.addi %iota3A, %add3A_2412 : vector<16xi32>
      %gt3A_2414 = vector.broadcast %max3A_2342 : i32 to vector<16xi32>
      %gt3A_2415 = arith.cmpi sgt, %add3A_2413, %gt3A_2414 : vector<16xi32>
      %get3A_2416 = arith.constant 5 : i32
      %get3A_2417 = arith.index_cast %get3A_2416 : i32 to index
      %get3A_2418 = arith.constant 0 : index
      %get3A_2419 = tpu.vector_load %arg8[%get3A_2417, %get3A_2418] {strides = array<i32>} : memref<16x16xi32, #tpu.memory_space<vmem>>, vector<16xi32>,
      %jit3A_2420 = arith.constant 0 : i32
      %broadcast_in_dim3A_2421 = vector.broadcast %jit3A_2420 : i32 to vector<16xi32>
      %select_n3A_2422 = arith.select %gt3A_2415, %get3A_2419, %broadcast_in_dim3A_2421 : vector<16xi1>, vector<16xi32>
      %add3A_2423 = arith.addi %add3A_2410, %select_n3A_2422 : vector<16xi32>
      %add3A_2424 = arith.constant 96 : i32
      %add3A_2425 = vector.broadcast %add3A_2424 : i32 to vector<16xi32>
      %add3A_2426 = arith.addi %iota3A, %add3A_2425 : vector<16xi32>
      %gt3A_2427 = vector.broadcast %max3A_2342 : i32 to vector<16xi32>
      %gt3A_2428 = arith.cmpi sgt, %add3A_2426, %gt3A_2427 : vector<16xi32>
      %get3A_2429 = arith.constant 6 : i32
      %get3A_2430 = arith.index_cast %get3A_2429 : i32 to index
      %get3A_2431 = arith.constant 0 : index
      %get3A_2432 = tpu.vector_load %arg8[%get3A_2430, %get3A_2431] {strides = array<i32>} : memref<16x16xi32, #tpu.memory_space<vmem>>, vector<16xi32>,
      %jit3A_2433 = arith.constant 0 : i32
      %broadcast_in_dim3A_2434 = vector.broadcast %jit3A_2433 : i32 to vector<16xi32>
      %select_n3A_2435 = arith.select %gt3A_2428, %get3A_2432, %broadcast_in_dim3A_2434 : vector<16xi1>, vector<16xi32>
      %add3A_2436 = arith.addi %add3A_2423, %select_n3A_2435 : vector<16xi32>
      %add3A_2437 = arith.constant 112 : i32
      %add3A_2438 = vector.broadcast %add3A_2437 : i32 to vector<16xi32>
      %add3A_2439 = arith.addi %iota3A, %add3A_2438 : vector<16xi32>
      %gt3A_2440 = vector.broadcast %max3A_2342 : i32 to vector<16xi32>
      %gt3A_2441 = arith.cmpi sgt, %add3A_2439, %gt3A_2440 : vector<16xi32>
      %get3A_2442 = arith.constant 7 : i32
      %get3A_2443 = arith.index_cast %get3A_2442 : i32 to index
      %get3A_2444 = arith.constant 0 : index
      %get3A_2445 = tpu.vector_load %arg8[%get3A_2443, %get3A_2444] {strides = array<i32>} : memref<16x16xi32, #tpu.memory_space<vmem>>, vector<16xi32>,
      %jit3A_2446 = arith.constant 0 : i32
      %broadcast_in_dim3A_2447 = vector.broadcast %jit3A_2446 : i32 to vector<16xi32>
      %select_n3A_2448 = arith.select %gt3A_2441, %get3A_2445, %broadcast_in_dim3A_2447 : vector<16xi1>, vector<16xi32>
      %add3A_2449 = arith.addi %add3A_2436, %select_n3A_2448 : vector<16xi32>
      %add3A_2450 = arith.constant 128 : i32
      %add3A_2451 = vector.broadcast %add3A_2450 : i32 to vector<16xi32>
      %add3A_2452 = arith.addi %iota3A, %add3A_2451 : vector<16xi32>
      %gt3A_2453 = vector.broadcast %max3A_2342 : i32 to vector<16xi32>
      %gt3A_2454 = arith.cmpi sgt, %add3A_2452, %gt3A_2453 : vector<16xi32>
      %get3A_2455 = arith.constant 8 : i32
      %get3A_2456 = arith.index_cast %get3A_2455 : i32 to index
      %get3A_2457 = arith.constant 0 : index
      %get3A_2458 = tpu.vector_load %arg8[%get3A_2456, %get3A_2457] {strides = array<i32>} : memref<16x16xi32, #tpu.memory_space<vmem>>, vector<16xi32>,
      %jit3A_2459 = arith.constant 0 : i32
      %broadcast_in_dim3A_2460 = vector.broadcast %jit3A_2459 : i32 to vector<16xi32>
      %select_n3A_2461 = arith.select %gt3A_2454, %get3A_2458, %broadcast_in_dim3A_2460 : vector<16xi1>, vector<16xi32>
      %add3A_2462 = arith.addi %add3A_2449, %select_n3A_2461 : vector<16xi32>
      %add3A_2463 = arith.constant 144 : i32
      %add3A_2464 = vector.broadcast %add3A_2463 : i32 to vector<16xi32>
      %add3A_2465 = arith.addi %iota3A, %add3A_2464 : vector<16xi32>
      %gt3A_2466 = vector.broadcast %max3A_2342 : i32 to vector<16xi32>
      %gt3A_2467 = arith.cmpi sgt, %add3A_2465, %gt3A_2466 : vector<16xi32>
      %get3A_2468 = arith.constant 9 : i32
      %get3A_2469 = arith.index_cast %get3A_2468 : i32 to index
      %get3A_2470 = arith.constant 0 : index
      %get3A_2471 = tpu.vector_load %arg8[%get3A_2469, %get3A_2470] {strides = array<i32>} : memref<16x16xi32, #tpu.memory_space<vmem>>, vector<16xi32>,
      %jit3A_2472 = arith.constant 0 : i32
      %broadcast_in_dim3A_2473 = vector.broadcast %jit3A_2472 : i32 to vector<16xi32>
      %select_n3A_2474 = arith.select %gt3A_2467, %get3A_2471, %broadcast_in_dim3A_2473 : vector<16xi1>, vector<16xi32>
      %add3A_2475 = arith.addi %add3A_2462, %select_n3A_2474 : vector<16xi32>
      %add3A_2476 = arith.constant 160 : i32
      %add3A_2477 = vector.broadcast %add3A_2476 : i32 to vector<16xi32>
      %add3A_2478 = arith.addi %iota3A, %add3A_2477 : vector<16xi32>
      %gt3A_2479 = vector.broadcast %max3A_2342 : i32 to vector<16xi32>
      %gt3A_2480 = arith.cmpi sgt, %add3A_2478, %gt3A_2479 : vector<16xi32>
      %get3A_2481 = arith.constant 10 : i32
      %get3A_2482 = arith.index_cast %get3A_2481 : i32 to index
      %get3A_2483 = arith.constant 0 : index
      %get3A_2484 = tpu.vector_load %arg8[%get3A_2482, %get3A_2483] {strides = array<i32>} : memref<16x16xi32, #tpu.memory_space<vmem>>, vector<16xi32>,
      %jit3A_2485 = arith.constant 0 : i32
      %broadcast_in_dim3A_2486 = vector.broadcast %jit3A_2485 : i32 to vector<16xi32>
      %select_n3A_2487 = arith.select %gt3A_2480, %get3A_2484, %broadcast_in_dim3A_2486 : vector<16xi1>, vector<16xi32>
      %add3A_2488 = arith.addi %add3A_2475, %select_n3A_2487 : vector<16xi32>
      %add3A_2489 = arith.constant 176 : i32
      %add3A_2490 = vector.broadcast %add3A_2489 : i32 to vector<16xi32>
      %add3A_2491 = arith.addi %iota3A, %add3A_2490 : vector<16xi32>
      %gt3A_2492 = vector.broadcast %max3A_2342 : i32 to vector<16xi32>
      %gt3A_2493 = arith.cmpi sgt, %add3A_2491, %gt3A_2492 : vector<16xi32>
      %get3A_2494 = arith.constant 11 : i32
      %get3A_2495 = arith.index_cast %get3A_2494 : i32 to index
      %get3A_2496 = arith.constant 0 : index
      %get3A_2497 = tpu.vector_load %arg8[%get3A_2495, %get3A_2496] {strides = array<i32>} : memref<16x16xi32, #tpu.memory_space<vmem>>, vector<16xi32>,
      %jit3A_2498 = arith.constant 0 : i32
      %broadcast_in_dim3A_2499 = vector.broadcast %jit3A_2498 : i32 to vector<16xi32>
      %select_n3A_2500 = arith.select %gt3A_2493, %get3A_2497, %broadcast_in_dim3A_2499 : vector<16xi1>, vector<16xi32>
      %add3A_2501 = arith.addi %add3A_2488, %select_n3A_2500 : vector<16xi32>
      %add3A_2502 = arith.constant 192 : i32
      %add3A_2503 = vector.broadcast %add3A_2502 : i32 to vector<16xi32>
      %add3A_2504 = arith.addi %iota3A, %add3A_2503 : vector<16xi32>
      %gt3A_2505 = vector.broadcast %max3A_2342 : i32 to vector<16xi32>
      %gt3A_2506 = arith.cmpi sgt, %add3A_2504, %gt3A_2505 : vector<16xi32>
      %get3A_2507 = arith.constant 12 : i32
      %get3A_2508 = arith.index_cast %get3A_2507 : i32 to index
      %get3A_2509 = arith.constant 0 : index
      %get3A_2510 = tpu.vector_load %arg8[%get3A_2508, %get3A_2509] {strides = array<i32>} : memref<16x16xi32, #tpu.memory_space<vmem>>, vector<16xi32>,
      %jit3A_2511 = arith.constant 0 : i32
      %broadcast_in_dim3A_2512 = vector.broadcast %jit3A_2511 : i32 to vector<16xi32>
      %select_n3A_2513 = arith.select %gt3A_2506, %get3A_2510, %broadcast_in_dim3A_2512 : vector<16xi1>, vector<16xi32>
      %add3A_2514 = arith.addi %add3A_2501, %select_n3A_2513 : vector<16xi32>
      %add3A_2515 = arith.constant 208 : i32
      %add3A_2516 = vector.broadcast %add3A_2515 : i32 to vector<16xi32>
      %add3A_2517 = arith.addi %iota3A, %add3A_2516 : vector<16xi32>
      %gt3A_2518 = vector.broadcast %max3A_2342 : i32 to vector<16xi32>
      %gt3A_2519 = arith.cmpi sgt, %add3A_2517, %gt3A_2518 : vector<16xi32>
      %get3A_2520 = arith.constant 13 : i32
      %get3A_2521 = arith.index_cast %get3A_2520 : i32 to index
      %get3A_2522 = arith.constant 0 : index
      %get3A_2523 = tpu.vector_load %arg8[%get3A_2521, %get3A_2522] {strides = array<i32>} : memref<16x16xi32, #tpu.memory_space<vmem>>, vector<16xi32>,
      %jit3A_2524 = arith.constant 0 : i32
      %broadcast_in_dim3A_2525 = vector.broadcast %jit3A_2524 : i32 to vector<16xi32>
      %select_n3A_2526 = arith.select %gt3A_2519, %get3A_2523, %broadcast_in_dim3A_2525 : vector<16xi1>, vector<16xi32>
      %add3A_2527 = arith.addi %add3A_2514, %select_n3A_2526 : vector<16xi32>
      %add3A_2528 = arith.constant 224 : i32
      %add3A_2529 = vector.broadcast %add3A_2528 : i32 to vector<16xi32>
      %add3A_2530 = arith.addi %iota3A, %add3A_2529 : vector<16xi32>
      %gt3A_2531 = vector.broadcast %max3A_2342 : i32 to vector<16xi32>
      %gt3A_2532 = arith.cmpi sgt, %add3A_2530, %gt3A_2531 : vector<16xi32>
      %get3A_2533 = arith.constant 14 : i32
      %get3A_2534 = arith.index_cast %get3A_2533 : i32 to index
      %get3A_2535 = arith.constant 0 : index
      %get3A_2536 = tpu.vector_load %arg8[%get3A_2534, %get3A_2535] {strides = array<i32>} : memref<16x16xi32, #tpu.memory_space<vmem>>, vector<16xi32>,
      %jit3A_2537 = arith.constant 0 : i32
      %broadcast_in_dim3A_2538 = vector.broadcast %jit3A_2537 : i32 to vector<16xi32>
      %select_n3A_2539 = arith.select %gt3A_2532, %get3A_2536, %broadcast_in_dim3A_2538 : vector<16xi1>, vector<16xi32>
      %add3A_2540 = arith.addi %add3A_2527, %select_n3A_2539 : vector<16xi32>
      %add3A_2541 = arith.constant 240 : i32
      %add3A_2542 = vector.broadcast %add3A_2541 : i32 to vector<16xi32>
      %add3A_2543 = arith.addi %iota3A, %add3A_2542 : vector<16xi32>
      %gt3A_2544 = vector.broadcast %max3A_2342 : i32 to vector<16xi32>
      %gt3A_2545 = arith.cmpi sgt, %add3A_2543, %gt3A_2544 : vector<16xi32>
      %get3A_2546 = arith.constant 15 : i32
      %get3A_2547 = arith.index_cast %get3A_2546 : i32 to index
      %get3A_2548 = arith.constant 0 : index
      %get3A_2549 = tpu.vector_load %arg8[%get3A_2547, %get3A_2548] {strides = array<i32>} : memref<16x16xi32, #tpu.memory_space<vmem>>, vector<16xi32>,
      %jit3A_2550 = arith.constant 0 : i32
      %broadcast_in_dim3A_2551 = vector.broadcast %jit3A_2550 : i32 to vector<16xi32>
      %select_n3A_2552 = arith.select %gt3A_2545, %get3A_2549, %broadcast_in_dim3A_2551 : vector<16xi1>, vector<16xi32>
      %add3A_2553 = arith.addi %add3A_2540, %select_n3A_2552 : vector<16xi32>
      %reduce_sum3A_2554 = arith.constant true
      %reduce_sum3A_2555 = vector.broadcast %reduce_sum3A_2554 : i1 to vector<16xi1>
      %reduce_sum3A_2556 = tpu.scan <sum>, %add3A_2553 masked %reduce_sum3A_2555 : vector<16xi32>, vector<16xi1> -> vector<16xi32>
      %reduce_sum3A_2557 = vector.extract %reduce_sum3A_2556[15] : i32 from vector<16xi32>
      %mul3A_2558 = arith.constant 256 : i32
      %mul3A_2559 = arith.muli %add3A_1710, %mul3A_2558 : i32
      %add3A_2560 = arith.addi %mul3A_2559, %max3A_2342 : i32
      %sub3A_2561 = arith.subi %sub3A_1711, %reduce_sum3A_2557 : i32
      %broadcast_in_dim3A_2562 = arith.constant 0 : i32
      %broadcast_in_dim3A_2563 = vector.broadcast %broadcast_in_dim3A_2562 : i32 to vector<16xi32>
      %swap3A_2564 = arith.constant 0 : i32
      %swap3A_2565 = arith.index_cast %swap3A_2564 : i32 to index
      %swap3A_2566 = arith.constant 0 : index
      %swap3A_2567 = tpu.vector_load %arg8[%swap3A_2565, %swap3A_2566] {strides = array<i32>} : memref<16x16xi32, #tpu.memory_space<vmem>>, vector<16xi32>,
      tpu.vector_store %arg8[%swap3A_2565, %swap3A_2566], %broadcast_in_dim3A_2563 {strides = array<i32>} : memref<16x16xi32, #tpu.memory_space<vmem>>, vector<16xi32>,
      %broadcast_in_dim3A_2568 = arith.constant 0 : i32
      %broadcast_in_dim3A_2569 = vector.broadcast %broadcast_in_dim3A_2568 : i32 to vector<16xi32>
      %swap3A_2570 = arith.constant 1 : i32
      %swap3A_2571 = arith.index_cast %swap3A_2570 : i32 to index
      %swap3A_2572 = arith.constant 0 : index
      %swap3A_2573 = tpu.vector_load %arg8[%swap3A_2571, %swap3A_2572] {strides = array<i32>} : memref<16x16xi32, #tpu.memory_space<vmem>>, vector<16xi32>,
      tpu.vector_store %arg8[%swap3A_2571, %swap3A_2572], %broadcast_in_dim3A_2569 {strides = array<i32>} : memref<16x16xi32, #tpu.memory_space<vmem>>, vector<16xi32>,
      %broadcast_in_dim3A_2574 = arith.constant 0 : i32
      %broadcast_in_dim3A_2575 = vector.broadcast %broadcast_in_dim3A_2574 : i32 to vector<16xi32>
      %swap3A_2576 = arith.constant 2 : i32
      %swap3A_2577 = arith.index_cast %swap3A_2576 : i32 to index
      %swap3A_2578 = arith.constant 0 : index
      %swap3A_2579 = tpu.vector_load %arg8[%swap3A_2577, %swap3A_2578] {strides = array<i32>} : memref<16x16xi32, #tpu.memory_space<vmem>>, vector<16xi32>,
      tpu.vector_store %arg8[%swap3A_2577, %swap3A_2578], %broadcast_in_dim3A_2575 {strides = array<i32>} : memref<16x16xi32, #tpu.memory_space<vmem>>, vector<16xi32>,
      %broadcast_in_dim3A_2580 = arith.constant 0 : i32
      %broadcast_in_dim3A_2581 = vector.broadcast %broadcast_in_dim3A_2580 : i32 to vector<16xi32>
      %swap3A_2582 = arith.constant 3 : i32
      %swap3A_2583 = arith.index_cast %swap3A_2582 : i32 to index
      %swap3A_2584 = arith.constant 0 : index
      %swap3A_2585 = tpu.vector_load %arg8[%swap3A_2583, %swap3A_2584] {strides = array<i32>} : memref<16x16xi32, #tpu.memory_space<vmem>>, vector<16xi32>,
      tpu.vector_store %arg8[%swap3A_2583, %swap3A_2584], %broadcast_in_dim3A_2581 {strides = array<i32>} : memref<16x16xi32, #tpu.memory_space<vmem>>, vector<16xi32>,
      %broadcast_in_dim3A_2586 = arith.constant 0 : i32
      %broadcast_in_dim3A_2587 = vector.broadcast %broadcast_in_dim3A_2586 : i32 to vector<16xi32>
      %swap3A_2588 = arith.constant 4 : i32
      %swap3A_2589 = arith.index_cast %swap3A_2588 : i32 to index
      %swap3A_2590 = arith.constant 0 : index
      %swap3A_2591 = tpu.vector_load %arg8[%swap3A_2589, %swap3A_2590] {strides = array<i32>} : memref<16x16xi32, #tpu.memory_space<vmem>>, vector<16xi32>,
      tpu.vector_store %arg8[%swap3A_2589, %swap3A_2590], %broadcast_in_dim3A_2587 {strides = array<i32>} : memref<16x16xi32, #tpu.memory_space<vmem>>, vector<16xi32>,
      %broadcast_in_dim3A_2592 = arith.constant 0 : i32
      %broadcast_in_dim3A_2593 = vector.broadcast %broadcast_in_dim3A_2592 : i32 to vector<16xi32>
      %swap3A_2594 = arith.constant 5 : i32
      %swap3A_2595 = arith.index_cast %swap3A_2594 : i32 to index
      %swap3A_2596 = arith.constant 0 : index
      %swap3A_2597 = tpu.vector_load %arg8[%swap3A_2595, %swap3A_2596] {strides = array<i32>} : memref<16x16xi32, #tpu.memory_space<vmem>>, vector<16xi32>,
      tpu.vector_store %arg8[%swap3A_2595, %swap3A_2596], %broadcast_in_dim3A_2593 {strides = array<i32>} : memref<16x16xi32, #tpu.memory_space<vmem>>, vector<16xi32>,
      %broadcast_in_dim3A_2598 = arith.constant 0 : i32
      %broadcast_in_dim3A_2599 = vector.broadcast %broadcast_in_dim3A_2598 : i32 to vector<16xi32>
      %swap3A_2600 = arith.constant 6 : i32
      %swap3A_2601 = arith.index_cast %swap3A_2600 : i32 to index
      %swap3A_2602 = arith.constant 0 : index
      %swap3A_2603 = tpu.vector_load %arg8[%swap3A_2601, %swap3A_2602] {strides = array<i32>} : memref<16x16xi32, #tpu.memory_space<vmem>>, vector<16xi32>,
      tpu.vector_store %arg8[%swap3A_2601, %swap3A_2602], %broadcast_in_dim3A_2599 {strides = array<i32>} : memref<16x16xi32, #tpu.memory_space<vmem>>, vector<16xi32>,
      %broadcast_in_dim3A_2604 = arith.constant 0 : i32
      %broadcast_in_dim3A_2605 = vector.broadcast %broadcast_in_dim3A_2604 : i32 to vector<16xi32>
      %swap3A_2606 = arith.constant 7 : i32
      %swap3A_2607 = arith.index_cast %swap3A_2606 : i32 to index
      %swap3A_2608 = arith.constant 0 : index
      %swap3A_2609 = tpu.vector_load %arg8[%swap3A_2607, %swap3A_2608] {strides = array<i32>} : memref<16x16xi32, #tpu.memory_space<vmem>>, vector<16xi32>,
      tpu.vector_store %arg8[%swap3A_2607, %swap3A_2608], %broadcast_in_dim3A_2605 {strides = array<i32>} : memref<16x16xi32, #tpu.memory_space<vmem>>, vector<16xi32>,
      %broadcast_in_dim3A_2610 = arith.constant 0 : i32
      %broadcast_in_dim3A_2611 = vector.broadcast %broadcast_in_dim3A_2610 : i32 to vector<16xi32>
      %swap3A_2612 = arith.constant 8 : i32
      %swap3A_2613 = arith.index_cast %swap3A_2612 : i32 to index
      %swap3A_2614 = arith.constant 0 : index
      %swap3A_2615 = tpu.vector_load %arg8[%swap3A_2613, %swap3A_2614] {strides = array<i32>} : memref<16x16xi32, #tpu.memory_space<vmem>>, vector<16xi32>,
      tpu.vector_store %arg8[%swap3A_2613, %swap3A_2614], %broadcast_in_dim3A_2611 {strides = array<i32>} : memref<16x16xi32, #tpu.memory_space<vmem>>, vector<16xi32>,
      %broadcast_in_dim3A_2616 = arith.constant 0 : i32
      %broadcast_in_dim3A_2617 = vector.broadcast %broadcast_in_dim3A_2616 : i32 to vector<16xi32>
      %swap3A_2618 = arith.constant 9 : i32
      %swap3A_2619 = arith.index_cast %swap3A_2618 : i32 to index
      %swap3A_2620 = arith.constant 0 : index
      %swap3A_2621 = tpu.vector_load %arg8[%swap3A_2619, %swap3A_2620] {strides = array<i32>} : memref<16x16xi32, #tpu.memory_space<vmem>>, vector<16xi32>,
      tpu.vector_store %arg8[%swap3A_2619, %swap3A_2620], %broadcast_in_dim3A_2617 {strides = array<i32>} : memref<16x16xi32, #tpu.memory_space<vmem>>, vector<16xi32>,
      %broadcast_in_dim3A_2622 = arith.constant 0 : i32
      %broadcast_in_dim3A_2623 = vector.broadcast %broadcast_in_dim3A_2622 : i32 to vector<16xi32>
      %swap3A_2624 = arith.constant 10 : i32
      %swap3A_2625 = arith.index_cast %swap3A_2624 : i32 to index
      %swap3A_2626 = arith.constant 0 : index
      %swap3A_2627 = tpu.vector_load %arg8[%swap3A_2625, %swap3A_2626] {strides = array<i32>} : memref<16x16xi32, #tpu.memory_space<vmem>>, vector<16xi32>,
      tpu.vector_store %arg8[%swap3A_2625, %swap3A_2626], %broadcast_in_dim3A_2623 {strides = array<i32>} : memref<16x16xi32, #tpu.memory_space<vmem>>, vector<16xi32>,
      %broadcast_in_dim3A_2628 = arith.constant 0 : i32
      %broadcast_in_dim3A_2629 = vector.broadcast %broadcast_in_dim3A_2628 : i32 to vector<16xi32>
      %swap3A_2630 = arith.constant 11 : i32
      %swap3A_2631 = arith.index_cast %swap3A_2630 : i32 to index
      %swap3A_2632 = arith.constant 0 : index
      %swap3A_2633 = tpu.vector_load %arg8[%swap3A_2631, %swap3A_2632] {strides = array<i32>} : memref<16x16xi32, #tpu.memory_space<vmem>>, vector<16xi32>,
      tpu.vector_store %arg8[%swap3A_2631, %swap3A_2632], %broadcast_in_dim3A_2629 {strides = array<i32>} : memref<16x16xi32, #tpu.memory_space<vmem>>, vector<16xi32>,
      %broadcast_in_dim3A_2634 = arith.constant 0 : i32
      %broadcast_in_dim3A_2635 = vector.broadcast %broadcast_in_dim3A_2634 : i32 to vector<16xi32>
      %swap3A_2636 = arith.constant 12 : i32
      %swap3A_2637 = arith.index_cast %swap3A_2636 : i32 to index
      %swap3A_2638 = arith.constant 0 : index
      %swap3A_2639 = tpu.vector_load %arg8[%swap3A_2637, %swap3A_2638] {strides = array<i32>} : memref<16x16xi32, #tpu.memory_space<vmem>>, vector<16xi32>,
      tpu.vector_store %arg8[%swap3A_2637, %swap3A_2638], %broadcast_in_dim3A_2635 {strides = array<i32>} : memref<16x16xi32, #tpu.memory_space<vmem>>, vector<16xi32>,
      %broadcast_in_dim3A_2640 = arith.constant 0 : i32
      %broadcast_in_dim3A_2641 = vector.broadcast %broadcast_in_dim3A_2640 : i32 to vector<16xi32>
      %swap3A_2642 = arith.constant 13 : i32
      %swap3A_2643 = arith.index_cast %swap3A_2642 : i32 to index
      %swap3A_2644 = arith.constant 0 : index
      %swap3A_2645 = tpu.vector_load %arg8[%swap3A_2643, %swap3A_2644] {strides = array<i32>} : memref<16x16xi32, #tpu.memory_space<vmem>>, vector<16xi32>,
      tpu.vector_store %arg8[%swap3A_2643, %swap3A_2644], %broadcast_in_dim3A_2641 {strides = array<i32>} : memref<16x16xi32, #tpu.memory_space<vmem>>, vector<16xi32>,
      %broadcast_in_dim3A_2646 = arith.constant 0 : i32
      %broadcast_in_dim3A_2647 = vector.broadcast %broadcast_in_dim3A_2646 : i32 to vector<16xi32>
      %swap3A_2648 = arith.constant 14 : i32
      %swap3A_2649 = arith.index_cast %swap3A_2648 : i32 to index
      %swap3A_2650 = arith.constant 0 : index
      %swap3A_2651 = tpu.vector_load %arg8[%swap3A_2649, %swap3A_2650] {strides = array<i32>} : memref<16x16xi32, #tpu.memory_space<vmem>>, vector<16xi32>,
      tpu.vector_store %arg8[%swap3A_2649, %swap3A_2650], %broadcast_in_dim3A_2647 {strides = array<i32>} : memref<16x16xi32, #tpu.memory_space<vmem>>, vector<16xi32>,
      %broadcast_in_dim3A_2652 = arith.constant 0 : i32
      %broadcast_in_dim3A_2653 = vector.broadcast %broadcast_in_dim3A_2652 : i32 to vector<16xi32>
      %swap3A_2654 = arith.constant 15 : i32
      %swap3A_2655 = arith.index_cast %swap3A_2654 : i32 to index
      %swap3A_2656 = arith.constant 0 : index
      %swap3A_2657 = tpu.vector_load %arg8[%swap3A_2655, %swap3A_2656] {strides = array<i32>} : memref<16x16xi32, #tpu.memory_space<vmem>>, vector<16xi32>,
      tpu.vector_store %arg8[%swap3A_2655, %swap3A_2656], %broadcast_in_dim3A_2653 {strides = array<i32>} : memref<16x16xi32, #tpu.memory_space<vmem>>, vector<16xi32>,
      %scan3A_2658 = arith.constant 0 : i32
      %scan3A_2659 = arith.constant 128 : i32
      %scan3A_2660 = arith.addi %scan3A_2658, %scan3A_2659 : i32
      %scan3A_2661 = arith.constant 1 : i32
      scf.for %scan3A_3785 = %scan3A_2658 to %scan3A_2660 step %scan3A_2661  : i32 {
        %mul3A_3786 = arith.constant 1 : i32
        %mul3A_3787 = arith.muli %scan3A_3785, %mul3A_3786 : i32
        %add3A_3788 = arith.constant 0 : i32
        %add3A_3789 = arith.addi %add3A_3788, %mul3A_3787 : i32
        %mul3A_3790 = arith.constant 16 : i32
        %mul3A_3791 = arith.muli %add3A_3789, %mul3A_3790 : i32
        %get3A_3792 = arith.index_cast %mul3A_3791 : i32 to index
        %get3A_3793 = tpu.vector_load %arg5[%get3A_3792] {strides = array<i32>} : memref<2048xi32, #tpu.memory_space<vmem>>, vector<16xi32>,
        %shift_right_logical3A = arith.constant 0 : i32
        %shift_right_logical3A_3794 = vector.broadcast %shift_right_logical3A : i32 to vector<16xi32>
        %shift_right_logical3A_3795 = arith.shrui %get3A_3793, %shift_right_logical3A_3794 : vector<16xi32>
        %and3A = arith.constant 255 : i32
        %and3A_3796 = vector.broadcast %and3A : i32 to vector<16xi32>
        %and3A_3797 = arith.andi %shift_right_logical3A_3795, %and3A_3796 : vector<16xi32>
        %shift_right_logical3A_3798 = arith.constant 4 : i32
        %shift_right_logical3A_3799 = vector.broadcast %shift_right_logical3A_3798 : i32 to vector<16xi32>
        %shift_right_logical3A_3800 = arith.shrui %and3A_3797, %shift_right_logical3A_3799 : vector<16xi32>
        %and3A_3801 = arith.constant 15 : i32
        %and3A_3802 = vector.broadcast %and3A_3801 : i32 to vector<16xi32>
        %and3A_3803 = arith.andi %and3A_3797, %and3A_3802 : vector<16xi32>
        %shift_right_logical3A_3804 = arith.constant 8 : i32
        %shift_right_logical3A_3805 = vector.broadcast %shift_right_logical3A_3804 : i32 to vector<16xi32>
        %shift_right_logical3A_3806 = arith.shrui %get3A_3793, %shift_right_logical3A_3805 : vector<16xi32>
        %eq3A_3807 = vector.broadcast %add3A_2560 : i32 to vector<16xi32>
        %eq3A_3808 = arith.cmpi eq, %shift_right_logical3A_3806, %eq3A_3807 : vector<16xi32>
        tpu.vector_store_idx %arg8[%shift_right_logical3A_3800, %and3A_3803], %add3A_5 masked %eq3A_3808 {add = true} : memref<16x16xi32, #tpu.memory_space<vmem>>[vector<16xi32>, vector<16xi32>], vector<16xi32>, vector<16xi1>
      }
      %scan3A_2662 = arith.constant 128 : i32
      %get3A_2663 = arith.constant 15 : i32
      %get3A_2664 = arith.index_cast %get3A_2663 : i32 to index
      %get3A_2665 = arith.constant 0 : index
      %get3A_2666 = tpu.vector_load %arg8[%get3A_2664, %get3A_2665] {strides = array<i32>} : memref<16x16xi32, #tpu.memory_space<vmem>>, vector<16xi32>,
      %reduce_sum3A_2667 = arith.constant true
      %reduce_sum3A_2668 = vector.broadcast %reduce_sum3A_2667 : i1 to vector<16xi1>
      %reduce_sum3A_2669 = tpu.scan <sum>, %get3A_2666 masked %reduce_sum3A_2668 : vector<16xi32>, vector<16xi1> -> vector<16xi32>
      %reduce_sum3A_2670 = vector.extract %reduce_sum3A_2669[15] : i32 from vector<16xi32>
      %broadcast_in_dim3A_2671 = arith.constant true
      %broadcast_in_dim3A_2672 = vector.broadcast %broadcast_in_dim3A_2671 : i1 to vector<16xi1>
      %masked_cumsum3A_2673 = tpu.scan <sum>, %get3A_2666 masked %broadcast_in_dim3A_2672 : vector<16xi32>, vector<16xi1> -> vector<16xi32>
      %add3A_2674 = arith.constant 0 : i32
      %add3A_2675 = arith.addi %add3A_2674, %reduce_sum3A_2670 : i32
      %sub3A_2676 = vector.broadcast %add3A_2675 : i32 to vector<16xi32>
      %sub3A_2677 = arith.subi %sub3A_2676, %masked_cumsum3A_2673 : vector<16xi32>
      %add3A_2678 = arith.addi %sub3A_2677, %get3A_2666 : vector<16xi32>
      %ge3A_2679 = vector.broadcast %sub3A_2561 : i32 to vector<16xi32>
      %ge3A_2680 = arith.cmpi sge, %add3A_2678, %ge3A_2679 : vector<16xi32>
      %add3A_2681 = arith.constant 240 : i32
      %add3A_2682 = vector.broadcast %add3A_2681 : i32 to vector<16xi32>
      %add3A_2683 = arith.addi %iota3A, %add3A_2682 : vector<16xi32>
      %jit3A_2684 = arith.constant 0 : i32
      %broadcast_in_dim3A_2685 = vector.broadcast %jit3A_2684 : i32 to vector<16xi32>
      %select_n3A_2686 = arith.select %ge3A_2680, %add3A_2683, %broadcast_in_dim3A_2685 : vector<16xi1>, vector<16xi32>
      %reduce_max3A_2687 = arith.constant true
      %reduce_max3A_2688 = vector.broadcast %reduce_max3A_2687 : i1 to vector<16xi1>
      %reduce_max3A_2689 = arith.constant -2147483648 : i32
      %reduce_max3A_2690 = vector.broadcast %reduce_max3A_2689 : i32 to vector<16xi32>
      %reduce_max3A_2691 = arith.xori %select_n3A_2686, %reduce_max3A_2690 : vector<16xi32>
      %reduce_max3A_2692 = tpu.scan <max>, %reduce_max3A_2691 masked %reduce_max3A_2688 : vector<16xi32>, vector<16xi1> -> vector<16xi32>
      %reduce_max3A_2693 = arith.xori %reduce_max3A_2692, %reduce_max3A_2690 : vector<16xi32>
      %reduce_max3A_2694 = vector.extract %reduce_max3A_2693[15] : i32 from vector<16xi32>
      %max3A_2695 = arith.constant 0 : i32
      %max3A_2696 = arith.maxsi %max3A_2695, %reduce_max3A_2694 : i32
      %add3A_2697 = arith.constant 0 : i32
      %add3A_2698 = arith.addi %add3A_2697, %reduce_sum3A_2670 : i32
      %get3A_2699 = arith.constant 14 : i32
      %get3A_2700 = arith.index_cast %get3A_2699 : i32 to index
      %get3A_2701 = arith.constant 0 : index
      %get3A_2702 = tpu.vector_load %arg8[%get3A_2700, %get3A_2701] {strides = array<i32>} : memref<16x16xi32, #tpu.memory_space<vmem>>, vector<16xi32>,
      %reduce_sum3A_2703 = arith.constant true
      %reduce_sum3A_2704 = vector.broadcast %reduce_sum3A_2703 : i1 to vector<16xi1>
      %reduce_sum3A_2705 = tpu.scan <sum>, %get3A_2702 masked %reduce_sum3A_2704 : vector<16xi32>, vector<16xi1> -> vector<16xi32>
      %reduce_sum3A_2706 = vector.extract %reduce_sum3A_2705[15] : i32 from vector<16xi32>
      %broadcast_in_dim3A_2707 = arith.constant true
      %broadcast_in_dim3A_2708 = vector.broadcast %broadcast_in_dim3A_2707 : i1 to vector<16xi1>
      %masked_cumsum3A_2709 = tpu.scan <sum>, %get3A_2702 masked %broadcast_in_dim3A_2708 : vector<16xi32>, vector<16xi1> -> vector<16xi32>
      %add3A_2710 = arith.addi %add3A_2698, %reduce_sum3A_2706 : i32
      %sub3A_2711 = vector.broadcast %add3A_2710 : i32 to vector<16xi32>
      %sub3A_2712 = arith.subi %sub3A_2711, %masked_cumsum3A_2709 : vector<16xi32>
      %add3A_2713 = arith.addi %sub3A_2712, %get3A_2702 : vector<16xi32>
      %ge3A_2714 = vector.broadcast %sub3A_2561 : i32 to vector<16xi32>
      %ge3A_2715 = arith.cmpi sge, %add3A_2713, %ge3A_2714 : vector<16xi32>
      %add3A_2716 = arith.constant 224 : i32
      %add3A_2717 = vector.broadcast %add3A_2716 : i32 to vector<16xi32>
      %add3A_2718 = arith.addi %iota3A, %add3A_2717 : vector<16xi32>
      %jit3A_2719 = arith.constant 0 : i32
      %broadcast_in_dim3A_2720 = vector.broadcast %jit3A_2719 : i32 to vector<16xi32>
      %select_n3A_2721 = arith.select %ge3A_2715, %add3A_2718, %broadcast_in_dim3A_2720 : vector<16xi1>, vector<16xi32>
      %reduce_max3A_2722 = arith.constant true
      %reduce_max3A_2723 = vector.broadcast %reduce_max3A_2722 : i1 to vector<16xi1>
      %reduce_max3A_2724 = arith.constant -2147483648 : i32
      %reduce_max3A_2725 = vector.broadcast %reduce_max3A_2724 : i32 to vector<16xi32>
      %reduce_max3A_2726 = arith.xori %select_n3A_2721, %reduce_max3A_2725 : vector<16xi32>
      %reduce_max3A_2727 = tpu.scan <max>, %reduce_max3A_2726 masked %reduce_max3A_2723 : vector<16xi32>, vector<16xi1> -> vector<16xi32>
      %reduce_max3A_2728 = arith.xori %reduce_max3A_2727, %reduce_max3A_2725 : vector<16xi32>
      %reduce_max3A_2729 = vector.extract %reduce_max3A_2728[15] : i32 from vector<16xi32>
      %max3A_2730 = arith.maxsi %max3A_2696, %reduce_max3A_2729 : i32
      %add3A_2731 = arith.addi %add3A_2698, %reduce_sum3A_2706 : i32
      %get3A_2732 = arith.constant 13 : i32
      %get3A_2733 = arith.index_cast %get3A_2732 : i32 to index
      %get3A_2734 = arith.constant 0 : index
      %get3A_2735 = tpu.vector_load %arg8[%get3A_2733, %get3A_2734] {strides = array<i32>} : memref<16x16xi32, #tpu.memory_space<vmem>>, vector<16xi32>,
      %reduce_sum3A_2736 = arith.constant true
      %reduce_sum3A_2737 = vector.broadcast %reduce_sum3A_2736 : i1 to vector<16xi1>
      %reduce_sum3A_2738 = tpu.scan <sum>, %get3A_2735 masked %reduce_sum3A_2737 : vector<16xi32>, vector<16xi1> -> vector<16xi32>
      %reduce_sum3A_2739 = vector.extract %reduce_sum3A_2738[15] : i32 from vector<16xi32>
      %broadcast_in_dim3A_2740 = arith.constant true
      %broadcast_in_dim3A_2741 = vector.broadcast %broadcast_in_dim3A_2740 : i1 to vector<16xi1>
      %masked_cumsum3A_2742 = tpu.scan <sum>, %get3A_2735 masked %broadcast_in_dim3A_2741 : vector<16xi32>, vector<16xi1> -> vector<16xi32>
      %add3A_2743 = arith.addi %add3A_2731, %reduce_sum3A_2739 : i32
      %sub3A_2744 = vector.broadcast %add3A_2743 : i32 to vector<16xi32>
      %sub3A_2745 = arith.subi %sub3A_2744, %masked_cumsum3A_2742 : vector<16xi32>
      %add3A_2746 = arith.addi %sub3A_2745, %get3A_2735 : vector<16xi32>
      %ge3A_2747 = vector.broadcast %sub3A_2561 : i32 to vector<16xi32>
      %ge3A_2748 = arith.cmpi sge, %add3A_2746, %ge3A_2747 : vector<16xi32>
      %add3A_2749 = arith.constant 208 : i32
      %add3A_2750 = vector.broadcast %add3A_2749 : i32 to vector<16xi32>
      %add3A_2751 = arith.addi %iota3A, %add3A_2750 : vector<16xi32>
      %jit3A_2752 = arith.constant 0 : i32
      %broadcast_in_dim3A_2753 = vector.broadcast %jit3A_2752 : i32 to vector<16xi32>
      %select_n3A_2754 = arith.select %ge3A_2748, %add3A_2751, %broadcast_in_dim3A_2753 : vector<16xi1>, vector<16xi32>
      %reduce_max3A_2755 = arith.constant true
      %reduce_max3A_2756 = vector.broadcast %reduce_max3A_2755 : i1 to vector<16xi1>
      %reduce_max3A_2757 = arith.constant -2147483648 : i32
      %reduce_max3A_2758 = vector.broadcast %reduce_max3A_2757 : i32 to vector<16xi32>
      %reduce_max3A_2759 = arith.xori %select_n3A_2754, %reduce_max3A_2758 : vector<16xi32>
      %reduce_max3A_2760 = tpu.scan <max>, %reduce_max3A_2759 masked %reduce_max3A_2756 : vector<16xi32>, vector<16xi1> -> vector<16xi32>
      %reduce_max3A_2761 = arith.xori %reduce_max3A_2760, %reduce_max3A_2758 : vector<16xi32>
      %reduce_max3A_2762 = vector.extract %reduce_max3A_2761[15] : i32 from vector<16xi32>
      %max3A_2763 = arith.maxsi %max3A_2730, %reduce_max3A_2762 : i32
      %add3A_2764 = arith.addi %add3A_2731, %reduce_sum3A_2739 : i32
      %get3A_2765 = arith.constant 12 : i32
      %get3A_2766 = arith.index_cast %get3A_2765 : i32 to index
      %get3A_2767 = arith.constant 0 : index
      %get3A_2768 = tpu.vector_load %arg8[%get3A_2766, %get3A_2767] {strides = array<i32>} : memref<16x16xi32, #tpu.memory_space<vmem>>, vector<16xi32>,
      %reduce_sum3A_2769 = arith.constant true
      %reduce_sum3A_2770 = vector.broadcast %reduce_sum3A_2769 : i1 to vector<16xi1>
      %reduce_sum3A_2771 = tpu.scan <sum>, %get3A_2768 masked %reduce_sum3A_2770 : vector<16xi32>, vector<16xi1> -> vector<16xi32>
      %reduce_sum3A_2772 = vector.extract %reduce_sum3A_2771[15] : i32 from vector<16xi32>
      %broadcast_in_dim3A_2773 = arith.constant true
      %broadcast_in_dim3A_2774 = vector.broadcast %broadcast_in_dim3A_2773 : i1 to vector<16xi1>
      %masked_cumsum3A_2775 = tpu.scan <sum>, %get3A_2768 masked %broadcast_in_dim3A_2774 : vector<16xi32>, vector<16xi1> -> vector<16xi32>
      %add3A_2776 = arith.addi %add3A_2764, %reduce_sum3A_2772 : i32
      %sub3A_2777 = vector.broadcast %add3A_2776 : i32 to vector<16xi32>
      %sub3A_2778 = arith.subi %sub3A_2777, %masked_cumsum3A_2775 : vector<16xi32>
      %add3A_2779 = arith.addi %sub3A_2778, %get3A_2768 : vector<16xi32>
      %ge3A_2780 = vector.broadcast %sub3A_2561 : i32 to vector<16xi32>
      %ge3A_2781 = arith.cmpi sge, %add3A_2779, %ge3A_2780 : vector<16xi32>
      %add3A_2782 = arith.constant 192 : i32
      %add3A_2783 = vector.broadcast %add3A_2782 : i32 to vector<16xi32>
      %add3A_2784 = arith.addi %iota3A, %add3A_2783 : vector<16xi32>
      %jit3A_2785 = arith.constant 0 : i32
      %broadcast_in_dim3A_2786 = vector.broadcast %jit3A_2785 : i32 to vector<16xi32>
      %select_n3A_2787 = arith.select %ge3A_2781, %add3A_2784, %broadcast_in_dim3A_2786 : vector<16xi1>, vector<16xi32>
      %reduce_max3A_2788 = arith.constant true
      %reduce_max3A_2789 = vector.broadcast %reduce_max3A_2788 : i1 to vector<16xi1>
      %reduce_max3A_2790 = arith.constant -2147483648 : i32
      %reduce_max3A_2791 = vector.broadcast %reduce_max3A_2790 : i32 to vector<16xi32>
      %reduce_max3A_2792 = arith.xori %select_n3A_2787, %reduce_max3A_2791 : vector<16xi32>
      %reduce_max3A_2793 = tpu.scan <max>, %reduce_max3A_2792 masked %reduce_max3A_2789 : vector<16xi32>, vector<16xi1> -> vector<16xi32>
      %reduce_max3A_2794 = arith.xori %reduce_max3A_2793, %reduce_max3A_2791 : vector<16xi32>
      %reduce_max3A_2795 = vector.extract %reduce_max3A_2794[15] : i32 from vector<16xi32>
      %max3A_2796 = arith.maxsi %max3A_2763, %reduce_max3A_2795 : i32
      %add3A_2797 = arith.addi %add3A_2764, %reduce_sum3A_2772 : i32
      %get3A_2798 = arith.constant 11 : i32
      %get3A_2799 = arith.index_cast %get3A_2798 : i32 to index
      %get3A_2800 = arith.constant 0 : index
      %get3A_2801 = tpu.vector_load %arg8[%get3A_2799, %get3A_2800] {strides = array<i32>} : memref<16x16xi32, #tpu.memory_space<vmem>>, vector<16xi32>,
      %reduce_sum3A_2802 = arith.constant true
      %reduce_sum3A_2803 = vector.broadcast %reduce_sum3A_2802 : i1 to vector<16xi1>
      %reduce_sum3A_2804 = tpu.scan <sum>, %get3A_2801 masked %reduce_sum3A_2803 : vector<16xi32>, vector<16xi1> -> vector<16xi32>
      %reduce_sum3A_2805 = vector.extract %reduce_sum3A_2804[15] : i32 from vector<16xi32>
      %broadcast_in_dim3A_2806 = arith.constant true
      %broadcast_in_dim3A_2807 = vector.broadcast %broadcast_in_dim3A_2806 : i1 to vector<16xi1>
      %masked_cumsum3A_2808 = tpu.scan <sum>, %get3A_2801 masked %broadcast_in_dim3A_2807 : vector<16xi32>, vector<16xi1> -> vector<16xi32>
      %add3A_2809 = arith.addi %add3A_2797, %reduce_sum3A_2805 : i32
      %sub3A_2810 = vector.broadcast %add3A_2809 : i32 to vector<16xi32>
      %sub3A_2811 = arith.subi %sub3A_2810, %masked_cumsum3A_2808 : vector<16xi32>
      %add3A_2812 = arith.addi %sub3A_2811, %get3A_2801 : vector<16xi32>
      %ge3A_2813 = vector.broadcast %sub3A_2561 : i32 to vector<16xi32>
      %ge3A_2814 = arith.cmpi sge, %add3A_2812, %ge3A_2813 : vector<16xi32>
      %add3A_2815 = arith.constant 176 : i32
      %add3A_2816 = vector.broadcast %add3A_2815 : i32 to vector<16xi32>
      %add3A_2817 = arith.addi %iota3A, %add3A_2816 : vector<16xi32>
      %jit3A_2818 = arith.constant 0 : i32
      %broadcast_in_dim3A_2819 = vector.broadcast %jit3A_2818 : i32 to vector<16xi32>
      %select_n3A_2820 = arith.select %ge3A_2814, %add3A_2817, %broadcast_in_dim3A_2819 : vector<16xi1>, vector<16xi32>
      %reduce_max3A_2821 = arith.constant true
      %reduce_max3A_2822 = vector.broadcast %reduce_max3A_2821 : i1 to vector<16xi1>
      %reduce_max3A_2823 = arith.constant -2147483648 : i32
      %reduce_max3A_2824 = vector.broadcast %reduce_max3A_2823 : i32 to vector<16xi32>
      %reduce_max3A_2825 = arith.xori %select_n3A_2820, %reduce_max3A_2824 : vector<16xi32>
      %reduce_max3A_2826 = tpu.scan <max>, %reduce_max3A_2825 masked %reduce_max3A_2822 : vector<16xi32>, vector<16xi1> -> vector<16xi32>
      %reduce_max3A_2827 = arith.xori %reduce_max3A_2826, %reduce_max3A_2824 : vector<16xi32>
      %reduce_max3A_2828 = vector.extract %reduce_max3A_2827[15] : i32 from vector<16xi32>
      %max3A_2829 = arith.maxsi %max3A_2796, %reduce_max3A_2828 : i32
      %add3A_2830 = arith.addi %add3A_2797, %reduce_sum3A_2805 : i32
      %get3A_2831 = arith.constant 10 : i32
      %get3A_2832 = arith.index_cast %get3A_2831 : i32 to index
      %get3A_2833 = arith.constant 0 : index
      %get3A_2834 = tpu.vector_load %arg8[%get3A_2832, %get3A_2833] {strides = array<i32>} : memref<16x16xi32, #tpu.memory_space<vmem>>, vector<16xi32>,
      %reduce_sum3A_2835 = arith.constant true
      %reduce_sum3A_2836 = vector.broadcast %reduce_sum3A_2835 : i1 to vector<16xi1>
      %reduce_sum3A_2837 = tpu.scan <sum>, %get3A_2834 masked %reduce_sum3A_2836 : vector<16xi32>, vector<16xi1> -> vector<16xi32>
      %reduce_sum3A_2838 = vector.extract %reduce_sum3A_2837[15] : i32 from vector<16xi32>
      %broadcast_in_dim3A_2839 = arith.constant true
      %broadcast_in_dim3A_2840 = vector.broadcast %broadcast_in_dim3A_2839 : i1 to vector<16xi1>
      %masked_cumsum3A_2841 = tpu.scan <sum>, %get3A_2834 masked %broadcast_in_dim3A_2840 : vector<16xi32>, vector<16xi1> -> vector<16xi32>
      %add3A_2842 = arith.addi %add3A_2830, %reduce_sum3A_2838 : i32
      %sub3A_2843 = vector.broadcast %add3A_2842 : i32 to vector<16xi32>
      %sub3A_2844 = arith.subi %sub3A_2843, %masked_cumsum3A_2841 : vector<16xi32>
      %add3A_2845 = arith.addi %sub3A_2844, %get3A_2834 : vector<16xi32>
      %ge3A_2846 = vector.broadcast %sub3A_2561 : i32 to vector<16xi32>
      %ge3A_2847 = arith.cmpi sge, %add3A_2845, %ge3A_2846 : vector<16xi32>
      %add3A_2848 = arith.constant 160 : i32
      %add3A_2849 = vector.broadcast %add3A_2848 : i32 to vector<16xi32>
      %add3A_2850 = arith.addi %iota3A, %add3A_2849 : vector<16xi32>
      %jit3A_2851 = arith.constant 0 : i32
      %broadcast_in_dim3A_2852 = vector.broadcast %jit3A_2851 : i32 to vector<16xi32>
      %select_n3A_2853 = arith.select %ge3A_2847, %add3A_2850, %broadcast_in_dim3A_2852 : vector<16xi1>, vector<16xi32>
      %reduce_max3A_2854 = arith.constant true
      %reduce_max3A_2855 = vector.broadcast %reduce_max3A_2854 : i1 to vector<16xi1>
      %reduce_max3A_2856 = arith.constant -2147483648 : i32
      %reduce_max3A_2857 = vector.broadcast %reduce_max3A_2856 : i32 to vector<16xi32>
      %reduce_max3A_2858 = arith.xori %select_n3A_2853, %reduce_max3A_2857 : vector<16xi32>
      %reduce_max3A_2859 = tpu.scan <max>, %reduce_max3A_2858 masked %reduce_max3A_2855 : vector<16xi32>, vector<16xi1> -> vector<16xi32>
      %reduce_max3A_2860 = arith.xori %reduce_max3A_2859, %reduce_max3A_2857 : vector<16xi32>
      %reduce_max3A_2861 = vector.extract %reduce_max3A_2860[15] : i32 from vector<16xi32>
      %max3A_2862 = arith.maxsi %max3A_2829, %reduce_max3A_2861 : i32
      %add3A_2863 = arith.addi %add3A_2830, %reduce_sum3A_2838 : i32
      %get3A_2864 = arith.constant 9 : i32
      %get3A_2865 = arith.index_cast %get3A_2864 : i32 to index
      %get3A_2866 = arith.constant 0 : index
      %get3A_2867 = tpu.vector_load %arg8[%get3A_2865, %get3A_2866] {strides = array<i32>} : memref<16x16xi32, #tpu.memory_space<vmem>>, vector<16xi32>,
      %reduce_sum3A_2868 = arith.constant true
      %reduce_sum3A_2869 = vector.broadcast %reduce_sum3A_2868 : i1 to vector<16xi1>
      %reduce_sum3A_2870 = tpu.scan <sum>, %get3A_2867 masked %reduce_sum3A_2869 : vector<16xi32>, vector<16xi1> -> vector<16xi32>
      %reduce_sum3A_2871 = vector.extract %reduce_sum3A_2870[15] : i32 from vector<16xi32>
      %broadcast_in_dim3A_2872 = arith.constant true
      %broadcast_in_dim3A_2873 = vector.broadcast %broadcast_in_dim3A_2872 : i1 to vector<16xi1>
      %masked_cumsum3A_2874 = tpu.scan <sum>, %get3A_2867 masked %broadcast_in_dim3A_2873 : vector<16xi32>, vector<16xi1> -> vector<16xi32>
      %add3A_2875 = arith.addi %add3A_2863, %reduce_sum3A_2871 : i32
      %sub3A_2876 = vector.broadcast %add3A_2875 : i32 to vector<16xi32>
      %sub3A_2877 = arith.subi %sub3A_2876, %masked_cumsum3A_2874 : vector<16xi32>
      %add3A_2878 = arith.addi %sub3A_2877, %get3A_2867 : vector<16xi32>
      %ge3A_2879 = vector.broadcast %sub3A_2561 : i32 to vector<16xi32>
      %ge3A_2880 = arith.cmpi sge, %add3A_2878, %ge3A_2879 : vector<16xi32>
      %add3A_2881 = arith.constant 144 : i32
      %add3A_2882 = vector.broadcast %add3A_2881 : i32 to vector<16xi32>
      %add3A_2883 = arith.addi %iota3A, %add3A_2882 : vector<16xi32>
      %jit3A_2884 = arith.constant 0 : i32
      %broadcast_in_dim3A_2885 = vector.broadcast %jit3A_2884 : i32 to vector<16xi32>
      %select_n3A_2886 = arith.select %ge3A_2880, %add3A_2883, %broadcast_in_dim3A_2885 : vector<16xi1>, vector<16xi32>
      %reduce_max3A_2887 = arith.constant true
      %reduce_max3A_2888 = vector.broadcast %reduce_max3A_2887 : i1 to vector<16xi1>
      %reduce_max3A_2889 = arith.constant -2147483648 : i32
      %reduce_max3A_2890 = vector.broadcast %reduce_max3A_2889 : i32 to vector<16xi32>
      %reduce_max3A_2891 = arith.xori %select_n3A_2886, %reduce_max3A_2890 : vector<16xi32>
      %reduce_max3A_2892 = tpu.scan <max>, %reduce_max3A_2891 masked %reduce_max3A_2888 : vector<16xi32>, vector<16xi1> -> vector<16xi32>
      %reduce_max3A_2893 = arith.xori %reduce_max3A_2892, %reduce_max3A_2890 : vector<16xi32>
      %reduce_max3A_2894 = vector.extract %reduce_max3A_2893[15] : i32 from vector<16xi32>
      %max3A_2895 = arith.maxsi %max3A_2862, %reduce_max3A_2894 : i32
      %add3A_2896 = arith.addi %add3A_2863, %reduce_sum3A_2871 : i32
      %get3A_2897 = arith.constant 8 : i32
      %get3A_2898 = arith.index_cast %get3A_2897 : i32 to index
      %get3A_2899 = arith.constant 0 : index
      %get3A_2900 = tpu.vector_load %arg8[%get3A_2898, %get3A_2899] {strides = array<i32>} : memref<16x16xi32, #tpu.memory_space<vmem>>, vector<16xi32>,
      %reduce_sum3A_2901 = arith.constant true
      %reduce_sum3A_2902 = vector.broadcast %reduce_sum3A_2901 : i1 to vector<16xi1>
      %reduce_sum3A_2903 = tpu.scan <sum>, %get3A_2900 masked %reduce_sum3A_2902 : vector<16xi32>, vector<16xi1> -> vector<16xi32>
      %reduce_sum3A_2904 = vector.extract %reduce_sum3A_2903[15] : i32 from vector<16xi32>
      %broadcast_in_dim3A_2905 = arith.constant true
      %broadcast_in_dim3A_2906 = vector.broadcast %broadcast_in_dim3A_2905 : i1 to vector<16xi1>
      %masked_cumsum3A_2907 = tpu.scan <sum>, %get3A_2900 masked %broadcast_in_dim3A_2906 : vector<16xi32>, vector<16xi1> -> vector<16xi32>
      %add3A_2908 = arith.addi %add3A_2896, %reduce_sum3A_2904 : i32
      %sub3A_2909 = vector.broadcast %add3A_2908 : i32 to vector<16xi32>
      %sub3A_2910 = arith.subi %sub3A_2909, %masked_cumsum3A_2907 : vector<16xi32>
      %add3A_2911 = arith.addi %sub3A_2910, %get3A_2900 : vector<16xi32>
      %ge3A_2912 = vector.broadcast %sub3A_2561 : i32 to vector<16xi32>
      %ge3A_2913 = arith.cmpi sge, %add3A_2911, %ge3A_2912 : vector<16xi32>
      %add3A_2914 = arith.constant 128 : i32
      %add3A_2915 = vector.broadcast %add3A_2914 : i32 to vector<16xi32>
      %add3A_2916 = arith.addi %iota3A, %add3A_2915 : vector<16xi32>
      %jit3A_2917 = arith.constant 0 : i32
      %broadcast_in_dim3A_2918 = vector.broadcast %jit3A_2917 : i32 to vector<16xi32>
      %select_n3A_2919 = arith.select %ge3A_2913, %add3A_2916, %broadcast_in_dim3A_2918 : vector<16xi1>, vector<16xi32>
      %reduce_max3A_2920 = arith.constant true
      %reduce_max3A_2921 = vector.broadcast %reduce_max3A_2920 : i1 to vector<16xi1>
      %reduce_max3A_2922 = arith.constant -2147483648 : i32
      %reduce_max3A_2923 = vector.broadcast %reduce_max3A_2922 : i32 to vector<16xi32>
      %reduce_max3A_2924 = arith.xori %select_n3A_2919, %reduce_max3A_2923 : vector<16xi32>
      %reduce_max3A_2925 = tpu.scan <max>, %reduce_max3A_2924 masked %reduce_max3A_2921 : vector<16xi32>, vector<16xi1> -> vector<16xi32>
      %reduce_max3A_2926 = arith.xori %reduce_max3A_2925, %reduce_max3A_2923 : vector<16xi32>
      %reduce_max3A_2927 = vector.extract %reduce_max3A_2926[15] : i32 from vector<16xi32>
      %max3A_2928 = arith.maxsi %max3A_2895, %reduce_max3A_2927 : i32
      %add3A_2929 = arith.addi %add3A_2896, %reduce_sum3A_2904 : i32
      %get3A_2930 = arith.constant 7 : i32
      %get3A_2931 = arith.index_cast %get3A_2930 : i32 to index
      %get3A_2932 = arith.constant 0 : index
      %get3A_2933 = tpu.vector_load %arg8[%get3A_2931, %get3A_2932] {strides = array<i32>} : memref<16x16xi32, #tpu.memory_space<vmem>>, vector<16xi32>,
      %reduce_sum3A_2934 = arith.constant true
      %reduce_sum3A_2935 = vector.broadcast %reduce_sum3A_2934 : i1 to vector<16xi1>
      %reduce_sum3A_2936 = tpu.scan <sum>, %get3A_2933 masked %reduce_sum3A_2935 : vector<16xi32>, vector<16xi1> -> vector<16xi32>
      %reduce_sum3A_2937 = vector.extract %reduce_sum3A_2936[15] : i32 from vector<16xi32>
      %broadcast_in_dim3A_2938 = arith.constant true
      %broadcast_in_dim3A_2939 = vector.broadcast %broadcast_in_dim3A_2938 : i1 to vector<16xi1>
      %masked_cumsum3A_2940 = tpu.scan <sum>, %get3A_2933 masked %broadcast_in_dim3A_2939 : vector<16xi32>, vector<16xi1> -> vector<16xi32>
      %add3A_2941 = arith.addi %add3A_2929, %reduce_sum3A_2937 : i32
      %sub3A_2942 = vector.broadcast %add3A_2941 : i32 to vector<16xi32>
      %sub3A_2943 = arith.subi %sub3A_2942, %masked_cumsum3A_2940 : vector<16xi32>
      %add3A_2944 = arith.addi %sub3A_2943, %get3A_2933 : vector<16xi32>
      %ge3A_2945 = vector.broadcast %sub3A_2561 : i32 to vector<16xi32>
      %ge3A_2946 = arith.cmpi sge, %add3A_2944, %ge3A_2945 : vector<16xi32>
      %add3A_2947 = arith.constant 112 : i32
      %add3A_2948 = vector.broadcast %add3A_2947 : i32 to vector<16xi32>
      %add3A_2949 = arith.addi %iota3A, %add3A_2948 : vector<16xi32>
      %jit3A_2950 = arith.constant 0 : i32
      %broadcast_in_dim3A_2951 = vector.broadcast %jit3A_2950 : i32 to vector<16xi32>
      %select_n3A_2952 = arith.select %ge3A_2946, %add3A_2949, %broadcast_in_dim3A_2951 : vector<16xi1>, vector<16xi32>
      %reduce_max3A_2953 = arith.constant true
      %reduce_max3A_2954 = vector.broadcast %reduce_max3A_2953 : i1 to vector<16xi1>
      %reduce_max3A_2955 = arith.constant -2147483648 : i32
      %reduce_max3A_2956 = vector.broadcast %reduce_max3A_2955 : i32 to vector<16xi32>
      %reduce_max3A_2957 = arith.xori %select_n3A_2952, %reduce_max3A_2956 : vector<16xi32>
      %reduce_max3A_2958 = tpu.scan <max>, %reduce_max3A_2957 masked %reduce_max3A_2954 : vector<16xi32>, vector<16xi1> -> vector<16xi32>
      %reduce_max3A_2959 = arith.xori %reduce_max3A_2958, %reduce_max3A_2956 : vector<16xi32>
      %reduce_max3A_2960 = vector.extract %reduce_max3A_2959[15] : i32 from vector<16xi32>
      %max3A_2961 = arith.maxsi %max3A_2928, %reduce_max3A_2960 : i32
      %add3A_2962 = arith.addi %add3A_2929, %reduce_sum3A_2937 : i32
      %get3A_2963 = arith.constant 6 : i32
      %get3A_2964 = arith.index_cast %get3A_2963 : i32 to index
      %get3A_2965 = arith.constant 0 : index
      %get3A_2966 = tpu.vector_load %arg8[%get3A_2964, %get3A_2965] {strides = array<i32>} : memref<16x16xi32, #tpu.memory_space<vmem>>, vector<16xi32>,
      %reduce_sum3A_2967 = arith.constant true
      %reduce_sum3A_2968 = vector.broadcast %reduce_sum3A_2967 : i1 to vector<16xi1>
      %reduce_sum3A_2969 = tpu.scan <sum>, %get3A_2966 masked %reduce_sum3A_2968 : vector<16xi32>, vector<16xi1> -> vector<16xi32>
      %reduce_sum3A_2970 = vector.extract %reduce_sum3A_2969[15] : i32 from vector<16xi32>
      %broadcast_in_dim3A_2971 = arith.constant true
      %broadcast_in_dim3A_2972 = vector.broadcast %broadcast_in_dim3A_2971 : i1 to vector<16xi1>
      %masked_cumsum3A_2973 = tpu.scan <sum>, %get3A_2966 masked %broadcast_in_dim3A_2972 : vector<16xi32>, vector<16xi1> -> vector<16xi32>
      %add3A_2974 = arith.addi %add3A_2962, %reduce_sum3A_2970 : i32
      %sub3A_2975 = vector.broadcast %add3A_2974 : i32 to vector<16xi32>
      %sub3A_2976 = arith.subi %sub3A_2975, %masked_cumsum3A_2973 : vector<16xi32>
      %add3A_2977 = arith.addi %sub3A_2976, %get3A_2966 : vector<16xi32>
      %ge3A_2978 = vector.broadcast %sub3A_2561 : i32 to vector<16xi32>
      %ge3A_2979 = arith.cmpi sge, %add3A_2977, %ge3A_2978 : vector<16xi32>
      %add3A_2980 = arith.constant 96 : i32
      %add3A_2981 = vector.broadcast %add3A_2980 : i32 to vector<16xi32>
      %add3A_2982 = arith.addi %iota3A, %add3A_2981 : vector<16xi32>
      %jit3A_2983 = arith.constant 0 : i32
      %broadcast_in_dim3A_2984 = vector.broadcast %jit3A_2983 : i32 to vector<16xi32>
      %select_n3A_2985 = arith.select %ge3A_2979, %add3A_2982, %broadcast_in_dim3A_2984 : vector<16xi1>, vector<16xi32>
      %reduce_max3A_2986 = arith.constant true
      %reduce_max3A_2987 = vector.broadcast %reduce_max3A_2986 : i1 to vector<16xi1>
      %reduce_max3A_2988 = arith.constant -2147483648 : i32
      %reduce_max3A_2989 = vector.broadcast %reduce_max3A_2988 : i32 to vector<16xi32>
      %reduce_max3A_2990 = arith.xori %select_n3A_2985, %reduce_max3A_2989 : vector<16xi32>
      %reduce_max3A_2991 = tpu.scan <max>, %reduce_max3A_2990 masked %reduce_max3A_2987 : vector<16xi32>, vector<16xi1> -> vector<16xi32>
      %reduce_max3A_2992 = arith.xori %reduce_max3A_2991, %reduce_max3A_2989 : vector<16xi32>
      %reduce_max3A_2993 = vector.extract %reduce_max3A_2992[15] : i32 from vector<16xi32>
      %max3A_2994 = arith.maxsi %max3A_2961, %reduce_max3A_2993 : i32
      %add3A_2995 = arith.addi %add3A_2962, %reduce_sum3A_2970 : i32
      %get3A_2996 = arith.constant 5 : i32
      %get3A_2997 = arith.index_cast %get3A_2996 : i32 to index
      %get3A_2998 = arith.constant 0 : index
      %get3A_2999 = tpu.vector_load %arg8[%get3A_2997, %get3A_2998] {strides = array<i32>} : memref<16x16xi32, #tpu.memory_space<vmem>>, vector<16xi32>,
      %reduce_sum3A_3000 = arith.constant true
      %reduce_sum3A_3001 = vector.broadcast %reduce_sum3A_3000 : i1 to vector<16xi1>
      %reduce_sum3A_3002 = tpu.scan <sum>, %get3A_2999 masked %reduce_sum3A_3001 : vector<16xi32>, vector<16xi1> -> vector<16xi32>
      %reduce_sum3A_3003 = vector.extract %reduce_sum3A_3002[15] : i32 from vector<16xi32>
      %broadcast_in_dim3A_3004 = arith.constant true
      %broadcast_in_dim3A_3005 = vector.broadcast %broadcast_in_dim3A_3004 : i1 to vector<16xi1>
      %masked_cumsum3A_3006 = tpu.scan <sum>, %get3A_2999 masked %broadcast_in_dim3A_3005 : vector<16xi32>, vector<16xi1> -> vector<16xi32>
      %add3A_3007 = arith.addi %add3A_2995, %reduce_sum3A_3003 : i32
      %sub3A_3008 = vector.broadcast %add3A_3007 : i32 to vector<16xi32>
      %sub3A_3009 = arith.subi %sub3A_3008, %masked_cumsum3A_3006 : vector<16xi32>
      %add3A_3010 = arith.addi %sub3A_3009, %get3A_2999 : vector<16xi32>
      %ge3A_3011 = vector.broadcast %sub3A_2561 : i32 to vector<16xi32>
      %ge3A_3012 = arith.cmpi sge, %add3A_3010, %ge3A_3011 : vector<16xi32>
      %add3A_3013 = arith.constant 80 : i32
      %add3A_3014 = vector.broadcast %add3A_3013 : i32 to vector<16xi32>
      %add3A_3015 = arith.addi %iota3A, %add3A_3014 : vector<16xi32>
      %jit3A_3016 = arith.constant 0 : i32
      %broadcast_in_dim3A_3017 = vector.broadcast %jit3A_3016 : i32 to vector<16xi32>
      %select_n3A_3018 = arith.select %ge3A_3012, %add3A_3015, %broadcast_in_dim3A_3017 : vector<16xi1>, vector<16xi32>
      %reduce_max3A_3019 = arith.constant true
      %reduce_max3A_3020 = vector.broadcast %reduce_max3A_3019 : i1 to vector<16xi1>
      %reduce_max3A_3021 = arith.constant -2147483648 : i32
      %reduce_max3A_3022 = vector.broadcast %reduce_max3A_3021 : i32 to vector<16xi32>
      %reduce_max3A_3023 = arith.xori %select_n3A_3018, %reduce_max3A_3022 : vector<16xi32>
      %reduce_max3A_3024 = tpu.scan <max>, %reduce_max3A_3023 masked %reduce_max3A_3020 : vector<16xi32>, vector<16xi1> -> vector<16xi32>
      %reduce_max3A_3025 = arith.xori %reduce_max3A_3024, %reduce_max3A_3022 : vector<16xi32>
      %reduce_max3A_3026 = vector.extract %reduce_max3A_3025[15] : i32 from vector<16xi32>
      %max3A_3027 = arith.maxsi %max3A_2994, %reduce_max3A_3026 : i32
      %add3A_3028 = arith.addi %add3A_2995, %reduce_sum3A_3003 : i32
      %get3A_3029 = arith.constant 4 : i32
      %get3A_3030 = arith.index_cast %get3A_3029 : i32 to index
      %get3A_3031 = arith.constant 0 : index
      %get3A_3032 = tpu.vector_load %arg8[%get3A_3030, %get3A_3031] {strides = array<i32>} : memref<16x16xi32, #tpu.memory_space<vmem>>, vector<16xi32>,
      %reduce_sum3A_3033 = arith.constant true
      %reduce_sum3A_3034 = vector.broadcast %reduce_sum3A_3033 : i1 to vector<16xi1>
      %reduce_sum3A_3035 = tpu.scan <sum>, %get3A_3032 masked %reduce_sum3A_3034 : vector<16xi32>, vector<16xi1> -> vector<16xi32>
      %reduce_sum3A_3036 = vector.extract %reduce_sum3A_3035[15] : i32 from vector<16xi32>
      %broadcast_in_dim3A_3037 = arith.constant true
      %broadcast_in_dim3A_3038 = vector.broadcast %broadcast_in_dim3A_3037 : i1 to vector<16xi1>
      %masked_cumsum3A_3039 = tpu.scan <sum>, %get3A_3032 masked %broadcast_in_dim3A_3038 : vector<16xi32>, vector<16xi1> -> vector<16xi32>
      %add3A_3040 = arith.addi %add3A_3028, %reduce_sum3A_3036 : i32
      %sub3A_3041 = vector.broadcast %add3A_3040 : i32 to vector<16xi32>
      %sub3A_3042 = arith.subi %sub3A_3041, %masked_cumsum3A_3039 : vector<16xi32>
      %add3A_3043 = arith.addi %sub3A_3042, %get3A_3032 : vector<16xi32>
      %ge3A_3044 = vector.broadcast %sub3A_2561 : i32 to vector<16xi32>
      %ge3A_3045 = arith.cmpi sge, %add3A_3043, %ge3A_3044 : vector<16xi32>
      %add3A_3046 = arith.constant 64 : i32
      %add3A_3047 = vector.broadcast %add3A_3046 : i32 to vector<16xi32>
      %add3A_3048 = arith.addi %iota3A, %add3A_3047 : vector<16xi32>
      %jit3A_3049 = arith.constant 0 : i32
      %broadcast_in_dim3A_3050 = vector.broadcast %jit3A_3049 : i32 to vector<16xi32>
      %select_n3A_3051 = arith.select %ge3A_3045, %add3A_3048, %broadcast_in_dim3A_3050 : vector<16xi1>, vector<16xi32>
      %reduce_max3A_3052 = arith.constant true
      %reduce_max3A_3053 = vector.broadcast %reduce_max3A_3052 : i1 to vector<16xi1>
      %reduce_max3A_3054 = arith.constant -2147483648 : i32
      %reduce_max3A_3055 = vector.broadcast %reduce_max3A_3054 : i32 to vector<16xi32>
      %reduce_max3A_3056 = arith.xori %select_n3A_3051, %reduce_max3A_3055 : vector<16xi32>
      %reduce_max3A_3057 = tpu.scan <max>, %reduce_max3A_3056 masked %reduce_max3A_3053 : vector<16xi32>, vector<16xi1> -> vector<16xi32>
      %reduce_max3A_3058 = arith.xori %reduce_max3A_3057, %reduce_max3A_3055 : vector<16xi32>
      %reduce_max3A_3059 = vector.extract %reduce_max3A_3058[15] : i32 from vector<16xi32>
      %max3A_3060 = arith.maxsi %max3A_3027, %reduce_max3A_3059 : i32
      %add3A_3061 = arith.addi %add3A_3028, %reduce_sum3A_3036 : i32
      %get3A_3062 = arith.constant 3 : i32
      %get3A_3063 = arith.index_cast %get3A_3062 : i32 to index
      %get3A_3064 = arith.constant 0 : index
      %get3A_3065 = tpu.vector_load %arg8[%get3A_3063, %get3A_3064] {strides = array<i32>} : memref<16x16xi32, #tpu.memory_space<vmem>>, vector<16xi32>,
      %reduce_sum3A_3066 = arith.constant true
      %reduce_sum3A_3067 = vector.broadcast %reduce_sum3A_3066 : i1 to vector<16xi1>
      %reduce_sum3A_3068 = tpu.scan <sum>, %get3A_3065 masked %reduce_sum3A_3067 : vector<16xi32>, vector<16xi1> -> vector<16xi32>
      %reduce_sum3A_3069 = vector.extract %reduce_sum3A_3068[15] : i32 from vector<16xi32>
      %broadcast_in_dim3A_3070 = arith.constant true
      %broadcast_in_dim3A_3071 = vector.broadcast %broadcast_in_dim3A_3070 : i1 to vector<16xi1>
      %masked_cumsum3A_3072 = tpu.scan <sum>, %get3A_3065 masked %broadcast_in_dim3A_3071 : vector<16xi32>, vector<16xi1> -> vector<16xi32>
      %add3A_3073 = arith.addi %add3A_3061, %reduce_sum3A_3069 : i32
      %sub3A_3074 = vector.broadcast %add3A_3073 : i32 to vector<16xi32>
      %sub3A_3075 = arith.subi %sub3A_3074, %masked_cumsum3A_3072 : vector<16xi32>
      %add3A_3076 = arith.addi %sub3A_3075, %get3A_3065 : vector<16xi32>
      %ge3A_3077 = vector.broadcast %sub3A_2561 : i32 to vector<16xi32>
      %ge3A_3078 = arith.cmpi sge, %add3A_3076, %ge3A_3077 : vector<16xi32>
      %add3A_3079 = arith.constant 48 : i32
      %add3A_3080 = vector.broadcast %add3A_3079 : i32 to vector<16xi32>
      %add3A_3081 = arith.addi %iota3A, %add3A_3080 : vector<16xi32>
      %jit3A_3082 = arith.constant 0 : i32
      %broadcast_in_dim3A_3083 = vector.broadcast %jit3A_3082 : i32 to vector<16xi32>
      %select_n3A_3084 = arith.select %ge3A_3078, %add3A_3081, %broadcast_in_dim3A_3083 : vector<16xi1>, vector<16xi32>
      %reduce_max3A_3085 = arith.constant true
      %reduce_max3A_3086 = vector.broadcast %reduce_max3A_3085 : i1 to vector<16xi1>
      %reduce_max3A_3087 = arith.constant -2147483648 : i32
      %reduce_max3A_3088 = vector.broadcast %reduce_max3A_3087 : i32 to vector<16xi32>
      %reduce_max3A_3089 = arith.xori %select_n3A_3084, %reduce_max3A_3088 : vector<16xi32>
      %reduce_max3A_3090 = tpu.scan <max>, %reduce_max3A_3089 masked %reduce_max3A_3086 : vector<16xi32>, vector<16xi1> -> vector<16xi32>
      %reduce_max3A_3091 = arith.xori %reduce_max3A_3090, %reduce_max3A_3088 : vector<16xi32>
      %reduce_max3A_3092 = vector.extract %reduce_max3A_3091[15] : i32 from vector<16xi32>
      %max3A_3093 = arith.maxsi %max3A_3060, %reduce_max3A_3092 : i32
      %add3A_3094 = arith.addi %add3A_3061, %reduce_sum3A_3069 : i32
      %get3A_3095 = arith.constant 2 : i32
      %get3A_3096 = arith.index_cast %get3A_3095 : i32 to index
      %get3A_3097 = arith.constant 0 : index
      %get3A_3098 = tpu.vector_load %arg8[%get3A_3096, %get3A_3097] {strides = array<i32>} : memref<16x16xi32, #tpu.memory_space<vmem>>, vector<16xi32>,
      %reduce_sum3A_3099 = arith.constant true
      %reduce_sum3A_3100 = vector.broadcast %reduce_sum3A_3099 : i1 to vector<16xi1>
      %reduce_sum3A_3101 = tpu.scan <sum>, %get3A_3098 masked %reduce_sum3A_3100 : vector<16xi32>, vector<16xi1> -> vector<16xi32>
      %reduce_sum3A_3102 = vector.extract %reduce_sum3A_3101[15] : i32 from vector<16xi32>
      %broadcast_in_dim3A_3103 = arith.constant true
      %broadcast_in_dim3A_3104 = vector.broadcast %broadcast_in_dim3A_3103 : i1 to vector<16xi1>
      %masked_cumsum3A_3105 = tpu.scan <sum>, %get3A_3098 masked %broadcast_in_dim3A_3104 : vector<16xi32>, vector<16xi1> -> vector<16xi32>
      %add3A_3106 = arith.addi %add3A_3094, %reduce_sum3A_3102 : i32
      %sub3A_3107 = vector.broadcast %add3A_3106 : i32 to vector<16xi32>
      %sub3A_3108 = arith.subi %sub3A_3107, %masked_cumsum3A_3105 : vector<16xi32>
      %add3A_3109 = arith.addi %sub3A_3108, %get3A_3098 : vector<16xi32>
      %ge3A_3110 = vector.broadcast %sub3A_2561 : i32 to vector<16xi32>
      %ge3A_3111 = arith.cmpi sge, %add3A_3109, %ge3A_3110 : vector<16xi32>
      %add3A_3112 = arith.constant 32 : i32
      %add3A_3113 = vector.broadcast %add3A_3112 : i32 to vector<16xi32>
      %add3A_3114 = arith.addi %iota3A, %add3A_3113 : vector<16xi32>
      %jit3A_3115 = arith.constant 0 : i32
      %broadcast_in_dim3A_3116 = vector.broadcast %jit3A_3115 : i32 to vector<16xi32>
      %select_n3A_3117 = arith.select %ge3A_3111, %add3A_3114, %broadcast_in_dim3A_3116 : vector<16xi1>, vector<16xi32>
      %reduce_max3A_3118 = arith.constant true
      %reduce_max3A_3119 = vector.broadcast %reduce_max3A_3118 : i1 to vector<16xi1>
      %reduce_max3A_3120 = arith.constant -2147483648 : i32
      %reduce_max3A_3121 = vector.broadcast %reduce_max3A_3120 : i32 to vector<16xi32>
      %reduce_max3A_3122 = arith.xori %select_n3A_3117, %reduce_max3A_3121 : vector<16xi32>
      %reduce_max3A_3123 = tpu.scan <max>, %reduce_max3A_3122 masked %reduce_max3A_3119 : vector<16xi32>, vector<16xi1> -> vector<16xi32>
      %reduce_max3A_3124 = arith.xori %reduce_max3A_3123, %reduce_max3A_3121 : vector<16xi32>
      %reduce_max3A_3125 = vector.extract %reduce_max3A_3124[15] : i32 from vector<16xi32>
      %max3A_3126 = arith.maxsi %max3A_3093, %reduce_max3A_3125 : i32
      %add3A_3127 = arith.addi %add3A_3094, %reduce_sum3A_3102 : i32
      %get3A_3128 = arith.constant 1 : i32
      %get3A_3129 = arith.index_cast %get3A_3128 : i32 to index
      %get3A_3130 = arith.constant 0 : index
      %get3A_3131 = tpu.vector_load %arg8[%get3A_3129, %get3A_3130] {strides = array<i32>} : memref<16x16xi32, #tpu.memory_space<vmem>>, vector<16xi32>,
      %reduce_sum3A_3132 = arith.constant true
      %reduce_sum3A_3133 = vector.broadcast %reduce_sum3A_3132 : i1 to vector<16xi1>
      %reduce_sum3A_3134 = tpu.scan <sum>, %get3A_3131 masked %reduce_sum3A_3133 : vector<16xi32>, vector<16xi1> -> vector<16xi32>
      %reduce_sum3A_3135 = vector.extract %reduce_sum3A_3134[15] : i32 from vector<16xi32>
      %broadcast_in_dim3A_3136 = arith.constant true
      %broadcast_in_dim3A_3137 = vector.broadcast %broadcast_in_dim3A_3136 : i1 to vector<16xi1>
      %masked_cumsum3A_3138 = tpu.scan <sum>, %get3A_3131 masked %broadcast_in_dim3A_3137 : vector<16xi32>, vector<16xi1> -> vector<16xi32>
      %add3A_3139 = arith.addi %add3A_3127, %reduce_sum3A_3135 : i32
      %sub3A_3140 = vector.broadcast %add3A_3139 : i32 to vector<16xi32>
      %sub3A_3141 = arith.subi %sub3A_3140, %masked_cumsum3A_3138 : vector<16xi32>
      %add3A_3142 = arith.addi %sub3A_3141, %get3A_3131 : vector<16xi32>
      %ge3A_3143 = vector.broadcast %sub3A_2561 : i32 to vector<16xi32>
      %ge3A_3144 = arith.cmpi sge, %add3A_3142, %ge3A_3143 : vector<16xi32>
      %add3A_3145 = arith.constant 16 : i32
      %add3A_3146 = vector.broadcast %add3A_3145 : i32 to vector<16xi32>
      %add3A_3147 = arith.addi %iota3A, %add3A_3146 : vector<16xi32>
      %jit3A_3148 = arith.constant 0 : i32
      %broadcast_in_dim3A_3149 = vector.broadcast %jit3A_3148 : i32 to vector<16xi32>
      %select_n3A_3150 = arith.select %ge3A_3144, %add3A_3147, %broadcast_in_dim3A_3149 : vector<16xi1>, vector<16xi32>
      %reduce_max3A_3151 = arith.constant true
      %reduce_max3A_3152 = vector.broadcast %reduce_max3A_3151 : i1 to vector<16xi1>
      %reduce_max3A_3153 = arith.constant -2147483648 : i32
      %reduce_max3A_3154 = vector.broadcast %reduce_max3A_3153 : i32 to vector<16xi32>
      %reduce_max3A_3155 = arith.xori %select_n3A_3150, %reduce_max3A_3154 : vector<16xi32>
      %reduce_max3A_3156 = tpu.scan <max>, %reduce_max3A_3155 masked %reduce_max3A_3152 : vector<16xi32>, vector<16xi1> -> vector<16xi32>
      %reduce_max3A_3157 = arith.xori %reduce_max3A_3156, %reduce_max3A_3154 : vector<16xi32>
      %reduce_max3A_3158 = vector.extract %reduce_max3A_3157[15] : i32 from vector<16xi32>
      %max3A_3159 = arith.maxsi %max3A_3126, %reduce_max3A_3158 : i32
      %add3A_3160 = arith.addi %add3A_3127, %reduce_sum3A_3135 : i32
      %get3A_3161 = arith.constant 0 : i32
      %get3A_3162 = arith.index_cast %get3A_3161 : i32 to index
      %get3A_3163 = arith.constant 0 : index
      %get3A_3164 = tpu.vector_load %arg8[%get3A_3162, %get3A_3163] {strides = array<i32>} : memref<16x16xi32, #tpu.memory_space<vmem>>, vector<16xi32>,
      %reduce_sum3A_3165 = arith.constant true
      %reduce_sum3A_3166 = vector.broadcast %reduce_sum3A_3165 : i1 to vector<16xi1>
      %reduce_sum3A_3167 = tpu.scan <sum>, %get3A_3164 masked %reduce_sum3A_3166 : vector<16xi32>, vector<16xi1> -> vector<16xi32>
      %reduce_sum3A_3168 = vector.extract %reduce_sum3A_3167[15] : i32 from vector<16xi32>
      %broadcast_in_dim3A_3169 = arith.constant true
      %broadcast_in_dim3A_3170 = vector.broadcast %broadcast_in_dim3A_3169 : i1 to vector<16xi1>
      %masked_cumsum3A_3171 = tpu.scan <sum>, %get3A_3164 masked %broadcast_in_dim3A_3170 : vector<16xi32>, vector<16xi1> -> vector<16xi32>
      %add3A_3172 = arith.addi %add3A_3160, %reduce_sum3A_3168 : i32
      %sub3A_3173 = vector.broadcast %add3A_3172 : i32 to vector<16xi32>
      %sub3A_3174 = arith.subi %sub3A_3173, %masked_cumsum3A_3171 : vector<16xi32>
      %add3A_3175 = arith.addi %sub3A_3174, %get3A_3164 : vector<16xi32>
      %ge3A_3176 = vector.broadcast %sub3A_2561 : i32 to vector<16xi32>
      %ge3A_3177 = arith.cmpi sge, %add3A_3175, %ge3A_3176 : vector<16xi32>
      %add3A_3178 = arith.constant 0 : i32
      %add3A_3179 = vector.broadcast %add3A_3178 : i32 to vector<16xi32>
      %add3A_3180 = arith.addi %iota3A, %add3A_3179 : vector<16xi32>
      %jit3A_3181 = arith.constant 0 : i32
      %broadcast_in_dim3A_3182 = vector.broadcast %jit3A_3181 : i32 to vector<16xi32>
      %select_n3A_3183 = arith.select %ge3A_3177, %add3A_3180, %broadcast_in_dim3A_3182 : vector<16xi1>, vector<16xi32>
      %reduce_max3A_3184 = arith.constant true
      %reduce_max3A_3185 = vector.broadcast %reduce_max3A_3184 : i1 to vector<16xi1>
      %reduce_max3A_3186 = arith.constant -2147483648 : i32
      %reduce_max3A_3187 = vector.broadcast %reduce_max3A_3186 : i32 to vector<16xi32>
      %reduce_max3A_3188 = arith.xori %select_n3A_3183, %reduce_max3A_3187 : vector<16xi32>
      %reduce_max3A_3189 = tpu.scan <max>, %reduce_max3A_3188 masked %reduce_max3A_3185 : vector<16xi32>, vector<16xi1> -> vector<16xi32>
      %reduce_max3A_3190 = arith.xori %reduce_max3A_3189, %reduce_max3A_3187 : vector<16xi32>
      %reduce_max3A_3191 = vector.extract %reduce_max3A_3190[15] : i32 from vector<16xi32>
      %max3A_3192 = arith.maxsi %max3A_3159, %reduce_max3A_3191 : i32
      %add3A_3193 = arith.addi %add3A_3160, %reduce_sum3A_3168 : i32
      %broadcast_in_dim3A_3194 = arith.constant 0 : i32
      %broadcast_in_dim3A_3195 = vector.broadcast %broadcast_in_dim3A_3194 : i32 to vector<16xi32>
      %add3A_3196 = arith.constant 0 : i32
      %add3A_3197 = vector.broadcast %add3A_3196 : i32 to vector<16xi32>
      %add3A_3198 = arith.addi %iota3A, %add3A_3197 : vector<16xi32>
      %gt3A_3199 = vector.broadcast %max3A_3192 : i32 to vector<16xi32>
      %gt3A_3200 = arith.cmpi sgt, %add3A_3198, %gt3A_3199 : vector<16xi32>
      %get3A_3201 = arith.constant 0 : i32
      %get3A_3202 = arith.index_cast %get3A_3201 : i32 to index
      %get3A_3203 = arith.constant 0 : index
      %get3A_3204 = tpu.vector_load %arg8[%get3A_3202, %get3A_3203] {strides = array<i32>} : memref<16x16xi32, #tpu.memory_space<vmem>>, vector<16xi32>,
      %jit3A_3205 = arith.constant 0 : i32
      %broadcast_in_dim3A_3206 = vector.broadcast %jit3A_3205 : i32 to vector<16xi32>
      %select_n3A_3207 = arith.select %gt3A_3200, %get3A_3204, %broadcast_in_dim3A_3206 : vector<16xi1>, vector<16xi32>
      %add3A_3208 = arith.addi %broadcast_in_dim3A_3195, %select_n3A_3207 : vector<16xi32>
      %add3A_3209 = arith.constant 16 : i32
      %add3A_3210 = vector.broadcast %add3A_3209 : i32 to vector<16xi32>
      %add3A_3211 = arith.addi %iota3A, %add3A_3210 : vector<16xi32>
      %gt3A_3212 = vector.broadcast %max3A_3192 : i32 to vector<16xi32>
      %gt3A_3213 = arith.cmpi sgt, %add3A_3211, %gt3A_3212 : vector<16xi32>
      %get3A_3214 = arith.constant 1 : i32
      %get3A_3215 = arith.index_cast %get3A_3214 : i32 to index
      %get3A_3216 = arith.constant 0 : index
      %get3A_3217 = tpu.vector_load %arg8[%get3A_3215, %get3A_3216] {strides = array<i32>} : memref<16x16xi32, #tpu.memory_space<vmem>>, vector<16xi32>,
      %jit3A_3218 = arith.constant 0 : i32
      %broadcast_in_dim3A_3219 = vector.broadcast %jit3A_3218 : i32 to vector<16xi32>
      %select_n3A_3220 = arith.select %gt3A_3213, %get3A_3217, %broadcast_in_dim3A_3219 : vector<16xi1>, vector<16xi32>
      %add3A_3221 = arith.addi %add3A_3208, %select_n3A_3220 : vector<16xi32>
      %add3A_3222 = arith.constant 32 : i32
      %add3A_3223 = vector.broadcast %add3A_3222 : i32 to vector<16xi32>
      %add3A_3224 = arith.addi %iota3A, %add3A_3223 : vector<16xi32>
      %gt3A_3225 = vector.broadcast %max3A_3192 : i32 to vector<16xi32>
      %gt3A_3226 = arith.cmpi sgt, %add3A_3224, %gt3A_3225 : vector<16xi32>
      %get3A_3227 = arith.constant 2 : i32
      %get3A_3228 = arith.index_cast %get3A_3227 : i32 to index
      %get3A_3229 = arith.constant 0 : index
      %get3A_3230 = tpu.vector_load %arg8[%get3A_3228, %get3A_3229] {strides = array<i32>} : memref<16x16xi32, #tpu.memory_space<vmem>>, vector<16xi32>,
      %jit3A_3231 = arith.constant 0 : i32
      %broadcast_in_dim3A_3232 = vector.broadcast %jit3A_3231 : i32 to vector<16xi32>
      %select_n3A_3233 = arith.select %gt3A_3226, %get3A_3230, %broadcast_in_dim3A_3232 : vector<16xi1>, vector<16xi32>
      %add3A_3234 = arith.addi %add3A_3221, %select_n3A_3233 : vector<16xi32>
      %add3A_3235 = arith.constant 48 : i32
      %add3A_3236 = vector.broadcast %add3A_3235 : i32 to vector<16xi32>
      %add3A_3237 = arith.addi %iota3A, %add3A_3236 : vector<16xi32>
      %gt3A_3238 = vector.broadcast %max3A_3192 : i32 to vector<16xi32>
      %gt3A_3239 = arith.cmpi sgt, %add3A_3237, %gt3A_3238 : vector<16xi32>
      %get3A_3240 = arith.constant 3 : i32
      %get3A_3241 = arith.index_cast %get3A_3240 : i32 to index
      %get3A_3242 = arith.constant 0 : index
      %get3A_3243 = tpu.vector_load %arg8[%get3A_3241, %get3A_3242] {strides = array<i32>} : memref<16x16xi32, #tpu.memory_space<vmem>>, vector<16xi32>,
      %jit3A_3244 = arith.constant 0 : i32
      %broadcast_in_dim3A_3245 = vector.broadcast %jit3A_3244 : i32 to vector<16xi32>
      %select_n3A_3246 = arith.select %gt3A_3239, %get3A_3243, %broadcast_in_dim3A_3245 : vector<16xi1>, vector<16xi32>
      %add3A_3247 = arith.addi %add3A_3234, %select_n3A_3246 : vector<16xi32>
      %add3A_3248 = arith.constant 64 : i32
      %add3A_3249 = vector.broadcast %add3A_3248 : i32 to vector<16xi32>
      %add3A_3250 = arith.addi %iota3A, %add3A_3249 : vector<16xi32>
      %gt3A_3251 = vector.broadcast %max3A_3192 : i32 to vector<16xi32>
      %gt3A_3252 = arith.cmpi sgt, %add3A_3250, %gt3A_3251 : vector<16xi32>
      %get3A_3253 = arith.constant 4 : i32
      %get3A_3254 = arith.index_cast %get3A_3253 : i32 to index
      %get3A_3255 = arith.constant 0 : index
      %get3A_3256 = tpu.vector_load %arg8[%get3A_3254, %get3A_3255] {strides = array<i32>} : memref<16x16xi32, #tpu.memory_space<vmem>>, vector<16xi32>,
      %jit3A_3257 = arith.constant 0 : i32
      %broadcast_in_dim3A_3258 = vector.broadcast %jit3A_3257 : i32 to vector<16xi32>
      %select_n3A_3259 = arith.select %gt3A_3252, %get3A_3256, %broadcast_in_dim3A_3258 : vector<16xi1>, vector<16xi32>
      %add3A_3260 = arith.addi %add3A_3247, %select_n3A_3259 : vector<16xi32>
      %add3A_3261 = arith.constant 80 : i32
      %add3A_3262 = vector.broadcast %add3A_3261 : i32 to vector<16xi32>
      %add3A_3263 = arith.addi %iota3A, %add3A_3262 : vector<16xi32>
      %gt3A_3264 = vector.broadcast %max3A_3192 : i32 to vector<16xi32>
      %gt3A_3265 = arith.cmpi sgt, %add3A_3263, %gt3A_3264 : vector<16xi32>
      %get3A_3266 = arith.constant 5 : i32
      %get3A_3267 = arith.index_cast %get3A_3266 : i32 to index
      %get3A_3268 = arith.constant 0 : index
      %get3A_3269 = tpu.vector_load %arg8[%get3A_3267, %get3A_3268] {strides = array<i32>} : memref<16x16xi32, #tpu.memory_space<vmem>>, vector<16xi32>,
      %jit3A_3270 = arith.constant 0 : i32
      %broadcast_in_dim3A_3271 = vector.broadcast %jit3A_3270 : i32 to vector<16xi32>
      %select_n3A_3272 = arith.select %gt3A_3265, %get3A_3269, %broadcast_in_dim3A_3271 : vector<16xi1>, vector<16xi32>
      %add3A_3273 = arith.addi %add3A_3260, %select_n3A_3272 : vector<16xi32>
      %add3A_3274 = arith.constant 96 : i32
      %add3A_3275 = vector.broadcast %add3A_3274 : i32 to vector<16xi32>
      %add3A_3276 = arith.addi %iota3A, %add3A_3275 : vector<16xi32>
      %gt3A_3277 = vector.broadcast %max3A_3192 : i32 to vector<16xi32>
      %gt3A_3278 = arith.cmpi sgt, %add3A_3276, %gt3A_3277 : vector<16xi32>
      %get3A_3279 = arith.constant 6 : i32
      %get3A_3280 = arith.index_cast %get3A_3279 : i32 to index
      %get3A_3281 = arith.constant 0 : index
      %get3A_3282 = tpu.vector_load %arg8[%get3A_3280, %get3A_3281] {strides = array<i32>} : memref<16x16xi32, #tpu.memory_space<vmem>>, vector<16xi32>,
      %jit3A_3283 = arith.constant 0 : i32
      %broadcast_in_dim3A_3284 = vector.broadcast %jit3A_3283 : i32 to vector<16xi32>
      %select_n3A_3285 = arith.select %gt3A_3278, %get3A_3282, %broadcast_in_dim3A_3284 : vector<16xi1>, vector<16xi32>
      %add3A_3286 = arith.addi %add3A_3273, %select_n3A_3285 : vector<16xi32>
      %add3A_3287 = arith.constant 112 : i32
      %add3A_3288 = vector.broadcast %add3A_3287 : i32 to vector<16xi32>
      %add3A_3289 = arith.addi %iota3A, %add3A_3288 : vector<16xi32>
      %gt3A_3290 = vector.broadcast %max3A_3192 : i32 to vector<16xi32>
      %gt3A_3291 = arith.cmpi sgt, %add3A_3289, %gt3A_3290 : vector<16xi32>
      %get3A_3292 = arith.constant 7 : i32
      %get3A_3293 = arith.index_cast %get3A_3292 : i32 to index
      %get3A_3294 = arith.constant 0 : index
      %get3A_3295 = tpu.vector_load %arg8[%get3A_3293, %get3A_3294] {strides = array<i32>} : memref<16x16xi32, #tpu.memory_space<vmem>>, vector<16xi32>,
      %jit3A_3296 = arith.constant 0 : i32
      %broadcast_in_dim3A_3297 = vector.broadcast %jit3A_3296 : i32 to vector<16xi32>
      %select_n3A_3298 = arith.select %gt3A_3291, %get3A_3295, %broadcast_in_dim3A_3297 : vector<16xi1>, vector<16xi32>
      %add3A_3299 = arith.addi %add3A_3286, %select_n3A_3298 : vector<16xi32>
      %add3A_3300 = arith.constant 128 : i32
      %add3A_3301 = vector.broadcast %add3A_3300 : i32 to vector<16xi32>
      %add3A_3302 = arith.addi %iota3A, %add3A_3301 : vector<16xi32>
      %gt3A_3303 = vector.broadcast %max3A_3192 : i32 to vector<16xi32>
      %gt3A_3304 = arith.cmpi sgt, %add3A_3302, %gt3A_3303 : vector<16xi32>
      %get3A_3305 = arith.constant 8 : i32
      %get3A_3306 = arith.index_cast %get3A_3305 : i32 to index
      %get3A_3307 = arith.constant 0 : index
      %get3A_3308 = tpu.vector_load %arg8[%get3A_3306, %get3A_3307] {strides = array<i32>} : memref<16x16xi32, #tpu.memory_space<vmem>>, vector<16xi32>,
      %jit3A_3309 = arith.constant 0 : i32
      %broadcast_in_dim3A_3310 = vector.broadcast %jit3A_3309 : i32 to vector<16xi32>
      %select_n3A_3311 = arith.select %gt3A_3304, %get3A_3308, %broadcast_in_dim3A_3310 : vector<16xi1>, vector<16xi32>
      %add3A_3312 = arith.addi %add3A_3299, %select_n3A_3311 : vector<16xi32>
      %add3A_3313 = arith.constant 144 : i32
      %add3A_3314 = vector.broadcast %add3A_3313 : i32 to vector<16xi32>
      %add3A_3315 = arith.addi %iota3A, %add3A_3314 : vector<16xi32>
      %gt3A_3316 = vector.broadcast %max3A_3192 : i32 to vector<16xi32>
      %gt3A_3317 = arith.cmpi sgt, %add3A_3315, %gt3A_3316 : vector<16xi32>
      %get3A_3318 = arith.constant 9 : i32
      %get3A_3319 = arith.index_cast %get3A_3318 : i32 to index
      %get3A_3320 = arith.constant 0 : index
      %get3A_3321 = tpu.vector_load %arg8[%get3A_3319, %get3A_3320] {strides = array<i32>} : memref<16x16xi32, #tpu.memory_space<vmem>>, vector<16xi32>,
      %jit3A_3322 = arith.constant 0 : i32
      %broadcast_in_dim3A_3323 = vector.broadcast %jit3A_3322 : i32 to vector<16xi32>
      %select_n3A_3324 = arith.select %gt3A_3317, %get3A_3321, %broadcast_in_dim3A_3323 : vector<16xi1>, vector<16xi32>
      %add3A_3325 = arith.addi %add3A_3312, %select_n3A_3324 : vector<16xi32>
      %add3A_3326 = arith.constant 160 : i32
      %add3A_3327 = vector.broadcast %add3A_3326 : i32 to vector<16xi32>
      %add3A_3328 = arith.addi %iota3A, %add3A_3327 : vector<16xi32>
      %gt3A_3329 = vector.broadcast %max3A_3192 : i32 to vector<16xi32>
      %gt3A_3330 = arith.cmpi sgt, %add3A_3328, %gt3A_3329 : vector<16xi32>
      %get3A_3331 = arith.constant 10 : i32
      %get3A_3332 = arith.index_cast %get3A_3331 : i32 to index
      %get3A_3333 = arith.constant 0 : index
      %get3A_3334 = tpu.vector_load %arg8[%get3A_3332, %get3A_3333] {strides = array<i32>} : memref<16x16xi32, #tpu.memory_space<vmem>>, vector<16xi32>,
      %jit3A_3335 = arith.constant 0 : i32
      %broadcast_in_dim3A_3336 = vector.broadcast %jit3A_3335 : i32 to vector<16xi32>
      %select_n3A_3337 = arith.select %gt3A_3330, %get3A_3334, %broadcast_in_dim3A_3336 : vector<16xi1>, vector<16xi32>
      %add3A_3338 = arith.addi %add3A_3325, %select_n3A_3337 : vector<16xi32>
      %add3A_3339 = arith.constant 176 : i32
      %add3A_3340 = vector.broadcast %add3A_3339 : i32 to vector<16xi32>
      %add3A_3341 = arith.addi %iota3A, %add3A_3340 : vector<16xi32>
      %gt3A_3342 = vector.broadcast %max3A_3192 : i32 to vector<16xi32>
      %gt3A_3343 = arith.cmpi sgt, %add3A_3341, %gt3A_3342 : vector<16xi32>
      %get3A_3344 = arith.constant 11 : i32
      %get3A_3345 = arith.index_cast %get3A_3344 : i32 to index
      %get3A_3346 = arith.constant 0 : index
      %get3A_3347 = tpu.vector_load %arg8[%get3A_3345, %get3A_3346] {strides = array<i32>} : memref<16x16xi32, #tpu.memory_space<vmem>>, vector<16xi32>,
      %jit3A_3348 = arith.constant 0 : i32
      %broadcast_in_dim3A_3349 = vector.broadcast %jit3A_3348 : i32 to vector<16xi32>
      %select_n3A_3350 = arith.select %gt3A_3343, %get3A_3347, %broadcast_in_dim3A_3349 : vector<16xi1>, vector<16xi32>
      %add3A_3351 = arith.addi %add3A_3338, %select_n3A_3350 : vector<16xi32>
      %add3A_3352 = arith.constant 192 : i32
      %add3A_3353 = vector.broadcast %add3A_3352 : i32 to vector<16xi32>
      %add3A_3354 = arith.addi %iota3A, %add3A_3353 : vector<16xi32>
      %gt3A_3355 = vector.broadcast %max3A_3192 : i32 to vector<16xi32>
      %gt3A_3356 = arith.cmpi sgt, %add3A_3354, %gt3A_3355 : vector<16xi32>
      %get3A_3357 = arith.constant 12 : i32
      %get3A_3358 = arith.index_cast %get3A_3357 : i32 to index
      %get3A_3359 = arith.constant 0 : index
      %get3A_3360 = tpu.vector_load %arg8[%get3A_3358, %get3A_3359] {strides = array<i32>} : memref<16x16xi32, #tpu.memory_space<vmem>>, vector<16xi32>,
      %jit3A_3361 = arith.constant 0 : i32
      %broadcast_in_dim3A_3362 = vector.broadcast %jit3A_3361 : i32 to vector<16xi32>
      %select_n3A_3363 = arith.select %gt3A_3356, %get3A_3360, %broadcast_in_dim3A_3362 : vector<16xi1>, vector<16xi32>
      %add3A_3364 = arith.addi %add3A_3351, %select_n3A_3363 : vector<16xi32>
      %add3A_3365 = arith.constant 208 : i32
      %add3A_3366 = vector.broadcast %add3A_3365 : i32 to vector<16xi32>
      %add3A_3367 = arith.addi %iota3A, %add3A_3366 : vector<16xi32>
      %gt3A_3368 = vector.broadcast %max3A_3192 : i32 to vector<16xi32>
      %gt3A_3369 = arith.cmpi sgt, %add3A_3367, %gt3A_3368 : vector<16xi32>
      %get3A_3370 = arith.constant 13 : i32
      %get3A_3371 = arith.index_cast %get3A_3370 : i32 to index
      %get3A_3372 = arith.constant 0 : index
      %get3A_3373 = tpu.vector_load %arg8[%get3A_3371, %get3A_3372] {strides = array<i32>} : memref<16x16xi32, #tpu.memory_space<vmem>>, vector<16xi32>,
      %jit3A_3374 = arith.constant 0 : i32
      %broadcast_in_dim3A_3375 = vector.broadcast %jit3A_3374 : i32 to vector<16xi32>
      %select_n3A_3376 = arith.select %gt3A_3369, %get3A_3373, %broadcast_in_dim3A_3375 : vector<16xi1>, vector<16xi32>
      %add3A_3377 = arith.addi %add3A_3364, %select_n3A_3376 : vector<16xi32>
      %add3A_3378 = arith.constant 224 : i32
      %add3A_3379 = vector.broadcast %add3A_3378 : i32 to vector<16xi32>
      %add3A_3380 = arith.addi %iota3A, %add3A_3379 : vector<16xi32>
      %gt3A_3381 = vector.broadcast %max3A_3192 : i32 to vector<16xi32>
      %gt3A_3382 = arith.cmpi sgt, %add3A_3380, %gt3A_3381 : vector<16xi32>
      %get3A_3383 = arith.constant 14 : i32
      %get3A_3384 = arith.index_cast %get3A_3383 : i32 to index
      %get3A_3385 = arith.constant 0 : index
      %get3A_3386 = tpu.vector_load %arg8[%get3A_3384, %get3A_3385] {strides = array<i32>} : memref<16x16xi32, #tpu.memory_space<vmem>>, vector<16xi32>,
      %jit3A_3387 = arith.constant 0 : i32
      %broadcast_in_dim3A_3388 = vector.broadcast %jit3A_3387 : i32 to vector<16xi32>
      %select_n3A_3389 = arith.select %gt3A_3382, %get3A_3386, %broadcast_in_dim3A_3388 : vector<16xi1>, vector<16xi32>
      %add3A_3390 = arith.addi %add3A_3377, %select_n3A_3389 : vector<16xi32>
      %add3A_3391 = arith.constant 240 : i32
      %add3A_3392 = vector.broadcast %add3A_3391 : i32 to vector<16xi32>
      %add3A_3393 = arith.addi %iota3A, %add3A_3392 : vector<16xi32>
      %gt3A_3394 = vector.broadcast %max3A_3192 : i32 to vector<16xi32>
      %gt3A_3395 = arith.cmpi sgt, %add3A_3393, %gt3A_3394 : vector<16xi32>
      %get3A_3396 = arith.constant 15 : i32
      %get3A_3397 = arith.index_cast %get3A_3396 : i32 to index
      %get3A_3398 = arith.constant 0 : index
      %get3A_3399 = tpu.vector_load %arg8[%get3A_3397, %get3A_3398] {strides = array<i32>} : memref<16x16xi32, #tpu.memory_space<vmem>>, vector<16xi32>,
      %jit3A_3400 = arith.constant 0 : i32
      %broadcast_in_dim3A_3401 = vector.broadcast %jit3A_3400 : i32 to vector<16xi32>
      %select_n3A_3402 = arith.select %gt3A_3395, %get3A_3399, %broadcast_in_dim3A_3401 : vector<16xi1>, vector<16xi32>
      %add3A_3403 = arith.addi %add3A_3390, %select_n3A_3402 : vector<16xi32>
      %reduce_sum3A_3404 = arith.constant true
      %reduce_sum3A_3405 = vector.broadcast %reduce_sum3A_3404 : i1 to vector<16xi1>
      %reduce_sum3A_3406 = tpu.scan <sum>, %add3A_3403 masked %reduce_sum3A_3405 : vector<16xi32>, vector<16xi1> -> vector<16xi32>
      %reduce_sum3A_3407 = vector.extract %reduce_sum3A_3406[15] : i32 from vector<16xi32>
      %mul3A_3408 = arith.constant 256 : i32
      %mul3A_3409 = arith.muli %add3A_2560, %mul3A_3408 : i32
      %add3A_3410 = arith.addi %mul3A_3409, %max3A_3192 : i32
      %sub3A_3411 = arith.subi %sub3A_2561, %reduce_sum3A_3407 : i32
      %sub3A_3412 = arith.constant 204 : i32
      %sub3A_3413 = arith.subi %sub3A_3412, %sub3A_3411 : i32
      %xor3A = arith.constant -2147483648 : i32
      %xor3A_3414 = arith.xori %add3A_3410, %xor3A : i32
      %broadcast_in_dim3A_3415 = arith.constant 0 : i32
      %broadcast_in_dim3A_3416 = vector.broadcast %broadcast_in_dim3A_3415 : i32 to vector<16xi32>
      %add3A_3417 = vector.broadcast %mul3A_2 : i32 to vector<16xi32>
      %add3A_3418 = arith.addi %broadcast_in_dim3A_3416, %add3A_3417 : vector<16xi32>
      %swap3A_3419 = arith.constant 0 : i32
      %swap3A_3420 = arith.index_cast %swap3A_3419 : i32 to index
      %swap3A_3421 = arith.constant 0 : index
      %swap3A_3422 = tpu.vector_load %arg6[%swap3A_3420, %swap3A_3421] {strides = array<i32>} : memref<13x16xi32, #tpu.memory_space<vmem>>, vector<16xi32>,
      tpu.vector_store %arg6[%swap3A_3420, %swap3A_3421], %add3A_3418 {strides = array<i32>} : memref<13x16xi32, #tpu.memory_space<vmem>>, vector<16xi32>,
      %broadcast_in_dim3A_3423 = arith.constant 0 : i32
      %broadcast_in_dim3A_3424 = vector.broadcast %broadcast_in_dim3A_3423 : i32 to vector<16xi32>
      %add3A_3425 = vector.broadcast %mul3A_2 : i32 to vector<16xi32>
      %add3A_3426 = arith.addi %broadcast_in_dim3A_3424, %add3A_3425 : vector<16xi32>
      %swap3A_3427 = arith.constant 1 : i32
      %swap3A_3428 = arith.index_cast %swap3A_3427 : i32 to index
      %swap3A_3429 = arith.constant 0 : index
      %swap3A_3430 = tpu.vector_load %arg6[%swap3A_3428, %swap3A_3429] {strides = array<i32>} : memref<13x16xi32, #tpu.memory_space<vmem>>, vector<16xi32>,
      tpu.vector_store %arg6[%swap3A_3428, %swap3A_3429], %add3A_3426 {strides = array<i32>} : memref<13x16xi32, #tpu.memory_space<vmem>>, vector<16xi32>,
      %broadcast_in_dim3A_3431 = arith.constant 0 : i32
      %broadcast_in_dim3A_3432 = vector.broadcast %broadcast_in_dim3A_3431 : i32 to vector<16xi32>
      %add3A_3433 = vector.broadcast %mul3A_2 : i32 to vector<16xi32>
      %add3A_3434 = arith.addi %broadcast_in_dim3A_3432, %add3A_3433 : vector<16xi32>
      %swap3A_3435 = arith.constant 2 : i32
      %swap3A_3436 = arith.index_cast %swap3A_3435 : i32 to index
      %swap3A_3437 = arith.constant 0 : index
      %swap3A_3438 = tpu.vector_load %arg6[%swap3A_3436, %swap3A_3437] {strides = array<i32>} : memref<13x16xi32, #tpu.memory_space<vmem>>, vector<16xi32>,
      tpu.vector_store %arg6[%swap3A_3436, %swap3A_3437], %add3A_3434 {strides = array<i32>} : memref<13x16xi32, #tpu.memory_space<vmem>>, vector<16xi32>,
      %broadcast_in_dim3A_3439 = arith.constant 0 : i32
      %broadcast_in_dim3A_3440 = vector.broadcast %broadcast_in_dim3A_3439 : i32 to vector<16xi32>
      %add3A_3441 = vector.broadcast %mul3A_2 : i32 to vector<16xi32>
      %add3A_3442 = arith.addi %broadcast_in_dim3A_3440, %add3A_3441 : vector<16xi32>
      %swap3A_3443 = arith.constant 3 : i32
      %swap3A_3444 = arith.index_cast %swap3A_3443 : i32 to index
      %swap3A_3445 = arith.constant 0 : index
      %swap3A_3446 = tpu.vector_load %arg6[%swap3A_3444, %swap3A_3445] {strides = array<i32>} : memref<13x16xi32, #tpu.memory_space<vmem>>, vector<16xi32>,
      tpu.vector_store %arg6[%swap3A_3444, %swap3A_3445], %add3A_3442 {strides = array<i32>} : memref<13x16xi32, #tpu.memory_space<vmem>>, vector<16xi32>,
      %broadcast_in_dim3A_3447 = arith.constant 0 : i32
      %broadcast_in_dim3A_3448 = vector.broadcast %broadcast_in_dim3A_3447 : i32 to vector<16xi32>
      %add3A_3449 = vector.broadcast %mul3A_2 : i32 to vector<16xi32>
      %add3A_3450 = arith.addi %broadcast_in_dim3A_3448, %add3A_3449 : vector<16xi32>
      %swap3A_3451 = arith.constant 4 : i32
      %swap3A_3452 = arith.index_cast %swap3A_3451 : i32 to index
      %swap3A_3453 = arith.constant 0 : index
      %swap3A_3454 = tpu.vector_load %arg6[%swap3A_3452, %swap3A_3453] {strides = array<i32>} : memref<13x16xi32, #tpu.memory_space<vmem>>, vector<16xi32>,
      tpu.vector_store %arg6[%swap3A_3452, %swap3A_3453], %add3A_3450 {strides = array<i32>} : memref<13x16xi32, #tpu.memory_space<vmem>>, vector<16xi32>,
      %broadcast_in_dim3A_3455 = arith.constant 0 : i32
      %broadcast_in_dim3A_3456 = vector.broadcast %broadcast_in_dim3A_3455 : i32 to vector<16xi32>
      %add3A_3457 = vector.broadcast %mul3A_2 : i32 to vector<16xi32>
      %add3A_3458 = arith.addi %broadcast_in_dim3A_3456, %add3A_3457 : vector<16xi32>
      %swap3A_3459 = arith.constant 5 : i32
      %swap3A_3460 = arith.index_cast %swap3A_3459 : i32 to index
      %swap3A_3461 = arith.constant 0 : index
      %swap3A_3462 = tpu.vector_load %arg6[%swap3A_3460, %swap3A_3461] {strides = array<i32>} : memref<13x16xi32, #tpu.memory_space<vmem>>, vector<16xi32>,
      tpu.vector_store %arg6[%swap3A_3460, %swap3A_3461], %add3A_3458 {strides = array<i32>} : memref<13x16xi32, #tpu.memory_space<vmem>>, vector<16xi32>,
      %broadcast_in_dim3A_3463 = arith.constant 0 : i32
      %broadcast_in_dim3A_3464 = vector.broadcast %broadcast_in_dim3A_3463 : i32 to vector<16xi32>
      %add3A_3465 = vector.broadcast %mul3A_2 : i32 to vector<16xi32>
      %add3A_3466 = arith.addi %broadcast_in_dim3A_3464, %add3A_3465 : vector<16xi32>
      %swap3A_3467 = arith.constant 6 : i32
      %swap3A_3468 = arith.index_cast %swap3A_3467 : i32 to index
      %swap3A_3469 = arith.constant 0 : index
      %swap3A_3470 = tpu.vector_load %arg6[%swap3A_3468, %swap3A_3469] {strides = array<i32>} : memref<13x16xi32, #tpu.memory_space<vmem>>, vector<16xi32>,
      tpu.vector_store %arg6[%swap3A_3468, %swap3A_3469], %add3A_3466 {strides = array<i32>} : memref<13x16xi32, #tpu.memory_space<vmem>>, vector<16xi32>,
      %broadcast_in_dim3A_3471 = arith.constant 0 : i32
      %broadcast_in_dim3A_3472 = vector.broadcast %broadcast_in_dim3A_3471 : i32 to vector<16xi32>
      %add3A_3473 = vector.broadcast %mul3A_2 : i32 to vector<16xi32>
      %add3A_3474 = arith.addi %broadcast_in_dim3A_3472, %add3A_3473 : vector<16xi32>
      %swap3A_3475 = arith.constant 7 : i32
      %swap3A_3476 = arith.index_cast %swap3A_3475 : i32 to index
      %swap3A_3477 = arith.constant 0 : index
      %swap3A_3478 = tpu.vector_load %arg6[%swap3A_3476, %swap3A_3477] {strides = array<i32>} : memref<13x16xi32, #tpu.memory_space<vmem>>, vector<16xi32>,
      tpu.vector_store %arg6[%swap3A_3476, %swap3A_3477], %add3A_3474 {strides = array<i32>} : memref<13x16xi32, #tpu.memory_space<vmem>>, vector<16xi32>,
      %broadcast_in_dim3A_3479 = arith.constant 0 : i32
      %broadcast_in_dim3A_3480 = vector.broadcast %broadcast_in_dim3A_3479 : i32 to vector<16xi32>
      %add3A_3481 = vector.broadcast %mul3A_2 : i32 to vector<16xi32>
      %add3A_3482 = arith.addi %broadcast_in_dim3A_3480, %add3A_3481 : vector<16xi32>
      %swap3A_3483 = arith.constant 8 : i32
      %swap3A_3484 = arith.index_cast %swap3A_3483 : i32 to index
      %swap3A_3485 = arith.constant 0 : index
      %swap3A_3486 = tpu.vector_load %arg6[%swap3A_3484, %swap3A_3485] {strides = array<i32>} : memref<13x16xi32, #tpu.memory_space<vmem>>, vector<16xi32>,
      tpu.vector_store %arg6[%swap3A_3484, %swap3A_3485], %add3A_3482 {strides = array<i32>} : memref<13x16xi32, #tpu.memory_space<vmem>>, vector<16xi32>,
      %broadcast_in_dim3A_3487 = arith.constant 0 : i32
      %broadcast_in_dim3A_3488 = vector.broadcast %broadcast_in_dim3A_3487 : i32 to vector<16xi32>
      %add3A_3489 = vector.broadcast %mul3A_2 : i32 to vector<16xi32>
      %add3A_3490 = arith.addi %broadcast_in_dim3A_3488, %add3A_3489 : vector<16xi32>
      %swap3A_3491 = arith.constant 9 : i32
      %swap3A_3492 = arith.index_cast %swap3A_3491 : i32 to index
      %swap3A_3493 = arith.constant 0 : index
      %swap3A_3494 = tpu.vector_load %arg6[%swap3A_3492, %swap3A_3493] {strides = array<i32>} : memref<13x16xi32, #tpu.memory_space<vmem>>, vector<16xi32>,
      tpu.vector_store %arg6[%swap3A_3492, %swap3A_3493], %add3A_3490 {strides = array<i32>} : memref<13x16xi32, #tpu.memory_space<vmem>>, vector<16xi32>,
      %broadcast_in_dim3A_3495 = arith.constant 0 : i32
      %broadcast_in_dim3A_3496 = vector.broadcast %broadcast_in_dim3A_3495 : i32 to vector<16xi32>
      %add3A_3497 = vector.broadcast %mul3A_2 : i32 to vector<16xi32>
      %add3A_3498 = arith.addi %broadcast_in_dim3A_3496, %add3A_3497 : vector<16xi32>
      %swap3A_3499 = arith.constant 10 : i32
      %swap3A_3500 = arith.index_cast %swap3A_3499 : i32 to index
      %swap3A_3501 = arith.constant 0 : index
      %swap3A_3502 = tpu.vector_load %arg6[%swap3A_3500, %swap3A_3501] {strides = array<i32>} : memref<13x16xi32, #tpu.memory_space<vmem>>, vector<16xi32>,
      tpu.vector_store %arg6[%swap3A_3500, %swap3A_3501], %add3A_3498 {strides = array<i32>} : memref<13x16xi32, #tpu.memory_space<vmem>>, vector<16xi32>,
      %broadcast_in_dim3A_3503 = arith.constant 0 : i32
      %broadcast_in_dim3A_3504 = vector.broadcast %broadcast_in_dim3A_3503 : i32 to vector<16xi32>
      %add3A_3505 = vector.broadcast %mul3A_2 : i32 to vector<16xi32>
      %add3A_3506 = arith.addi %broadcast_in_dim3A_3504, %add3A_3505 : vector<16xi32>
      %swap3A_3507 = arith.constant 11 : i32
      %swap3A_3508 = arith.index_cast %swap3A_3507 : i32 to index
      %swap3A_3509 = arith.constant 0 : index
      %swap3A_3510 = tpu.vector_load %arg6[%swap3A_3508, %swap3A_3509] {strides = array<i32>} : memref<13x16xi32, #tpu.memory_space<vmem>>, vector<16xi32>,
      tpu.vector_store %arg6[%swap3A_3508, %swap3A_3509], %add3A_3506 {strides = array<i32>} : memref<13x16xi32, #tpu.memory_space<vmem>>, vector<16xi32>,
      %broadcast_in_dim3A_3511 = arith.constant 0 : i32
      %broadcast_in_dim3A_3512 = vector.broadcast %broadcast_in_dim3A_3511 : i32 to vector<16xi32>
      %add3A_3513 = vector.broadcast %mul3A_2 : i32 to vector<16xi32>
      %add3A_3514 = arith.addi %broadcast_in_dim3A_3512, %add3A_3513 : vector<16xi32>
      %swap3A_3515 = arith.constant 12 : i32
      %swap3A_3516 = arith.index_cast %swap3A_3515 : i32 to index
      %swap3A_3517 = arith.constant 0 : index
      %swap3A_3518 = tpu.vector_load %arg6[%swap3A_3516, %swap3A_3517] {strides = array<i32>} : memref<13x16xi32, #tpu.memory_space<vmem>>, vector<16xi32>,
      tpu.vector_store %arg6[%swap3A_3516, %swap3A_3517], %add3A_3514 {strides = array<i32>} : memref<13x16xi32, #tpu.memory_space<vmem>>, vector<16xi32>,
      %scan3A_3519 = arith.constant -2147483648 : i32
      %scan3A_3520 = arith.constant 0 : i32
      %scan3A_3521 = arith.constant 0 : i32
      %scan3A_3522 = arith.constant 128 : i32
      %scan3A_3523 = arith.addi %scan3A_3521, %scan3A_3522 : i32
      %scan3A_3524 = arith.constant 1 : i32
      %scan3A_3525 = scf.for %scan3A_3785 = %scan3A_3521 to %scan3A_3523 step %scan3A_3524 iter_args(%scan3A_3786 = %scan3A_3520) -> (i32)  : i32 {
        %jit3A_3787 = arith.constant 8192 : i32
        %div3A = arith.divsi %scan3A_3786, %jit3A_3787 : i32
        %sign3A = arith.constant 0 : i32
        %sign3A_3788 = arith.cmpi sgt, %scan3A_3786, %sign3A : i32
        %sign3A_3789 = arith.extui %sign3A_3788 : i1 to i32
        %sign3A_3790 = arith.constant 0 : i32
        %sign3A_3791 = arith.cmpi slt, %scan3A_3786, %sign3A_3790 : i32
        %sign3A_3792 = arith.extui %sign3A_3791 : i1 to i32
        %sign3A_3793 = arith.subi %sign3A_3789, %sign3A_3792 : i32
        %sign3A_3794 = arith.constant 0 : i32
        %sign3A_3795 = arith.cmpi sgt, %jit3A_3787, %sign3A_3794 : i32
        %sign3A_3796 = arith.extui %sign3A_3795 : i1 to i32
        %sign3A_3797 = arith.constant 0 : i32
        %sign3A_3798 = arith.cmpi slt, %jit3A_3787, %sign3A_3797 : i32
        %sign3A_3799 = arith.extui %sign3A_3798 : i1 to i32
        %sign3A_3800 = arith.subi %sign3A_3796, %sign3A_3799 : i32
        %ne3A = arith.cmpi ne, %sign3A_3793, %sign3A_3800 : i32
        %rem3A = arith.remsi %scan3A_3786, %jit3A_3787 : i32
        %ne3A_3801 = arith.constant 0 : i32
        %ne3A_3802 = arith.cmpi ne, %rem3A, %ne3A_3801 : i32
        %and3A = arith.andi %ne3A, %ne3A_3802 : i1
        %sub3A_3803 = arith.constant 1 : i32
        %sub3A_3804 = arith.subi %div3A, %sub3A_3803 : i32
        %select_n3A_3805 = arith.select %and3A, %sub3A_3804, %div3A : i32
        %mul3A_3806 = arith.constant 8192 : i32
        %mul3A_3807 = arith.muli %select_n3A_3805, %mul3A_3806 : i32
        %sub3A_3808 = arith.subi %scan3A_3786, %mul3A_3807 : i32
        %mul3A_3809 = arith.constant 16 : i32
        %mul3A_3810 = arith.muli %scan3A_3785, %mul3A_3809 : i32
        %get3A_3811 = arith.index_cast %mul3A_3810 : i32 to index
        %get3A_3812 = tpu.vector_load %arg5[%get3A_3811] {strides = array<i32>} : memref<2048xi32, #tpu.memory_space<vmem>>, vector<16xi32>,
        %xor3A_3813 = vector.broadcast %scan3A_3519 : i32 to vector<16xi32>
        %xor3A_3814 = arith.xori %get3A_3812, %xor3A_3813 : vector<16xi32>
        %gt3A_3815 = vector.broadcast %xor3A_3414 : i32 to vector<16xi32>
        %gt3A_3816 = arith.cmpi sgt, %xor3A_3814, %gt3A_3815 : vector<16xi32>
        %eq3A_3817 = vector.broadcast %add3A_3410 : i32 to vector<16xi32>
        %eq3A_3818 = arith.cmpi eq, %get3A_3812, %eq3A_3817 : vector<16xi32>
        %jit3A_3819 = arith.constant 1 : i32
        %jit3A_3820 = arith.constant 0 : i32
        %broadcast_in_dim3A_3821 = vector.broadcast %jit3A_3819 : i32 to vector<16xi32>
        %broadcast_in_dim3A_3822 = vector.broadcast %jit3A_3820 : i32 to vector<16xi32>
        %select_n3A_3823 = arith.select %gt3A_3816, %broadcast_in_dim3A_3821, %broadcast_in_dim3A_3822 : vector<16xi1>, vector<16xi32>
        %jit3A_3824 = arith.constant 1 : i32
        %jit3A_3825 = arith.constant 0 : i32
        %broadcast_in_dim3A_3826 = vector.broadcast %jit3A_3824 : i32 to vector<16xi32>
        %broadcast_in_dim3A_3827 = vector.broadcast %jit3A_3825 : i32 to vector<16xi32>
        %select_n3A_3828 = arith.select %eq3A_3818, %broadcast_in_dim3A_3826, %broadcast_in_dim3A_3827 : vector<16xi1>, vector<16xi32>
        %broadcast_in_dim3A_3829 = arith.constant true
        %broadcast_in_dim3A_3830 = vector.broadcast %broadcast_in_dim3A_3829 : i1 to vector<16xi1>
        %masked_cumsum3A_3831 = tpu.scan <sum>, %select_n3A_3823 masked %broadcast_in_dim3A_3830 : vector<16xi32>, vector<16xi1> -> vector<16xi32>
        %add3A_3832 = vector.broadcast %select_n3A_3805 : i32 to vector<16xi32>
        %add3A_3833 = arith.addi %masked_cumsum3A_3831, %add3A_3832 : vector<16xi32>
        %broadcast_in_dim3A_3834 = arith.constant true
        %broadcast_in_dim3A_3835 = vector.broadcast %broadcast_in_dim3A_3834 : i1 to vector<16xi1>
        %masked_cumsum3A_3836 = tpu.scan <sum>, %select_n3A_3828 masked %broadcast_in_dim3A_3835 : vector<16xi32>, vector<16xi1> -> vector<16xi32>
        %add3A_3837 = vector.broadcast %sub3A_3808 : i32 to vector<16xi32>
        %add3A_3838 = arith.addi %masked_cumsum3A_3836, %add3A_3837 : vector<16xi32>
        %sub3A_3839 = arith.constant 1 : i32
        %sub3A_3840 = vector.broadcast %sub3A_3839 : i32 to vector<16xi32>
        %sub3A_3841 = arith.subi %add3A_3833, %sub3A_3840 : vector<16xi32>
        %add3A_3842 = vector.broadcast %sub3A_3413 : i32 to vector<16xi32>
        %add3A_3843 = arith.addi %add3A_3842, %add3A_3838 : vector<16xi32>
        %sub3A_3844 = arith.constant 1 : i32
        %sub3A_3845 = vector.broadcast %sub3A_3844 : i32 to vector<16xi32>
        %sub3A_3846 = arith.subi %add3A_3843, %sub3A_3845 : vector<16xi32>
        %select_n3A_3847 = arith.select %gt3A_3816, %sub3A_3841, %sub3A_3846 : vector<16xi1>, vector<16xi32>
        %min3A = arith.constant 207 : i32
        %min3A_3848 = vector.broadcast %min3A : i32 to vector<16xi32>
        %min3A_3849 = arith.minsi %select_n3A_3847, %min3A_3848 : vector<16xi32>
        %max3A_3850 = arith.constant 0 : i32
        %max3A_3851 = vector.broadcast %max3A_3850 : i32 to vector<16xi32>
        %max3A_3852 = arith.maxsi %min3A_3849, %max3A_3851 : vector<16xi32>
        %le3A = vector.broadcast %sub3A_3411 : i32 to vector<16xi32>
        %le3A_3853 = arith.cmpi sle, %add3A_3838, %le3A : vector<16xi32>
        %and3A_3854 = arith.andi %eq3A_3818, %le3A_3853 : vector<16xi1>
        %or3A = arith.ori %gt3A_3816, %and3A_3854 : vector<16xi1>
        %iota3A_3855 = tpu.iota {dimensions = array<i32: 0>} : vector<16xi32>
        %mul3A_3856 = arith.constant 16 : i32
        %mul3A_3857 = arith.muli %scan3A_3785, %mul3A_3856 : i32
        %add3A_3858 = arith.addi %mul3A_3857, %mul3A_2 : i32
        %add3A_3859 = vector.broadcast %add3A_3858 : i32 to vector<16xi32>
        %add3A_3860 = arith.addi %iota3A_3855, %add3A_3859 : vector<16xi32>
        %shift_right_arithmetic3A = arith.constant 4 : i32
        %shift_right_arithmetic3A_3861 = vector.broadcast %shift_right_arithmetic3A : i32 to vector<16xi32>
        %shift_right_arithmetic3A_3862 = arith.shrsi %max3A_3852, %shift_right_arithmetic3A_3861 : vector<16xi32>
        %and3A_3863 = arith.constant 15 : i32
        %and3A_3864 = vector.broadcast %and3A_3863 : i32 to vector<16xi32>
        %and3A_3865 = arith.andi %max3A_3852, %and3A_3864 : vector<16xi32>
        tpu.vector_store_idx %arg6[%shift_right_arithmetic3A_3862, %and3A_3865], %add3A_3860 masked %or3A : memref<13x16xi32, #tpu.memory_space<vmem>>[vector<16xi32>, vector<16xi32>], vector<16xi32>, vector<16xi1>
        %reduce_sum3A_3866 = arith.constant true
        %reduce_sum3A_3867 = vector.broadcast %reduce_sum3A_3866 : i1 to vector<16xi1>
        %reduce_sum3A_3868 = tpu.scan <sum>, %select_n3A_3823 masked %reduce_sum3A_3867 : vector<16xi32>, vector<16xi1> -> vector<16xi32>
        %reduce_sum3A_3869 = vector.extract %reduce_sum3A_3868[15] : i32 from vector<16xi32>
        %add3A_3870 = arith.addi %select_n3A_3805, %reduce_sum3A_3869 : i32
        %mul3A_3871 = arith.constant 8192 : i32
        %mul3A_3872 = arith.muli %add3A_3870, %mul3A_3871 : i32
        %reduce_sum3A_3873 = arith.constant true
        %reduce_sum3A_3874 = vector.broadcast %reduce_sum3A_3873 : i1 to vector<16xi1>
        %reduce_sum3A_3875 = tpu.scan <sum>, %select_n3A_3828 masked %reduce_sum3A_3874 : vector<16xi32>, vector<16xi1> -> vector<16xi32>
        %reduce_sum3A_3876 = vector.extract %reduce_sum3A_3875[15] : i32 from vector<16xi32>
        %add3A_3877 = arith.addi %sub3A_3808, %reduce_sum3A_3876 : i32
        %add3A_3878 = arith.addi %mul3A_3872, %add3A_3877 : i32
        scf.yield %add3A_3878 : i32
      }
      %scan3A_3526 = arith.constant 128 : i32
      %dma_start3A = arith.constant 0 : i32
      %dma_start3A_3527 = arith.constant 0 : i32
      %dma_start3A_3528 = arith.constant 0 : i32
      %dma_start3A_3529 = tpu.memref_slice %arg7[%dma_start3A_3527, %dma_start3A_3528] : memref<208x128xf32, #tpu.memory_space<vmem>> -> memref<16x128xf32, #tpu.memory_space<vmem>>
      %dma_start3A_3530 = arith.constant 0 : i32
      %dma_start3A_3531 = tpu.memref_slice %arg6[%dma_start3A, %dma_start3A_3530] : memref<13x16xi32, #tpu.memory_space<vmem>> -> memref<1x16xi32, #tpu.memory_space<vmem>>
      %dma_start3A_3532 = tpu.memref_squeeze %dma_start3A_3531 : memref<1x16xi32, #tpu.memory_space<vmem>> -> memref<16xi32, #tpu.memory_space<vmem>>
      %dma_start3A_3533 = arith.constant 0 : i32
      %dma_start3A_3534 = arith.constant 0 : i32
      %dma_start3A_3535 = tpu.memref_slice %arg3[%dma_start3A_3533, %dma_start3A_3534] : memref<4096x128xf32, #tpu.memory_space<hbm>> -> memref<4096x128xf32, #tpu.memory_space<hbm>>
      tpu.enqueue_indirect_dma source(%dma_start3A_3535 : memref<4096x128xf32, #tpu.memory_space<hbm>>) target(%dma_start3A_3529 : memref<16x128xf32, #tpu.memory_space<vmem>>) offsets(%dma_start3A_3532 : memref<16xi32, #tpu.memory_space<vmem>>) semaphore(%arg9 : memref<!tpu.dma_semaphore, #tpu.memory_space<semaphore_mem>>)
      %dma_start3A_3536 = arith.constant 1 : i32
      %dma_start3A_3537 = arith.constant 16 : i32
      %dma_start3A_3538 = arith.constant 0 : i32
      %dma_start3A_3539 = tpu.memref_slice %arg7[%dma_start3A_3537, %dma_start3A_3538] : memref<208x128xf32, #tpu.memory_space<vmem>> -> memref<16x128xf32, #tpu.memory_space<vmem>>
      %dma_start3A_3540 = arith.constant 0 : i32
      %dma_start3A_3541 = tpu.memref_slice %arg6[%dma_start3A_3536, %dma_start3A_3540] : memref<13x16xi32, #tpu.memory_space<vmem>> -> memref<1x16xi32, #tpu.memory_space<vmem>>
      %dma_start3A_3542 = tpu.memref_squeeze %dma_start3A_3541 : memref<1x16xi32, #tpu.memory_space<vmem>> -> memref<16xi32, #tpu.memory_space<vmem>>
      %dma_start3A_3543 = arith.constant 0 : i32
      %dma_start3A_3544 = arith.constant 0 : i32
      %dma_start3A_3545 = tpu.memref_slice %arg3[%dma_start3A_3543, %dma_start3A_3544] : memref<4096x128xf32, #tpu.memory_space<hbm>> -> memref<4096x128xf32, #tpu.memory_space<hbm>>
      tpu.enqueue_indirect_dma source(%dma_start3A_3545 : memref<4096x128xf32, #tpu.memory_space<hbm>>) target(%dma_start3A_3539 : memref<16x128xf32, #tpu.memory_space<vmem>>) offsets(%dma_start3A_3542 : memref<16xi32, #tpu.memory_space<vmem>>) semaphore(%arg9 : memref<!tpu.dma_semaphore, #tpu.memory_space<semaphore_mem>>)
      %dma_start3A_3546 = arith.constant 2 : i32
      %dma_start3A_3547 = arith.constant 32 : i32
      %dma_start3A_3548 = arith.constant 0 : i32
      %dma_start3A_3549 = tpu.memref_slice %arg7[%dma_start3A_3547, %dma_start3A_3548] : memref<208x128xf32, #tpu.memory_space<vmem>> -> memref<16x128xf32, #tpu.memory_space<vmem>>
      %dma_start3A_3550 = arith.constant 0 : i32
      %dma_start3A_3551 = tpu.memref_slice %arg6[%dma_start3A_3546, %dma_start3A_3550] : memref<13x16xi32, #tpu.memory_space<vmem>> -> memref<1x16xi32, #tpu.memory_space<vmem>>
      %dma_start3A_3552 = tpu.memref_squeeze %dma_start3A_3551 : memref<1x16xi32, #tpu.memory_space<vmem>> -> memref<16xi32, #tpu.memory_space<vmem>>
      %dma_start3A_3553 = arith.constant 0 : i32
      %dma_start3A_3554 = arith.constant 0 : i32
      %dma_start3A_3555 = tpu.memref_slice %arg3[%dma_start3A_3553, %dma_start3A_3554] : memref<4096x128xf32, #tpu.memory_space<hbm>> -> memref<4096x128xf32, #tpu.memory_space<hbm>>
      tpu.enqueue_indirect_dma source(%dma_start3A_3555 : memref<4096x128xf32, #tpu.memory_space<hbm>>) target(%dma_start3A_3549 : memref<16x128xf32, #tpu.memory_space<vmem>>) offsets(%dma_start3A_3552 : memref<16xi32, #tpu.memory_space<vmem>>) semaphore(%arg9 : memref<!tpu.dma_semaphore, #tpu.memory_space<semaphore_mem>>)
      %dma_start3A_3556 = arith.constant 3 : i32
      %dma_start3A_3557 = arith.constant 48 : i32
      %dma_start3A_3558 = arith.constant 0 : i32
      %dma_start3A_3559 = tpu.memref_slice %arg7[%dma_start3A_3557, %dma_start3A_3558] : memref<208x128xf32, #tpu.memory_space<vmem>> -> memref<16x128xf32, #tpu.memory_space<vmem>>
      %dma_start3A_3560 = arith.constant 0 : i32
      %dma_start3A_3561 = tpu.memref_slice %arg6[%dma_start3A_3556, %dma_start3A_3560] : memref<13x16xi32, #tpu.memory_space<vmem>> -> memref<1x16xi32, #tpu.memory_space<vmem>>
      %dma_start3A_3562 = tpu.memref_squeeze %dma_start3A_3561 : memref<1x16xi32, #tpu.memory_space<vmem>> -> memref<16xi32, #tpu.memory_space<vmem>>
      %dma_start3A_3563 = arith.constant 0 : i32
      %dma_start3A_3564 = arith.constant 0 : i32
      %dma_start3A_3565 = tpu.memref_slice %arg3[%dma_start3A_3563, %dma_start3A_3564] : memref<4096x128xf32, #tpu.memory_space<hbm>> -> memref<4096x128xf32, #tpu.memory_space<hbm>>
      tpu.enqueue_indirect_dma source(%dma_start3A_3565 : memref<4096x128xf32, #tpu.memory_space<hbm>>) target(%dma_start3A_3559 : memref<16x128xf32, #tpu.memory_space<vmem>>) offsets(%dma_start3A_3562 : memref<16xi32, #tpu.memory_space<vmem>>) semaphore(%arg9 : memref<!tpu.dma_semaphore, #tpu.memory_space<semaphore_mem>>)
      %dma_start3A_3566 = arith.constant 4 : i32
      %dma_start3A_3567 = arith.constant 64 : i32
      %dma_start3A_3568 = arith.constant 0 : i32
      %dma_start3A_3569 = tpu.memref_slice %arg7[%dma_start3A_3567, %dma_start3A_3568] : memref<208x128xf32, #tpu.memory_space<vmem>> -> memref<16x128xf32, #tpu.memory_space<vmem>>
      %dma_start3A_3570 = arith.constant 0 : i32
      %dma_start3A_3571 = tpu.memref_slice %arg6[%dma_start3A_3566, %dma_start3A_3570] : memref<13x16xi32, #tpu.memory_space<vmem>> -> memref<1x16xi32, #tpu.memory_space<vmem>>
      %dma_start3A_3572 = tpu.memref_squeeze %dma_start3A_3571 : memref<1x16xi32, #tpu.memory_space<vmem>> -> memref<16xi32, #tpu.memory_space<vmem>>
      %dma_start3A_3573 = arith.constant 0 : i32
      %dma_start3A_3574 = arith.constant 0 : i32
      %dma_start3A_3575 = tpu.memref_slice %arg3[%dma_start3A_3573, %dma_start3A_3574] : memref<4096x128xf32, #tpu.memory_space<hbm>> -> memref<4096x128xf32, #tpu.memory_space<hbm>>
      tpu.enqueue_indirect_dma source(%dma_start3A_3575 : memref<4096x128xf32, #tpu.memory_space<hbm>>) target(%dma_start3A_3569 : memref<16x128xf32, #tpu.memory_space<vmem>>) offsets(%dma_start3A_3572 : memref<16xi32, #tpu.memory_space<vmem>>) semaphore(%arg9 : memref<!tpu.dma_semaphore, #tpu.memory_space<semaphore_mem>>)
      %dma_start3A_3576 = arith.constant 5 : i32
      %dma_start3A_3577 = arith.constant 80 : i32
      %dma_start3A_3578 = arith.constant 0 : i32
      %dma_start3A_3579 = tpu.memref_slice %arg7[%dma_start3A_3577, %dma_start3A_3578] : memref<208x128xf32, #tpu.memory_space<vmem>> -> memref<16x128xf32, #tpu.memory_space<vmem>>
      %dma_start3A_3580 = arith.constant 0 : i32
      %dma_start3A_3581 = tpu.memref_slice %arg6[%dma_start3A_3576, %dma_start3A_3580] : memref<13x16xi32, #tpu.memory_space<vmem>> -> memref<1x16xi32, #tpu.memory_space<vmem>>
      %dma_start3A_3582 = tpu.memref_squeeze %dma_start3A_3581 : memref<1x16xi32, #tpu.memory_space<vmem>> -> memref<16xi32, #tpu.memory_space<vmem>>
      %dma_start3A_3583 = arith.constant 0 : i32
      %dma_start3A_3584 = arith.constant 0 : i32
      %dma_start3A_3585 = tpu.memref_slice %arg3[%dma_start3A_3583, %dma_start3A_3584] : memref<4096x128xf32, #tpu.memory_space<hbm>> -> memref<4096x128xf32, #tpu.memory_space<hbm>>
      tpu.enqueue_indirect_dma source(%dma_start3A_3585 : memref<4096x128xf32, #tpu.memory_space<hbm>>) target(%dma_start3A_3579 : memref<16x128xf32, #tpu.memory_space<vmem>>) offsets(%dma_start3A_3582 : memref<16xi32, #tpu.memory_space<vmem>>) semaphore(%arg9 : memref<!tpu.dma_semaphore, #tpu.memory_space<semaphore_mem>>)
      %dma_start3A_3586 = arith.constant 6 : i32
      %dma_start3A_3587 = arith.constant 96 : i32
      %dma_start3A_3588 = arith.constant 0 : i32
      %dma_start3A_3589 = tpu.memref_slice %arg7[%dma_start3A_3587, %dma_start3A_3588] : memref<208x128xf32, #tpu.memory_space<vmem>> -> memref<16x128xf32, #tpu.memory_space<vmem>>
      %dma_start3A_3590 = arith.constant 0 : i32
      %dma_start3A_3591 = tpu.memref_slice %arg6[%dma_start3A_3586, %dma_start3A_3590] : memref<13x16xi32, #tpu.memory_space<vmem>> -> memref<1x16xi32, #tpu.memory_space<vmem>>
      %dma_start3A_3592 = tpu.memref_squeeze %dma_start3A_3591 : memref<1x16xi32, #tpu.memory_space<vmem>> -> memref<16xi32, #tpu.memory_space<vmem>>
      %dma_start3A_3593 = arith.constant 0 : i32
      %dma_start3A_3594 = arith.constant 0 : i32
      %dma_start3A_3595 = tpu.memref_slice %arg3[%dma_start3A_3593, %dma_start3A_3594] : memref<4096x128xf32, #tpu.memory_space<hbm>> -> memref<4096x128xf32, #tpu.memory_space<hbm>>
      tpu.enqueue_indirect_dma source(%dma_start3A_3595 : memref<4096x128xf32, #tpu.memory_space<hbm>>) target(%dma_start3A_3589 : memref<16x128xf32, #tpu.memory_space<vmem>>) offsets(%dma_start3A_3592 : memref<16xi32, #tpu.memory_space<vmem>>) semaphore(%arg9 : memref<!tpu.dma_semaphore, #tpu.memory_space<semaphore_mem>>)
      %dma_start3A_3596 = arith.constant 7 : i32
      %dma_start3A_3597 = arith.constant 112 : i32
      %dma_start3A_3598 = arith.constant 0 : i32
      %dma_start3A_3599 = tpu.memref_slice %arg7[%dma_start3A_3597, %dma_start3A_3598] : memref<208x128xf32, #tpu.memory_space<vmem>> -> memref<16x128xf32, #tpu.memory_space<vmem>>
      %dma_start3A_3600 = arith.constant 0 : i32
      %dma_start3A_3601 = tpu.memref_slice %arg6[%dma_start3A_3596, %dma_start3A_3600] : memref<13x16xi32, #tpu.memory_space<vmem>> -> memref<1x16xi32, #tpu.memory_space<vmem>>
      %dma_start3A_3602 = tpu.memref_squeeze %dma_start3A_3601 : memref<1x16xi32, #tpu.memory_space<vmem>> -> memref<16xi32, #tpu.memory_space<vmem>>
      %dma_start3A_3603 = arith.constant 0 : i32
      %dma_start3A_3604 = arith.constant 0 : i32
      %dma_start3A_3605 = tpu.memref_slice %arg3[%dma_start3A_3603, %dma_start3A_3604] : memref<4096x128xf32, #tpu.memory_space<hbm>> -> memref<4096x128xf32, #tpu.memory_space<hbm>>
      tpu.enqueue_indirect_dma source(%dma_start3A_3605 : memref<4096x128xf32, #tpu.memory_space<hbm>>) target(%dma_start3A_3599 : memref<16x128xf32, #tpu.memory_space<vmem>>) offsets(%dma_start3A_3602 : memref<16xi32, #tpu.memory_space<vmem>>) semaphore(%arg9 : memref<!tpu.dma_semaphore, #tpu.memory_space<semaphore_mem>>)
      %dma_start3A_3606 = arith.constant 8 : i32
      %dma_start3A_3607 = arith.constant 128 : i32
      %dma_start3A_3608 = arith.constant 0 : i32
      %dma_start3A_3609 = tpu.memref_slice %arg7[%dma_start3A_3607, %dma_start3A_3608] : memref<208x128xf32, #tpu.memory_space<vmem>> -> memref<16x128xf32, #tpu.memory_space<vmem>>
      %dma_start3A_3610 = arith.constant 0 : i32
      %dma_start3A_3611 = tpu.memref_slice %arg6[%dma_start3A_3606, %dma_start3A_3610] : memref<13x16xi32, #tpu.memory_space<vmem>> -> memref<1x16xi32, #tpu.memory_space<vmem>>
      %dma_start3A_3612 = tpu.memref_squeeze %dma_start3A_3611 : memref<1x16xi32, #tpu.memory_space<vmem>> -> memref<16xi32, #tpu.memory_space<vmem>>
      %dma_start3A_3613 = arith.constant 0 : i32
      %dma_start3A_3614 = arith.constant 0 : i32
      %dma_start3A_3615 = tpu.memref_slice %arg3[%dma_start3A_3613, %dma_start3A_3614] : memref<4096x128xf32, #tpu.memory_space<hbm>> -> memref<4096x128xf32, #tpu.memory_space<hbm>>
      tpu.enqueue_indirect_dma source(%dma_start3A_3615 : memref<4096x128xf32, #tpu.memory_space<hbm>>) target(%dma_start3A_3609 : memref<16x128xf32, #tpu.memory_space<vmem>>) offsets(%dma_start3A_3612 : memref<16xi32, #tpu.memory_space<vmem>>) semaphore(%arg9 : memref<!tpu.dma_semaphore, #tpu.memory_space<semaphore_mem>>)
      %dma_start3A_3616 = arith.constant 9 : i32
      %dma_start3A_3617 = arith.constant 144 : i32
      %dma_start3A_3618 = arith.constant 0 : i32
      %dma_start3A_3619 = tpu.memref_slice %arg7[%dma_start3A_3617, %dma_start3A_3618] : memref<208x128xf32, #tpu.memory_space<vmem>> -> memref<16x128xf32, #tpu.memory_space<vmem>>
      %dma_start3A_3620 = arith.constant 0 : i32
      %dma_start3A_3621 = tpu.memref_slice %arg6[%dma_start3A_3616, %dma_start3A_3620] : memref<13x16xi32, #tpu.memory_space<vmem>> -> memref<1x16xi32, #tpu.memory_space<vmem>>
      %dma_start3A_3622 = tpu.memref_squeeze %dma_start3A_3621 : memref<1x16xi32, #tpu.memory_space<vmem>> -> memref<16xi32, #tpu.memory_space<vmem>>
      %dma_start3A_3623 = arith.constant 0 : i32
      %dma_start3A_3624 = arith.constant 0 : i32
      %dma_start3A_3625 = tpu.memref_slice %arg3[%dma_start3A_3623, %dma_start3A_3624] : memref<4096x128xf32, #tpu.memory_space<hbm>> -> memref<4096x128xf32, #tpu.memory_space<hbm>>
      tpu.enqueue_indirect_dma source(%dma_start3A_3625 : memref<4096x128xf32, #tpu.memory_space<hbm>>) target(%dma_start3A_3619 : memref<16x128xf32, #tpu.memory_space<vmem>>) offsets(%dma_start3A_3622 : memref<16xi32, #tpu.memory_space<vmem>>) semaphore(%arg9 : memref<!tpu.dma_semaphore, #tpu.memory_space<semaphore_mem>>)
      %dma_start3A_3626 = arith.constant 10 : i32
      %dma_start3A_3627 = arith.constant 160 : i32
      %dma_start3A_3628 = arith.constant 0 : i32
      %dma_start3A_3629 = tpu.memref_slice %arg7[%dma_start3A_3627, %dma_start3A_3628] : memref<208x128xf32, #tpu.memory_space<vmem>> -> memref<16x128xf32, #tpu.memory_space<vmem>>
      %dma_start3A_3630 = arith.constant 0 : i32
      %dma_start3A_3631 = tpu.memref_slice %arg6[%dma_start3A_3626, %dma_start3A_3630] : memref<13x16xi32, #tpu.memory_space<vmem>> -> memref<1x16xi32, #tpu.memory_space<vmem>>
      %dma_start3A_3632 = tpu.memref_squeeze %dma_start3A_3631 : memref<1x16xi32, #tpu.memory_space<vmem>> -> memref<16xi32, #tpu.memory_space<vmem>>
      %dma_start3A_3633 = arith.constant 0 : i32
      %dma_start3A_3634 = arith.constant 0 : i32
      %dma_start3A_3635 = tpu.memref_slice %arg3[%dma_start3A_3633, %dma_start3A_3634] : memref<4096x128xf32, #tpu.memory_space<hbm>> -> memref<4096x128xf32, #tpu.memory_space<hbm>>
      tpu.enqueue_indirect_dma source(%dma_start3A_3635 : memref<4096x128xf32, #tpu.memory_space<hbm>>) target(%dma_start3A_3629 : memref<16x128xf32, #tpu.memory_space<vmem>>) offsets(%dma_start3A_3632 : memref<16xi32, #tpu.memory_space<vmem>>) semaphore(%arg9 : memref<!tpu.dma_semaphore, #tpu.memory_space<semaphore_mem>>)
      %dma_start3A_3636 = arith.constant 11 : i32
      %dma_start3A_3637 = arith.constant 176 : i32
      %dma_start3A_3638 = arith.constant 0 : i32
      %dma_start3A_3639 = tpu.memref_slice %arg7[%dma_start3A_3637, %dma_start3A_3638] : memref<208x128xf32, #tpu.memory_space<vmem>> -> memref<16x128xf32, #tpu.memory_space<vmem>>
      %dma_start3A_3640 = arith.constant 0 : i32
      %dma_start3A_3641 = tpu.memref_slice %arg6[%dma_start3A_3636, %dma_start3A_3640] : memref<13x16xi32, #tpu.memory_space<vmem>> -> memref<1x16xi32, #tpu.memory_space<vmem>>
      %dma_start3A_3642 = tpu.memref_squeeze %dma_start3A_3641 : memref<1x16xi32, #tpu.memory_space<vmem>> -> memref<16xi32, #tpu.memory_space<vmem>>
      %dma_start3A_3643 = arith.constant 0 : i32
      %dma_start3A_3644 = arith.constant 0 : i32
      %dma_start3A_3645 = tpu.memref_slice %arg3[%dma_start3A_3643, %dma_start3A_3644] : memref<4096x128xf32, #tpu.memory_space<hbm>> -> memref<4096x128xf32, #tpu.memory_space<hbm>>
      tpu.enqueue_indirect_dma source(%dma_start3A_3645 : memref<4096x128xf32, #tpu.memory_space<hbm>>) target(%dma_start3A_3639 : memref<16x128xf32, #tpu.memory_space<vmem>>) offsets(%dma_start3A_3642 : memref<16xi32, #tpu.memory_space<vmem>>) semaphore(%arg9 : memref<!tpu.dma_semaphore, #tpu.memory_space<semaphore_mem>>)
      %dma_start3A_3646 = arith.constant 12 : i32
      %dma_start3A_3647 = arith.constant 192 : i32
      %dma_start3A_3648 = arith.constant 0 : i32
      %dma_start3A_3649 = tpu.memref_slice %arg7[%dma_start3A_3647, %dma_start3A_3648] : memref<208x128xf32, #tpu.memory_space<vmem>> -> memref<16x128xf32, #tpu.memory_space<vmem>>
      %dma_start3A_3650 = arith.constant 0 : i32
      %dma_start3A_3651 = tpu.memref_slice %arg6[%dma_start3A_3646, %dma_start3A_3650] : memref<13x16xi32, #tpu.memory_space<vmem>> -> memref<1x16xi32, #tpu.memory_space<vmem>>
      %dma_start3A_3652 = tpu.memref_squeeze %dma_start3A_3651 : memref<1x16xi32, #tpu.memory_space<vmem>> -> memref<16xi32, #tpu.memory_space<vmem>>
      %dma_start3A_3653 = arith.constant 0 : i32
      %dma_start3A_3654 = arith.constant 0 : i32
      %dma_start3A_3655 = tpu.memref_slice %arg3[%dma_start3A_3653, %dma_start3A_3654] : memref<4096x128xf32, #tpu.memory_space<hbm>> -> memref<4096x128xf32, #tpu.memory_space<hbm>>
      tpu.enqueue_indirect_dma source(%dma_start3A_3655 : memref<4096x128xf32, #tpu.memory_space<hbm>>) target(%dma_start3A_3649 : memref<16x128xf32, #tpu.memory_space<vmem>>) offsets(%dma_start3A_3652 : memref<16xi32, #tpu.memory_space<vmem>>) semaphore(%arg9 : memref<!tpu.dma_semaphore, #tpu.memory_space<semaphore_mem>>)
      %dma_wait3A = arith.constant 0 : i32
      %dma_wait3A_3656 = arith.constant 0 : i32
      %dma_wait3A_3657 = arith.constant 0 : i32
      %dma_wait3A_3658 = tpu.memref_slice %arg7[%dma_wait3A_3656, %dma_wait3A_3657] : memref<208x128xf32, #tpu.memory_space<vmem>> -> memref<16x128xf32, #tpu.memory_space<vmem>>
      %dma_wait3A_3659 = arith.constant 0 : i32
      %dma_wait3A_3660 = tpu.memref_slice %arg6[%dma_wait3A, %dma_wait3A_3659] : memref<13x16xi32, #tpu.memory_space<vmem>> -> memref<1x16xi32, #tpu.memory_space<vmem>>
      %dma_wait3A_3661 = tpu.memref_squeeze %dma_wait3A_3660 : memref<1x16xi32, #tpu.memory_space<vmem>> -> memref<16xi32, #tpu.memory_space<vmem>>
      %dma_wait3A_3662 = arith.constant 0 : i32
      %dma_wait3A_3663 = arith.constant 0 : i32
      %dma_wait3A_3664 = tpu.memref_slice %arg3[%dma_wait3A_3662, %dma_wait3A_3663] : memref<4096x128xf32, #tpu.memory_space<hbm>> -> memref<4096x128xf32, #tpu.memory_space<hbm>>
      tpu.wait_indirect_dma semaphore(%arg9 : memref<!tpu.dma_semaphore, #tpu.memory_space<semaphore_mem>>) src(%dma_wait3A_3664 : memref<4096x128xf32, #tpu.memory_space<hbm>>) dst(%dma_wait3A_3658 : memref<16x128xf32, #tpu.memory_space<vmem>>)
      %dma_wait3A_3665 = arith.constant 1 : i32
      %dma_wait3A_3666 = arith.constant 16 : i32
      %dma_wait3A_3667 = arith.constant 0 : i32
      %dma_wait3A_3668 = tpu.memref_slice %arg7[%dma_wait3A_3666, %dma_wait3A_3667] : memref<208x128xf32, #tpu.memory_space<vmem>> -> memref<16x128xf32, #tpu.memory_space<vmem>>
      %dma_wait3A_3669 = arith.constant 0 : i32
      %dma_wait3A_3670 = tpu.memref_slice %arg6[%dma_wait3A_3665, %dma_wait3A_3669] : memref<13x16xi32, #tpu.memory_space<vmem>> -> memref<1x16xi32, #tpu.memory_space<vmem>>
      %dma_wait3A_3671 = tpu.memref_squeeze %dma_wait3A_3670 : memref<1x16xi32, #tpu.memory_space<vmem>> -> memref<16xi32, #tpu.memory_space<vmem>>
      %dma_wait3A_3672 = arith.constant 0 : i32
      %dma_wait3A_3673 = arith.constant 0 : i32
      %dma_wait3A_3674 = tpu.memref_slice %arg3[%dma_wait3A_3672, %dma_wait3A_3673] : memref<4096x128xf32, #tpu.memory_space<hbm>> -> memref<4096x128xf32, #tpu.memory_space<hbm>>
      tpu.wait_indirect_dma semaphore(%arg9 : memref<!tpu.dma_semaphore, #tpu.memory_space<semaphore_mem>>) src(%dma_wait3A_3674 : memref<4096x128xf32, #tpu.memory_space<hbm>>) dst(%dma_wait3A_3668 : memref<16x128xf32, #tpu.memory_space<vmem>>)
      %dma_wait3A_3675 = arith.constant 2 : i32
      %dma_wait3A_3676 = arith.constant 32 : i32
      %dma_wait3A_3677 = arith.constant 0 : i32
      %dma_wait3A_3678 = tpu.memref_slice %arg7[%dma_wait3A_3676, %dma_wait3A_3677] : memref<208x128xf32, #tpu.memory_space<vmem>> -> memref<16x128xf32, #tpu.memory_space<vmem>>
      %dma_wait3A_3679 = arith.constant 0 : i32
      %dma_wait3A_3680 = tpu.memref_slice %arg6[%dma_wait3A_3675, %dma_wait3A_3679] : memref<13x16xi32, #tpu.memory_space<vmem>> -> memref<1x16xi32, #tpu.memory_space<vmem>>
      %dma_wait3A_3681 = tpu.memref_squeeze %dma_wait3A_3680 : memref<1x16xi32, #tpu.memory_space<vmem>> -> memref<16xi32, #tpu.memory_space<vmem>>
      %dma_wait3A_3682 = arith.constant 0 : i32
      %dma_wait3A_3683 = arith.constant 0 : i32
      %dma_wait3A_3684 = tpu.memref_slice %arg3[%dma_wait3A_3682, %dma_wait3A_3683] : memref<4096x128xf32, #tpu.memory_space<hbm>> -> memref<4096x128xf32, #tpu.memory_space<hbm>>
      tpu.wait_indirect_dma semaphore(%arg9 : memref<!tpu.dma_semaphore, #tpu.memory_space<semaphore_mem>>) src(%dma_wait3A_3684 : memref<4096x128xf32, #tpu.memory_space<hbm>>) dst(%dma_wait3A_3678 : memref<16x128xf32, #tpu.memory_space<vmem>>)
      %dma_wait3A_3685 = arith.constant 3 : i32
      %dma_wait3A_3686 = arith.constant 48 : i32
      %dma_wait3A_3687 = arith.constant 0 : i32
      %dma_wait3A_3688 = tpu.memref_slice %arg7[%dma_wait3A_3686, %dma_wait3A_3687] : memref<208x128xf32, #tpu.memory_space<vmem>> -> memref<16x128xf32, #tpu.memory_space<vmem>>
      %dma_wait3A_3689 = arith.constant 0 : i32
      %dma_wait3A_3690 = tpu.memref_slice %arg6[%dma_wait3A_3685, %dma_wait3A_3689] : memref<13x16xi32, #tpu.memory_space<vmem>> -> memref<1x16xi32, #tpu.memory_space<vmem>>
      %dma_wait3A_3691 = tpu.memref_squeeze %dma_wait3A_3690 : memref<1x16xi32, #tpu.memory_space<vmem>> -> memref<16xi32, #tpu.memory_space<vmem>>
      %dma_wait3A_3692 = arith.constant 0 : i32
      %dma_wait3A_3693 = arith.constant 0 : i32
      %dma_wait3A_3694 = tpu.memref_slice %arg3[%dma_wait3A_3692, %dma_wait3A_3693] : memref<4096x128xf32, #tpu.memory_space<hbm>> -> memref<4096x128xf32, #tpu.memory_space<hbm>>
      tpu.wait_indirect_dma semaphore(%arg9 : memref<!tpu.dma_semaphore, #tpu.memory_space<semaphore_mem>>) src(%dma_wait3A_3694 : memref<4096x128xf32, #tpu.memory_space<hbm>>) dst(%dma_wait3A_3688 : memref<16x128xf32, #tpu.memory_space<vmem>>)
      %dma_wait3A_3695 = arith.constant 4 : i32
      %dma_wait3A_3696 = arith.constant 64 : i32
      %dma_wait3A_3697 = arith.constant 0 : i32
      %dma_wait3A_3698 = tpu.memref_slice %arg7[%dma_wait3A_3696, %dma_wait3A_3697] : memref<208x128xf32, #tpu.memory_space<vmem>> -> memref<16x128xf32, #tpu.memory_space<vmem>>
      %dma_wait3A_3699 = arith.constant 0 : i32
      %dma_wait3A_3700 = tpu.memref_slice %arg6[%dma_wait3A_3695, %dma_wait3A_3699] : memref<13x16xi32, #tpu.memory_space<vmem>> -> memref<1x16xi32, #tpu.memory_space<vmem>>
      %dma_wait3A_3701 = tpu.memref_squeeze %dma_wait3A_3700 : memref<1x16xi32, #tpu.memory_space<vmem>> -> memref<16xi32, #tpu.memory_space<vmem>>
      %dma_wait3A_3702 = arith.constant 0 : i32
      %dma_wait3A_3703 = arith.constant 0 : i32
      %dma_wait3A_3704 = tpu.memref_slice %arg3[%dma_wait3A_3702, %dma_wait3A_3703] : memref<4096x128xf32, #tpu.memory_space<hbm>> -> memref<4096x128xf32, #tpu.memory_space<hbm>>
      tpu.wait_indirect_dma semaphore(%arg9 : memref<!tpu.dma_semaphore, #tpu.memory_space<semaphore_mem>>) src(%dma_wait3A_3704 : memref<4096x128xf32, #tpu.memory_space<hbm>>) dst(%dma_wait3A_3698 : memref<16x128xf32, #tpu.memory_space<vmem>>)
      %dma_wait3A_3705 = arith.constant 5 : i32
      %dma_wait3A_3706 = arith.constant 80 : i32
      %dma_wait3A_3707 = arith.constant 0 : i32
      %dma_wait3A_3708 = tpu.memref_slice %arg7[%dma_wait3A_3706, %dma_wait3A_3707] : memref<208x128xf32, #tpu.memory_space<vmem>> -> memref<16x128xf32, #tpu.memory_space<vmem>>
      %dma_wait3A_3709 = arith.constant 0 : i32
      %dma_wait3A_3710 = tpu.memref_slice %arg6[%dma_wait3A_3705, %dma_wait3A_3709] : memref<13x16xi32, #tpu.memory_space<vmem>> -> memref<1x16xi32, #tpu.memory_space<vmem>>
      %dma_wait3A_3711 = tpu.memref_squeeze %dma_wait3A_3710 : memref<1x16xi32, #tpu.memory_space<vmem>> -> memref<16xi32, #tpu.memory_space<vmem>>
      %dma_wait3A_3712 = arith.constant 0 : i32
      %dma_wait3A_3713 = arith.constant 0 : i32
      %dma_wait3A_3714 = tpu.memref_slice %arg3[%dma_wait3A_3712, %dma_wait3A_3713] : memref<4096x128xf32, #tpu.memory_space<hbm>> -> memref<4096x128xf32, #tpu.memory_space<hbm>>
      tpu.wait_indirect_dma semaphore(%arg9 : memref<!tpu.dma_semaphore, #tpu.memory_space<semaphore_mem>>) src(%dma_wait3A_3714 : memref<4096x128xf32, #tpu.memory_space<hbm>>) dst(%dma_wait3A_3708 : memref<16x128xf32, #tpu.memory_space<vmem>>)
      %dma_wait3A_3715 = arith.constant 6 : i32
      %dma_wait3A_3716 = arith.constant 96 : i32
      %dma_wait3A_3717 = arith.constant 0 : i32
      %dma_wait3A_3718 = tpu.memref_slice %arg7[%dma_wait3A_3716, %dma_wait3A_3717] : memref<208x128xf32, #tpu.memory_space<vmem>> -> memref<16x128xf32, #tpu.memory_space<vmem>>
      %dma_wait3A_3719 = arith.constant 0 : i32
      %dma_wait3A_3720 = tpu.memref_slice %arg6[%dma_wait3A_3715, %dma_wait3A_3719] : memref<13x16xi32, #tpu.memory_space<vmem>> -> memref<1x16xi32, #tpu.memory_space<vmem>>
      %dma_wait3A_3721 = tpu.memref_squeeze %dma_wait3A_3720 : memref<1x16xi32, #tpu.memory_space<vmem>> -> memref<16xi32, #tpu.memory_space<vmem>>
      %dma_wait3A_3722 = arith.constant 0 : i32
      %dma_wait3A_3723 = arith.constant 0 : i32
      %dma_wait3A_3724 = tpu.memref_slice %arg3[%dma_wait3A_3722, %dma_wait3A_3723] : memref<4096x128xf32, #tpu.memory_space<hbm>> -> memref<4096x128xf32, #tpu.memory_space<hbm>>
      tpu.wait_indirect_dma semaphore(%arg9 : memref<!tpu.dma_semaphore, #tpu.memory_space<semaphore_mem>>) src(%dma_wait3A_3724 : memref<4096x128xf32, #tpu.memory_space<hbm>>) dst(%dma_wait3A_3718 : memref<16x128xf32, #tpu.memory_space<vmem>>)
      %dma_wait3A_3725 = arith.constant 7 : i32
      %dma_wait3A_3726 = arith.constant 112 : i32
      %dma_wait3A_3727 = arith.constant 0 : i32
      %dma_wait3A_3728 = tpu.memref_slice %arg7[%dma_wait3A_3726, %dma_wait3A_3727] : memref<208x128xf32, #tpu.memory_space<vmem>> -> memref<16x128xf32, #tpu.memory_space<vmem>>
      %dma_wait3A_3729 = arith.constant 0 : i32
      %dma_wait3A_3730 = tpu.memref_slice %arg6[%dma_wait3A_3725, %dma_wait3A_3729] : memref<13x16xi32, #tpu.memory_space<vmem>> -> memref<1x16xi32, #tpu.memory_space<vmem>>
      %dma_wait3A_3731 = tpu.memref_squeeze %dma_wait3A_3730 : memref<1x16xi32, #tpu.memory_space<vmem>> -> memref<16xi32, #tpu.memory_space<vmem>>
      %dma_wait3A_3732 = arith.constant 0 : i32
      %dma_wait3A_3733 = arith.constant 0 : i32
      %dma_wait3A_3734 = tpu.memref_slice %arg3[%dma_wait3A_3732, %dma_wait3A_3733] : memref<4096x128xf32, #tpu.memory_space<hbm>> -> memref<4096x128xf32, #tpu.memory_space<hbm>>
      tpu.wait_indirect_dma semaphore(%arg9 : memref<!tpu.dma_semaphore, #tpu.memory_space<semaphore_mem>>) src(%dma_wait3A_3734 : memref<4096x128xf32, #tpu.memory_space<hbm>>) dst(%dma_wait3A_3728 : memref<16x128xf32, #tpu.memory_space<vmem>>)
      %dma_wait3A_3735 = arith.constant 8 : i32
      %dma_wait3A_3736 = arith.constant 128 : i32
      %dma_wait3A_3737 = arith.constant 0 : i32
      %dma_wait3A_3738 = tpu.memref_slice %arg7[%dma_wait3A_3736, %dma_wait3A_3737] : memref<208x128xf32, #tpu.memory_space<vmem>> -> memref<16x128xf32, #tpu.memory_space<vmem>>
      %dma_wait3A_3739 = arith.constant 0 : i32
      %dma_wait3A_3740 = tpu.memref_slice %arg6[%dma_wait3A_3735, %dma_wait3A_3739] : memref<13x16xi32, #tpu.memory_space<vmem>> -> memref<1x16xi32, #tpu.memory_space<vmem>>
      %dma_wait3A_3741 = tpu.memref_squeeze %dma_wait3A_3740 : memref<1x16xi32, #tpu.memory_space<vmem>> -> memref<16xi32, #tpu.memory_space<vmem>>
      %dma_wait3A_3742 = arith.constant 0 : i32
      %dma_wait3A_3743 = arith.constant 0 : i32
      %dma_wait3A_3744 = tpu.memref_slice %arg3[%dma_wait3A_3742, %dma_wait3A_3743] : memref<4096x128xf32, #tpu.memory_space<hbm>> -> memref<4096x128xf32, #tpu.memory_space<hbm>>
      tpu.wait_indirect_dma semaphore(%arg9 : memref<!tpu.dma_semaphore, #tpu.memory_space<semaphore_mem>>) src(%dma_wait3A_3744 : memref<4096x128xf32, #tpu.memory_space<hbm>>) dst(%dma_wait3A_3738 : memref<16x128xf32, #tpu.memory_space<vmem>>)
      %dma_wait3A_3745 = arith.constant 9 : i32
      %dma_wait3A_3746 = arith.constant 144 : i32
      %dma_wait3A_3747 = arith.constant 0 : i32
      %dma_wait3A_3748 = tpu.memref_slice %arg7[%dma_wait3A_3746, %dma_wait3A_3747] : memref<208x128xf32, #tpu.memory_space<vmem>> -> memref<16x128xf32, #tpu.memory_space<vmem>>
      %dma_wait3A_3749 = arith.constant 0 : i32
      %dma_wait3A_3750 = tpu.memref_slice %arg6[%dma_wait3A_3745, %dma_wait3A_3749] : memref<13x16xi32, #tpu.memory_space<vmem>> -> memref<1x16xi32, #tpu.memory_space<vmem>>
      %dma_wait3A_3751 = tpu.memref_squeeze %dma_wait3A_3750 : memref<1x16xi32, #tpu.memory_space<vmem>> -> memref<16xi32, #tpu.memory_space<vmem>>
      %dma_wait3A_3752 = arith.constant 0 : i32
      %dma_wait3A_3753 = arith.constant 0 : i32
      %dma_wait3A_3754 = tpu.memref_slice %arg3[%dma_wait3A_3752, %dma_wait3A_3753] : memref<4096x128xf32, #tpu.memory_space<hbm>> -> memref<4096x128xf32, #tpu.memory_space<hbm>>
      tpu.wait_indirect_dma semaphore(%arg9 : memref<!tpu.dma_semaphore, #tpu.memory_space<semaphore_mem>>) src(%dma_wait3A_3754 : memref<4096x128xf32, #tpu.memory_space<hbm>>) dst(%dma_wait3A_3748 : memref<16x128xf32, #tpu.memory_space<vmem>>)
      %dma_wait3A_3755 = arith.constant 10 : i32
      %dma_wait3A_3756 = arith.constant 160 : i32
      %dma_wait3A_3757 = arith.constant 0 : i32
      %dma_wait3A_3758 = tpu.memref_slice %arg7[%dma_wait3A_3756, %dma_wait3A_3757] : memref<208x128xf32, #tpu.memory_space<vmem>> -> memref<16x128xf32, #tpu.memory_space<vmem>>
      %dma_wait3A_3759 = arith.constant 0 : i32
      %dma_wait3A_3760 = tpu.memref_slice %arg6[%dma_wait3A_3755, %dma_wait3A_3759] : memref<13x16xi32, #tpu.memory_space<vmem>> -> memref<1x16xi32, #tpu.memory_space<vmem>>
      %dma_wait3A_3761 = tpu.memref_squeeze %dma_wait3A_3760 : memref<1x16xi32, #tpu.memory_space<vmem>> -> memref<16xi32, #tpu.memory_space<vmem>>
      %dma_wait3A_3762 = arith.constant 0 : i32
      %dma_wait3A_3763 = arith.constant 0 : i32
      %dma_wait3A_3764 = tpu.memref_slice %arg3[%dma_wait3A_3762, %dma_wait3A_3763] : memref<4096x128xf32, #tpu.memory_space<hbm>> -> memref<4096x128xf32, #tpu.memory_space<hbm>>
      tpu.wait_indirect_dma semaphore(%arg9 : memref<!tpu.dma_semaphore, #tpu.memory_space<semaphore_mem>>) src(%dma_wait3A_3764 : memref<4096x128xf32, #tpu.memory_space<hbm>>) dst(%dma_wait3A_3758 : memref<16x128xf32, #tpu.memory_space<vmem>>)
      %dma_wait3A_3765 = arith.constant 11 : i32
      %dma_wait3A_3766 = arith.constant 176 : i32
      %dma_wait3A_3767 = arith.constant 0 : i32
      %dma_wait3A_3768 = tpu.memref_slice %arg7[%dma_wait3A_3766, %dma_wait3A_3767] : memref<208x128xf32, #tpu.memory_space<vmem>> -> memref<16x128xf32, #tpu.memory_space<vmem>>
      %dma_wait3A_3769 = arith.constant 0 : i32
      %dma_wait3A_3770 = tpu.memref_slice %arg6[%dma_wait3A_3765, %dma_wait3A_3769] : memref<13x16xi32, #tpu.memory_space<vmem>> -> memref<1x16xi32, #tpu.memory_space<vmem>>
      %dma_wait3A_3771 = tpu.memref_squeeze %dma_wait3A_3770 : memref<1x16xi32, #tpu.memory_space<vmem>> -> memref<16xi32, #tpu.memory_space<vmem>>
      %dma_wait3A_3772 = arith.constant 0 : i32
      %dma_wait3A_3773 = arith.constant 0 : i32
      %dma_wait3A_3774 = tpu.memref_slice %arg3[%dma_wait3A_3772, %dma_wait3A_3773] : memref<4096x128xf32, #tpu.memory_space<hbm>> -> memref<4096x128xf32, #tpu.memory_space<hbm>>
      tpu.wait_indirect_dma semaphore(%arg9 : memref<!tpu.dma_semaphore, #tpu.memory_space<semaphore_mem>>) src(%dma_wait3A_3774 : memref<4096x128xf32, #tpu.memory_space<hbm>>) dst(%dma_wait3A_3768 : memref<16x128xf32, #tpu.memory_space<vmem>>)
      %dma_wait3A_3775 = arith.constant 12 : i32
      %dma_wait3A_3776 = arith.constant 192 : i32
      %dma_wait3A_3777 = arith.constant 0 : i32
      %dma_wait3A_3778 = tpu.memref_slice %arg7[%dma_wait3A_3776, %dma_wait3A_3777] : memref<208x128xf32, #tpu.memory_space<vmem>> -> memref<16x128xf32, #tpu.memory_space<vmem>>
      %dma_wait3A_3779 = arith.constant 0 : i32
      %dma_wait3A_3780 = tpu.memref_slice %arg6[%dma_wait3A_3775, %dma_wait3A_3779] : memref<13x16xi32, #tpu.memory_space<vmem>> -> memref<1x16xi32, #tpu.memory_space<vmem>>
      %dma_wait3A_3781 = tpu.memref_squeeze %dma_wait3A_3780 : memref<1x16xi32, #tpu.memory_space<vmem>> -> memref<16xi32, #tpu.memory_space<vmem>>
      %dma_wait3A_3782 = arith.constant 0 : i32
      %dma_wait3A_3783 = arith.constant 0 : i32
      %dma_wait3A_3784 = tpu.memref_slice %arg3[%dma_wait3A_3782, %dma_wait3A_3783] : memref<4096x128xf32, #tpu.memory_space<hbm>> -> memref<4096x128xf32, #tpu.memory_space<hbm>>
      tpu.wait_indirect_dma semaphore(%arg9 : memref<!tpu.dma_semaphore, #tpu.memory_space<semaphore_mem>>) src(%dma_wait3A_3784 : memref<4096x128xf32, #tpu.memory_space<hbm>>) dst(%dma_wait3A_3778 : memref<16x128xf32, #tpu.memory_space<vmem>>)
      "tpu.region"() ({
        %run_scoped3A = tpu.sem_alloc : memref<!tpu.dma_semaphore, #tpu.memory_space<semaphore_mem>>
        %dma_start3A_3785 = arith.constant 0 : i32
        %dma_start3A_3786 = arith.constant 0 : i32
        %dma_start3A_3787 = tpu.memref_slice %arg4[%arg0, %dma_start3A_3785, %dma_start3A_3786] : memref<2x208x128xf32, #tpu.memory_space<hbm>> -> memref<1x208x128xf32, #tpu.memory_space<hbm>>
        %dma_start3A_3788 = tpu.memref_squeeze %dma_start3A_3787 : memref<1x208x128xf32, #tpu.memory_space<hbm>> -> memref<208x128xf32, #tpu.memory_space<hbm>>
        %dma_start3A_3789 = arith.constant 0 : i32
        %dma_start3A_3790 = arith.constant 0 : i32
        %dma_start3A_3791 = tpu.memref_slice %arg4[%arg0, %dma_start3A_3789, %dma_start3A_3790] : memref<2x208x128xf32, #tpu.memory_space<hbm>> -> memref<1x208x128xf32, #tpu.memory_space<hbm>>
        %dma_start3A_3792 = tpu.memref_squeeze %dma_start3A_3791 : memref<1x208x128xf32, #tpu.memory_space<hbm>> -> memref<208x128xf32, #tpu.memory_space<hbm>>
        tpu.enqueue_dma source(%arg7 : memref<208x128xf32, #tpu.memory_space<vmem>>) target(%dma_start3A_3792 : memref<208x128xf32, #tpu.memory_space<hbm>>) target_semaphore(%run_scoped3A : memref<!tpu.dma_semaphore, #tpu.memory_space<semaphore_mem>>)
        %dma_wait3A_3793 = arith.constant 0 : i32
        %dma_wait3A_3794 = arith.constant 0 : i32
        %dma_wait3A_3795 = tpu.memref_slice %arg4[%arg0, %dma_wait3A_3793, %dma_wait3A_3794] : memref<2x208x128xf32, #tpu.memory_space<hbm>> -> memref<1x208x128xf32, #tpu.memory_space<hbm>>
        %dma_wait3A_3796 = tpu.memref_squeeze %dma_wait3A_3795 : memref<1x208x128xf32, #tpu.memory_space<hbm>> -> memref<208x128xf32, #tpu.memory_space<hbm>>
        %dma_wait3A_3797 = arith.constant 0 : i32
        %dma_wait3A_3798 = arith.constant 0 : i32
        %dma_wait3A_3799 = tpu.memref_slice %arg4[%arg0, %dma_wait3A_3797, %dma_wait3A_3798] : memref<2x208x128xf32, #tpu.memory_space<hbm>> -> memref<1x208x128xf32, #tpu.memory_space<hbm>>
        %dma_wait3A_3800 = tpu.memref_squeeze %dma_wait3A_3799 : memref<1x208x128xf32, #tpu.memory_space<hbm>> -> memref<208x128xf32, #tpu.memory_space<hbm>>
        tpu.wait_dma2 semaphore(%run_scoped3A : memref<!tpu.dma_semaphore, #tpu.memory_space<semaphore_mem>>) src(%arg7 : memref<208x128xf32, #tpu.memory_space<vmem>>) dst(%dma_wait3A_3800 : memref<208x128xf32, #tpu.memory_space<hbm>>)
        tpu.yield
      }) : () -> ()
    } else {
    }
    return
  }
}

module attributes {stable_mosaic.version = 14 : i64} {
  func.func @_stage_a_body(%arg0: memref<4096x10xf32, #tpu.memory_space<vmem>>, %arg1: memref<10x32xf32, #tpu.memory_space<vmem>>, %arg2: memref<1x32xf32, #tpu.memory_space<vmem>>, %arg3: memref<32x1xf32, #tpu.memory_space<vmem>>, %arg4: memref<64x30xf32, #tpu.memory_space<vmem>>, %arg5: memref<1x64xf32, #tpu.memory_space<vmem>>, %arg6: memref<32x64xf32, #tpu.memory_space<vmem>>, %arg7: memref<1x32xf32, #tpu.memory_space<vmem>>, %arg8: memref<10x32xf32, #tpu.memory_space<vmem>>, %arg9: memref<32x128xi32, #tpu.memory_space<vmem>>, %arg10: memref<4096x64xf32, #tpu.memory_space<vmem>>, %arg11: memref<4096x128xf32, #tpu.memory_space<vmem>>, %arg12: memref<256x128xbf16, #tpu.memory_space<vmem>>, %arg13: memref<1x128xf32, #tpu.memory_space<vmem>>, %arg14: memref<128x10xf32, #tpu.memory_space<vmem>>) attributes {dimension_semantics = [], scalar_prefetch = 0 : i64, scratch_operands = 0 : i64, tpu.core_type = #tpu.core_type<tc>} {
    %get3A = arith.constant 0 : index
    %get3A_0 = arith.constant 0 : index
    %get3A_1 = vector.load %arg0[%get3A, %get3A_0] : memref<4096x10xf32, #tpu.memory_space<vmem>>, vector<4096x10xf32>
    %get3A_2 = arith.constant 0 : index
    %get3A_3 = arith.constant 0 : index
    %get3A_4 = vector.load %arg1[%get3A_2, %get3A_3] : memref<10x32xf32, #tpu.memory_space<vmem>>, vector<10x32xf32>
    %dot_general3A = arith.constant dense<0.000000e+00> : vector<4096x32xf32>
    %dot_general3A_5 = tpu.matmul %get3A_1, %get3A_4, %dot_general3A {dimension_numbers = #tpu.dot_dimension_numbers<[1], [0], [0], [1], [0, 0, 1, 1], [], []>, transpose_lhs_hint = false} : vector<4096x10xf32>, vector<10x32xf32>, vector<4096x32xf32> -> vector<4096x32xf32>
    %get3A_6 = arith.constant 0 : index
    %get3A_7 = arith.constant 0 : index
    %get3A_8 = vector.load %arg2[%get3A_6, %get3A_7] : memref<1x32xf32, #tpu.memory_space<vmem>>, vector<1x32xf32>
    %add3A = vector.broadcast %get3A_8 : vector<1x32xf32> to vector<4096x32xf32>
    %add3A_9 = arith.addf %dot_general3A_5, %add3A : vector<4096x32xf32>
    %max3A = arith.constant 0.000000e+00 : f32
    %max3A_10 = vector.broadcast %max3A : f32 to vector<4096x32xf32>
    %max3A_11 = arith.maximumf %add3A_9, %max3A_10 : vector<4096x32xf32>
    %get3A_12 = arith.constant 0 : index
    %get3A_13 = arith.constant 0 : index
    %get3A_14 = vector.load %arg3[%get3A_12, %get3A_13] : memref<32x1xf32, #tpu.memory_space<vmem>>, vector<32x1xf32>
    %dot_general3A_15 = arith.constant dense<0.000000e+00> : vector<4096x1xf32>
    %dot_general3A_16 = tpu.matmul %max3A_11, %get3A_14, %dot_general3A_15 {dimension_numbers = #tpu.dot_dimension_numbers<[1], [0], [0], [1], [0, 0, 1, 1], [], []>, transpose_lhs_hint = false} : vector<4096x32xf32>, vector<32x1xf32>, vector<4096x1xf32> -> vector<4096x1xf32>
    %bitcast_convert_type3A = tpu.bitcast %dot_general3A_16 : vector<4096x1xf32> -> vector<4096x1xi32>
    %shift_right_arithmetic3A = arith.constant 31 : i32
    %shift_right_arithmetic3A_17 = vector.broadcast %shift_right_arithmetic3A : i32 to vector<4096x1xi32>
    %shift_right_arithmetic3A_18 = arith.shrsi %bitcast_convert_type3A, %shift_right_arithmetic3A_17 : vector<4096x1xi32>
    %or3A = arith.constant -2147483648 : i32
    %or3A_19 = vector.broadcast %or3A : i32 to vector<4096x1xi32>
    %or3A_20 = arith.ori %shift_right_arithmetic3A_18, %or3A_19 : vector<4096x1xi32>
    %xor3A = arith.xori %bitcast_convert_type3A, %or3A_20 : vector<4096x1xi32>
    %reshape3A = vector.shape_cast %xor3A : vector<4096x1xi32> to vector<32x128xi32>
    %swap3A = arith.constant 0 : index
    %swap3A_21 = arith.constant 0 : index
    %swap3A_22 = vector.load %arg9[%swap3A, %swap3A_21] : memref<32x128xi32, #tpu.memory_space<vmem>>, vector<32x128xi32>
    tpu.vector_store %arg9[%swap3A, %swap3A_21], %reshape3A {strides = array<i32>} : memref<32x128xi32, #tpu.memory_space<vmem>>, vector<32x128xi32>,
    %get3A_23 = arith.constant 0 : index
    %get3A_24 = arith.constant 0 : index
    %get3A_25 = vector.load %arg4[%get3A_23, %get3A_24] : memref<64x30xf32, #tpu.memory_space<vmem>>, vector<64x30xf32>
    %slice3A = vector.extract_strided_slice %get3A_25 {offsets = [0, 0], sizes = [64, 10], strides = [1, 1]} : vector<64x30xf32> to vector<64x10xf32>
    %dot_general3A_26 = arith.constant dense<0.000000e+00> : vector<4096x64xf32>
    %dot_general3A_27 = tpu.matmul %get3A_1, %slice3A, %dot_general3A_26 {dimension_numbers = #tpu.dot_dimension_numbers<[1], [1], [0], [0], [0, 0, 1, 0], [], []>, precision = #tpu.contract_precision<fp32>, transpose_lhs_hint = false} : vector<4096x10xf32>, vector<64x10xf32>, vector<4096x64xf32> -> vector<4096x64xf32>
    %swap3A_28 = arith.constant 0 : index
    %swap3A_29 = arith.constant 0 : index
    %swap3A_30 = vector.load %arg10[%swap3A_28, %swap3A_29] : memref<4096x64xf32, #tpu.memory_space<vmem>>, vector<4096x64xf32>
    tpu.vector_store %arg10[%swap3A_28, %swap3A_29], %dot_general3A_27 {strides = array<i32>} : memref<4096x64xf32, #tpu.memory_space<vmem>>, vector<4096x64xf32>,
    %slice3A_31 = vector.extract_strided_slice %get3A_25 {offsets = [0, 10], sizes = [64, 10], strides = [1, 1]} : vector<64x30xf32> to vector<64x10xf32>
    %slice3A_32 = vector.extract_strided_slice %get3A_25 {offsets = [0, 20], sizes = [64, 10], strides = [1, 1]} : vector<64x30xf32> to vector<64x10xf32>
    %add3A_33 = arith.addf %slice3A_31, %slice3A_32 : vector<64x10xf32>
    %dot_general3A_34 = arith.constant dense<0.000000e+00> : vector<4096x64xf32>
    %dot_general3A_35 = tpu.matmul %get3A_1, %add3A_33, %dot_general3A_34 {dimension_numbers = #tpu.dot_dimension_numbers<[1], [1], [0], [0], [0, 0, 1, 0], [], []>, precision = #tpu.contract_precision<fp32>, transpose_lhs_hint = false} : vector<4096x10xf32>, vector<64x10xf32>, vector<4096x64xf32> -> vector<4096x64xf32>
    %get3A_36 = arith.constant 0 : index
    %get3A_37 = arith.constant 0 : index
    %get3A_38 = vector.load %arg5[%get3A_36, %get3A_37] : memref<1x64xf32, #tpu.memory_space<vmem>>, vector<1x64xf32>
    %add3A_39 = vector.broadcast %get3A_38 : vector<1x64xf32> to vector<4096x64xf32>
    %add3A_40 = arith.addf %dot_general3A_35, %add3A_39 : vector<4096x64xf32>
    %broadcast_in_dim3A = arith.constant 0.000000e+00 : f32
    %broadcast_in_dim3A_41 = vector.broadcast %broadcast_in_dim3A : f32 to vector<4096x64xf32>
    %concatenate3A = tpu.concatenate %add3A_40, %broadcast_in_dim3A_41 in 1 : vector<4096x64xf32>, vector<4096x64xf32> -> vector<4096x128xf32>
    %swap3A_42 = arith.constant 0 : index
    %swap3A_43 = arith.constant 0 : index
    %swap3A_44 = vector.load %arg11[%swap3A_42, %swap3A_43] : memref<4096x128xf32, #tpu.memory_space<vmem>>, vector<4096x128xf32>
    tpu.vector_store %arg11[%swap3A_42, %swap3A_43], %concatenate3A {strides = array<i32>} : memref<4096x128xf32, #tpu.memory_space<vmem>>, vector<4096x128xf32>,
    %get3A_45 = arith.constant 0 : index
    %get3A_46 = arith.constant 0 : index
    %get3A_47 = vector.load %arg6[%get3A_45, %get3A_46] : memref<32x64xf32, #tpu.memory_space<vmem>>, vector<32x64xf32>
    %transpose3A = tpu.transpose %get3A_47, [1, 0] : vector<32x64xf32> -> vector<64x32xf32>
    %broadcast_in_dim3A_48 = arith.constant 0.000000e+00 : f32
    %broadcast_in_dim3A_49 = vector.broadcast %broadcast_in_dim3A_48 : f32 to vector<64x32xf32>
    %concatenate3A_50 = tpu.concatenate %transpose3A, %broadcast_in_dim3A_49, %broadcast_in_dim3A_49, %broadcast_in_dim3A_49 in 1 : vector<64x32xf32>, vector<64x32xf32>, vector<64x32xf32>, vector<64x32xf32> -> vector<64x128xf32>
    %concatenate3A_51 = tpu.concatenate %broadcast_in_dim3A_49, %transpose3A, %broadcast_in_dim3A_49, %broadcast_in_dim3A_49 in 1 : vector<64x32xf32>, vector<64x32xf32>, vector<64x32xf32>, vector<64x32xf32> -> vector<64x128xf32>
    %concatenate3A_52 = tpu.concatenate %broadcast_in_dim3A_49, %broadcast_in_dim3A_49, %transpose3A, %broadcast_in_dim3A_49 in 1 : vector<64x32xf32>, vector<64x32xf32>, vector<64x32xf32>, vector<64x32xf32> -> vector<64x128xf32>
    %concatenate3A_53 = tpu.concatenate %broadcast_in_dim3A_49, %broadcast_in_dim3A_49, %broadcast_in_dim3A_49, %transpose3A in 1 : vector<64x32xf32>, vector<64x32xf32>, vector<64x32xf32>, vector<64x32xf32> -> vector<64x128xf32>
    %concatenate3A_54 = tpu.concatenate %concatenate3A_50, %concatenate3A_51, %concatenate3A_52, %concatenate3A_53 in 0 : vector<64x128xf32>, vector<64x128xf32>, vector<64x128xf32>, vector<64x128xf32> -> vector<256x128xf32>
    %convert_element_type3A = arith.truncf %concatenate3A_54 : vector<256x128xf32> to vector<256x128xbf16>
    %swap3A_55 = arith.constant 0 : index
    %swap3A_56 = arith.constant 0 : index
    %swap3A_57 = vector.load %arg12[%swap3A_55, %swap3A_56] : memref<256x128xbf16, #tpu.memory_space<vmem>>, vector<256x128xbf16>
    tpu.vector_store %arg12[%swap3A_55, %swap3A_56], %convert_element_type3A {strides = array<i32>} : memref<256x128xbf16, #tpu.memory_space<vmem>>, vector<256x128xbf16>,
    %get3A_58 = arith.constant 0 : index
    %get3A_59 = arith.constant 0 : index
    %get3A_60 = vector.load %arg7[%get3A_58, %get3A_59] : memref<1x32xf32, #tpu.memory_space<vmem>>, vector<1x32xf32>
    %concatenate3A_61 = tpu.concatenate %get3A_60, %get3A_60, %get3A_60, %get3A_60 in 1 : vector<1x32xf32>, vector<1x32xf32>, vector<1x32xf32>, vector<1x32xf32> -> vector<1x128xf32>
    %swap3A_62 = arith.constant 0 : index
    %swap3A_63 = arith.constant 0 : index
    %swap3A_64 = vector.load %arg13[%swap3A_62, %swap3A_63] : memref<1x128xf32, #tpu.memory_space<vmem>>, vector<1x128xf32>
    tpu.vector_store %arg13[%swap3A_62, %swap3A_63], %concatenate3A_61 {strides = array<i32>} : memref<1x128xf32, #tpu.memory_space<vmem>>, vector<1x128xf32>,
    %get3A_65 = arith.constant 0 : index
    %get3A_66 = arith.constant 0 : index
    %get3A_67 = vector.load %arg8[%get3A_65, %get3A_66] : memref<10x32xf32, #tpu.memory_space<vmem>>, vector<10x32xf32>
    %transpose3A_68 = tpu.transpose %get3A_67, [1, 0] : vector<10x32xf32> -> vector<32x10xf32>
    %concatenate3A_69 = tpu.concatenate %transpose3A_68, %transpose3A_68, %transpose3A_68, %transpose3A_68 in 0 : vector<32x10xf32>, vector<32x10xf32>, vector<32x10xf32>, vector<32x10xf32> -> vector<128x10xf32>
    %swap3A_70 = arith.constant 0 : index
    %swap3A_71 = arith.constant 0 : index
    %swap3A_72 = vector.load %arg14[%swap3A_70, %swap3A_71] : memref<128x10xf32, #tpu.memory_space<vmem>>, vector<128x10xf32>
    tpu.vector_store %arg14[%swap3A_70, %swap3A_71], %concatenate3A_69 {strides = array<i32>} : memref<128x10xf32, #tpu.memory_space<vmem>>, vector<128x10xf32>,
    return
  }
}

module attributes {stable_mosaic.version = 14 : i64} {
  func.func @_stage_c_body(%arg0: i32, %arg1: i32, %arg2: memref<1x2048x64xf32, #tpu.memory_space<vmem>>, %arg3: memref<1x51x256xf32, #tpu.memory_space<vmem>>, %arg4: memref<256x128xbf16, #tpu.memory_space<vmem>>, %arg5: memref<1x128xf32, #tpu.memory_space<vmem>>, %arg6: memref<128x10xf32, #tpu.memory_space<vmem>>, %arg7: memref<1x10xf32, #tpu.memory_space<vmem>>, %arg8: memref<1x2048x10xf32, #tpu.memory_space<vmem>>) attributes {dimension_semantics = [#tpu.dimension_semantics<arbitrary>, #tpu.dimension_semantics<arbitrary>], iteration_bounds = array<i64: 2, 1>, scalar_prefetch = 0 : i64, scratch_operands = 0 : i64, tpu.core_type = #tpu.core_type<tc>, window_params = [{transform_indices = @transform_0, window_bounds = array<i64: 1, 2048, 64>}, {transform_indices = @transform_1, window_bounds = array<i64: 1, 51, 256>}, {pipeline_mode = #tpu.pipeline_mode<synchronous>, transform_indices = @transform_2, window_bounds = array<i64: 256, 128>}, {pipeline_mode = #tpu.pipeline_mode<synchronous>, transform_indices = @transform_3, window_bounds = array<i64: 1, 128>}, {pipeline_mode = #tpu.pipeline_mode<synchronous>, transform_indices = @transform_4, window_bounds = array<i64: 128, 10>}, {pipeline_mode = #tpu.pipeline_mode<synchronous>, transform_indices = @transform_5, window_bounds = array<i64: 1, 10>}, {transform_indices = @transform_6, window_bounds = array<i64: 1, 2048, 10>}]} {
    %get3A = arith.constant 0 : index
    %get3A_0 = arith.constant 0 : index
    %get3A_1 = arith.constant 0 : index
    %get3A_2 = vector.load %arg2[%get3A, %get3A_0, %get3A_1] : memref<1x2048x64xf32, #tpu.memory_space<vmem>>, vector<1x2048x64xf32>
    %get3A_3 = vector.shape_cast %get3A_2 : vector<1x2048x64xf32> to vector<2048x64xf32>
    %concatenate3A = tpu.concatenate %get3A_3, %get3A_3, %get3A_3, %get3A_3 in 1 : vector<2048x64xf32>, vector<2048x64xf32>, vector<2048x64xf32>, vector<2048x64xf32> -> vector<2048x256xf32>
    %get3A_4 = arith.constant 0 : index
    %get3A_5 = arith.constant 0 : index
    %get3A_6 = arith.constant 0 : index
    %get3A_7 = vector.load %arg3[%get3A_4, %get3A_5, %get3A_6] : memref<1x51x256xf32, #tpu.memory_space<vmem>>, vector<1x51x256xf32>
    %get3A_8 = vector.shape_cast %get3A_7 : vector<1x51x256xf32> to vector<51x256xf32>
    %get3A_9 = arith.constant 0 : index
    %get3A_10 = arith.constant 0 : index
    %get3A_11 = vector.load %arg4[%get3A_9, %get3A_10] : memref<256x128xbf16, #tpu.memory_space<vmem>>, vector<256x128xbf16>
    %get3A_12 = arith.constant 0 : index
    %get3A_13 = arith.constant 0 : index
    %get3A_14 = vector.load %arg5[%get3A_12, %get3A_13] : memref<1x128xf32, #tpu.memory_space<vmem>>, vector<1x128xf32>
    %broadcast_in_dim3A = arith.constant 0.000000e+00 : f32
    %broadcast_in_dim3A_15 = vector.broadcast %broadcast_in_dim3A : f32 to vector<2048x128xf32>
    %slice3A = vector.extract_strided_slice %get3A_8 {offsets = [0, 0], sizes = [1, 256], strides = [1, 1]} : vector<51x256xf32> to vector<1x256xf32>
    %add3A = vector.broadcast %slice3A : vector<1x256xf32> to vector<2048x256xf32>
    %add3A_16 = arith.addf %concatenate3A, %add3A : vector<2048x256xf32>
    %max3A = arith.constant 0.000000e+00 : f32
    %max3A_17 = vector.broadcast %max3A : f32 to vector<2048x256xf32>
    %max3A_18 = arith.maximumf %add3A_16, %max3A_17 : vector<2048x256xf32>
    %convert_element_type3A = arith.truncf %max3A_18 : vector<2048x256xf32> to vector<2048x256xbf16>
    %dot_general3A = arith.constant dense<0.000000e+00> : vector<2048x128xf32>
    %dot_general3A_19 = tpu.matmul %convert_element_type3A, %get3A_11, %dot_general3A {dimension_numbers = #tpu.dot_dimension_numbers<[1], [0], [0], [1], [0, 0, 1, 1], [], []>, transpose_lhs_hint = false} : vector<2048x256xbf16>, vector<256x128xbf16>, vector<2048x128xf32> -> vector<2048x128xf32>
    %add3A_20 = vector.broadcast %get3A_14 : vector<1x128xf32> to vector<2048x128xf32>
    %add3A_21 = arith.addf %dot_general3A_19, %add3A_20 : vector<2048x128xf32>
    %max3A_22 = arith.constant 0.000000e+00 : f32
    %max3A_23 = vector.broadcast %max3A_22 : f32 to vector<2048x128xf32>
    %max3A_24 = arith.maximumf %add3A_21, %max3A_23 : vector<2048x128xf32>
    %add3A_25 = arith.addf %broadcast_in_dim3A_15, %max3A_24 : vector<2048x128xf32>
    %slice3A_26 = vector.extract_strided_slice %get3A_8 {offsets = [1, 0], sizes = [1, 256], strides = [1, 1]} : vector<51x256xf32> to vector<1x256xf32>
    %add3A_27 = vector.broadcast %slice3A_26 : vector<1x256xf32> to vector<2048x256xf32>
    %add3A_28 = arith.addf %concatenate3A, %add3A_27 : vector<2048x256xf32>
    %max3A_29 = arith.constant 0.000000e+00 : f32
    %max3A_30 = vector.broadcast %max3A_29 : f32 to vector<2048x256xf32>
    %max3A_31 = arith.maximumf %add3A_28, %max3A_30 : vector<2048x256xf32>
    %convert_element_type3A_32 = arith.truncf %max3A_31 : vector<2048x256xf32> to vector<2048x256xbf16>
    %dot_general3A_33 = arith.constant dense<0.000000e+00> : vector<2048x128xf32>
    %dot_general3A_34 = tpu.matmul %convert_element_type3A_32, %get3A_11, %dot_general3A_33 {dimension_numbers = #tpu.dot_dimension_numbers<[1], [0], [0], [1], [0, 0, 1, 1], [], []>, transpose_lhs_hint = false} : vector<2048x256xbf16>, vector<256x128xbf16>, vector<2048x128xf32> -> vector<2048x128xf32>
    %add3A_35 = vector.broadcast %get3A_14 : vector<1x128xf32> to vector<2048x128xf32>
    %add3A_36 = arith.addf %dot_general3A_34, %add3A_35 : vector<2048x128xf32>
    %max3A_37 = arith.constant 0.000000e+00 : f32
    %max3A_38 = vector.broadcast %max3A_37 : f32 to vector<2048x128xf32>
    %max3A_39 = arith.maximumf %add3A_36, %max3A_38 : vector<2048x128xf32>
    %add3A_40 = arith.addf %add3A_25, %max3A_39 : vector<2048x128xf32>
    %slice3A_41 = vector.extract_strided_slice %get3A_8 {offsets = [2, 0], sizes = [1, 256], strides = [1, 1]} : vector<51x256xf32> to vector<1x256xf32>
    %add3A_42 = vector.broadcast %slice3A_41 : vector<1x256xf32> to vector<2048x256xf32>
    %add3A_43 = arith.addf %concatenate3A, %add3A_42 : vector<2048x256xf32>
    %max3A_44 = arith.constant 0.000000e+00 : f32
    %max3A_45 = vector.broadcast %max3A_44 : f32 to vector<2048x256xf32>
    %max3A_46 = arith.maximumf %add3A_43, %max3A_45 : vector<2048x256xf32>
    %convert_element_type3A_47 = arith.truncf %max3A_46 : vector<2048x256xf32> to vector<2048x256xbf16>
    %dot_general3A_48 = arith.constant dense<0.000000e+00> : vector<2048x128xf32>
    %dot_general3A_49 = tpu.matmul %convert_element_type3A_47, %get3A_11, %dot_general3A_48 {dimension_numbers = #tpu.dot_dimension_numbers<[1], [0], [0], [1], [0, 0, 1, 1], [], []>, transpose_lhs_hint = false} : vector<2048x256xbf16>, vector<256x128xbf16>, vector<2048x128xf32> -> vector<2048x128xf32>
    %add3A_50 = vector.broadcast %get3A_14 : vector<1x128xf32> to vector<2048x128xf32>
    %add3A_51 = arith.addf %dot_general3A_49, %add3A_50 : vector<2048x128xf32>
    %max3A_52 = arith.constant 0.000000e+00 : f32
    %max3A_53 = vector.broadcast %max3A_52 : f32 to vector<2048x128xf32>
    %max3A_54 = arith.maximumf %add3A_51, %max3A_53 : vector<2048x128xf32>
    %add3A_55 = arith.addf %add3A_40, %max3A_54 : vector<2048x128xf32>
    %slice3A_56 = vector.extract_strided_slice %get3A_8 {offsets = [3, 0], sizes = [1, 256], strides = [1, 1]} : vector<51x256xf32> to vector<1x256xf32>
    %add3A_57 = vector.broadcast %slice3A_56 : vector<1x256xf32> to vector<2048x256xf32>
    %add3A_58 = arith.addf %concatenate3A, %add3A_57 : vector<2048x256xf32>
    %max3A_59 = arith.constant 0.000000e+00 : f32
    %max3A_60 = vector.broadcast %max3A_59 : f32 to vector<2048x256xf32>
    %max3A_61 = arith.maximumf %add3A_58, %max3A_60 : vector<2048x256xf32>
    %convert_element_type3A_62 = arith.truncf %max3A_61 : vector<2048x256xf32> to vector<2048x256xbf16>
    %dot_general3A_63 = arith.constant dense<0.000000e+00> : vector<2048x128xf32>
    %dot_general3A_64 = tpu.matmul %convert_element_type3A_62, %get3A_11, %dot_general3A_63 {dimension_numbers = #tpu.dot_dimension_numbers<[1], [0], [0], [1], [0, 0, 1, 1], [], []>, transpose_lhs_hint = false} : vector<2048x256xbf16>, vector<256x128xbf16>, vector<2048x128xf32> -> vector<2048x128xf32>
    %add3A_65 = vector.broadcast %get3A_14 : vector<1x128xf32> to vector<2048x128xf32>
    %add3A_66 = arith.addf %dot_general3A_64, %add3A_65 : vector<2048x128xf32>
    %max3A_67 = arith.constant 0.000000e+00 : f32
    %max3A_68 = vector.broadcast %max3A_67 : f32 to vector<2048x128xf32>
    %max3A_69 = arith.maximumf %add3A_66, %max3A_68 : vector<2048x128xf32>
    %add3A_70 = arith.addf %add3A_55, %max3A_69 : vector<2048x128xf32>
    %slice3A_71 = vector.extract_strided_slice %get3A_8 {offsets = [4, 0], sizes = [1, 256], strides = [1, 1]} : vector<51x256xf32> to vector<1x256xf32>
    %add3A_72 = vector.broadcast %slice3A_71 : vector<1x256xf32> to vector<2048x256xf32>
    %add3A_73 = arith.addf %concatenate3A, %add3A_72 : vector<2048x256xf32>
    %max3A_74 = arith.constant 0.000000e+00 : f32
    %max3A_75 = vector.broadcast %max3A_74 : f32 to vector<2048x256xf32>
    %max3A_76 = arith.maximumf %add3A_73, %max3A_75 : vector<2048x256xf32>
    %convert_element_type3A_77 = arith.truncf %max3A_76 : vector<2048x256xf32> to vector<2048x256xbf16>
    %dot_general3A_78 = arith.constant dense<0.000000e+00> : vector<2048x128xf32>
    %dot_general3A_79 = tpu.matmul %convert_element_type3A_77, %get3A_11, %dot_general3A_78 {dimension_numbers = #tpu.dot_dimension_numbers<[1], [0], [0], [1], [0, 0, 1, 1], [], []>, transpose_lhs_hint = false} : vector<2048x256xbf16>, vector<256x128xbf16>, vector<2048x128xf32> -> vector<2048x128xf32>
    %add3A_80 = vector.broadcast %get3A_14 : vector<1x128xf32> to vector<2048x128xf32>
    %add3A_81 = arith.addf %dot_general3A_79, %add3A_80 : vector<2048x128xf32>
    %max3A_82 = arith.constant 0.000000e+00 : f32
    %max3A_83 = vector.broadcast %max3A_82 : f32 to vector<2048x128xf32>
    %max3A_84 = arith.maximumf %add3A_81, %max3A_83 : vector<2048x128xf32>
    %add3A_85 = arith.addf %add3A_70, %max3A_84 : vector<2048x128xf32>
    %slice3A_86 = vector.extract_strided_slice %get3A_8 {offsets = [5, 0], sizes = [1, 256], strides = [1, 1]} : vector<51x256xf32> to vector<1x256xf32>
    %add3A_87 = vector.broadcast %slice3A_86 : vector<1x256xf32> to vector<2048x256xf32>
    %add3A_88 = arith.addf %concatenate3A, %add3A_87 : vector<2048x256xf32>
    %max3A_89 = arith.constant 0.000000e+00 : f32
    %max3A_90 = vector.broadcast %max3A_89 : f32 to vector<2048x256xf32>
    %max3A_91 = arith.maximumf %add3A_88, %max3A_90 : vector<2048x256xf32>
    %convert_element_type3A_92 = arith.truncf %max3A_91 : vector<2048x256xf32> to vector<2048x256xbf16>
    %dot_general3A_93 = arith.constant dense<0.000000e+00> : vector<2048x128xf32>
    %dot_general3A_94 = tpu.matmul %convert_element_type3A_92, %get3A_11, %dot_general3A_93 {dimension_numbers = #tpu.dot_dimension_numbers<[1], [0], [0], [1], [0, 0, 1, 1], [], []>, transpose_lhs_hint = false} : vector<2048x256xbf16>, vector<256x128xbf16>, vector<2048x128xf32> -> vector<2048x128xf32>
    %add3A_95 = vector.broadcast %get3A_14 : vector<1x128xf32> to vector<2048x128xf32>
    %add3A_96 = arith.addf %dot_general3A_94, %add3A_95 : vector<2048x128xf32>
    %max3A_97 = arith.constant 0.000000e+00 : f32
    %max3A_98 = vector.broadcast %max3A_97 : f32 to vector<2048x128xf32>
    %max3A_99 = arith.maximumf %add3A_96, %max3A_98 : vector<2048x128xf32>
    %add3A_100 = arith.addf %add3A_85, %max3A_99 : vector<2048x128xf32>
    %slice3A_101 = vector.extract_strided_slice %get3A_8 {offsets = [6, 0], sizes = [1, 256], strides = [1, 1]} : vector<51x256xf32> to vector<1x256xf32>
    %add3A_102 = vector.broadcast %slice3A_101 : vector<1x256xf32> to vector<2048x256xf32>
    %add3A_103 = arith.addf %concatenate3A, %add3A_102 : vector<2048x256xf32>
    %max3A_104 = arith.constant 0.000000e+00 : f32
    %max3A_105 = vector.broadcast %max3A_104 : f32 to vector<2048x256xf32>
    %max3A_106 = arith.maximumf %add3A_103, %max3A_105 : vector<2048x256xf32>
    %convert_element_type3A_107 = arith.truncf %max3A_106 : vector<2048x256xf32> to vector<2048x256xbf16>
    %dot_general3A_108 = arith.constant dense<0.000000e+00> : vector<2048x128xf32>
    %dot_general3A_109 = tpu.matmul %convert_element_type3A_107, %get3A_11, %dot_general3A_108 {dimension_numbers = #tpu.dot_dimension_numbers<[1], [0], [0], [1], [0, 0, 1, 1], [], []>, transpose_lhs_hint = false} : vector<2048x256xbf16>, vector<256x128xbf16>, vector<2048x128xf32> -> vector<2048x128xf32>
    %add3A_110 = vector.broadcast %get3A_14 : vector<1x128xf32> to vector<2048x128xf32>
    %add3A_111 = arith.addf %dot_general3A_109, %add3A_110 : vector<2048x128xf32>
    %max3A_112 = arith.constant 0.000000e+00 : f32
    %max3A_113 = vector.broadcast %max3A_112 : f32 to vector<2048x128xf32>
    %max3A_114 = arith.maximumf %add3A_111, %max3A_113 : vector<2048x128xf32>
    %add3A_115 = arith.addf %add3A_100, %max3A_114 : vector<2048x128xf32>
    %slice3A_116 = vector.extract_strided_slice %get3A_8 {offsets = [7, 0], sizes = [1, 256], strides = [1, 1]} : vector<51x256xf32> to vector<1x256xf32>
    %add3A_117 = vector.broadcast %slice3A_116 : vector<1x256xf32> to vector<2048x256xf32>
    %add3A_118 = arith.addf %concatenate3A, %add3A_117 : vector<2048x256xf32>
    %max3A_119 = arith.constant 0.000000e+00 : f32
    %max3A_120 = vector.broadcast %max3A_119 : f32 to vector<2048x256xf32>
    %max3A_121 = arith.maximumf %add3A_118, %max3A_120 : vector<2048x256xf32>
    %convert_element_type3A_122 = arith.truncf %max3A_121 : vector<2048x256xf32> to vector<2048x256xbf16>
    %dot_general3A_123 = arith.constant dense<0.000000e+00> : vector<2048x128xf32>
    %dot_general3A_124 = tpu.matmul %convert_element_type3A_122, %get3A_11, %dot_general3A_123 {dimension_numbers = #tpu.dot_dimension_numbers<[1], [0], [0], [1], [0, 0, 1, 1], [], []>, transpose_lhs_hint = false} : vector<2048x256xbf16>, vector<256x128xbf16>, vector<2048x128xf32> -> vector<2048x128xf32>
    %add3A_125 = vector.broadcast %get3A_14 : vector<1x128xf32> to vector<2048x128xf32>
    %add3A_126 = arith.addf %dot_general3A_124, %add3A_125 : vector<2048x128xf32>
    %max3A_127 = arith.constant 0.000000e+00 : f32
    %max3A_128 = vector.broadcast %max3A_127 : f32 to vector<2048x128xf32>
    %max3A_129 = arith.maximumf %add3A_126, %max3A_128 : vector<2048x128xf32>
    %add3A_130 = arith.addf %add3A_115, %max3A_129 : vector<2048x128xf32>
    %slice3A_131 = vector.extract_strided_slice %get3A_8 {offsets = [8, 0], sizes = [1, 256], strides = [1, 1]} : vector<51x256xf32> to vector<1x256xf32>
    %add3A_132 = vector.broadcast %slice3A_131 : vector<1x256xf32> to vector<2048x256xf32>
    %add3A_133 = arith.addf %concatenate3A, %add3A_132 : vector<2048x256xf32>
    %max3A_134 = arith.constant 0.000000e+00 : f32
    %max3A_135 = vector.broadcast %max3A_134 : f32 to vector<2048x256xf32>
    %max3A_136 = arith.maximumf %add3A_133, %max3A_135 : vector<2048x256xf32>
    %convert_element_type3A_137 = arith.truncf %max3A_136 : vector<2048x256xf32> to vector<2048x256xbf16>
    %dot_general3A_138 = arith.constant dense<0.000000e+00> : vector<2048x128xf32>
    %dot_general3A_139 = tpu.matmul %convert_element_type3A_137, %get3A_11, %dot_general3A_138 {dimension_numbers = #tpu.dot_dimension_numbers<[1], [0], [0], [1], [0, 0, 1, 1], [], []>, transpose_lhs_hint = false} : vector<2048x256xbf16>, vector<256x128xbf16>, vector<2048x128xf32> -> vector<2048x128xf32>
    %add3A_140 = vector.broadcast %get3A_14 : vector<1x128xf32> to vector<2048x128xf32>
    %add3A_141 = arith.addf %dot_general3A_139, %add3A_140 : vector<2048x128xf32>
    %max3A_142 = arith.constant 0.000000e+00 : f32
    %max3A_143 = vector.broadcast %max3A_142 : f32 to vector<2048x128xf32>
    %max3A_144 = arith.maximumf %add3A_141, %max3A_143 : vector<2048x128xf32>
    %add3A_145 = arith.addf %add3A_130, %max3A_144 : vector<2048x128xf32>
    %slice3A_146 = vector.extract_strided_slice %get3A_8 {offsets = [9, 0], sizes = [1, 256], strides = [1, 1]} : vector<51x256xf32> to vector<1x256xf32>
    %add3A_147 = vector.broadcast %slice3A_146 : vector<1x256xf32> to vector<2048x256xf32>
    %add3A_148 = arith.addf %concatenate3A, %add3A_147 : vector<2048x256xf32>
    %max3A_149 = arith.constant 0.000000e+00 : f32
    %max3A_150 = vector.broadcast %max3A_149 : f32 to vector<2048x256xf32>
    %max3A_151 = arith.maximumf %add3A_148, %max3A_150 : vector<2048x256xf32>
    %convert_element_type3A_152 = arith.truncf %max3A_151 : vector<2048x256xf32> to vector<2048x256xbf16>
    %dot_general3A_153 = arith.constant dense<0.000000e+00> : vector<2048x128xf32>
    %dot_general3A_154 = tpu.matmul %convert_element_type3A_152, %get3A_11, %dot_general3A_153 {dimension_numbers = #tpu.dot_dimension_numbers<[1], [0], [0], [1], [0, 0, 1, 1], [], []>, transpose_lhs_hint = false} : vector<2048x256xbf16>, vector<256x128xbf16>, vector<2048x128xf32> -> vector<2048x128xf32>
    %add3A_155 = vector.broadcast %get3A_14 : vector<1x128xf32> to vector<2048x128xf32>
    %add3A_156 = arith.addf %dot_general3A_154, %add3A_155 : vector<2048x128xf32>
    %max3A_157 = arith.constant 0.000000e+00 : f32
    %max3A_158 = vector.broadcast %max3A_157 : f32 to vector<2048x128xf32>
    %max3A_159 = arith.maximumf %add3A_156, %max3A_158 : vector<2048x128xf32>
    %add3A_160 = arith.addf %add3A_145, %max3A_159 : vector<2048x128xf32>
    %slice3A_161 = vector.extract_strided_slice %get3A_8 {offsets = [10, 0], sizes = [1, 256], strides = [1, 1]} : vector<51x256xf32> to vector<1x256xf32>
    %add3A_162 = vector.broadcast %slice3A_161 : vector<1x256xf32> to vector<2048x256xf32>
    %add3A_163 = arith.addf %concatenate3A, %add3A_162 : vector<2048x256xf32>
    %max3A_164 = arith.constant 0.000000e+00 : f32
    %max3A_165 = vector.broadcast %max3A_164 : f32 to vector<2048x256xf32>
    %max3A_166 = arith.maximumf %add3A_163, %max3A_165 : vector<2048x256xf32>
    %convert_element_type3A_167 = arith.truncf %max3A_166 : vector<2048x256xf32> to vector<2048x256xbf16>
    %dot_general3A_168 = arith.constant dense<0.000000e+00> : vector<2048x128xf32>
    %dot_general3A_169 = tpu.matmul %convert_element_type3A_167, %get3A_11, %dot_general3A_168 {dimension_numbers = #tpu.dot_dimension_numbers<[1], [0], [0], [1], [0, 0, 1, 1], [], []>, transpose_lhs_hint = false} : vector<2048x256xbf16>, vector<256x128xbf16>, vector<2048x128xf32> -> vector<2048x128xf32>
    %add3A_170 = vector.broadcast %get3A_14 : vector<1x128xf32> to vector<2048x128xf32>
    %add3A_171 = arith.addf %dot_general3A_169, %add3A_170 : vector<2048x128xf32>
    %max3A_172 = arith.constant 0.000000e+00 : f32
    %max3A_173 = vector.broadcast %max3A_172 : f32 to vector<2048x128xf32>
    %max3A_174 = arith.maximumf %add3A_171, %max3A_173 : vector<2048x128xf32>
    %add3A_175 = arith.addf %add3A_160, %max3A_174 : vector<2048x128xf32>
    %slice3A_176 = vector.extract_strided_slice %get3A_8 {offsets = [11, 0], sizes = [1, 256], strides = [1, 1]} : vector<51x256xf32> to vector<1x256xf32>
    %add3A_177 = vector.broadcast %slice3A_176 : vector<1x256xf32> to vector<2048x256xf32>
    %add3A_178 = arith.addf %concatenate3A, %add3A_177 : vector<2048x256xf32>
    %max3A_179 = arith.constant 0.000000e+00 : f32
    %max3A_180 = vector.broadcast %max3A_179 : f32 to vector<2048x256xf32>
    %max3A_181 = arith.maximumf %add3A_178, %max3A_180 : vector<2048x256xf32>
    %convert_element_type3A_182 = arith.truncf %max3A_181 : vector<2048x256xf32> to vector<2048x256xbf16>
    %dot_general3A_183 = arith.constant dense<0.000000e+00> : vector<2048x128xf32>
    %dot_general3A_184 = tpu.matmul %convert_element_type3A_182, %get3A_11, %dot_general3A_183 {dimension_numbers = #tpu.dot_dimension_numbers<[1], [0], [0], [1], [0, 0, 1, 1], [], []>, transpose_lhs_hint = false} : vector<2048x256xbf16>, vector<256x128xbf16>, vector<2048x128xf32> -> vector<2048x128xf32>
    %add3A_185 = vector.broadcast %get3A_14 : vector<1x128xf32> to vector<2048x128xf32>
    %add3A_186 = arith.addf %dot_general3A_184, %add3A_185 : vector<2048x128xf32>
    %max3A_187 = arith.constant 0.000000e+00 : f32
    %max3A_188 = vector.broadcast %max3A_187 : f32 to vector<2048x128xf32>
    %max3A_189 = arith.maximumf %add3A_186, %max3A_188 : vector<2048x128xf32>
    %add3A_190 = arith.addf %add3A_175, %max3A_189 : vector<2048x128xf32>
    %slice3A_191 = vector.extract_strided_slice %get3A_8 {offsets = [12, 0], sizes = [1, 256], strides = [1, 1]} : vector<51x256xf32> to vector<1x256xf32>
    %add3A_192 = vector.broadcast %slice3A_191 : vector<1x256xf32> to vector<2048x256xf32>
    %add3A_193 = arith.addf %concatenate3A, %add3A_192 : vector<2048x256xf32>
    %max3A_194 = arith.constant 0.000000e+00 : f32
    %max3A_195 = vector.broadcast %max3A_194 : f32 to vector<2048x256xf32>
    %max3A_196 = arith.maximumf %add3A_193, %max3A_195 : vector<2048x256xf32>
    %convert_element_type3A_197 = arith.truncf %max3A_196 : vector<2048x256xf32> to vector<2048x256xbf16>
    %dot_general3A_198 = arith.constant dense<0.000000e+00> : vector<2048x128xf32>
    %dot_general3A_199 = tpu.matmul %convert_element_type3A_197, %get3A_11, %dot_general3A_198 {dimension_numbers = #tpu.dot_dimension_numbers<[1], [0], [0], [1], [0, 0, 1, 1], [], []>, transpose_lhs_hint = false} : vector<2048x256xbf16>, vector<256x128xbf16>, vector<2048x128xf32> -> vector<2048x128xf32>
    %add3A_200 = vector.broadcast %get3A_14 : vector<1x128xf32> to vector<2048x128xf32>
    %add3A_201 = arith.addf %dot_general3A_199, %add3A_200 : vector<2048x128xf32>
    %max3A_202 = arith.constant 0.000000e+00 : f32
    %max3A_203 = vector.broadcast %max3A_202 : f32 to vector<2048x128xf32>
    %max3A_204 = arith.maximumf %add3A_201, %max3A_203 : vector<2048x128xf32>
    %add3A_205 = arith.addf %add3A_190, %max3A_204 : vector<2048x128xf32>
    %slice3A_206 = vector.extract_strided_slice %get3A_8 {offsets = [13, 0], sizes = [1, 256], strides = [1, 1]} : vector<51x256xf32> to vector<1x256xf32>
    %add3A_207 = vector.broadcast %slice3A_206 : vector<1x256xf32> to vector<2048x256xf32>
    %add3A_208 = arith.addf %concatenate3A, %add3A_207 : vector<2048x256xf32>
    %max3A_209 = arith.constant 0.000000e+00 : f32
    %max3A_210 = vector.broadcast %max3A_209 : f32 to vector<2048x256xf32>
    %max3A_211 = arith.maximumf %add3A_208, %max3A_210 : vector<2048x256xf32>
    %convert_element_type3A_212 = arith.truncf %max3A_211 : vector<2048x256xf32> to vector<2048x256xbf16>
    %dot_general3A_213 = arith.constant dense<0.000000e+00> : vector<2048x128xf32>
    %dot_general3A_214 = tpu.matmul %convert_element_type3A_212, %get3A_11, %dot_general3A_213 {dimension_numbers = #tpu.dot_dimension_numbers<[1], [0], [0], [1], [0, 0, 1, 1], [], []>, transpose_lhs_hint = false} : vector<2048x256xbf16>, vector<256x128xbf16>, vector<2048x128xf32> -> vector<2048x128xf32>
    %add3A_215 = vector.broadcast %get3A_14 : vector<1x128xf32> to vector<2048x128xf32>
    %add3A_216 = arith.addf %dot_general3A_214, %add3A_215 : vector<2048x128xf32>
    %max3A_217 = arith.constant 0.000000e+00 : f32
    %max3A_218 = vector.broadcast %max3A_217 : f32 to vector<2048x128xf32>
    %max3A_219 = arith.maximumf %add3A_216, %max3A_218 : vector<2048x128xf32>
    %add3A_220 = arith.addf %add3A_205, %max3A_219 : vector<2048x128xf32>
    %slice3A_221 = vector.extract_strided_slice %get3A_8 {offsets = [14, 0], sizes = [1, 256], strides = [1, 1]} : vector<51x256xf32> to vector<1x256xf32>
    %add3A_222 = vector.broadcast %slice3A_221 : vector<1x256xf32> to vector<2048x256xf32>
    %add3A_223 = arith.addf %concatenate3A, %add3A_222 : vector<2048x256xf32>
    %max3A_224 = arith.constant 0.000000e+00 : f32
    %max3A_225 = vector.broadcast %max3A_224 : f32 to vector<2048x256xf32>
    %max3A_226 = arith.maximumf %add3A_223, %max3A_225 : vector<2048x256xf32>
    %convert_element_type3A_227 = arith.truncf %max3A_226 : vector<2048x256xf32> to vector<2048x256xbf16>
    %dot_general3A_228 = arith.constant dense<0.000000e+00> : vector<2048x128xf32>
    %dot_general3A_229 = tpu.matmul %convert_element_type3A_227, %get3A_11, %dot_general3A_228 {dimension_numbers = #tpu.dot_dimension_numbers<[1], [0], [0], [1], [0, 0, 1, 1], [], []>, transpose_lhs_hint = false} : vector<2048x256xbf16>, vector<256x128xbf16>, vector<2048x128xf32> -> vector<2048x128xf32>
    %add3A_230 = vector.broadcast %get3A_14 : vector<1x128xf32> to vector<2048x128xf32>
    %add3A_231 = arith.addf %dot_general3A_229, %add3A_230 : vector<2048x128xf32>
    %max3A_232 = arith.constant 0.000000e+00 : f32
    %max3A_233 = vector.broadcast %max3A_232 : f32 to vector<2048x128xf32>
    %max3A_234 = arith.maximumf %add3A_231, %max3A_233 : vector<2048x128xf32>
    %add3A_235 = arith.addf %add3A_220, %max3A_234 : vector<2048x128xf32>
    %slice3A_236 = vector.extract_strided_slice %get3A_8 {offsets = [15, 0], sizes = [1, 256], strides = [1, 1]} : vector<51x256xf32> to vector<1x256xf32>
    %add3A_237 = vector.broadcast %slice3A_236 : vector<1x256xf32> to vector<2048x256xf32>
    %add3A_238 = arith.addf %concatenate3A, %add3A_237 : vector<2048x256xf32>
    %max3A_239 = arith.constant 0.000000e+00 : f32
    %max3A_240 = vector.broadcast %max3A_239 : f32 to vector<2048x256xf32>
    %max3A_241 = arith.maximumf %add3A_238, %max3A_240 : vector<2048x256xf32>
    %convert_element_type3A_242 = arith.truncf %max3A_241 : vector<2048x256xf32> to vector<2048x256xbf16>
    %dot_general3A_243 = arith.constant dense<0.000000e+00> : vector<2048x128xf32>
    %dot_general3A_244 = tpu.matmul %convert_element_type3A_242, %get3A_11, %dot_general3A_243 {dimension_numbers = #tpu.dot_dimension_numbers<[1], [0], [0], [1], [0, 0, 1, 1], [], []>, transpose_lhs_hint = false} : vector<2048x256xbf16>, vector<256x128xbf16>, vector<2048x128xf32> -> vector<2048x128xf32>
    %add3A_245 = vector.broadcast %get3A_14 : vector<1x128xf32> to vector<2048x128xf32>
    %add3A_246 = arith.addf %dot_general3A_244, %add3A_245 : vector<2048x128xf32>
    %max3A_247 = arith.constant 0.000000e+00 : f32
    %max3A_248 = vector.broadcast %max3A_247 : f32 to vector<2048x128xf32>
    %max3A_249 = arith.maximumf %add3A_246, %max3A_248 : vector<2048x128xf32>
    %add3A_250 = arith.addf %add3A_235, %max3A_249 : vector<2048x128xf32>
    %slice3A_251 = vector.extract_strided_slice %get3A_8 {offsets = [16, 0], sizes = [1, 256], strides = [1, 1]} : vector<51x256xf32> to vector<1x256xf32>
    %add3A_252 = vector.broadcast %slice3A_251 : vector<1x256xf32> to vector<2048x256xf32>
    %add3A_253 = arith.addf %concatenate3A, %add3A_252 : vector<2048x256xf32>
    %max3A_254 = arith.constant 0.000000e+00 : f32
    %max3A_255 = vector.broadcast %max3A_254 : f32 to vector<2048x256xf32>
    %max3A_256 = arith.maximumf %add3A_253, %max3A_255 : vector<2048x256xf32>
    %convert_element_type3A_257 = arith.truncf %max3A_256 : vector<2048x256xf32> to vector<2048x256xbf16>
    %dot_general3A_258 = arith.constant dense<0.000000e+00> : vector<2048x128xf32>
    %dot_general3A_259 = tpu.matmul %convert_element_type3A_257, %get3A_11, %dot_general3A_258 {dimension_numbers = #tpu.dot_dimension_numbers<[1], [0], [0], [1], [0, 0, 1, 1], [], []>, transpose_lhs_hint = false} : vector<2048x256xbf16>, vector<256x128xbf16>, vector<2048x128xf32> -> vector<2048x128xf32>
    %add3A_260 = vector.broadcast %get3A_14 : vector<1x128xf32> to vector<2048x128xf32>
    %add3A_261 = arith.addf %dot_general3A_259, %add3A_260 : vector<2048x128xf32>
    %max3A_262 = arith.constant 0.000000e+00 : f32
    %max3A_263 = vector.broadcast %max3A_262 : f32 to vector<2048x128xf32>
    %max3A_264 = arith.maximumf %add3A_261, %max3A_263 : vector<2048x128xf32>
    %add3A_265 = arith.addf %add3A_250, %max3A_264 : vector<2048x128xf32>
    %slice3A_266 = vector.extract_strided_slice %get3A_8 {offsets = [17, 0], sizes = [1, 256], strides = [1, 1]} : vector<51x256xf32> to vector<1x256xf32>
    %add3A_267 = vector.broadcast %slice3A_266 : vector<1x256xf32> to vector<2048x256xf32>
    %add3A_268 = arith.addf %concatenate3A, %add3A_267 : vector<2048x256xf32>
    %max3A_269 = arith.constant 0.000000e+00 : f32
    %max3A_270 = vector.broadcast %max3A_269 : f32 to vector<2048x256xf32>
    %max3A_271 = arith.maximumf %add3A_268, %max3A_270 : vector<2048x256xf32>
    %convert_element_type3A_272 = arith.truncf %max3A_271 : vector<2048x256xf32> to vector<2048x256xbf16>
    %dot_general3A_273 = arith.constant dense<0.000000e+00> : vector<2048x128xf32>
    %dot_general3A_274 = tpu.matmul %convert_element_type3A_272, %get3A_11, %dot_general3A_273 {dimension_numbers = #tpu.dot_dimension_numbers<[1], [0], [0], [1], [0, 0, 1, 1], [], []>, transpose_lhs_hint = false} : vector<2048x256xbf16>, vector<256x128xbf16>, vector<2048x128xf32> -> vector<2048x128xf32>
    %add3A_275 = vector.broadcast %get3A_14 : vector<1x128xf32> to vector<2048x128xf32>
    %add3A_276 = arith.addf %dot_general3A_274, %add3A_275 : vector<2048x128xf32>
    %max3A_277 = arith.constant 0.000000e+00 : f32
    %max3A_278 = vector.broadcast %max3A_277 : f32 to vector<2048x128xf32>
    %max3A_279 = arith.maximumf %add3A_276, %max3A_278 : vector<2048x128xf32>
    %add3A_280 = arith.addf %add3A_265, %max3A_279 : vector<2048x128xf32>
    %slice3A_281 = vector.extract_strided_slice %get3A_8 {offsets = [18, 0], sizes = [1, 256], strides = [1, 1]} : vector<51x256xf32> to vector<1x256xf32>
    %add3A_282 = vector.broadcast %slice3A_281 : vector<1x256xf32> to vector<2048x256xf32>
    %add3A_283 = arith.addf %concatenate3A, %add3A_282 : vector<2048x256xf32>
    %max3A_284 = arith.constant 0.000000e+00 : f32
    %max3A_285 = vector.broadcast %max3A_284 : f32 to vector<2048x256xf32>
    %max3A_286 = arith.maximumf %add3A_283, %max3A_285 : vector<2048x256xf32>
    %convert_element_type3A_287 = arith.truncf %max3A_286 : vector<2048x256xf32> to vector<2048x256xbf16>
    %dot_general3A_288 = arith.constant dense<0.000000e+00> : vector<2048x128xf32>
    %dot_general3A_289 = tpu.matmul %convert_element_type3A_287, %get3A_11, %dot_general3A_288 {dimension_numbers = #tpu.dot_dimension_numbers<[1], [0], [0], [1], [0, 0, 1, 1], [], []>, transpose_lhs_hint = false} : vector<2048x256xbf16>, vector<256x128xbf16>, vector<2048x128xf32> -> vector<2048x128xf32>
    %add3A_290 = vector.broadcast %get3A_14 : vector<1x128xf32> to vector<2048x128xf32>
    %add3A_291 = arith.addf %dot_general3A_289, %add3A_290 : vector<2048x128xf32>
    %max3A_292 = arith.constant 0.000000e+00 : f32
    %max3A_293 = vector.broadcast %max3A_292 : f32 to vector<2048x128xf32>
    %max3A_294 = arith.maximumf %add3A_291, %max3A_293 : vector<2048x128xf32>
    %add3A_295 = arith.addf %add3A_280, %max3A_294 : vector<2048x128xf32>
    %slice3A_296 = vector.extract_strided_slice %get3A_8 {offsets = [19, 0], sizes = [1, 256], strides = [1, 1]} : vector<51x256xf32> to vector<1x256xf32>
    %add3A_297 = vector.broadcast %slice3A_296 : vector<1x256xf32> to vector<2048x256xf32>
    %add3A_298 = arith.addf %concatenate3A, %add3A_297 : vector<2048x256xf32>
    %max3A_299 = arith.constant 0.000000e+00 : f32
    %max3A_300 = vector.broadcast %max3A_299 : f32 to vector<2048x256xf32>
    %max3A_301 = arith.maximumf %add3A_298, %max3A_300 : vector<2048x256xf32>
    %convert_element_type3A_302 = arith.truncf %max3A_301 : vector<2048x256xf32> to vector<2048x256xbf16>
    %dot_general3A_303 = arith.constant dense<0.000000e+00> : vector<2048x128xf32>
    %dot_general3A_304 = tpu.matmul %convert_element_type3A_302, %get3A_11, %dot_general3A_303 {dimension_numbers = #tpu.dot_dimension_numbers<[1], [0], [0], [1], [0, 0, 1, 1], [], []>, transpose_lhs_hint = false} : vector<2048x256xbf16>, vector<256x128xbf16>, vector<2048x128xf32> -> vector<2048x128xf32>
    %add3A_305 = vector.broadcast %get3A_14 : vector<1x128xf32> to vector<2048x128xf32>
    %add3A_306 = arith.addf %dot_general3A_304, %add3A_305 : vector<2048x128xf32>
    %max3A_307 = arith.constant 0.000000e+00 : f32
    %max3A_308 = vector.broadcast %max3A_307 : f32 to vector<2048x128xf32>
    %max3A_309 = arith.maximumf %add3A_306, %max3A_308 : vector<2048x128xf32>
    %add3A_310 = arith.addf %add3A_295, %max3A_309 : vector<2048x128xf32>
    %slice3A_311 = vector.extract_strided_slice %get3A_8 {offsets = [20, 0], sizes = [1, 256], strides = [1, 1]} : vector<51x256xf32> to vector<1x256xf32>
    %add3A_312 = vector.broadcast %slice3A_311 : vector<1x256xf32> to vector<2048x256xf32>
    %add3A_313 = arith.addf %concatenate3A, %add3A_312 : vector<2048x256xf32>
    %max3A_314 = arith.constant 0.000000e+00 : f32
    %max3A_315 = vector.broadcast %max3A_314 : f32 to vector<2048x256xf32>
    %max3A_316 = arith.maximumf %add3A_313, %max3A_315 : vector<2048x256xf32>
    %convert_element_type3A_317 = arith.truncf %max3A_316 : vector<2048x256xf32> to vector<2048x256xbf16>
    %dot_general3A_318 = arith.constant dense<0.000000e+00> : vector<2048x128xf32>
    %dot_general3A_319 = tpu.matmul %convert_element_type3A_317, %get3A_11, %dot_general3A_318 {dimension_numbers = #tpu.dot_dimension_numbers<[1], [0], [0], [1], [0, 0, 1, 1], [], []>, transpose_lhs_hint = false} : vector<2048x256xbf16>, vector<256x128xbf16>, vector<2048x128xf32> -> vector<2048x128xf32>
    %add3A_320 = vector.broadcast %get3A_14 : vector<1x128xf32> to vector<2048x128xf32>
    %add3A_321 = arith.addf %dot_general3A_319, %add3A_320 : vector<2048x128xf32>
    %max3A_322 = arith.constant 0.000000e+00 : f32
    %max3A_323 = vector.broadcast %max3A_322 : f32 to vector<2048x128xf32>
    %max3A_324 = arith.maximumf %add3A_321, %max3A_323 : vector<2048x128xf32>
    %add3A_325 = arith.addf %add3A_310, %max3A_324 : vector<2048x128xf32>
    %slice3A_326 = vector.extract_strided_slice %get3A_8 {offsets = [21, 0], sizes = [1, 256], strides = [1, 1]} : vector<51x256xf32> to vector<1x256xf32>
    %add3A_327 = vector.broadcast %slice3A_326 : vector<1x256xf32> to vector<2048x256xf32>
    %add3A_328 = arith.addf %concatenate3A, %add3A_327 : vector<2048x256xf32>
    %max3A_329 = arith.constant 0.000000e+00 : f32
    %max3A_330 = vector.broadcast %max3A_329 : f32 to vector<2048x256xf32>
    %max3A_331 = arith.maximumf %add3A_328, %max3A_330 : vector<2048x256xf32>
    %convert_element_type3A_332 = arith.truncf %max3A_331 : vector<2048x256xf32> to vector<2048x256xbf16>
    %dot_general3A_333 = arith.constant dense<0.000000e+00> : vector<2048x128xf32>
    %dot_general3A_334 = tpu.matmul %convert_element_type3A_332, %get3A_11, %dot_general3A_333 {dimension_numbers = #tpu.dot_dimension_numbers<[1], [0], [0], [1], [0, 0, 1, 1], [], []>, transpose_lhs_hint = false} : vector<2048x256xbf16>, vector<256x128xbf16>, vector<2048x128xf32> -> vector<2048x128xf32>
    %add3A_335 = vector.broadcast %get3A_14 : vector<1x128xf32> to vector<2048x128xf32>
    %add3A_336 = arith.addf %dot_general3A_334, %add3A_335 : vector<2048x128xf32>
    %max3A_337 = arith.constant 0.000000e+00 : f32
    %max3A_338 = vector.broadcast %max3A_337 : f32 to vector<2048x128xf32>
    %max3A_339 = arith.maximumf %add3A_336, %max3A_338 : vector<2048x128xf32>
    %add3A_340 = arith.addf %add3A_325, %max3A_339 : vector<2048x128xf32>
    %slice3A_341 = vector.extract_strided_slice %get3A_8 {offsets = [22, 0], sizes = [1, 256], strides = [1, 1]} : vector<51x256xf32> to vector<1x256xf32>
    %add3A_342 = vector.broadcast %slice3A_341 : vector<1x256xf32> to vector<2048x256xf32>
    %add3A_343 = arith.addf %concatenate3A, %add3A_342 : vector<2048x256xf32>
    %max3A_344 = arith.constant 0.000000e+00 : f32
    %max3A_345 = vector.broadcast %max3A_344 : f32 to vector<2048x256xf32>
    %max3A_346 = arith.maximumf %add3A_343, %max3A_345 : vector<2048x256xf32>
    %convert_element_type3A_347 = arith.truncf %max3A_346 : vector<2048x256xf32> to vector<2048x256xbf16>
    %dot_general3A_348 = arith.constant dense<0.000000e+00> : vector<2048x128xf32>
    %dot_general3A_349 = tpu.matmul %convert_element_type3A_347, %get3A_11, %dot_general3A_348 {dimension_numbers = #tpu.dot_dimension_numbers<[1], [0], [0], [1], [0, 0, 1, 1], [], []>, transpose_lhs_hint = false} : vector<2048x256xbf16>, vector<256x128xbf16>, vector<2048x128xf32> -> vector<2048x128xf32>
    %add3A_350 = vector.broadcast %get3A_14 : vector<1x128xf32> to vector<2048x128xf32>
    %add3A_351 = arith.addf %dot_general3A_349, %add3A_350 : vector<2048x128xf32>
    %max3A_352 = arith.constant 0.000000e+00 : f32
    %max3A_353 = vector.broadcast %max3A_352 : f32 to vector<2048x128xf32>
    %max3A_354 = arith.maximumf %add3A_351, %max3A_353 : vector<2048x128xf32>
    %add3A_355 = arith.addf %add3A_340, %max3A_354 : vector<2048x128xf32>
    %slice3A_356 = vector.extract_strided_slice %get3A_8 {offsets = [23, 0], sizes = [1, 256], strides = [1, 1]} : vector<51x256xf32> to vector<1x256xf32>
    %add3A_357 = vector.broadcast %slice3A_356 : vector<1x256xf32> to vector<2048x256xf32>
    %add3A_358 = arith.addf %concatenate3A, %add3A_357 : vector<2048x256xf32>
    %max3A_359 = arith.constant 0.000000e+00 : f32
    %max3A_360 = vector.broadcast %max3A_359 : f32 to vector<2048x256xf32>
    %max3A_361 = arith.maximumf %add3A_358, %max3A_360 : vector<2048x256xf32>
    %convert_element_type3A_362 = arith.truncf %max3A_361 : vector<2048x256xf32> to vector<2048x256xbf16>
    %dot_general3A_363 = arith.constant dense<0.000000e+00> : vector<2048x128xf32>
    %dot_general3A_364 = tpu.matmul %convert_element_type3A_362, %get3A_11, %dot_general3A_363 {dimension_numbers = #tpu.dot_dimension_numbers<[1], [0], [0], [1], [0, 0, 1, 1], [], []>, transpose_lhs_hint = false} : vector<2048x256xbf16>, vector<256x128xbf16>, vector<2048x128xf32> -> vector<2048x128xf32>
    %add3A_365 = vector.broadcast %get3A_14 : vector<1x128xf32> to vector<2048x128xf32>
    %add3A_366 = arith.addf %dot_general3A_364, %add3A_365 : vector<2048x128xf32>
    %max3A_367 = arith.constant 0.000000e+00 : f32
    %max3A_368 = vector.broadcast %max3A_367 : f32 to vector<2048x128xf32>
    %max3A_369 = arith.maximumf %add3A_366, %max3A_368 : vector<2048x128xf32>
    %add3A_370 = arith.addf %add3A_355, %max3A_369 : vector<2048x128xf32>
    %slice3A_371 = vector.extract_strided_slice %get3A_8 {offsets = [24, 0], sizes = [1, 256], strides = [1, 1]} : vector<51x256xf32> to vector<1x256xf32>
    %add3A_372 = vector.broadcast %slice3A_371 : vector<1x256xf32> to vector<2048x256xf32>
    %add3A_373 = arith.addf %concatenate3A, %add3A_372 : vector<2048x256xf32>
    %max3A_374 = arith.constant 0.000000e+00 : f32
    %max3A_375 = vector.broadcast %max3A_374 : f32 to vector<2048x256xf32>
    %max3A_376 = arith.maximumf %add3A_373, %max3A_375 : vector<2048x256xf32>
    %convert_element_type3A_377 = arith.truncf %max3A_376 : vector<2048x256xf32> to vector<2048x256xbf16>
    %dot_general3A_378 = arith.constant dense<0.000000e+00> : vector<2048x128xf32>
    %dot_general3A_379 = tpu.matmul %convert_element_type3A_377, %get3A_11, %dot_general3A_378 {dimension_numbers = #tpu.dot_dimension_numbers<[1], [0], [0], [1], [0, 0, 1, 1], [], []>, transpose_lhs_hint = false} : vector<2048x256xbf16>, vector<256x128xbf16>, vector<2048x128xf32> -> vector<2048x128xf32>
    %add3A_380 = vector.broadcast %get3A_14 : vector<1x128xf32> to vector<2048x128xf32>
    %add3A_381 = arith.addf %dot_general3A_379, %add3A_380 : vector<2048x128xf32>
    %max3A_382 = arith.constant 0.000000e+00 : f32
    %max3A_383 = vector.broadcast %max3A_382 : f32 to vector<2048x128xf32>
    %max3A_384 = arith.maximumf %add3A_381, %max3A_383 : vector<2048x128xf32>
    %add3A_385 = arith.addf %add3A_370, %max3A_384 : vector<2048x128xf32>
    %slice3A_386 = vector.extract_strided_slice %get3A_8 {offsets = [25, 0], sizes = [1, 256], strides = [1, 1]} : vector<51x256xf32> to vector<1x256xf32>
    %add3A_387 = vector.broadcast %slice3A_386 : vector<1x256xf32> to vector<2048x256xf32>
    %add3A_388 = arith.addf %concatenate3A, %add3A_387 : vector<2048x256xf32>
    %max3A_389 = arith.constant 0.000000e+00 : f32
    %max3A_390 = vector.broadcast %max3A_389 : f32 to vector<2048x256xf32>
    %max3A_391 = arith.maximumf %add3A_388, %max3A_390 : vector<2048x256xf32>
    %convert_element_type3A_392 = arith.truncf %max3A_391 : vector<2048x256xf32> to vector<2048x256xbf16>
    %dot_general3A_393 = arith.constant dense<0.000000e+00> : vector<2048x128xf32>
    %dot_general3A_394 = tpu.matmul %convert_element_type3A_392, %get3A_11, %dot_general3A_393 {dimension_numbers = #tpu.dot_dimension_numbers<[1], [0], [0], [1], [0, 0, 1, 1], [], []>, transpose_lhs_hint = false} : vector<2048x256xbf16>, vector<256x128xbf16>, vector<2048x128xf32> -> vector<2048x128xf32>
    %add3A_395 = vector.broadcast %get3A_14 : vector<1x128xf32> to vector<2048x128xf32>
    %add3A_396 = arith.addf %dot_general3A_394, %add3A_395 : vector<2048x128xf32>
    %max3A_397 = arith.constant 0.000000e+00 : f32
    %max3A_398 = vector.broadcast %max3A_397 : f32 to vector<2048x128xf32>
    %max3A_399 = arith.maximumf %add3A_396, %max3A_398 : vector<2048x128xf32>
    %add3A_400 = arith.addf %add3A_385, %max3A_399 : vector<2048x128xf32>
    %slice3A_401 = vector.extract_strided_slice %get3A_8 {offsets = [26, 0], sizes = [1, 256], strides = [1, 1]} : vector<51x256xf32> to vector<1x256xf32>
    %add3A_402 = vector.broadcast %slice3A_401 : vector<1x256xf32> to vector<2048x256xf32>
    %add3A_403 = arith.addf %concatenate3A, %add3A_402 : vector<2048x256xf32>
    %max3A_404 = arith.constant 0.000000e+00 : f32
    %max3A_405 = vector.broadcast %max3A_404 : f32 to vector<2048x256xf32>
    %max3A_406 = arith.maximumf %add3A_403, %max3A_405 : vector<2048x256xf32>
    %convert_element_type3A_407 = arith.truncf %max3A_406 : vector<2048x256xf32> to vector<2048x256xbf16>
    %dot_general3A_408 = arith.constant dense<0.000000e+00> : vector<2048x128xf32>
    %dot_general3A_409 = tpu.matmul %convert_element_type3A_407, %get3A_11, %dot_general3A_408 {dimension_numbers = #tpu.dot_dimension_numbers<[1], [0], [0], [1], [0, 0, 1, 1], [], []>, transpose_lhs_hint = false} : vector<2048x256xbf16>, vector<256x128xbf16>, vector<2048x128xf32> -> vector<2048x128xf32>
    %add3A_410 = vector.broadcast %get3A_14 : vector<1x128xf32> to vector<2048x128xf32>
    %add3A_411 = arith.addf %dot_general3A_409, %add3A_410 : vector<2048x128xf32>
    %max3A_412 = arith.constant 0.000000e+00 : f32
    %max3A_413 = vector.broadcast %max3A_412 : f32 to vector<2048x128xf32>
    %max3A_414 = arith.maximumf %add3A_411, %max3A_413 : vector<2048x128xf32>
    %add3A_415 = arith.addf %add3A_400, %max3A_414 : vector<2048x128xf32>
    %slice3A_416 = vector.extract_strided_slice %get3A_8 {offsets = [27, 0], sizes = [1, 256], strides = [1, 1]} : vector<51x256xf32> to vector<1x256xf32>
    %add3A_417 = vector.broadcast %slice3A_416 : vector<1x256xf32> to vector<2048x256xf32>
    %add3A_418 = arith.addf %concatenate3A, %add3A_417 : vector<2048x256xf32>
    %max3A_419 = arith.constant 0.000000e+00 : f32
    %max3A_420 = vector.broadcast %max3A_419 : f32 to vector<2048x256xf32>
    %max3A_421 = arith.maximumf %add3A_418, %max3A_420 : vector<2048x256xf32>
    %convert_element_type3A_422 = arith.truncf %max3A_421 : vector<2048x256xf32> to vector<2048x256xbf16>
    %dot_general3A_423 = arith.constant dense<0.000000e+00> : vector<2048x128xf32>
    %dot_general3A_424 = tpu.matmul %convert_element_type3A_422, %get3A_11, %dot_general3A_423 {dimension_numbers = #tpu.dot_dimension_numbers<[1], [0], [0], [1], [0, 0, 1, 1], [], []>, transpose_lhs_hint = false} : vector<2048x256xbf16>, vector<256x128xbf16>, vector<2048x128xf32> -> vector<2048x128xf32>
    %add3A_425 = vector.broadcast %get3A_14 : vector<1x128xf32> to vector<2048x128xf32>
    %add3A_426 = arith.addf %dot_general3A_424, %add3A_425 : vector<2048x128xf32>
    %max3A_427 = arith.constant 0.000000e+00 : f32
    %max3A_428 = vector.broadcast %max3A_427 : f32 to vector<2048x128xf32>
    %max3A_429 = arith.maximumf %add3A_426, %max3A_428 : vector<2048x128xf32>
    %add3A_430 = arith.addf %add3A_415, %max3A_429 : vector<2048x128xf32>
    %slice3A_431 = vector.extract_strided_slice %get3A_8 {offsets = [28, 0], sizes = [1, 256], strides = [1, 1]} : vector<51x256xf32> to vector<1x256xf32>
    %add3A_432 = vector.broadcast %slice3A_431 : vector<1x256xf32> to vector<2048x256xf32>
    %add3A_433 = arith.addf %concatenate3A, %add3A_432 : vector<2048x256xf32>
    %max3A_434 = arith.constant 0.000000e+00 : f32
    %max3A_435 = vector.broadcast %max3A_434 : f32 to vector<2048x256xf32>
    %max3A_436 = arith.maximumf %add3A_433, %max3A_435 : vector<2048x256xf32>
    %convert_element_type3A_437 = arith.truncf %max3A_436 : vector<2048x256xf32> to vector<2048x256xbf16>
    %dot_general3A_438 = arith.constant dense<0.000000e+00> : vector<2048x128xf32>
    %dot_general3A_439 = tpu.matmul %convert_element_type3A_437, %get3A_11, %dot_general3A_438 {dimension_numbers = #tpu.dot_dimension_numbers<[1], [0], [0], [1], [0, 0, 1, 1], [], []>, transpose_lhs_hint = false} : vector<2048x256xbf16>, vector<256x128xbf16>, vector<2048x128xf32> -> vector<2048x128xf32>
    %add3A_440 = vector.broadcast %get3A_14 : vector<1x128xf32> to vector<2048x128xf32>
    %add3A_441 = arith.addf %dot_general3A_439, %add3A_440 : vector<2048x128xf32>
    %max3A_442 = arith.constant 0.000000e+00 : f32
    %max3A_443 = vector.broadcast %max3A_442 : f32 to vector<2048x128xf32>
    %max3A_444 = arith.maximumf %add3A_441, %max3A_443 : vector<2048x128xf32>
    %add3A_445 = arith.addf %add3A_430, %max3A_444 : vector<2048x128xf32>
    %slice3A_446 = vector.extract_strided_slice %get3A_8 {offsets = [29, 0], sizes = [1, 256], strides = [1, 1]} : vector<51x256xf32> to vector<1x256xf32>
    %add3A_447 = vector.broadcast %slice3A_446 : vector<1x256xf32> to vector<2048x256xf32>
    %add3A_448 = arith.addf %concatenate3A, %add3A_447 : vector<2048x256xf32>
    %max3A_449 = arith.constant 0.000000e+00 : f32
    %max3A_450 = vector.broadcast %max3A_449 : f32 to vector<2048x256xf32>
    %max3A_451 = arith.maximumf %add3A_448, %max3A_450 : vector<2048x256xf32>
    %convert_element_type3A_452 = arith.truncf %max3A_451 : vector<2048x256xf32> to vector<2048x256xbf16>
    %dot_general3A_453 = arith.constant dense<0.000000e+00> : vector<2048x128xf32>
    %dot_general3A_454 = tpu.matmul %convert_element_type3A_452, %get3A_11, %dot_general3A_453 {dimension_numbers = #tpu.dot_dimension_numbers<[1], [0], [0], [1], [0, 0, 1, 1], [], []>, transpose_lhs_hint = false} : vector<2048x256xbf16>, vector<256x128xbf16>, vector<2048x128xf32> -> vector<2048x128xf32>
    %add3A_455 = vector.broadcast %get3A_14 : vector<1x128xf32> to vector<2048x128xf32>
    %add3A_456 = arith.addf %dot_general3A_454, %add3A_455 : vector<2048x128xf32>
    %max3A_457 = arith.constant 0.000000e+00 : f32
    %max3A_458 = vector.broadcast %max3A_457 : f32 to vector<2048x128xf32>
    %max3A_459 = arith.maximumf %add3A_456, %max3A_458 : vector<2048x128xf32>
    %add3A_460 = arith.addf %add3A_445, %max3A_459 : vector<2048x128xf32>
    %slice3A_461 = vector.extract_strided_slice %get3A_8 {offsets = [30, 0], sizes = [1, 256], strides = [1, 1]} : vector<51x256xf32> to vector<1x256xf32>
    %add3A_462 = vector.broadcast %slice3A_461 : vector<1x256xf32> to vector<2048x256xf32>
    %add3A_463 = arith.addf %concatenate3A, %add3A_462 : vector<2048x256xf32>
    %max3A_464 = arith.constant 0.000000e+00 : f32
    %max3A_465 = vector.broadcast %max3A_464 : f32 to vector<2048x256xf32>
    %max3A_466 = arith.maximumf %add3A_463, %max3A_465 : vector<2048x256xf32>
    %convert_element_type3A_467 = arith.truncf %max3A_466 : vector<2048x256xf32> to vector<2048x256xbf16>
    %dot_general3A_468 = arith.constant dense<0.000000e+00> : vector<2048x128xf32>
    %dot_general3A_469 = tpu.matmul %convert_element_type3A_467, %get3A_11, %dot_general3A_468 {dimension_numbers = #tpu.dot_dimension_numbers<[1], [0], [0], [1], [0, 0, 1, 1], [], []>, transpose_lhs_hint = false} : vector<2048x256xbf16>, vector<256x128xbf16>, vector<2048x128xf32> -> vector<2048x128xf32>
    %add3A_470 = vector.broadcast %get3A_14 : vector<1x128xf32> to vector<2048x128xf32>
    %add3A_471 = arith.addf %dot_general3A_469, %add3A_470 : vector<2048x128xf32>
    %max3A_472 = arith.constant 0.000000e+00 : f32
    %max3A_473 = vector.broadcast %max3A_472 : f32 to vector<2048x128xf32>
    %max3A_474 = arith.maximumf %add3A_471, %max3A_473 : vector<2048x128xf32>
    %add3A_475 = arith.addf %add3A_460, %max3A_474 : vector<2048x128xf32>
    %slice3A_476 = vector.extract_strided_slice %get3A_8 {offsets = [31, 0], sizes = [1, 256], strides = [1, 1]} : vector<51x256xf32> to vector<1x256xf32>
    %add3A_477 = vector.broadcast %slice3A_476 : vector<1x256xf32> to vector<2048x256xf32>
    %add3A_478 = arith.addf %concatenate3A, %add3A_477 : vector<2048x256xf32>
    %max3A_479 = arith.constant 0.000000e+00 : f32
    %max3A_480 = vector.broadcast %max3A_479 : f32 to vector<2048x256xf32>
    %max3A_481 = arith.maximumf %add3A_478, %max3A_480 : vector<2048x256xf32>
    %convert_element_type3A_482 = arith.truncf %max3A_481 : vector<2048x256xf32> to vector<2048x256xbf16>
    %dot_general3A_483 = arith.constant dense<0.000000e+00> : vector<2048x128xf32>
    %dot_general3A_484 = tpu.matmul %convert_element_type3A_482, %get3A_11, %dot_general3A_483 {dimension_numbers = #tpu.dot_dimension_numbers<[1], [0], [0], [1], [0, 0, 1, 1], [], []>, transpose_lhs_hint = false} : vector<2048x256xbf16>, vector<256x128xbf16>, vector<2048x128xf32> -> vector<2048x128xf32>
    %add3A_485 = vector.broadcast %get3A_14 : vector<1x128xf32> to vector<2048x128xf32>
    %add3A_486 = arith.addf %dot_general3A_484, %add3A_485 : vector<2048x128xf32>
    %max3A_487 = arith.constant 0.000000e+00 : f32
    %max3A_488 = vector.broadcast %max3A_487 : f32 to vector<2048x128xf32>
    %max3A_489 = arith.maximumf %add3A_486, %max3A_488 : vector<2048x128xf32>
    %add3A_490 = arith.addf %add3A_475, %max3A_489 : vector<2048x128xf32>
    %slice3A_491 = vector.extract_strided_slice %get3A_8 {offsets = [32, 0], sizes = [1, 256], strides = [1, 1]} : vector<51x256xf32> to vector<1x256xf32>
    %add3A_492 = vector.broadcast %slice3A_491 : vector<1x256xf32> to vector<2048x256xf32>
    %add3A_493 = arith.addf %concatenate3A, %add3A_492 : vector<2048x256xf32>
    %max3A_494 = arith.constant 0.000000e+00 : f32
    %max3A_495 = vector.broadcast %max3A_494 : f32 to vector<2048x256xf32>
    %max3A_496 = arith.maximumf %add3A_493, %max3A_495 : vector<2048x256xf32>
    %convert_element_type3A_497 = arith.truncf %max3A_496 : vector<2048x256xf32> to vector<2048x256xbf16>
    %dot_general3A_498 = arith.constant dense<0.000000e+00> : vector<2048x128xf32>
    %dot_general3A_499 = tpu.matmul %convert_element_type3A_497, %get3A_11, %dot_general3A_498 {dimension_numbers = #tpu.dot_dimension_numbers<[1], [0], [0], [1], [0, 0, 1, 1], [], []>, transpose_lhs_hint = false} : vector<2048x256xbf16>, vector<256x128xbf16>, vector<2048x128xf32> -> vector<2048x128xf32>
    %add3A_500 = vector.broadcast %get3A_14 : vector<1x128xf32> to vector<2048x128xf32>
    %add3A_501 = arith.addf %dot_general3A_499, %add3A_500 : vector<2048x128xf32>
    %max3A_502 = arith.constant 0.000000e+00 : f32
    %max3A_503 = vector.broadcast %max3A_502 : f32 to vector<2048x128xf32>
    %max3A_504 = arith.maximumf %add3A_501, %max3A_503 : vector<2048x128xf32>
    %add3A_505 = arith.addf %add3A_490, %max3A_504 : vector<2048x128xf32>
    %slice3A_506 = vector.extract_strided_slice %get3A_8 {offsets = [33, 0], sizes = [1, 256], strides = [1, 1]} : vector<51x256xf32> to vector<1x256xf32>
    %add3A_507 = vector.broadcast %slice3A_506 : vector<1x256xf32> to vector<2048x256xf32>
    %add3A_508 = arith.addf %concatenate3A, %add3A_507 : vector<2048x256xf32>
    %max3A_509 = arith.constant 0.000000e+00 : f32
    %max3A_510 = vector.broadcast %max3A_509 : f32 to vector<2048x256xf32>
    %max3A_511 = arith.maximumf %add3A_508, %max3A_510 : vector<2048x256xf32>
    %convert_element_type3A_512 = arith.truncf %max3A_511 : vector<2048x256xf32> to vector<2048x256xbf16>
    %dot_general3A_513 = arith.constant dense<0.000000e+00> : vector<2048x128xf32>
    %dot_general3A_514 = tpu.matmul %convert_element_type3A_512, %get3A_11, %dot_general3A_513 {dimension_numbers = #tpu.dot_dimension_numbers<[1], [0], [0], [1], [0, 0, 1, 1], [], []>, transpose_lhs_hint = false} : vector<2048x256xbf16>, vector<256x128xbf16>, vector<2048x128xf32> -> vector<2048x128xf32>
    %add3A_515 = vector.broadcast %get3A_14 : vector<1x128xf32> to vector<2048x128xf32>
    %add3A_516 = arith.addf %dot_general3A_514, %add3A_515 : vector<2048x128xf32>
    %max3A_517 = arith.constant 0.000000e+00 : f32
    %max3A_518 = vector.broadcast %max3A_517 : f32 to vector<2048x128xf32>
    %max3A_519 = arith.maximumf %add3A_516, %max3A_518 : vector<2048x128xf32>
    %add3A_520 = arith.addf %add3A_505, %max3A_519 : vector<2048x128xf32>
    %slice3A_521 = vector.extract_strided_slice %get3A_8 {offsets = [34, 0], sizes = [1, 256], strides = [1, 1]} : vector<51x256xf32> to vector<1x256xf32>
    %add3A_522 = vector.broadcast %slice3A_521 : vector<1x256xf32> to vector<2048x256xf32>
    %add3A_523 = arith.addf %concatenate3A, %add3A_522 : vector<2048x256xf32>
    %max3A_524 = arith.constant 0.000000e+00 : f32
    %max3A_525 = vector.broadcast %max3A_524 : f32 to vector<2048x256xf32>
    %max3A_526 = arith.maximumf %add3A_523, %max3A_525 : vector<2048x256xf32>
    %convert_element_type3A_527 = arith.truncf %max3A_526 : vector<2048x256xf32> to vector<2048x256xbf16>
    %dot_general3A_528 = arith.constant dense<0.000000e+00> : vector<2048x128xf32>
    %dot_general3A_529 = tpu.matmul %convert_element_type3A_527, %get3A_11, %dot_general3A_528 {dimension_numbers = #tpu.dot_dimension_numbers<[1], [0], [0], [1], [0, 0, 1, 1], [], []>, transpose_lhs_hint = false} : vector<2048x256xbf16>, vector<256x128xbf16>, vector<2048x128xf32> -> vector<2048x128xf32>
    %add3A_530 = vector.broadcast %get3A_14 : vector<1x128xf32> to vector<2048x128xf32>
    %add3A_531 = arith.addf %dot_general3A_529, %add3A_530 : vector<2048x128xf32>
    %max3A_532 = arith.constant 0.000000e+00 : f32
    %max3A_533 = vector.broadcast %max3A_532 : f32 to vector<2048x128xf32>
    %max3A_534 = arith.maximumf %add3A_531, %max3A_533 : vector<2048x128xf32>
    %add3A_535 = arith.addf %add3A_520, %max3A_534 : vector<2048x128xf32>
    %slice3A_536 = vector.extract_strided_slice %get3A_8 {offsets = [35, 0], sizes = [1, 256], strides = [1, 1]} : vector<51x256xf32> to vector<1x256xf32>
    %add3A_537 = vector.broadcast %slice3A_536 : vector<1x256xf32> to vector<2048x256xf32>
    %add3A_538 = arith.addf %concatenate3A, %add3A_537 : vector<2048x256xf32>
    %max3A_539 = arith.constant 0.000000e+00 : f32
    %max3A_540 = vector.broadcast %max3A_539 : f32 to vector<2048x256xf32>
    %max3A_541 = arith.maximumf %add3A_538, %max3A_540 : vector<2048x256xf32>
    %convert_element_type3A_542 = arith.truncf %max3A_541 : vector<2048x256xf32> to vector<2048x256xbf16>
    %dot_general3A_543 = arith.constant dense<0.000000e+00> : vector<2048x128xf32>
    %dot_general3A_544 = tpu.matmul %convert_element_type3A_542, %get3A_11, %dot_general3A_543 {dimension_numbers = #tpu.dot_dimension_numbers<[1], [0], [0], [1], [0, 0, 1, 1], [], []>, transpose_lhs_hint = false} : vector<2048x256xbf16>, vector<256x128xbf16>, vector<2048x128xf32> -> vector<2048x128xf32>
    %add3A_545 = vector.broadcast %get3A_14 : vector<1x128xf32> to vector<2048x128xf32>
    %add3A_546 = arith.addf %dot_general3A_544, %add3A_545 : vector<2048x128xf32>
    %max3A_547 = arith.constant 0.000000e+00 : f32
    %max3A_548 = vector.broadcast %max3A_547 : f32 to vector<2048x128xf32>
    %max3A_549 = arith.maximumf %add3A_546, %max3A_548 : vector<2048x128xf32>
    %add3A_550 = arith.addf %add3A_535, %max3A_549 : vector<2048x128xf32>
    %slice3A_551 = vector.extract_strided_slice %get3A_8 {offsets = [36, 0], sizes = [1, 256], strides = [1, 1]} : vector<51x256xf32> to vector<1x256xf32>
    %add3A_552 = vector.broadcast %slice3A_551 : vector<1x256xf32> to vector<2048x256xf32>
    %add3A_553 = arith.addf %concatenate3A, %add3A_552 : vector<2048x256xf32>
    %max3A_554 = arith.constant 0.000000e+00 : f32
    %max3A_555 = vector.broadcast %max3A_554 : f32 to vector<2048x256xf32>
    %max3A_556 = arith.maximumf %add3A_553, %max3A_555 : vector<2048x256xf32>
    %convert_element_type3A_557 = arith.truncf %max3A_556 : vector<2048x256xf32> to vector<2048x256xbf16>
    %dot_general3A_558 = arith.constant dense<0.000000e+00> : vector<2048x128xf32>
    %dot_general3A_559 = tpu.matmul %convert_element_type3A_557, %get3A_11, %dot_general3A_558 {dimension_numbers = #tpu.dot_dimension_numbers<[1], [0], [0], [1], [0, 0, 1, 1], [], []>, transpose_lhs_hint = false} : vector<2048x256xbf16>, vector<256x128xbf16>, vector<2048x128xf32> -> vector<2048x128xf32>
    %add3A_560 = vector.broadcast %get3A_14 : vector<1x128xf32> to vector<2048x128xf32>
    %add3A_561 = arith.addf %dot_general3A_559, %add3A_560 : vector<2048x128xf32>
    %max3A_562 = arith.constant 0.000000e+00 : f32
    %max3A_563 = vector.broadcast %max3A_562 : f32 to vector<2048x128xf32>
    %max3A_564 = arith.maximumf %add3A_561, %max3A_563 : vector<2048x128xf32>
    %add3A_565 = arith.addf %add3A_550, %max3A_564 : vector<2048x128xf32>
    %slice3A_566 = vector.extract_strided_slice %get3A_8 {offsets = [37, 0], sizes = [1, 256], strides = [1, 1]} : vector<51x256xf32> to vector<1x256xf32>
    %add3A_567 = vector.broadcast %slice3A_566 : vector<1x256xf32> to vector<2048x256xf32>
    %add3A_568 = arith.addf %concatenate3A, %add3A_567 : vector<2048x256xf32>
    %max3A_569 = arith.constant 0.000000e+00 : f32
    %max3A_570 = vector.broadcast %max3A_569 : f32 to vector<2048x256xf32>
    %max3A_571 = arith.maximumf %add3A_568, %max3A_570 : vector<2048x256xf32>
    %convert_element_type3A_572 = arith.truncf %max3A_571 : vector<2048x256xf32> to vector<2048x256xbf16>
    %dot_general3A_573 = arith.constant dense<0.000000e+00> : vector<2048x128xf32>
    %dot_general3A_574 = tpu.matmul %convert_element_type3A_572, %get3A_11, %dot_general3A_573 {dimension_numbers = #tpu.dot_dimension_numbers<[1], [0], [0], [1], [0, 0, 1, 1], [], []>, transpose_lhs_hint = false} : vector<2048x256xbf16>, vector<256x128xbf16>, vector<2048x128xf32> -> vector<2048x128xf32>
    %add3A_575 = vector.broadcast %get3A_14 : vector<1x128xf32> to vector<2048x128xf32>
    %add3A_576 = arith.addf %dot_general3A_574, %add3A_575 : vector<2048x128xf32>
    %max3A_577 = arith.constant 0.000000e+00 : f32
    %max3A_578 = vector.broadcast %max3A_577 : f32 to vector<2048x128xf32>
    %max3A_579 = arith.maximumf %add3A_576, %max3A_578 : vector<2048x128xf32>
    %add3A_580 = arith.addf %add3A_565, %max3A_579 : vector<2048x128xf32>
    %slice3A_581 = vector.extract_strided_slice %get3A_8 {offsets = [38, 0], sizes = [1, 256], strides = [1, 1]} : vector<51x256xf32> to vector<1x256xf32>
    %add3A_582 = vector.broadcast %slice3A_581 : vector<1x256xf32> to vector<2048x256xf32>
    %add3A_583 = arith.addf %concatenate3A, %add3A_582 : vector<2048x256xf32>
    %max3A_584 = arith.constant 0.000000e+00 : f32
    %max3A_585 = vector.broadcast %max3A_584 : f32 to vector<2048x256xf32>
    %max3A_586 = arith.maximumf %add3A_583, %max3A_585 : vector<2048x256xf32>
    %convert_element_type3A_587 = arith.truncf %max3A_586 : vector<2048x256xf32> to vector<2048x256xbf16>
    %dot_general3A_588 = arith.constant dense<0.000000e+00> : vector<2048x128xf32>
    %dot_general3A_589 = tpu.matmul %convert_element_type3A_587, %get3A_11, %dot_general3A_588 {dimension_numbers = #tpu.dot_dimension_numbers<[1], [0], [0], [1], [0, 0, 1, 1], [], []>, transpose_lhs_hint = false} : vector<2048x256xbf16>, vector<256x128xbf16>, vector<2048x128xf32> -> vector<2048x128xf32>
    %add3A_590 = vector.broadcast %get3A_14 : vector<1x128xf32> to vector<2048x128xf32>
    %add3A_591 = arith.addf %dot_general3A_589, %add3A_590 : vector<2048x128xf32>
    %max3A_592 = arith.constant 0.000000e+00 : f32
    %max3A_593 = vector.broadcast %max3A_592 : f32 to vector<2048x128xf32>
    %max3A_594 = arith.maximumf %add3A_591, %max3A_593 : vector<2048x128xf32>
    %add3A_595 = arith.addf %add3A_580, %max3A_594 : vector<2048x128xf32>
    %slice3A_596 = vector.extract_strided_slice %get3A_8 {offsets = [39, 0], sizes = [1, 256], strides = [1, 1]} : vector<51x256xf32> to vector<1x256xf32>
    %add3A_597 = vector.broadcast %slice3A_596 : vector<1x256xf32> to vector<2048x256xf32>
    %add3A_598 = arith.addf %concatenate3A, %add3A_597 : vector<2048x256xf32>
    %max3A_599 = arith.constant 0.000000e+00 : f32
    %max3A_600 = vector.broadcast %max3A_599 : f32 to vector<2048x256xf32>
    %max3A_601 = arith.maximumf %add3A_598, %max3A_600 : vector<2048x256xf32>
    %convert_element_type3A_602 = arith.truncf %max3A_601 : vector<2048x256xf32> to vector<2048x256xbf16>
    %dot_general3A_603 = arith.constant dense<0.000000e+00> : vector<2048x128xf32>
    %dot_general3A_604 = tpu.matmul %convert_element_type3A_602, %get3A_11, %dot_general3A_603 {dimension_numbers = #tpu.dot_dimension_numbers<[1], [0], [0], [1], [0, 0, 1, 1], [], []>, transpose_lhs_hint = false} : vector<2048x256xbf16>, vector<256x128xbf16>, vector<2048x128xf32> -> vector<2048x128xf32>
    %add3A_605 = vector.broadcast %get3A_14 : vector<1x128xf32> to vector<2048x128xf32>
    %add3A_606 = arith.addf %dot_general3A_604, %add3A_605 : vector<2048x128xf32>
    %max3A_607 = arith.constant 0.000000e+00 : f32
    %max3A_608 = vector.broadcast %max3A_607 : f32 to vector<2048x128xf32>
    %max3A_609 = arith.maximumf %add3A_606, %max3A_608 : vector<2048x128xf32>
    %add3A_610 = arith.addf %add3A_595, %max3A_609 : vector<2048x128xf32>
    %slice3A_611 = vector.extract_strided_slice %get3A_8 {offsets = [40, 0], sizes = [1, 256], strides = [1, 1]} : vector<51x256xf32> to vector<1x256xf32>
    %add3A_612 = vector.broadcast %slice3A_611 : vector<1x256xf32> to vector<2048x256xf32>
    %add3A_613 = arith.addf %concatenate3A, %add3A_612 : vector<2048x256xf32>
    %max3A_614 = arith.constant 0.000000e+00 : f32
    %max3A_615 = vector.broadcast %max3A_614 : f32 to vector<2048x256xf32>
    %max3A_616 = arith.maximumf %add3A_613, %max3A_615 : vector<2048x256xf32>
    %convert_element_type3A_617 = arith.truncf %max3A_616 : vector<2048x256xf32> to vector<2048x256xbf16>
    %dot_general3A_618 = arith.constant dense<0.000000e+00> : vector<2048x128xf32>
    %dot_general3A_619 = tpu.matmul %convert_element_type3A_617, %get3A_11, %dot_general3A_618 {dimension_numbers = #tpu.dot_dimension_numbers<[1], [0], [0], [1], [0, 0, 1, 1], [], []>, transpose_lhs_hint = false} : vector<2048x256xbf16>, vector<256x128xbf16>, vector<2048x128xf32> -> vector<2048x128xf32>
    %add3A_620 = vector.broadcast %get3A_14 : vector<1x128xf32> to vector<2048x128xf32>
    %add3A_621 = arith.addf %dot_general3A_619, %add3A_620 : vector<2048x128xf32>
    %max3A_622 = arith.constant 0.000000e+00 : f32
    %max3A_623 = vector.broadcast %max3A_622 : f32 to vector<2048x128xf32>
    %max3A_624 = arith.maximumf %add3A_621, %max3A_623 : vector<2048x128xf32>
    %add3A_625 = arith.addf %add3A_610, %max3A_624 : vector<2048x128xf32>
    %slice3A_626 = vector.extract_strided_slice %get3A_8 {offsets = [41, 0], sizes = [1, 256], strides = [1, 1]} : vector<51x256xf32> to vector<1x256xf32>
    %add3A_627 = vector.broadcast %slice3A_626 : vector<1x256xf32> to vector<2048x256xf32>
    %add3A_628 = arith.addf %concatenate3A, %add3A_627 : vector<2048x256xf32>
    %max3A_629 = arith.constant 0.000000e+00 : f32
    %max3A_630 = vector.broadcast %max3A_629 : f32 to vector<2048x256xf32>
    %max3A_631 = arith.maximumf %add3A_628, %max3A_630 : vector<2048x256xf32>
    %convert_element_type3A_632 = arith.truncf %max3A_631 : vector<2048x256xf32> to vector<2048x256xbf16>
    %dot_general3A_633 = arith.constant dense<0.000000e+00> : vector<2048x128xf32>
    %dot_general3A_634 = tpu.matmul %convert_element_type3A_632, %get3A_11, %dot_general3A_633 {dimension_numbers = #tpu.dot_dimension_numbers<[1], [0], [0], [1], [0, 0, 1, 1], [], []>, transpose_lhs_hint = false} : vector<2048x256xbf16>, vector<256x128xbf16>, vector<2048x128xf32> -> vector<2048x128xf32>
    %add3A_635 = vector.broadcast %get3A_14 : vector<1x128xf32> to vector<2048x128xf32>
    %add3A_636 = arith.addf %dot_general3A_634, %add3A_635 : vector<2048x128xf32>
    %max3A_637 = arith.constant 0.000000e+00 : f32
    %max3A_638 = vector.broadcast %max3A_637 : f32 to vector<2048x128xf32>
    %max3A_639 = arith.maximumf %add3A_636, %max3A_638 : vector<2048x128xf32>
    %add3A_640 = arith.addf %add3A_625, %max3A_639 : vector<2048x128xf32>
    %slice3A_641 = vector.extract_strided_slice %get3A_8 {offsets = [42, 0], sizes = [1, 256], strides = [1, 1]} : vector<51x256xf32> to vector<1x256xf32>
    %add3A_642 = vector.broadcast %slice3A_641 : vector<1x256xf32> to vector<2048x256xf32>
    %add3A_643 = arith.addf %concatenate3A, %add3A_642 : vector<2048x256xf32>
    %max3A_644 = arith.constant 0.000000e+00 : f32
    %max3A_645 = vector.broadcast %max3A_644 : f32 to vector<2048x256xf32>
    %max3A_646 = arith.maximumf %add3A_643, %max3A_645 : vector<2048x256xf32>
    %convert_element_type3A_647 = arith.truncf %max3A_646 : vector<2048x256xf32> to vector<2048x256xbf16>
    %dot_general3A_648 = arith.constant dense<0.000000e+00> : vector<2048x128xf32>
    %dot_general3A_649 = tpu.matmul %convert_element_type3A_647, %get3A_11, %dot_general3A_648 {dimension_numbers = #tpu.dot_dimension_numbers<[1], [0], [0], [1], [0, 0, 1, 1], [], []>, transpose_lhs_hint = false} : vector<2048x256xbf16>, vector<256x128xbf16>, vector<2048x128xf32> -> vector<2048x128xf32>
    %add3A_650 = vector.broadcast %get3A_14 : vector<1x128xf32> to vector<2048x128xf32>
    %add3A_651 = arith.addf %dot_general3A_649, %add3A_650 : vector<2048x128xf32>
    %max3A_652 = arith.constant 0.000000e+00 : f32
    %max3A_653 = vector.broadcast %max3A_652 : f32 to vector<2048x128xf32>
    %max3A_654 = arith.maximumf %add3A_651, %max3A_653 : vector<2048x128xf32>
    %add3A_655 = arith.addf %add3A_640, %max3A_654 : vector<2048x128xf32>
    %slice3A_656 = vector.extract_strided_slice %get3A_8 {offsets = [43, 0], sizes = [1, 256], strides = [1, 1]} : vector<51x256xf32> to vector<1x256xf32>
    %add3A_657 = vector.broadcast %slice3A_656 : vector<1x256xf32> to vector<2048x256xf32>
    %add3A_658 = arith.addf %concatenate3A, %add3A_657 : vector<2048x256xf32>
    %max3A_659 = arith.constant 0.000000e+00 : f32
    %max3A_660 = vector.broadcast %max3A_659 : f32 to vector<2048x256xf32>
    %max3A_661 = arith.maximumf %add3A_658, %max3A_660 : vector<2048x256xf32>
    %convert_element_type3A_662 = arith.truncf %max3A_661 : vector<2048x256xf32> to vector<2048x256xbf16>
    %dot_general3A_663 = arith.constant dense<0.000000e+00> : vector<2048x128xf32>
    %dot_general3A_664 = tpu.matmul %convert_element_type3A_662, %get3A_11, %dot_general3A_663 {dimension_numbers = #tpu.dot_dimension_numbers<[1], [0], [0], [1], [0, 0, 1, 1], [], []>, transpose_lhs_hint = false} : vector<2048x256xbf16>, vector<256x128xbf16>, vector<2048x128xf32> -> vector<2048x128xf32>
    %add3A_665 = vector.broadcast %get3A_14 : vector<1x128xf32> to vector<2048x128xf32>
    %add3A_666 = arith.addf %dot_general3A_664, %add3A_665 : vector<2048x128xf32>
    %max3A_667 = arith.constant 0.000000e+00 : f32
    %max3A_668 = vector.broadcast %max3A_667 : f32 to vector<2048x128xf32>
    %max3A_669 = arith.maximumf %add3A_666, %max3A_668 : vector<2048x128xf32>
    %add3A_670 = arith.addf %add3A_655, %max3A_669 : vector<2048x128xf32>
    %slice3A_671 = vector.extract_strided_slice %get3A_8 {offsets = [44, 0], sizes = [1, 256], strides = [1, 1]} : vector<51x256xf32> to vector<1x256xf32>
    %add3A_672 = vector.broadcast %slice3A_671 : vector<1x256xf32> to vector<2048x256xf32>
    %add3A_673 = arith.addf %concatenate3A, %add3A_672 : vector<2048x256xf32>
    %max3A_674 = arith.constant 0.000000e+00 : f32
    %max3A_675 = vector.broadcast %max3A_674 : f32 to vector<2048x256xf32>
    %max3A_676 = arith.maximumf %add3A_673, %max3A_675 : vector<2048x256xf32>
    %convert_element_type3A_677 = arith.truncf %max3A_676 : vector<2048x256xf32> to vector<2048x256xbf16>
    %dot_general3A_678 = arith.constant dense<0.000000e+00> : vector<2048x128xf32>
    %dot_general3A_679 = tpu.matmul %convert_element_type3A_677, %get3A_11, %dot_general3A_678 {dimension_numbers = #tpu.dot_dimension_numbers<[1], [0], [0], [1], [0, 0, 1, 1], [], []>, transpose_lhs_hint = false} : vector<2048x256xbf16>, vector<256x128xbf16>, vector<2048x128xf32> -> vector<2048x128xf32>
    %add3A_680 = vector.broadcast %get3A_14 : vector<1x128xf32> to vector<2048x128xf32>
    %add3A_681 = arith.addf %dot_general3A_679, %add3A_680 : vector<2048x128xf32>
    %max3A_682 = arith.constant 0.000000e+00 : f32
    %max3A_683 = vector.broadcast %max3A_682 : f32 to vector<2048x128xf32>
    %max3A_684 = arith.maximumf %add3A_681, %max3A_683 : vector<2048x128xf32>
    %add3A_685 = arith.addf %add3A_670, %max3A_684 : vector<2048x128xf32>
    %slice3A_686 = vector.extract_strided_slice %get3A_8 {offsets = [45, 0], sizes = [1, 256], strides = [1, 1]} : vector<51x256xf32> to vector<1x256xf32>
    %add3A_687 = vector.broadcast %slice3A_686 : vector<1x256xf32> to vector<2048x256xf32>
    %add3A_688 = arith.addf %concatenate3A, %add3A_687 : vector<2048x256xf32>
    %max3A_689 = arith.constant 0.000000e+00 : f32
    %max3A_690 = vector.broadcast %max3A_689 : f32 to vector<2048x256xf32>
    %max3A_691 = arith.maximumf %add3A_688, %max3A_690 : vector<2048x256xf32>
    %convert_element_type3A_692 = arith.truncf %max3A_691 : vector<2048x256xf32> to vector<2048x256xbf16>
    %dot_general3A_693 = arith.constant dense<0.000000e+00> : vector<2048x128xf32>
    %dot_general3A_694 = tpu.matmul %convert_element_type3A_692, %get3A_11, %dot_general3A_693 {dimension_numbers = #tpu.dot_dimension_numbers<[1], [0], [0], [1], [0, 0, 1, 1], [], []>, transpose_lhs_hint = false} : vector<2048x256xbf16>, vector<256x128xbf16>, vector<2048x128xf32> -> vector<2048x128xf32>
    %add3A_695 = vector.broadcast %get3A_14 : vector<1x128xf32> to vector<2048x128xf32>
    %add3A_696 = arith.addf %dot_general3A_694, %add3A_695 : vector<2048x128xf32>
    %max3A_697 = arith.constant 0.000000e+00 : f32
    %max3A_698 = vector.broadcast %max3A_697 : f32 to vector<2048x128xf32>
    %max3A_699 = arith.maximumf %add3A_696, %max3A_698 : vector<2048x128xf32>
    %add3A_700 = arith.addf %add3A_685, %max3A_699 : vector<2048x128xf32>
    %slice3A_701 = vector.extract_strided_slice %get3A_8 {offsets = [46, 0], sizes = [1, 256], strides = [1, 1]} : vector<51x256xf32> to vector<1x256xf32>
    %add3A_702 = vector.broadcast %slice3A_701 : vector<1x256xf32> to vector<2048x256xf32>
    %add3A_703 = arith.addf %concatenate3A, %add3A_702 : vector<2048x256xf32>
    %max3A_704 = arith.constant 0.000000e+00 : f32
    %max3A_705 = vector.broadcast %max3A_704 : f32 to vector<2048x256xf32>
    %max3A_706 = arith.maximumf %add3A_703, %max3A_705 : vector<2048x256xf32>
    %convert_element_type3A_707 = arith.truncf %max3A_706 : vector<2048x256xf32> to vector<2048x256xbf16>
    %dot_general3A_708 = arith.constant dense<0.000000e+00> : vector<2048x128xf32>
    %dot_general3A_709 = tpu.matmul %convert_element_type3A_707, %get3A_11, %dot_general3A_708 {dimension_numbers = #tpu.dot_dimension_numbers<[1], [0], [0], [1], [0, 0, 1, 1], [], []>, transpose_lhs_hint = false} : vector<2048x256xbf16>, vector<256x128xbf16>, vector<2048x128xf32> -> vector<2048x128xf32>
    %add3A_710 = vector.broadcast %get3A_14 : vector<1x128xf32> to vector<2048x128xf32>
    %add3A_711 = arith.addf %dot_general3A_709, %add3A_710 : vector<2048x128xf32>
    %max3A_712 = arith.constant 0.000000e+00 : f32
    %max3A_713 = vector.broadcast %max3A_712 : f32 to vector<2048x128xf32>
    %max3A_714 = arith.maximumf %add3A_711, %max3A_713 : vector<2048x128xf32>
    %add3A_715 = arith.addf %add3A_700, %max3A_714 : vector<2048x128xf32>
    %slice3A_716 = vector.extract_strided_slice %get3A_8 {offsets = [47, 0], sizes = [1, 256], strides = [1, 1]} : vector<51x256xf32> to vector<1x256xf32>
    %add3A_717 = vector.broadcast %slice3A_716 : vector<1x256xf32> to vector<2048x256xf32>
    %add3A_718 = arith.addf %concatenate3A, %add3A_717 : vector<2048x256xf32>
    %max3A_719 = arith.constant 0.000000e+00 : f32
    %max3A_720 = vector.broadcast %max3A_719 : f32 to vector<2048x256xf32>
    %max3A_721 = arith.maximumf %add3A_718, %max3A_720 : vector<2048x256xf32>
    %convert_element_type3A_722 = arith.truncf %max3A_721 : vector<2048x256xf32> to vector<2048x256xbf16>
    %dot_general3A_723 = arith.constant dense<0.000000e+00> : vector<2048x128xf32>
    %dot_general3A_724 = tpu.matmul %convert_element_type3A_722, %get3A_11, %dot_general3A_723 {dimension_numbers = #tpu.dot_dimension_numbers<[1], [0], [0], [1], [0, 0, 1, 1], [], []>, transpose_lhs_hint = false} : vector<2048x256xbf16>, vector<256x128xbf16>, vector<2048x128xf32> -> vector<2048x128xf32>
    %add3A_725 = vector.broadcast %get3A_14 : vector<1x128xf32> to vector<2048x128xf32>
    %add3A_726 = arith.addf %dot_general3A_724, %add3A_725 : vector<2048x128xf32>
    %max3A_727 = arith.constant 0.000000e+00 : f32
    %max3A_728 = vector.broadcast %max3A_727 : f32 to vector<2048x128xf32>
    %max3A_729 = arith.maximumf %add3A_726, %max3A_728 : vector<2048x128xf32>
    %add3A_730 = arith.addf %add3A_715, %max3A_729 : vector<2048x128xf32>
    %slice3A_731 = vector.extract_strided_slice %get3A_8 {offsets = [48, 0], sizes = [1, 256], strides = [1, 1]} : vector<51x256xf32> to vector<1x256xf32>
    %add3A_732 = vector.broadcast %slice3A_731 : vector<1x256xf32> to vector<2048x256xf32>
    %add3A_733 = arith.addf %concatenate3A, %add3A_732 : vector<2048x256xf32>
    %max3A_734 = arith.constant 0.000000e+00 : f32
    %max3A_735 = vector.broadcast %max3A_734 : f32 to vector<2048x256xf32>
    %max3A_736 = arith.maximumf %add3A_733, %max3A_735 : vector<2048x256xf32>
    %convert_element_type3A_737 = arith.truncf %max3A_736 : vector<2048x256xf32> to vector<2048x256xbf16>
    %dot_general3A_738 = arith.constant dense<0.000000e+00> : vector<2048x128xf32>
    %dot_general3A_739 = tpu.matmul %convert_element_type3A_737, %get3A_11, %dot_general3A_738 {dimension_numbers = #tpu.dot_dimension_numbers<[1], [0], [0], [1], [0, 0, 1, 1], [], []>, transpose_lhs_hint = false} : vector<2048x256xbf16>, vector<256x128xbf16>, vector<2048x128xf32> -> vector<2048x128xf32>
    %add3A_740 = vector.broadcast %get3A_14 : vector<1x128xf32> to vector<2048x128xf32>
    %add3A_741 = arith.addf %dot_general3A_739, %add3A_740 : vector<2048x128xf32>
    %max3A_742 = arith.constant 0.000000e+00 : f32
    %max3A_743 = vector.broadcast %max3A_742 : f32 to vector<2048x128xf32>
    %max3A_744 = arith.maximumf %add3A_741, %max3A_743 : vector<2048x128xf32>
    %add3A_745 = arith.addf %add3A_730, %max3A_744 : vector<2048x128xf32>
    %slice3A_746 = vector.extract_strided_slice %get3A_8 {offsets = [49, 0], sizes = [1, 256], strides = [1, 1]} : vector<51x256xf32> to vector<1x256xf32>
    %add3A_747 = vector.broadcast %slice3A_746 : vector<1x256xf32> to vector<2048x256xf32>
    %add3A_748 = arith.addf %concatenate3A, %add3A_747 : vector<2048x256xf32>
    %max3A_749 = arith.constant 0.000000e+00 : f32
    %max3A_750 = vector.broadcast %max3A_749 : f32 to vector<2048x256xf32>
    %max3A_751 = arith.maximumf %add3A_748, %max3A_750 : vector<2048x256xf32>
    %convert_element_type3A_752 = arith.truncf %max3A_751 : vector<2048x256xf32> to vector<2048x256xbf16>
    %dot_general3A_753 = arith.constant dense<0.000000e+00> : vector<2048x128xf32>
    %dot_general3A_754 = tpu.matmul %convert_element_type3A_752, %get3A_11, %dot_general3A_753 {dimension_numbers = #tpu.dot_dimension_numbers<[1], [0], [0], [1], [0, 0, 1, 1], [], []>, transpose_lhs_hint = false} : vector<2048x256xbf16>, vector<256x128xbf16>, vector<2048x128xf32> -> vector<2048x128xf32>
    %add3A_755 = vector.broadcast %get3A_14 : vector<1x128xf32> to vector<2048x128xf32>
    %add3A_756 = arith.addf %dot_general3A_754, %add3A_755 : vector<2048x128xf32>
    %max3A_757 = arith.constant 0.000000e+00 : f32
    %max3A_758 = vector.broadcast %max3A_757 : f32 to vector<2048x128xf32>
    %max3A_759 = arith.maximumf %add3A_756, %max3A_758 : vector<2048x128xf32>
    %add3A_760 = arith.addf %add3A_745, %max3A_759 : vector<2048x128xf32>
    %slice3A_761 = vector.extract_strided_slice %get3A_8 {offsets = [50, 0], sizes = [1, 256], strides = [1, 1]} : vector<51x256xf32> to vector<1x256xf32>
    %add3A_762 = vector.broadcast %slice3A_761 : vector<1x256xf32> to vector<2048x256xf32>
    %add3A_763 = arith.addf %concatenate3A, %add3A_762 : vector<2048x256xf32>
    %max3A_764 = arith.constant 0.000000e+00 : f32
    %max3A_765 = vector.broadcast %max3A_764 : f32 to vector<2048x256xf32>
    %max3A_766 = arith.maximumf %add3A_763, %max3A_765 : vector<2048x256xf32>
    %convert_element_type3A_767 = arith.truncf %max3A_766 : vector<2048x256xf32> to vector<2048x256xbf16>
    %dot_general3A_768 = arith.constant dense<0.000000e+00> : vector<2048x128xf32>
    %dot_general3A_769 = tpu.matmul %convert_element_type3A_767, %get3A_11, %dot_general3A_768 {dimension_numbers = #tpu.dot_dimension_numbers<[1], [0], [0], [1], [0, 0, 1, 1], [], []>, transpose_lhs_hint = false} : vector<2048x256xbf16>, vector<256x128xbf16>, vector<2048x128xf32> -> vector<2048x128xf32>
    %add3A_770 = vector.broadcast %get3A_14 : vector<1x128xf32> to vector<2048x128xf32>
    %add3A_771 = arith.addf %dot_general3A_769, %add3A_770 : vector<2048x128xf32>
    %max3A_772 = arith.constant 0.000000e+00 : f32
    %max3A_773 = vector.broadcast %max3A_772 : f32 to vector<2048x128xf32>
    %max3A_774 = arith.maximumf %add3A_771, %max3A_773 : vector<2048x128xf32>
    %add3A_775 = arith.addf %add3A_760, %max3A_774 : vector<2048x128xf32>
    %mul3A = arith.constant 0.00490196096 : f32
    %mul3A_776 = vector.broadcast %mul3A : f32 to vector<2048x128xf32>
    %mul3A_777 = arith.mulf %add3A_775, %mul3A_776 : vector<2048x128xf32>
    %get3A_778 = arith.constant 0 : index
    %get3A_779 = arith.constant 0 : index
    %get3A_780 = vector.load %arg6[%get3A_778, %get3A_779] : memref<128x10xf32, #tpu.memory_space<vmem>>, vector<128x10xf32>
    %dot_general3A_781 = arith.constant dense<0.000000e+00> : vector<2048x10xf32>
    %dot_general3A_782 = tpu.matmul %mul3A_777, %get3A_780, %dot_general3A_781 {dimension_numbers = #tpu.dot_dimension_numbers<[1], [0], [0], [1], [0, 0, 1, 1], [], []>, precision = #tpu.contract_precision<fp32>, transpose_lhs_hint = false} : vector<2048x128xf32>, vector<128x10xf32>, vector<2048x10xf32> -> vector<2048x10xf32>
    %get3A_783 = arith.constant 0 : index
    %get3A_784 = arith.constant 0 : index
    %get3A_785 = vector.load %arg7[%get3A_783, %get3A_784] : memref<1x10xf32, #tpu.memory_space<vmem>>, vector<1x10xf32>
    %add3A_786 = vector.broadcast %get3A_785 : vector<1x10xf32> to vector<2048x10xf32>
    %add3A_787 = arith.addf %dot_general3A_782, %add3A_786 : vector<2048x10xf32>
    %swap3A = arith.constant 0 : index
    %swap3A_788 = arith.constant 0 : index
    %swap3A_789 = arith.constant 0 : index
    %swap3A_790 = vector.load %arg8[%swap3A, %swap3A_788, %swap3A_789] : memref<1x2048x10xf32, #tpu.memory_space<vmem>>, vector<1x2048x10xf32>
    %swap3A_791 = vector.shape_cast %swap3A_790 : vector<1x2048x10xf32> to vector<2048x10xf32>
    %swap3A_792 = vector.shape_cast %add3A_787 : vector<2048x10xf32> to vector<1x2048x10xf32>
    tpu.vector_store %arg8[%swap3A, %swap3A_788, %swap3A_789], %swap3A_792 {strides = array<i32>} : memref<1x2048x10xf32, #tpu.memory_space<vmem>>, vector<1x2048x10xf32>,
    return
  }
  func.func @transform_0(%arg0: i32, %arg1: i32) -> (i32, i32, i32) {
    %c0_i32 = arith.constant 0 : i32
    %c0_i32_0 = arith.constant 0 : i32
    return %arg0, %arg1, %c0_i32 : i32, i32, i32
  }
  func.func @transform_1(%arg0: i32, %arg1: i32) -> (i32, i32, i32) {
    %c0_i32 = arith.constant 0 : i32
    %c0_i32_0 = arith.constant 0 : i32
    %c0_i32_1 = arith.constant 0 : i32
    return %arg0, %c0_i32, %c0_i32_0 : i32, i32, i32
  }
  func.func @transform_2(%arg0: i32, %arg1: i32) -> (i32, i32) {
    %c0_i32 = arith.constant 0 : i32
    %c0_i32_0 = arith.constant 0 : i32
    %c0_i32_1 = arith.constant 0 : i32
    return %c0_i32, %c0_i32_0 : i32, i32
  }
  func.func @transform_3(%arg0: i32, %arg1: i32) -> (i32, i32) {
    %c0_i32 = arith.constant 0 : i32
    %c0_i32_0 = arith.constant 0 : i32
    %c0_i32_1 = arith.constant 0 : i32
    return %c0_i32, %c0_i32_0 : i32, i32
  }
  func.func @transform_4(%arg0: i32, %arg1: i32) -> (i32, i32) {
    %c0_i32 = arith.constant 0 : i32
    %c0_i32_0 = arith.constant 0 : i32
    %c0_i32_1 = arith.constant 0 : i32
    return %c0_i32, %c0_i32_0 : i32, i32
  }
  func.func @transform_5(%arg0: i32, %arg1: i32) -> (i32, i32) {
    %c0_i32 = arith.constant 0 : i32
    %c0_i32_0 = arith.constant 0 : i32
    %c0_i32_1 = arith.constant 0 : i32
    return %c0_i32, %c0_i32_0 : i32, i32
  }
  func.func @transform_6(%arg0: i32, %arg1: i32) -> (i32, i32, i32) {
    %c0_i32 = arith.constant 0 : i32
    %c0_i32_0 = arith.constant 0 : i32
    return %arg0, %arg1, %c0_i32 : i32, i32, i32
  }
}

</mosaic_0001>

<sc_bundles>
// kernel: kernel.5.cloned.1.call-start
scs
__scs_entry_jumppad:
0x0: {  	(pc) =	sbr.rel $0x88, $3  }
0x1: {  	(tag) =	ssettag $0x0;
	lr =	simm.s32 $0x1  }
0x2: {  	[smem:$0x3F97] =	sst lr;
	_ =	strace $0xD0000000  }
0x3: {  	_ = 	snop  }
0x4: {  	_ = 	snop  }
0x5: {  	_ = 	snop  }
0x6: {  	_ = 	snop  }
0x7: {  	_ = 	snop  }
__scs_overlays_trampoline_lowered:
0x8: {  	[smem:$0x3FA6] =	sst s0  }
0x9: {  	[smem:$0x3FA7] =	sst s1  }
0xa: {  	[smem:$0x3FA8] =	sst s2  }
0xb: {  	[smem:$0x3FA9] =	sst s3  }
0xc: {  	[smem:$0x3FAA] =	sst s4  }
0xd: {  	[smem:$0x3FAB] =	sst s5  }
0xe: {  	[smem:$0x3FAC] =	sst s6  }
0xf: {  	[smem:$0x3FAD] =	sst s7  }
0x10: {  	[smem:$0x3FAE] =	sst s8  }
0x11: {  	[smem:$0x3FAF] =	sst s9;
	s0 =	simm.s32 @!p0 $0x0  }
0x12: {  	s1 =	sld [smem:$0x3F95];
	s0 =	simm.s32 @p0 $0x1  }
0x13: {  	[smem:$0x3FB0] =	sst s0;
	s0 =	simm.s32 @!p1 $0x0  }
0x14: {  	s2 =	sld [smem:$0x3F94];
	s0 =	simm.s32 @p1 $0x1  }
0x15: {  	[smem:$0x3FB1] =	sst s0;
	s0 =	simm.s32 @!p2 $0x0  }
0x16: {  	s3 =	sld [smem:$0x3FDB];
	s0 =	simm.s32 @p2 $0x1  }
0x17: {  	s4 =	simm.s32 $0x1BF5;
	[smem:$0x3FB3] =	sst s0  }
0x18: {  	s0 =	sld [smem:$0x3F96];
	_ =	swait.ge [sflag:s4], $0x0  }
0x19: {  	s7 =	sld [smem:$0x3F97]  }
0x1a: {  	s8 =	sadd.s32 $0xFFFFE003, lr  }
0x1b: {  	s9 =	sadd.s32 $0xFFFFFEF7, lr;
	s5 =	simm.s32 $0xFFFFFFFF;
	p2 =	slt.u32 s8, $0xFFFFF086  }
0x1c: {  	p1 =	slt.u32 s9, $0xF7A;
	s5 =	simm.s32 @!p2 $0x0  }
0x1d: {  	s5 =	simm.s32 @p1 $0x1;
	p0 =	seq.s32 s7, s2  }
0x1e: {  	s7 =	smul.u32 @!p0 $0xF7A, s2;
	p2 =	seq.s32 @!p0 s5, $0x0  }
0x1f: {  	s9 =	smul.u32 $0xF7A, s1;
	s8 =	simm.s32 @!p0 $0x1BF5;
	p2 =	por !p2, p0  }
0x20: {  	[sflag:s8] =	ssyncset.s32 @!p0 $0xFFFFF086;
	s6 =	sadd.s32 @!p0 s3, s7;
	s7 =	simm.s32 @!p0 $0x108  }
0x21: {  	s3 =	sadd.s32 s3, s9;
	s6 =	sadd.s32 @!p0 $0x88, s6;
	s7 =	simm.s32 @p2 $0x1082  }
0x22: {  	[simem:s7], [sflag:s8] =	dma.local @!p0 [hbm:s6], $0xF7A  }
0x23: {  	s9 =	sor.u32 $0xD0000000, s2;
	s6 =	simm.s32 $0x108;
	_ =	swait.ge @!p0 [sflag:s8], $0x0  }
0x24: {  	s3 =	sadd.s32 $0x88, s3;
	s6 =	simm.s32 @!p1 $0x1082;
	[sflag:s4] =	ssyncset.s32 $0xFFFFF086  }
0x25: {  	[simem:s6], [sflag:s4] =	dma.local [hbm:s3], $0xF7A  }
0x26: {  	[smem:$0x3F97] =	sst s1;
	(tag) =	ssettag s2;
	_ =	strace s9  }
0x27: {  	s1 =	sld [smem:$0x3FA7]  }
0x28: {  	s2 =	sld [smem:$0x3FA8]  }
0x29: {  	s4 =	sld [smem:$0x3FAA]  }
0x2a: {  	p0 =	seq.s32 s5, $0x0;
	s5 =	sld [smem:$0x3FAB]  }
0x2b: {  	s6 =	sld [smem:$0x3FAC]  }
0x2c: {  	s7 =	sld [smem:$0x3FAD]  }
0x2d: {  	s3 =	simm.s32 $0x108;
	s8 =	sld [smem:$0x3FAE]  }
0x2e: {  	s3 =	simm.s32 @!p0 $0x1082;
	s9 =	sld [smem:$0x3FAF]  }
0x2f: {  	lr =	sadd.s32 s0, s3;
	s0 =	sld [smem:$0x3FA6]  }
0x30: {  	s3 =	sld [smem:$0x3FA9]  }
0x31: {  	[smem:$0x3FB2] =	sst s10  }
0x32: {  	s10 =	sld [smem:$0x3FB0];
	_ =	sdelay $0x3  }
0x33: {  	p0 =	seq.s32 s10, $0x1;
	s10 =	sld [smem:$0x3FB2];
	_ =	sdelay $0x3  }
0x34: {  	[smem:$0x3FB2] =	sst s10  }
0x35: {  	s10 =	sld [smem:$0x3FB1];
	_ =	sdelay $0x3  }
0x36: {  	p1 =	seq.s32 s10, $0x1;
	s10 =	sld [smem:$0x3FB2];
	_ =	sdelay $0x3  }
0x37: {  	[smem:$0x3FB2] =	sst s10  }
0x38: {  	s10 =	sld [smem:$0x3FB3]  }
0x39: {  	_ = 	snop;
	(pc) =	sbr.ind lr, $3  }
0x3a: {  	_ = 	snop  }
0x3b: {  	_ = 	snop  }
0x3c: {  	p2 =	seq.s32 s10, $0x1;
	s10 =	sld [smem:$0x3FB2]  }
0x3d: {  	_ =	shalt  }
0x3e: {  	_ =	shalt  }
0x3f: {  	_ =	shalt  }
0x40: {  	_ =	shalt  }
0x41: {  	_ =	shalt  }
0x42: {  	_ =	shalt  }
0x43: {  	_ =	shalt  }
0x44: {  	_ =	shalt  }
0x45: {  	_ =	shalt  }
0x46: {  	_ =	shalt  }
0x47: {  	_ =	shalt  }
0x48: {  	_ =	shalt  }
0x49: {  	_ =	shalt  }
0x4a: {  	_ =	shalt  }
0x4b: {  	_ =	shalt  }
0x4c: {  	_ =	shalt  }
0x4d: {  	_ =	shalt  }
0x4e: {  	_ =	shalt  }
0x4f: {  	_ =	shalt  }
0x50: {  	_ =	shalt  }
0x51: {  	_ =	shalt  }
0x52: {  	_ =	shalt  }
0x53: {  	_ =	shalt  }
0x54: {  	_ =	shalt  }
0x55: {  	_ =	shalt  }
0x56: {  	_ =	shalt  }
0x57: {  	_ =	shalt  }
0x58: {  	_ =	shalt  }
0x59: {  	_ =	shalt  }
0x5a: {  	_ =	shalt  }
0x5b: {  	_ =	shalt  }
0x5c: {  	_ =	shalt  }
0x5d: {  	_ =	shalt  }
0x5e: {  	_ =	shalt  }
0x5f: {  	_ =	shalt  }
0x60: {  	_ =	shalt  }
0x61: {  	_ =	shalt  }
0x62: {  	_ =	shalt  }
0x63: {  	_ =	shalt  }
0x64: {  	_ =	shalt  }
0x65: {  	_ =	shalt  }
0x66: {  	_ =	shalt  }
0x67: {  	_ =	shalt  }
0x68: {  	_ =	shalt  }
0x69: {  	_ =	shalt  }
0x6a: {  	_ =	shalt  }
0x6b: {  	_ =	shalt  }
0x6c: {  	_ =	shalt  }
0x6d: {  	_ =	shalt  }
0x6e: {  	_ =	shalt  }
0x6f: {  	_ =	shalt  }
0x70: {  	_ =	shalt  }
0x71: {  	_ =	shalt  }
0x72: {  	_ =	shalt  }
0x73: {  	_ =	shalt  }
0x74: {  	_ =	shalt  }
0x75: {  	_ =	shalt  }
0x76: {  	_ =	shalt  }
0x77: {  	_ =	shalt  }
0x78: {  	_ =	shalt  }
0x79: {  	_ =	shalt  }
0x7a: {  	_ =	shalt  }
0x7b: {  	_ =	shalt  }
0x7c: {  	_ =	shalt  }
0x7d: {  	_ =	shalt  }
0x7e: {  	_ =	shalt  }
0x7f: {  	_ =	shalt  }
0x80: {  	_ =	shalt  }
0x81: {  	_ =	shalt  }
0x82: {  	_ =	shalt  }
0x83: {  	_ =	shalt  }
0x84: {  	_ =	shalt  }
0x85: {  	_ =	shalt  }
0x86: {  	_ =	shalt  }
0x87: {  	_ =	shalt  }
.Lfunc_end0:
.L_simem_size_0:
called_computation_lowered:
.L_overlay_start_0:
0x88: {  	s2 =	sld [smem:$0x3FD9]  }
0x89: {  	s3 =	sld [smem:$0x3FFE];
	_ =	sdelay $0x1  }
0x8a: {  	s1 =	srdreg.scid  }
0x8b: {  	s0 =	sand.u32 $0x1, s1  }
0x8c: {  	s17 =	sshll.u32 s0, $0xA;
	s2 =	sadd.s32 s3, s2  }
0x8d: {  	s2 =	sadd.s32 s2, s17  }
0x8e: {  	[smem:$0x3FBE] =	sst s2  }
0x8f: {  	_ = 	snop  }
0x90: {  	s2 =	sld [smem:$0x3FD0];
	(tm) =	ssettm $0x1  }
0x91: {  	s18 =	sld [smem:$0x3FFB];
	_ =	sdelay $0x3  }
0x92: {  	_ =	strace s18  }
0x93: {  	s3 =	sld [smem:$0x3FFC];
	_ =	sdelay $0x3  }
0x94: {  	_ =	strace s3  }
0x95: {  	s3 =	sld [smem:$0x3FFD];
	_ =	sdelay $0x3  }
0x96: {  	_ =	strace s3  }
0x97: {  	_ =	strace $0x8FFFFFFF  }
0x98: {  	s19 =	sld [smem:$0x3FDB];
	_ =	sdelay $0x1  }
0x99: {  	s4 =	simm.s32 $_scs_section_size  }
0x9a: {  	s5 =	simm.s32 $_size__tile_overlayer_lowered;
	s6 =	simm.s32 $_tile_overlayer_lowered  }
0x9b: {  	s22 =	simm.s32 $0x1BFF;
	s21 =	sshll.u32 s6, $0x1;
	s3 =	sadd.s32 s4, s19  }
0x9c: {  	s7 =	simm.s32 $0x0;
	s20 =	sshll.u32 s5, $0x1;
	s5 =	sadd.s32 s21, s3  }
0x9d: {  	[timem:s7], [sflag:s22] =	dma.local [hbm:s5], s20  }
0x9e: {  	_ =	swait.ge [sflag:s22], s20  }
0x9f: {  	s4 =	ssub.s32 $0x0, s20;
	[sflag:s22] =	ssyncset.done $0x0  }
0xa0: {  	[sflag:s22] =	ssyncadd.s32 s4;
	_ =	sdelay $0x1  }
0xa1: {  	s23 =	simm.s32 $0x1B8B  }
0xa2: {  	_ =	swait.ge [sflag:s23], $0x1  }
0xa3: {  	[sflag:s23] =	ssyncset.done $0x0  }
0xa4: {  	s25 =	simm.s32 $0x1B8E;
	s24 =	sld [smem:$0x3FFE];
	[sflag:s23] =	ssyncadd.s32 $0xFFFFFFFF  }
0xa5: {  	s26 =	simm.s32 $execute0_lowered;
	[smem:$0x3FD2] =	sst s25  }
0xa6: {  	s5 =	sshll.u32 s26, $0x1;
	_ =	strace $0x80000046;
	[dreg:$0x1] =	wrdreg $0xFFFFFFFF  }
0xa7: {  	s28 =	simm.s32 $_size_execute0_lowered;
	s3 =	sadd.s32 s3, s5;
	[dreg:$0x0] =	wrdreg $0x0  }
0xa8: {  	s5 =	sshll.u32 s28, $0x1;
	[dreg:$0x2] =	wrdreg s3  }
0xa9: {  	[dreg:$0x3] =	wrdreg s5  }
0xaa: {  	[dreg:$0x4] =	wrdreg $0xC0  }
0xab: {  	_ =	task [dreg:s7], $0x5FFFF  }
0xac: {  	[dreg:$0x1] =	wrdreg $0xFFFFFFFF  }
0xad: {  	[dreg:$0x0] =	wrdreg $0x60  }
0xae: {  	[dreg:$0x2] =	wrdreg s2  }
0xaf: {  	[dreg:$0x3] =	wrdreg s24  }
0xb0: {  	[dreg:$0x4] =	wrdreg $0x9  }
0xb1: {  	_ =	task.clear_ibuf [dreg:s7], $0x5FFFF;
	_ =	strace $0x90000046  }
0xb2: {  	s29 =	simm.s32 $0x9;
	_ =	strace $0x80000048  }
0xb3: {  	_ =	swait.ge [sflag:s29], $0x1  }
0xb4: {  	[sflag:s29] =	ssyncadd.s32 $0xFFFFFFFF  }
0xb5: {  	_ =	strace $0x90000048  }
0xb6: {  	_ =	sfence  }
0xb7: {  	s30 =	sld [smem:$0x0];
	_ =	sdelay $0x2  }
0xb8: {  	s31 =	sshll.u32 s1, $0xD;
	s1 =	sshrl.u32 s1, $0x2  }
0xb9: {  	s3 =	sand.u32 $0x4000, s31;
	s1 =	sadd.s32 s1, s30  }
0xba: {  	s0 =	sor.u32 s3, s0;
	s1 =	sshll.u32 s1, $0x11  }
0xbb: {  	s0 =	sor.u32 s1, s0  }
0xbc: {  	s0 =	sadd.s32 $0x8F2B, s0  }
0xbd: {  	[sflag:s0] =	ssyncadd.remote.s32 $0x1  }
0xbe: {  	_ =	sfence.sel $0xFFFF  }
0xbf: {  	[dreg:$0x0] =	wrdreg $0xFFFFFFFF;
	(pc) =	sbr.abs _section_cstart, $3  }
0xc0: {  	[dreg:$0x1] =	wrdreg $0xFFFFFFFF  }
0xc1: {  	_ =	task.clear_ibuf [dreg:s7], $0x2FFFF;
	_ =	strace $0x9FFFFFFF  }
0xc2: {  	(tm) =	ssettm $0x7FFFFFFF  }
0xc3: {  	_ =	shalt  }
tec
execute0_lowered:
.L_overlay_start_1:
0x0: {  	(tag) =	ssettag $0x1  }
0x1: {  	s2 =	stileid.u32  }
0x2: {  	p0 =	sne.s32 s2, $0x0  }
.Ltmp0:
0x3: {  	_ = 	snop;
	(pc) =	sbr.rel @p0 .LBB2_13-.Ltmp0, $4  }
0x4: {  	_ = 	snop  }
0x5: {  	s0 =	rddreg [dreg:$0x0];
	s1 =	simm.s32 $0x0  }
0x6: {  	[smem:$0x7FF] =	sst s1  }
0x7: {  	s3 =	rddreg [dreg:$0x1];
	_ =	strace $0x80000047  }
0x8: {  	s2 =	srdreg.scid;
	v0 =	vlaneseq.u32  }
0x9: {  	s8 =	simm.s32 $0x7800;
	s10 =	simm.s32 $0x800;
	s12 =	simm.s32 $0x1000;
	v1 =	vor.u32 $0x800000F0, v0  }
0xa: {  	s5 =	sand.u32 $0x1, s2;
	v2 =	vor.u32 $0x800000E0, v0;
	v3 =	vor.u32 $0x800000D0, v0;
	v4 =	vor.u32 $0x800000C0, v0  }
0xb: {  	s9 =	simm.s32 $0x1;
	v15 =	vimm.s32 $0x0;
	s2 =	sadd.s32 $0x1800, s3;
	v5 =	vor.u32 $0x800000B0, v0;
	v6 =	vor.u32 $0x800000A0, v0;
	s4 =	smul.u32 $0xD00, s5  }
0xc: {  	s11 =	simm.s32 $0x10;
	s18 =	simm.s32 $0x0;
	v7 =	vor.u32 $0x80000090, v0;
	v8 =	vor.u32 $0x80000080, v0;
	v9 =	vor.u32 $0x80000070, v0;
	s6 =	ssub.s32 $0x2, s5  }
0xd: {  	v17 =	vimm.s32 $0x1;
	v10 =	vor.u32 $0x80000060, v0;
	v11 =	vor.u32 $0x80000050, v0;
	s7 =	sshrl.u32 s6, $0x1;
	s4 =	sadd.s32 s4, s3;
	s3 =	sshll.u32 s5, $0xB  }
0xe: {  	v12 =	vor.u32 $0x80000040, v0;
	v13 =	vor.u32 $0x80000030, v0;
	v16 =	vor.u32 $0x80000020, v0;
	s6 =	ssub.s32 s6, s7;
	s5 =	sshll.u32 s5, $0x8;
	s7 =	simm.s32 $0x2  }
0xf: {  	v18 =	vor.u32 $0x80000010, v0;
	v19 =	vor.u32 $0x80000000, v0;
	s4 =	sadd.s32 $0x11800, s4;
	s5 =	sadd.s32 s0, s5;
	s6 =	smax.u32 s6, $0x1;
	v14 =	vmov s3  }
.LBB2_2:
0x10: {  	s0 =	simm.s32 $0x0  }
0x11: {  	[tilespmem:s0], [sflag:$0x2] =	stream.linear.gather [hbm4b:s5+s0], $0x800, $0x38;
	[tilespmem:$0x8000] =	vst v63  }
0x12: {  	_ =	swait.ge [sflag:s7], $0x800  }
0x13: {  	[sflag:s7] =	ssyncset.done $0x0  }
0x14: {  	[sflag:s7] =	ssyncadd.s32 $0xFFFFF800  }
0x15: {  	[tilespmem:$0x7800] =	vst v15  }
0x16: {  	[tilespmem:$0x7880] =	vst v15  }
0x17: {  	[tilespmem:$0x7900] =	vst v15  }
0x18: {  	[tilespmem:$0x7980] =	vst v15  }
0x19: {  	[tilespmem:$0x7A00] =	vst v15  }
0x1a: {  	[tilespmem:$0x7A80] =	vst v15  }
0x1b: {  	[tilespmem:$0x7B00] =	vst v15  }
0x1c: {  	[tilespmem:$0x7B80] =	vst v15  }
0x1d: {  	[tilespmem:$0x7C00] =	vst v15  }
0x1e: {  	[tilespmem:$0x7C80] =	vst v15  }
0x1f: {  	[tilespmem:$0x7D00] =	vst v15  }
0x20: {  	[tilespmem:$0x7D80] =	vst v15  }
0x21: {  	[tilespmem:$0x7E00] =	vst v15  }
0x22: {  	[tilespmem:$0x7E80] =	vst v15  }
0x23: {  	[tilespmem:$0x7F00] =	vst v15  }
0x24: {  	s13 =	simm.s32 $0x0;
	s0 =	simm.s32 $0x40;
	[tilespmem:$0x7F80] =	vst v15  }
.LBB2_3:
0x25: {  	p1 =	sne.s32 s0, $0x1FC0;
	v20 =	vld [tilespmem:s13+$0x0];
	_ =	sdelay $0x4  }
0x26: {  	v21 =	vshrl.u32 v20, $0x18;
	v20 =	vshrl.u32 v20, $0x15  }
0x27: {  	v21 =	vand.u32 $0xF, v21;
	v20 =	vand.u32 $0x780, v20  }
0x28: {  	v20 =	vor.u32 v21, v20  }
.Ltmp1:
0x29: {  	(pc) =	sbr.rel @p1 .LBB2_3-.Ltmp1, $2  }
0x2a: {  	_ =	sdelay $0x2  }
0x2b: {  	s13 =	sshra.s32 s0, $0x2;
	s0 =	sadd.s32 $0x40, s0;
	[tilespmem:v20+s8+$0x0] =	vst.idx.add.s32.msk $0xffff, v17  }
0x2c: {  	v20 =	vld [tilespmem:s13+$0x0];
	_ =	sdelay $0x4  }
0x2d: {  	v21 =	vshrl.u32 v20, $0x18;
	v20 =	vshrl.u32 v20, $0x15  }
0x2e: {  	v21 =	vand.u32 $0xF, v21;
	v20 =	vand.u32 $0x780, v20  }
0x2f: {  	v20 =	vor.u32 v21, v20;
	_ =	sdelay $0x4  }
0x30: {  	[tilespmem:v20+s8+$0x0] =	vst.idx.add.s32.msk $0xffff, v17  }
0x31: {  	v35 =	vld [tilespmem:$0x7F80];
	_ =	sdelay $0x4  }
0x32: {  	(xrf0) =	vadd.scan.msk.s32 $0xffff, v35;
	_ =	sdelay $0x5  }
0x33: {  	v20, _, _ =	vpop (xrf0)  }
0x34: {  	v21 =	vbroadcast v20, $0xF  }
0x35: {  	v36 =	vld [tilespmem:$0x7F00];
	v22 =	vsub.s32 v35, v20  }
0x36: {  	v21 =	vadd.s32 v21, v22  }
0x37: {  	vm0 =	vgt.s32 v21, $0xCB  }
0x38: {  	v21 =	vnsel vm0, $0x80000000, v1  }
0x39: {  	(xrf0) =	vmax.scan.msk.u32 $0xffff, v21  }
0x3a: {  	(xrf0) =	vadd.scan.msk.s32 $0xffff, v36;
	_ =	sdelay $0x4  }
0x3b: {  	(v2sf) =	vpush v20, $0xF;
	v20, _, _ =	vpop (xrf0)  }
0x3c: {  	(v2sf) =	vpush v20, $0xF;
	v20, _, _ =	vpop (xrf0)  }
0x3d: {  	(v2sf) =	vpush v20, $0xF;
	_ =	sdelay $0xc  }
0x3e: {  	s0 =	spop (v2sf)  }
0x3f: {  	s19 =	spop (v2sf)  }
0x40: {  	s20 =	spop (v2sf)  }
0x41: {  	v33 =	vld [tilespmem:$0x7E80];
	v20 =	vsub.s32 v36, v20;
	s0 =	sadd.s32 s0, s20  }
0x42: {  	v20 =	vadd.s32 s0, v20  }
0x43: {  	vm13 =	vgt.s32 v20, $0xCB  }
0x44: {  	v20 =	vnsel vm13, $0x80000000, v2  }
0x45: {  	(xrf0) =	vmax.scan.msk.u32 $0xffff, v20  }
0x46: {  	(xrf0) =	vadd.scan.msk.s32 $0xffff, v33;
	_ =	sdelay $0x4  }
0x47: {  	v20, _, _ =	vpop (xrf0)  }
0x48: {  	(v2sf) =	vpush v20, $0xF;
	v20, _, _ =	vpop (xrf0)  }
0x49: {  	(v2sf) =	vpush v20, $0xF;
	_ =	sdelay $0xd  }
0x4a: {  	s20 =	spop (v2sf)  }
0x4b: {  	s21 =	spop (v2sf)  }
0x4c: {  	v32 =	vld [tilespmem:$0x7E00];
	v20 =	vsub.s32 v33, v20;
	s0 =	sadd.s32 s21, s0  }
0x4d: {  	v20 =	vadd.s32 s0, v20  }
0x4e: {  	vm14 =	vgt.s32 v20, $0xCB  }
0x4f: {  	v20 =	vnsel vm14, $0x80000000, v3  }
0x50: {  	(xrf0) =	vmax.scan.msk.u32 $0xffff, v20  }
0x51: {  	(xrf0) =	vadd.scan.msk.s32 $0xffff, v32;
	_ =	sdelay $0x4  }
0x52: {  	v20, _, _ =	vpop (xrf0)  }
0x53: {  	(v2sf) =	vpush v20, $0xF;
	v20, _, _ =	vpop (xrf0)  }
0x54: {  	(v2sf) =	vpush v20, $0xF;
	_ =	sdelay $0xd  }
0x55: {  	s21 =	spop (v2sf)  }
0x56: {  	s22 =	spop (v2sf)  }
0x57: {  	v34 =	vld [tilespmem:$0x7D80];
	v20 =	vsub.s32 v32, v20;
	s0 =	sadd.s32 s22, s0  }
0x58: {  	v20 =	vadd.s32 s0, v20  }
0x59: {  	vm15 =	vgt.s32 v20, $0xCB  }
0x5a: {  	v20 =	vnsel vm15, $0x80000000, v4  }
0x5b: {  	(xrf0) =	vmax.scan.msk.u32 $0xffff, v20  }
0x5c: {  	(xrf0) =	vadd.scan.msk.s32 $0xffff, v34;
	_ =	sdelay $0x4  }
0x5d: {  	v20, _, _ =	vpop (xrf0)  }
0x5e: {  	(v2sf) =	vpush v20, $0xF;
	v20, _, _ =	vpop (xrf0)  }
0x5f: {  	(v2sf) =	vpush v20, $0xF;
	_ =	sdelay $0xd  }
0x60: {  	s22 =	spop (v2sf)  }
0x61: {  	s23 =	spop (v2sf)  }
0x62: {  	v31 =	vld [tilespmem:$0x7D00];
	v20 =	vsub.s32 v34, v20;
	s0 =	sadd.s32 s23, s0  }
0x63: {  	v20 =	vadd.s32 s0, v20  }
0x64: {  	vm4 =	vgt.s32 v20, $0xCB  }
0x65: {  	v20 =	vnsel vm4, $0x80000000, v5  }
0x66: {  	(xrf0) =	vmax.scan.msk.u32 $0xffff, v20  }
0x67: {  	(xrf0) =	vadd.scan.msk.s32 $0xffff, v31;
	_ =	sdelay $0x4  }
0x68: {  	v20, _, _ =	vpop (xrf0)  }
0x69: {  	(v2sf) =	vpush v20, $0xF;
	v20, _, _ =	vpop (xrf0)  }
0x6a: {  	(v2sf) =	vpush v20, $0xF;
	_ =	sdelay $0xd  }
0x6b: {  	s23 =	spop (v2sf)  }
0x6c: {  	s24 =	spop (v2sf)  }
0x6d: {  	v29 =	vld [tilespmem:$0x7C80];
	v20 =	vsub.s32 v31, v20;
	s0 =	sadd.s32 s24, s0  }
0x6e: {  	v20 =	vadd.s32 s0, v20  }
0x6f: {  	vm5 =	vgt.s32 v20, $0xCB  }
0x70: {  	v20 =	vnsel vm5, $0x80000000, v6  }
0x71: {  	(xrf0) =	vmax.scan.msk.u32 $0xffff, v20  }
0x72: {  	(xrf0) =	vadd.scan.msk.s32 $0xffff, v29;
	_ =	sdelay $0x4  }
0x73: {  	v20, _, _ =	vpop (xrf0)  }
0x74: {  	(v2sf) =	vpush v20, $0xF;
	v20, _, _ =	vpop (xrf0)  }
0x75: {  	(v2sf) =	vpush v20, $0xF;
	_ =	sdelay $0xd  }
0x76: {  	s24 =	spop (v2sf)  }
0x77: {  	s25 =	spop (v2sf)  }
0x78: {  	v30 =	vld [tilespmem:$0x7C00];
	v20 =	vsub.s32 v29, v20;
	s0 =	sadd.s32 s25, s0  }
0x79: {  	v20 =	vadd.s32 s0, v20  }
0x7a: {  	vm6 =	vgt.s32 v20, $0xCB  }
0x7b: {  	v20 =	vnsel vm6, $0x80000000, v7  }
0x7c: {  	(xrf0) =	vmax.scan.msk.u32 $0xffff, v20  }
0x7d: {  	(xrf0) =	vadd.scan.msk.s32 $0xffff, v30;
	_ =	sdelay $0x4  }
0x7e: {  	v20, _, _ =	vpop (xrf0)  }
0x7f: {  	(v2sf) =	vpush v20, $0xF;
	v20, _, _ =	vpop (xrf0)  }
0x80: {  	(v2sf) =	vpush v20, $0xF;
	_ =	sdelay $0xd  }
0x81: {  	s25 =	spop (v2sf)  }
0x82: {  	s26 =	spop (v2sf)  }
0x83: {  	v28 =	vld [tilespmem:$0x7B80];
	v20 =	vsub.s32 v30, v20;
	s0 =	sadd.s32 s26, s0  }
0x84: {  	v20 =	vadd.s32 s0, v20  }
0x85: {  	vm7 =	vgt.s32 v20, $0xCB  }
0x86: {  	v20 =	vnsel vm7, $0x80000000, v8  }
0x87: {  	(xrf0) =	vmax.scan.msk.u32 $0xffff, v20  }
0x88: {  	(xrf0) =	vadd.scan.msk.s32 $0xffff, v28;
	_ =	sdelay $0x4  }
0x89: {  	v20, _, _ =	vpop (xrf0)  }
0x8a: {  	(v2sf) =	vpush v20, $0xF;
	v20, _, _ =	vpop (xrf0)  }
0x8b: {  	(v2sf) =	vpush v20, $0xF;
	_ =	sdelay $0xd  }
0x8c: {  	s26 =	spop (v2sf)  }
0x8d: {  	s28 =	spop (v2sf)  }
0x8e: {  	v26 =	vld [tilespmem:$0x7B00];
	v20 =	vsub.s32 v28, v20;
	s0 =	sadd.s32 s28, s0  }
0x8f: {  	v20 =	vadd.s32 s0, v20  }
0x90: {  	vm8 =	vgt.s32 v20, $0xCB  }
0x91: {  	v20 =	vnsel vm8, $0x80000000, v9  }
0x92: {  	(xrf0) =	vmax.scan.msk.u32 $0xffff, v20  }
0x93: {  	(xrf0) =	vadd.scan.msk.s32 $0xffff, v26;
	_ =	sdelay $0x4  }
0x94: {  	v20, _, _ =	vpop (xrf0)  }
0x95: {  	(v2sf) =	vpush v20, $0xF;
	v20, _, _ =	vpop (xrf0)  }
0x96: {  	(v2sf) =	vpush v20, $0xF;
	_ =	sdelay $0xd  }
0x97: {  	s28 =	spop (v2sf)  }
0x98: {  	s29 =	spop (v2sf)  }
0x99: {  	v27 =	vld [tilespmem:$0x7A80];
	v20 =	vsub.s32 v26, v20;
	s0 =	sadd.s32 s29, s0  }
0x9a: {  	v20 =	vadd.s32 s0, v20  }
0x9b: {  	vm9 =	vgt.s32 v20, $0xCB  }
0x9c: {  	v20 =	vnsel vm9, $0x80000000, v10  }
0x9d: {  	(xrf0) =	vmax.scan.msk.u32 $0xffff, v20  }
0x9e: {  	(xrf0) =	vadd.scan.msk.s32 $0xffff, v27;
	_ =	sdelay $0x4  }
0x9f: {  	v20, _, _ =	vpop (xrf0)  }
0xa0: {  	(v2sf) =	vpush v20, $0xF;
	v20, _, _ =	vpop (xrf0)  }
0xa1: {  	(v2sf) =	vpush v20, $0xF;
	_ =	sdelay $0xd  }
0xa2: {  	s29 =	spop (v2sf)  }
0xa3: {  	s30 =	spop (v2sf)  }
0xa4: {  	v25 =	vld [tilespmem:$0x7A00];
	v20 =	vsub.s32 v27, v20;
	s0 =	sadd.s32 s30, s0  }
0xa5: {  	v20 =	vadd.s32 s0, v20  }
0xa6: {  	vm10 =	vgt.s32 v20, $0xCB  }
0xa7: {  	v20 =	vnsel vm10, $0x80000000, v11  }
0xa8: {  	(xrf0) =	vmax.scan.msk.u32 $0xffff, v20  }
0xa9: {  	(xrf0) =	vadd.scan.msk.s32 $0xffff, v25;
	_ =	sdelay $0x4  }
0xaa: {  	v20, _, _ =	vpop (xrf0)  }
0xab: {  	(v2sf) =	vpush v20, $0xF;
	v20, _, _ =	vpop (xrf0)  }
0xac: {  	(v2sf) =	vpush v20, $0xF;
	_ =	sdelay $0xd  }
0xad: {  	s30 =	spop (v2sf)  }
0xae: {  	s31 =	spop (v2sf)  }
0xaf: {  	v23 =	vld [tilespmem:$0x7980];
	v20 =	vsub.s32 v25, v20;
	s13 =	sadd.s32 s31, s0  }
0xb0: {  	v20 =	vadd.s32 s13, v20  }
0xb1: {  	vm11 =	vgt.s32 v20, $0xCB  }
0xb2: {  	v20 =	vnsel vm11, $0x80000000, v12  }
0xb3: {  	(xrf0) =	vmax.scan.msk.u32 $0xffff, v20  }
0xb4: {  	(xrf0) =	vadd.scan.msk.s32 $0xffff, v23;
	_ =	sdelay $0x4  }
0xb5: {  	v20, _, _ =	vpop (xrf0)  }
0xb6: {  	(v2sf) =	vpush v20, $0xF;
	v20, _, _ =	vpop (xrf0)  }
0xb7: {  	(v2sf) =	vpush v20, $0xF;
	_ =	sdelay $0xd  }
0xb8: {  	s0 =	spop (v2sf)  }
0xb9: {  	s14 =	spop (v2sf)  }
0xba: {  	v24 =	vld [tilespmem:$0x7900];
	v20 =	vsub.s32 v23, v20;
	s14 =	sadd.s32 s14, s13  }
0xbb: {  	v20 =	vadd.s32 s14, v20  }
0xbc: {  	vm12 =	vgt.s32 v20, $0xCB  }
0xbd: {  	v20 =	vnsel vm12, $0x80000000, v13  }
0xbe: {  	(xrf0) =	vmax.scan.msk.u32 $0xffff, v20  }
0xbf: {  	(xrf0) =	vadd.scan.msk.s32 $0xffff, v24;
	_ =	sdelay $0x4  }
0xc0: {  	v20, _, _ =	vpop (xrf0)  }
0xc1: {  	(v2sf) =	vpush v20, $0xF;
	v20, _, _ =	vpop (xrf0)  }
0xc2: {  	(v2sf) =	vpush v20, $0xF;
	_ =	sdelay $0xd  }
0xc3: {  	s13 =	spop (v2sf)  }
0xc4: {  	s15 =	spop (v2sf)  }
0xc5: {  	v22 =	vld [tilespmem:$0x7880];
	v20 =	vsub.s32 v24, v20;
	s15 =	sadd.s32 s15, s14  }
0xc6: {  	v20 =	vadd.s32 s15, v20  }
0xc7: {  	vm13 =	vgt.s32 v20, $0xCB  }
0xc8: {  	v20 =	vnsel vm13, $0x80000000, v16  }
0xc9: {  	(xrf0) =	vmax.scan.msk.u32 $0xffff, v20  }
0xca: {  	(xrf0) =	vadd.scan.msk.s32 $0xffff, v22;
	_ =	sdelay $0x4  }
0xcb: {  	v20, _, _ =	vpop (xrf0)  }
0xcc: {  	(v2sf) =	vpush v20, $0xF;
	v20, _, _ =	vpop (xrf0)  }
0xcd: {  	(v2sf) =	vpush v20, $0xF;
	_ =	sdelay $0xd  }
0xce: {  	s1 =	spop (v2sf)  }
0xcf: {  	s31 =	spop (v2sf)  }
0xd0: {  	v21 =	vld [tilespmem:$0x7800];
	v20 =	vsub.s32 v22, v20;
	s15 =	sadd.s32 s31, s15  }
0xd1: {  	v20 =	vadd.s32 s15, v20  }
0xd2: {  	vm14 =	vgt.s32 v20, $0xCB  }
0xd3: {  	v20 =	vnsel vm14, $0x80000000, v18  }
0xd4: {  	(xrf0) =	vmax.scan.msk.u32 $0xffff, v20  }
0xd5: {  	(xrf0) =	vadd.scan.msk.s32 $0xffff, v21;
	_ =	sdelay $0x4  }
0xd6: {  	v20, _, _ =	vpop (xrf0)  }
0xd7: {  	(v2sf) =	vpush v20, $0xF;
	v20, _, _ =	vpop (xrf0)  }
0xd8: {  	(v2sf) =	vpush v20, $0xF;
	_ =	sdelay $0xd  }
0xd9: {  	s17 =	spop (v2sf)  }
0xda: {  	s19 =	sxor.u32 $0x80000000, s19;
	s20 =	sxor.u32 $0x80000000, s20;
	s16 =	spop (v2sf)  }
0xdb: {  	p1 =	sgt.s32 s19, s20;
	v20 =	vsub.s32 v21, v20;
	s15 =	sadd.s32 s16, s15  }
0xdc: {  	s20 =	smov.u32 @p1 s19;
	v20 =	vadd.s32 s15, v20;
	s15 =	sxor.u32 $0x80000000, s21  }
0xdd: {  	p1 =	sgt.s32 s20, s15;
	vm15 =	vgt.s32 v20, $0xCB  }
0xde: {  	s16 =	sxor.u32 $0x80000000, s22;
	s15 =	smov.u32 @p1 s20;
	v20 =	vnsel vm15, $0x80000000, v19  }
0xdf: {  	p1 =	sgt.s32 s15, s16;
	(xrf0) =	vmax.scan.msk.u32 $0xffff, v20  }
0xe0: {  	s16 =	smov.u32 @p1 s15;
	s15 =	sxor.u32 $0x80000000, s23  }
0xe1: {  	p1 =	sgt.s32 s16, s15  }
0xe2: {  	s15 =	smov.u32 @p1 s16;
	s16 =	sxor.u32 $0x80000000, s24  }
0xe3: {  	p1 =	sgt.s32 s15, s16  }
0xe4: {  	s16 =	smov.u32 @p1 s15;
	s15 =	sxor.u32 $0x80000000, s25  }
0xe5: {  	p1 =	sgt.s32 s16, s15;
	v20, _, _ =	vpop (xrf0)  }
0xe6: {  	s15 =	smov.u32 @p1 s16;
	s16 =	sxor.u32 $0x80000000, s26;
	(v2sf) =	vpush v20, $0xF  }
0xe7: {  	p1 =	sgt.s32 s15, s16  }
0xe8: {  	s16 =	smov.u32 @p1 s15;
	s15 =	sxor.u32 $0x80000000, s28  }
0xe9: {  	p1 =	sgt.s32 s16, s15  }
0xea: {  	s15 =	smov.u32 @p1 s16;
	s16 =	sxor.u32 $0x80000000, s29  }
0xeb: {  	p1 =	sgt.s32 s15, s16  }
0xec: {  	[tilespmem:$0x7900] =	vst v15;
	s16 =	smov.u32 @p1 s15;
	s15 =	sxor.u32 $0x80000000, s30  }
0xed: {  	[tilespmem:$0x7980] =	vst v15;
	p1 =	sgt.s32 s16, s15  }
0xee: {  	[tilespmem:$0x7A00] =	vst v15;
	s0 =	sxor.u32 $0x80000000, s0;
	s15 =	smov.u32 @p1 s16  }
0xef: {  	[tilespmem:$0x7A80] =	vst v15;
	p1 =	sgt.s32 s15, s0  }
0xf0: {  	[tilespmem:$0x7B00] =	vst v15;
	s13 =	sxor.u32 $0x80000000, s13;
	s0 =	smov.u32 @p1 s15  }
0xf1: {  	[tilespmem:$0x7B80] =	vst v15;
	p1 =	sgt.s32 s0, s13  }
0xf2: {  	[tilespmem:$0x7C00] =	vst v15;
	s13 =	smov.u32 @p1 s0;
	s0 =	sxor.u32 $0x80000000, s1  }
0xf3: {  	[tilespmem:$0x7C80] =	vst v15;
	p1 =	sgt.s32 s13, s0  }
0xf4: {  	[tilespmem:$0x7D00] =	vst v15;
	s0 =	smov.u32 @p1 s13;
	s13 =	sxor.u32 $0x80000000, s17  }
0xf5: {  	[tilespmem:$0x7D80] =	vst v15;
	p1 =	sgt.s32 s0, s13;
	s31 =	spop (v2sf)  }
0xf6: {  	[tilespmem:$0x7E00] =	vst v15;
	s13 =	smov.u32 @p1 s0;
	s19 =	sxor.u32 $0x80000000, s31  }
0xf7: {  	[tilespmem:$0x7E80] =	vst v15;
	p1 =	sgt.s32 s13, s19  }
0xf8: {  	[tilespmem:$0x7F00] =	vst v15;
	s19 =	smov.u32 @p1 s13  }
0xf9: {  	[tilespmem:$0x7F80] =	vst v15;
	p1 =	sgt.s32 s19, $0x0  }
0xfa: {  	[tilespmem:$0x7880] =	vst v15;
	s19 =	simm.s32 @!p1 $0x0  }
0xfb: {  	[tilespmem:$0x7800] =	vst v15;
	s0 =	simm.s32 $0x0;
	s13 =	simm.s32 $0x40;
	v37 =	vmov s19  }
.LBB2_5:
0xfc: {  	p1 =	sne.s32 s13, $0x1FC0;
	v20 =	vld [tilespmem:s0+$0x0];
	_ =	sdelay $0x4  }
0xfd: {  	v38 =	vshrl.u32 v20, $0x10;
	v39 =	vshrl.u32 v20, $0x18;
	v20 =	vshrl.u32 v20, $0xD  }
0xfe: {  	v38 =	vand.u32 $0xF, v38;
	vm0 =	veq.s32 v39, v37;
	v20 =	vand.u32 $0x780, v20  }
0xff: {  	v20 =	vor.u32 v38, v20  }
.Ltmp2:
0x100: {  	(pc) =	sbr.rel @p1 .LBB2_5-.Ltmp2, $2  }
0x101: {  	_ =	sdelay $0x2  }
0x102: {  	s0 =	sshra.s32 s13, $0x2;
	s13 =	sadd.s32 $0x40, s13;
	[tilespmem:v20+s8+$0x0] =	vst.idx.add.s32.msk vm0, v17  }
0x103: {  	vm0 =	vlt.u32 v37, v0;
	v20 =	vor.u32 $0x10, v0  }
0x104: {  	v38 =	vnsel vm0, $0x0, v21;
	vm8 =	vlt.u32 v37, v20;
	v21 =	vor.u32 $0x20, v0  }
0x105: {  	v39 =	vnsel vm8, $0x0, v22;
	vm9 =	vlt.u32 v37, v21;
	v22 =	vor.u32 $0x30, v0  }
0x106: {  	v38 =	vadd.s32 v39, v38;
	v24 =	vnsel vm9, $0x0, v24;
	vm10 =	vlt.u32 v37, v22  }
0x107: {  	v24 =	vadd.s32 v24, v38;
	v54 =	vnsel vm10, $0x0, v23;
	v23 =	vor.u32 $0x40, v0  }
0x108: {  	v38 =	vadd.s32 v54, v24;
	vm11 =	vlt.u32 v37, v23;
	v24 =	vor.u32 $0x50, v0  }
0x109: {  	v55 =	vnsel vm11, $0x0, v25;
	vm12 =	vlt.u32 v37, v24;
	v25 =	vor.u32 $0x60, v0  }
0x10a: {  	v38 =	vadd.s32 v55, v38;
	v27 =	vnsel vm12, $0x0, v27;
	vm13 =	vlt.u32 v37, v25  }
0x10b: {  	v27 =	vadd.s32 v27, v38;
	v56 =	vnsel vm13, $0x0, v26;
	v26 =	vor.u32 $0x70, v0  }
0x10c: {  	v38 =	vadd.s32 v56, v27;
	vm14 =	vlt.u32 v37, v26;
	v27 =	vor.u32 $0x80, v0  }
0x10d: {  	v57 =	vnsel vm14, $0x0, v28;
	vm15 =	vlt.u32 v37, v27;
	v28 =	vor.u32 $0x90, v0  }
0x10e: {  	v38 =	vadd.s32 v57, v38;
	v30 =	vnsel vm15, $0x0, v30;
	vm4 =	vlt.u32 v37, v28  }
0x10f: {  	v30 =	vadd.s32 v30, v38;
	v58 =	vnsel vm4, $0x0, v29;
	v29 =	vor.u32 $0xA0, v0  }
0x110: {  	v38 =	vadd.s32 v58, v30;
	vm5 =	vlt.u32 v37, v29;
	v30 =	vor.u32 $0xB0, v0  }
0x111: {  	v59 =	vnsel vm5, $0x0, v31;
	vm6 =	vlt.u32 v37, v30;
	v31 =	vor.u32 $0xC0, v0  }
0x112: {  	v38 =	vadd.s32 v59, v38;
	v34 =	vnsel vm6, $0x0, v34;
	vm7 =	vlt.u32 v37, v31  }
0x113: {  	v38 =	vadd.s32 v34, v38;
	v32 =	vnsel vm7, $0x0, v32;
	v34 =	vor.u32 $0xD0, v0  }
0x114: {  	v38 =	vadd.s32 v32, v38;
	vm8 =	vlt.u32 v37, v34;
	v32 =	vor.u32 $0xE0, v0  }
0x115: {  	v60 =	vld [tilespmem:s0+$0x0];
	v40 =	vnsel vm8, $0x0, v33;
	vm9 =	vlt.u32 v37, v32;
	v33 =	vor.u32 $0xF0, v0  }
0x116: {  	v38 =	vadd.s32 v40, v38;
	v36 =	vnsel vm9, $0x0, v36;
	vm10 =	vlt.u32 v37, v33  }
0x117: {  	v36 =	vadd.s32 v36, v38;
	v35 =	vnsel vm10, $0x0, v35  }
0x118: {  	v35 =	vadd.s32 v35, v36  }
0x119: {  	(xrf0) =	vadd.scan.msk.s32 $0xffff, v35  }
0x11a: {  	v61 =	vshrl.u32 v60, $0x10;
	v62 =	vshrl.u32 v60, $0x18;
	v63 =	vshrl.u32 v60, $0xD  }
0x11b: {  	vm11 =	veq.s32 v62, v37;
	v40 =	vand.u32 $0x780, v63;
	v35 =	vand.u32 $0xF, v61  }
0x11c: {  	v35 =	vor.u32 v35, v40;
	_ =	sdelay $0x2  }
0x11d: {  	v41, _, _ =	vpop (xrf0)  }
0x11e: {  	(v2sf) =	vpush v41, $0xF  }
0x11f: {  	[tilespmem:v35+s8+$0x0] =	vst.idx.add.s32.msk vm11, v17  }
0x120: {  	v35 =	vld [tilespmem:$0x7F80];
	_ =	sdelay $0x4  }
0x121: {  	(xrf0) =	vadd.scan.msk.s32 $0xffff, v35;
	_ =	sdelay $0x5  }
0x122: {  	v42, _, _ =	vpop (xrf0)  }
0x123: {  	v43 =	vbroadcast v42, $0xF  }
0x124: {  	v36 =	vld [tilespmem:$0x7F00];
	v44 =	vsub.s32 v35, v42;
	s25 =	spop (v2sf)  }
0x125: {  	v38 =	vadd.s32 v43, v44;
	s20 =	ssub.s32 $0xCC, s25  }
0x126: {  	vm12 =	vlt.s32 v38, s20  }
0x127: {  	v38 =	vsel vm12, $0x80000000, v1  }
0x128: {  	(xrf0) =	vmax.scan.msk.u32 $0xffff, v38  }
0x129: {  	(xrf0) =	vadd.scan.msk.s32 $0xffff, v36;
	_ =	sdelay $0x4  }
0x12a: {  	(v2sf) =	vpush v42, $0xF;
	v45, _, _ =	vpop (xrf0)  }
0x12b: {  	(v2sf) =	vpush v45, $0xF;
	v46, _, _ =	vpop (xrf0)  }
0x12c: {  	(v2sf) =	vpush v46, $0xF;
	_ =	sdelay $0xc  }
0x12d: {  	s26 =	spop (v2sf)  }
0x12e: {  	s21 =	spop (v2sf)  }
0x12f: {  	s13 =	spop (v2sf)  }
0x130: {  	v37 =	vld [tilespmem:$0x7E80];
	v47 =	vsub.s32 v36, v46;
	s0 =	sadd.s32 s26, s13  }
0x131: {  	v38 =	vadd.s32 s0, v47  }
0x132: {  	vm13 =	vlt.s32 v38, s20  }
0x133: {  	v38 =	vsel vm13, $0x80000000, v2  }
0x134: {  	(xrf0) =	vmax.scan.msk.u32 $0xffff, v38  }
0x135: {  	(xrf0) =	vadd.scan.msk.s32 $0xffff, v37;
	_ =	sdelay $0x4  }
0x136: {  	v38, _, _ =	vpop (xrf0)  }
0x137: {  	(v2sf) =	vpush v38, $0xF;
	v48, _, _ =	vpop (xrf0)  }
0x138: {  	(v2sf) =	vpush v48, $0xF;
	_ =	sdelay $0xd  }
0x139: {  	s22 =	spop (v2sf)  }
0x13a: {  	s28 =	spop (v2sf)  }
0x13b: {  	v38 =	vld [tilespmem:$0x7E00];
	v49 =	vsub.s32 v37, v48;
	s0 =	sadd.s32 s28, s0  }
0x13c: {  	v39 =	vadd.s32 s0, v49  }
0x13d: {  	vm14 =	vlt.s32 v39, s20  }
0x13e: {  	v39 =	vsel vm14, $0x80000000, v3  }
0x13f: {  	(xrf0) =	vmax.scan.msk.u32 $0xffff, v39  }
0x140: {  	(xrf0) =	vadd.scan.msk.s32 $0xffff, v38;
	_ =	sdelay $0x4  }
0x141: {  	v39, _, _ =	vpop (xrf0)  }
0x142: {  	(v2sf) =	vpush v39, $0xF;
	v50, _, _ =	vpop (xrf0)  }
0x143: {  	(v2sf) =	vpush v50, $0xF;
	_ =	sdelay $0xd  }
0x144: {  	s23 =	spop (v2sf)  }
0x145: {  	s29 =	spop (v2sf)  }
0x146: {  	v39 =	vld [tilespmem:$0x7D80];
	v51 =	vsub.s32 v38, v50;
	s0 =	sadd.s32 s29, s0  }
0x147: {  	v40 =	vadd.s32 s0, v51  }
0x148: {  	vm15 =	vlt.s32 v40, s20  }
0x149: {  	v40 =	vsel vm15, $0x80000000, v4  }
0x14a: {  	(xrf0) =	vmax.scan.msk.u32 $0xffff, v40  }
0x14b: {  	(xrf0) =	vadd.scan.msk.s32 $0xffff, v39;
	_ =	sdelay $0x4  }
0x14c: {  	v40, _, _ =	vpop (xrf0)  }
0x14d: {  	(v2sf) =	vpush v40, $0xF;
	v52, _, _ =	vpop (xrf0)  }
0x14e: {  	(v2sf) =	vpush v52, $0xF;
	_ =	sdelay $0xd  }
0x14f: {  	s24 =	spop (v2sf)  }
0x150: {  	s30 =	spop (v2sf)  }
0x151: {  	v40 =	vld [tilespmem:$0x7D00];
	v41 =	vsub.s32 v39, v52;
	s0 =	sadd.s32 s30, s0  }
0x152: {  	v41 =	vadd.s32 s0, v41  }
0x153: {  	vm4 =	vlt.s32 v41, s20  }
0x154: {  	v41 =	vsel vm4, $0x80000000, v5  }
0x155: {  	(xrf0) =	vmax.scan.msk.u32 $0xffff, v41  }
0x156: {  	(xrf0) =	vadd.scan.msk.s32 $0xffff, v40;
	_ =	sdelay $0x4  }
0x157: {  	v41, _, _ =	vpop (xrf0)  }
0x158: {  	(v2sf) =	vpush v41, $0xF;
	v53, _, _ =	vpop (xrf0)  }
0x159: {  	(v2sf) =	vpush v53, $0xF;
	_ =	sdelay $0xd  }
0x15a: {  	s25 =	spop (v2sf)  }
0x15b: {  	s31 =	spop (v2sf)  }
0x15c: {  	v41 =	vld [tilespmem:$0x7C80];
	v42 =	vsub.s32 v40, v53;
	s0 =	sadd.s32 s31, s0  }
0x15d: {  	v42 =	vadd.s32 s0, v42  }
0x15e: {  	vm5 =	vlt.s32 v42, s20  }
0x15f: {  	v42 =	vsel vm5, $0x80000000, v6  }
0x160: {  	(xrf0) =	vmax.scan.msk.u32 $0xffff, v42  }
0x161: {  	(xrf0) =	vadd.scan.msk.s32 $0xffff, v41;
	_ =	sdelay $0x4  }
0x162: {  	v42, _, _ =	vpop (xrf0)  }
0x163: {  	(v2sf) =	vpush v42, $0xF;
	v54, _, _ =	vpop (xrf0)  }
0x164: {  	(v2sf) =	vpush v54, $0xF;
	_ =	sdelay $0xd  }
0x165: {  	s26 =	spop (v2sf)  }
0x166: {  	s1 =	spop (v2sf)  }
0x167: {  	v42 =	vld [tilespmem:$0x7C00];
	v43 =	vsub.s32 v41, v54;
	s0 =	sadd.s32 s1, s0  }
0x168: {  	v43 =	vadd.s32 s0, v43  }
0x169: {  	vm6 =	vlt.s32 v43, s20  }
0x16a: {  	v43 =	vsel vm6, $0x80000000, v7  }
0x16b: {  	(xrf0) =	vmax.scan.msk.u32 $0xffff, v43  }
0x16c: {  	(xrf0) =	vadd.scan.msk.s32 $0xffff, v42;
	_ =	sdelay $0x4  }
0x16d: {  	v43, _, _ =	vpop (xrf0)  }
0x16e: {  	(v2sf) =	vpush v43, $0xF;
	v55, _, _ =	vpop (xrf0)  }
0x16f: {  	(v2sf) =	vpush v55, $0xF;
	_ =	sdelay $0xd  }
0x170: {  	s28 =	spop (v2sf)  }
0x171: {  	s14 =	spop (v2sf)  }
0x172: {  	v43 =	vld [tilespmem:$0x7B80];
	v44 =	vsub.s32 v42, v55;
	s0 =	sadd.s32 s14, s0  }
0x173: {  	v44 =	vadd.s32 s0, v44  }
0x174: {  	vm7 =	vlt.s32 v44, s20  }
0x175: {  	v44 =	vsel vm7, $0x80000000, v8  }
0x176: {  	(xrf0) =	vmax.scan.msk.u32 $0xffff, v44  }
0x177: {  	(xrf0) =	vadd.scan.msk.s32 $0xffff, v43;
	_ =	sdelay $0x4  }
0x178: {  	v44, _, _ =	vpop (xrf0)  }
0x179: {  	(v2sf) =	vpush v44, $0xF;
	v56, _, _ =	vpop (xrf0)  }
0x17a: {  	(v2sf) =	vpush v56, $0xF;
	_ =	sdelay $0xd  }
0x17b: {  	s29 =	spop (v2sf)  }
0x17c: {  	s15 =	spop (v2sf)  }
0x17d: {  	v44 =	vld [tilespmem:$0x7B00];
	v45 =	vsub.s32 v43, v56;
	s0 =	sadd.s32 s15, s0  }
0x17e: {  	v45 =	vadd.s32 s0, v45  }
0x17f: {  	vm8 =	vlt.s32 v45, s20  }
0x180: {  	v45 =	vsel vm8, $0x80000000, v9  }
0x181: {  	(xrf0) =	vmax.scan.msk.u32 $0xffff, v45  }
0x182: {  	(xrf0) =	vadd.scan.msk.s32 $0xffff, v44;
	_ =	sdelay $0x4  }
0x183: {  	v45, _, _ =	vpop (xrf0)  }
0x184: {  	(v2sf) =	vpush v45, $0xF;
	v57, _, _ =	vpop (xrf0)  }
0x185: {  	(v2sf) =	vpush v57, $0xF;
	_ =	sdelay $0xd  }
0x186: {  	s30 =	spop (v2sf)  }
0x187: {  	s16 =	spop (v2sf)  }
0x188: {  	v45 =	vld [tilespmem:$0x7A80];
	v46 =	vsub.s32 v44, v57;
	s0 =	sadd.s32 s16, s0  }
0x189: {  	v46 =	vadd.s32 s0, v46  }
0x18a: {  	vm9 =	vlt.s32 v46, s20  }
0x18b: {  	v46 =	vsel vm9, $0x80000000, v10  }
0x18c: {  	(xrf0) =	vmax.scan.msk.u32 $0xffff, v46  }
0x18d: {  	(xrf0) =	vadd.scan.msk.s32 $0xffff, v45;
	_ =	sdelay $0x4  }
0x18e: {  	v46, _, _ =	vpop (xrf0)  }
0x18f: {  	(v2sf) =	vpush v46, $0xF;
	v58, _, _ =	vpop (xrf0)  }
0x190: {  	(v2sf) =	vpush v58, $0xF;
	_ =	sdelay $0xd  }
0x191: {  	s31 =	spop (v2sf)  }
0x192: {  	s17 =	spop (v2sf)  }
0x193: {  	v46 =	vld [tilespmem:$0x7A00];
	v47 =	vsub.s32 v45, v58;
	s13 =	sadd.s32 s17, s0  }
0x194: {  	v47 =	vadd.s32 s13, v47  }
0x195: {  	vm10 =	vlt.s32 v47, s20  }
0x196: {  	v47 =	vsel vm10, $0x80000000, v11  }
0x197: {  	(xrf0) =	vmax.scan.msk.u32 $0xffff, v47  }
0x198: {  	(xrf0) =	vadd.scan.msk.s32 $0xffff, v46;
	_ =	sdelay $0x4  }
0x199: {  	v47, _, _ =	vpop (xrf0)  }
0x19a: {  	(v2sf) =	vpush v47, $0xF;
	v59, _, _ =	vpop (xrf0)  }
0x19b: {  	(v2sf) =	vpush v59, $0xF;
	_ =	sdelay $0xd  }
0x19c: {  	s0 =	spop (v2sf)  }
0x19d: {  	s14 =	spop (v2sf)  }
0x19e: {  	v47 =	vld [tilespmem:$0x7980];
	v48 =	vsub.s32 v46, v59;
	s14 =	sadd.s32 s14, s13  }
0x19f: {  	v48 =	vadd.s32 s14, v48  }
0x1a0: {  	vm11 =	vlt.s32 v48, s20  }
0x1a1: {  	v48 =	vsel vm11, $0x80000000, v12  }
0x1a2: {  	(xrf0) =	vmax.scan.msk.u32 $0xffff, v48  }
0x1a3: {  	(xrf0) =	vadd.scan.msk.s32 $0xffff, v47;
	_ =	sdelay $0x4  }
0x1a4: {  	v48, _, _ =	vpop (xrf0)  }
0x1a5: {  	(v2sf) =	vpush v48, $0xF;
	v60, _, _ =	vpop (xrf0)  }
0x1a6: {  	(v2sf) =	vpush v60, $0xF;
	_ =	sdelay $0xd  }
0x1a7: {  	s13 =	spop (v2sf)  }
0x1a8: {  	s15 =	spop (v2sf)  }
0x1a9: {  	v48 =	vld [tilespmem:$0x7900];
	v49 =	vsub.s32 v47, v60;
	s15 =	sadd.s32 s15, s14  }
0x1aa: {  	v49 =	vadd.s32 s15, v49  }
0x1ab: {  	vm12 =	vlt.s32 v49, s20  }
0x1ac: {  	v49 =	vsel vm12, $0x80000000, v13  }
0x1ad: {  	(xrf0) =	vmax.scan.msk.u32 $0xffff, v49  }
0x1ae: {  	(xrf0) =	vadd.scan.msk.s32 $0xffff, v48;
	_ =	sdelay $0x4  }
0x1af: {  	v49, _, _ =	vpop (xrf0)  }
0x1b0: {  	(v2sf) =	vpush v49, $0xF;
	v61, _, _ =	vpop (xrf0)  }
0x1b1: {  	(v2sf) =	vpush v61, $0xF;
	_ =	sdelay $0xd  }
0x1b2: {  	s14 =	spop (v2sf)  }
0x1b3: {  	s16 =	spop (v2sf)  }
0x1b4: {  	v49 =	vld [tilespmem:$0x7880];
	v50 =	vsub.s32 v48, v61;
	s16 =	sadd.s32 s16, s15  }
0x1b5: {  	v50 =	vadd.s32 s16, v50  }
0x1b6: {  	vm13 =	vlt.s32 v50, s20  }
0x1b7: {  	v50 =	vsel vm13, $0x80000000, v16  }
0x1b8: {  	(xrf0) =	vmax.scan.msk.u32 $0xffff, v50  }
0x1b9: {  	(xrf0) =	vadd.scan.msk.s32 $0xffff, v49;
	_ =	sdelay $0x4  }
0x1ba: {  	v50, _, _ =	vpop (xrf0)  }
0x1bb: {  	(v2sf) =	vpush v50, $0xF;
	v62, _, _ =	vpop (xrf0)  }
0x1bc: {  	(v2sf) =	vpush v62, $0xF;
	_ =	sdelay $0xd  }
0x1bd: {  	s15 =	spop (v2sf)  }
0x1be: {  	s17 =	spop (v2sf)  }
0x1bf: {  	v50 =	vld [tilespmem:$0x7800];
	v51 =	vsub.s32 v49, v62;
	s16 =	sadd.s32 s17, s16  }
0x1c0: {  	v51 =	vadd.s32 s16, v51  }
0x1c1: {  	vm14 =	vlt.s32 v51, s20  }
0x1c2: {  	v51 =	vsel vm14, $0x80000000, v18  }
0x1c3: {  	(xrf0) =	vmax.scan.msk.u32 $0xffff, v51  }
0x1c4: {  	(xrf0) =	vadd.scan.msk.s32 $0xffff, v50;
	_ =	sdelay $0x4  }
0x1c5: {  	v51, _, _ =	vpop (xrf0)  }
0x1c6: {  	(v2sf) =	vpush v51, $0xF;
	v63, _, _ =	vpop (xrf0)  }
0x1c7: {  	(v2sf) =	vpush v63, $0xF;
	_ =	sdelay $0xd  }
0x1c8: {  	s17 =	spop (v2sf)  }
0x1c9: {  	s21 =	sxor.u32 $0x80000000, s21;
	s22 =	sxor.u32 $0x80000000, s22;
	s1 =	spop (v2sf)  }
0x1ca: {  	p1 =	sgt.s32 s21, s22;
	v51 =	vsub.s32 v50, v63;
	s1 =	sadd.s32 s1, s16  }
0x1cb: {  	s22 =	smov.u32 @p1 s21;
	v51 =	vadd.s32 s1, v51;
	s1 =	sxor.u32 $0x80000000, s23  }
0x1cc: {  	p1 =	sgt.s32 s22, s1;
	vm15 =	vlt.s32 v51, s20  }
0x1cd: {  	s16 =	sxor.u32 $0x80000000, s24;
	s1 =	smov.u32 @p1 s22;
	v51 =	vsel vm15, $0x80000000, v19  }
0x1ce: {  	p1 =	sgt.s32 s1, s16;
	(xrf0) =	vmax.scan.msk.u32 $0xffff, v51  }
0x1cf: {  	s16 =	smov.u32 @p1 s1;
	s1 =	sxor.u32 $0x80000000, s25  }
0x1d0: {  	p1 =	sgt.s32 s16, s1  }
0x1d1: {  	s1 =	smov.u32 @p1 s16;
	s16 =	sxor.u32 $0x80000000, s26  }
0x1d2: {  	p1 =	sgt.s32 s1, s16  }
0x1d3: {  	s16 =	smov.u32 @p1 s1;
	s1 =	sxor.u32 $0x80000000, s28  }
0x1d4: {  	p1 =	sgt.s32 s16, s1;
	v51, _, _ =	vpop (xrf0)  }
0x1d5: {  	s1 =	smov.u32 @p1 s16;
	s16 =	sxor.u32 $0x80000000, s29;
	(v2sf) =	vpush v51, $0xF  }
0x1d6: {  	p1 =	sgt.s32 s1, s16  }
0x1d7: {  	s16 =	smov.u32 @p1 s1;
	s1 =	sxor.u32 $0x80000000, s30  }
0x1d8: {  	p1 =	sgt.s32 s16, s1  }
0x1d9: {  	s1 =	smov.u32 @p1 s16;
	s16 =	sxor.u32 $0x80000000, s31  }
0x1da: {  	p1 =	sgt.s32 s1, s16  }
0x1db: {  	s0 =	sxor.u32 $0x80000000, s0;
	s16 =	smov.u32 @p1 s1  }
0x1dc: {  	[tilespmem:$0x7E80] =	vst v15;
	p1 =	sgt.s32 s16, s0  }
0x1dd: {  	[tilespmem:$0x7F00] =	vst v15;
	s1 =	sxor.u32 $0x80000000, s13;
	s0 =	smov.u32 @p1 s16  }
0x1de: {  	[tilespmem:$0x7F80] =	vst v15;
	p1 =	sgt.s32 s0, s1  }
0x1df: {  	[tilespmem:$0x7E00] =	vst v15;
	s1 =	smov.u32 @p1 s0;
	s0 =	sxor.u32 $0x80000000, s14  }
0x1e0: {  	[tilespmem:$0x7D80] =	vst v15;
	p1 =	sgt.s32 s1, s0  }
0x1e1: {  	[tilespmem:$0x7D00] =	vst v15;
	s0 =	smov.u32 @p1 s1;
	s1 =	sxor.u32 $0x80000000, s15  }
0x1e2: {  	[tilespmem:$0x7C80] =	vst v15;
	p1 =	sgt.s32 s0, s1  }
0x1e3: {  	[tilespmem:$0x7C00] =	vst v15;
	s1 =	smov.u32 @p1 s0;
	s0 =	sxor.u32 $0x80000000, s17  }
0x1e4: {  	[tilespmem:$0x7B80] =	vst v15;
	p1 =	sgt.s32 s1, s0;
	s30 =	spop (v2sf)  }
0x1e5: {  	[tilespmem:$0x7B00] =	vst v15;
	s0 =	smov.u32 @p1 s1;
	s13 =	sxor.u32 $0x80000000, s30  }
0x1e6: {  	[tilespmem:$0x7A80] =	vst v15;
	p1 =	sgt.s32 s0, s13  }
0x1e7: {  	[tilespmem:$0x7A00] =	vst v15;
	s13 =	smov.u32 @p1 s0  }
0x1e8: {  	[tilespmem:$0x7980] =	vst v15;
	p1 =	sgt.s32 s13, $0x0  }
0x1e9: {  	[tilespmem:$0x7900] =	vst v15;
	s31 =	sshll.u32 s19, $0x8;
	s13 =	simm.s32 @!p1 $0x0  }
0x1ea: {  	[tilespmem:$0x7880] =	vst v15;
	s19 =	sadd.s32 s31, s13  }
0x1eb: {  	[tilespmem:$0x7800] =	vst v15;
	s14 =	simm.s32 $0x40;
	s0 =	simm.s32 $0x0;
	v51 =	vmov s19  }
.LBB2_7:
0x1ec: {  	p1 =	sne.s32 s14, $0x1FC0;
	v52 =	vld [tilespmem:s0+$0x0];
	_ =	sdelay $0x4  }
0x1ed: {  	v53 =	vshrl.u32 v52, $0x8;
	v54 =	vshrl.u32 v52, $0x10;
	v52 =	vshrl.u32 v52, $0x5  }
0x1ee: {  	v53 =	vand.u32 $0xF, v53;
	vm0 =	veq.s32 v54, v51;
	v52 =	vand.u32 $0x780, v52  }
0x1ef: {  	v52 =	vor.u32 v53, v52  }
.Ltmp3:
0x1f0: {  	(pc) =	sbr.rel @p1 .LBB2_7-.Ltmp3, $2  }
0x1f1: {  	_ =	sdelay $0x2  }
0x1f2: {  	s0 =	sshra.s32 s14, $0x2;
	s14 =	sadd.s32 $0x40, s14;
	[tilespmem:v52+s8+$0x0] =	vst.idx.add.s32.msk vm0, v17  }
0x1f3: {  	v52 =	vmov s13  }
0x1f4: {  	vm0 =	vlt.u32 v52, v0;
	vm1 =	vlt.u32 v52, v20  }
0x1f5: {  	vm9 =	vlt.u32 v52, v21;
	v50 =	vnsel vm0, $0x0, v50;
	v49 =	vnsel vm1, $0x0, v49  }
0x1f6: {  	vm10 =	vlt.u32 v52, v22;
	v48 =	vnsel vm9, $0x0, v48;
	v49 =	vadd.s32 v49, v50  }
0x1f7: {  	vm11 =	vlt.u32 v52, v23;
	v47 =	vnsel vm10, $0x0, v47;
	v48 =	vadd.s32 v48, v49  }
0x1f8: {  	vm12 =	vlt.u32 v52, v24;
	v46 =	vnsel vm11, $0x0, v46;
	v47 =	vadd.s32 v47, v48  }
0x1f9: {  	vm13 =	vlt.u32 v52, v25;
	v45 =	vnsel vm12, $0x0, v45;
	v46 =	vadd.s32 v46, v47  }
0x1fa: {  	vm14 =	vlt.u32 v52, v26;
	v44 =	vnsel vm13, $0x0, v44;
	v45 =	vadd.s32 v45, v46  }
0x1fb: {  	vm15 =	vlt.u32 v52, v27;
	v43 =	vnsel vm14, $0x0, v43;
	v44 =	vadd.s32 v44, v45  }
0x1fc: {  	vm4 =	vlt.u32 v52, v28;
	v42 =	vnsel vm15, $0x0, v42;
	v43 =	vadd.s32 v43, v44  }
0x1fd: {  	vm5 =	vlt.u32 v52, v29;
	v41 =	vnsel vm4, $0x0, v41;
	v42 =	vadd.s32 v42, v43  }
0x1fe: {  	vm6 =	vlt.u32 v52, v30;
	v40 =	vnsel vm5, $0x0, v40;
	v41 =	vadd.s32 v41, v42  }
0x1ff: {  	vm7 =	vlt.u32 v52, v31;
	v39 =	vnsel vm6, $0x0, v39;
	v40 =	vadd.s32 v40, v41  }
0x200: {  	vm8 =	vlt.u32 v52, v34;
	v38 =	vnsel vm7, $0x0, v38;
	v39 =	vadd.s32 v39, v40  }
0x201: {  	v37 =	vnsel vm8, $0x0, v37;
	vm9 =	vlt.u32 v52, v32;
	v44 =	vld [tilespmem:s0+$0x0];
	v38 =	vadd.s32 v38, v39  }
0x202: {  	vm10 =	vlt.u32 v52, v33;
	v36 =	vnsel vm9, $0x0, v36;
	v37 =	vadd.s32 v37, v38  }
0x203: {  	v35 =	vnsel vm10, $0x0, v35;
	v36 =	vadd.s32 v36, v37  }
0x204: {  	v35 =	vadd.s32 v35, v36  }
0x205: {  	(xrf0) =	vadd.scan.msk.s32 $0xffff, v35  }
0x206: {  	v45 =	vshrl.u32 v44, $0x8;
	v46 =	vshrl.u32 v44, $0x10;
	v47 =	vshrl.u32 v44, $0x5  }
0x207: {  	vm11 =	veq.s32 v46, v51;
	v48 =	vand.u32 $0x780, v47;
	v35 =	vand.u32 $0xF, v45  }
0x208: {  	v35 =	vor.u32 v35, v48;
	_ =	sdelay $0x2  }
0x209: {  	v49, _, _ =	vpop (xrf0)  }
0x20a: {  	(v2sf) =	vpush v49, $0xF  }
0x20b: {  	[tilespmem:v35+s8+$0x0] =	vst.idx.add.s32.msk vm11, v17  }
0x20c: {  	v35 =	vld [tilespmem:$0x7F80];
	_ =	sdelay $0x4  }
0x20d: {  	(xrf0) =	vadd.scan.msk.s32 $0xffff, v35;
	_ =	sdelay $0x5  }
0x20e: {  	v50, _, _ =	vpop (xrf0)  }
0x20f: {  	v51 =	vbroadcast v50, $0xF  }
0x210: {  	v36 =	vld [tilespmem:$0x7F00];
	v52 =	vsub.s32 v35, v50;
	s24 =	spop (v2sf)  }
0x211: {  	v38 =	vadd.s32 v51, v52;
	s20 =	ssub.s32 s20, s24  }
0x212: {  	vm12 =	vlt.s32 v38, s20  }
0x213: {  	v38 =	vsel vm12, $0x80000000, v1  }
0x214: {  	(xrf0) =	vmax.scan.msk.u32 $0xffff, v38  }
0x215: {  	(xrf0) =	vadd.scan.msk.s32 $0xffff, v36;
	_ =	sdelay $0x4  }
0x216: {  	(v2sf) =	vpush v50, $0xF;
	v53, _, _ =	vpop (xrf0)  }
0x217: {  	(v2sf) =	vpush v53, $0xF;
	v54, _, _ =	vpop (xrf0)  }
0x218: {  	(v2sf) =	vpush v54, $0xF;
	_ =	sdelay $0xc  }
0x219: {  	s25 =	spop (v2sf)  }
0x21a: {  	s21 =	spop (v2sf)  }
0x21b: {  	s1 =	spop (v2sf)  }
0x21c: {  	v37 =	vld [tilespmem:$0x7E80];
	v55 =	vsub.s32 v36, v54;
	s0 =	sadd.s32 s25, s1  }
0x21d: {  	v38 =	vadd.s32 s0, v55  }
0x21e: {  	vm13 =	vlt.s32 v38, s20  }
0x21f: {  	v38 =	vsel vm13, $0x80000000, v2  }
0x220: {  	(xrf0) =	vmax.scan.msk.u32 $0xffff, v38  }
0x221: {  	(xrf0) =	vadd.scan.msk.s32 $0xffff, v37;
	_ =	sdelay $0x4  }
0x222: {  	v38, _, _ =	vpop (xrf0)  }
0x223: {  	(v2sf) =	vpush v38, $0xF;
	v56, _, _ =	vpop (xrf0)  }
0x224: {  	(v2sf) =	vpush v56, $0xF;
	_ =	sdelay $0xd  }
0x225: {  	s22 =	spop (v2sf)  }
0x226: {  	s26 =	spop (v2sf)  }
0x227: {  	v38 =	vld [tilespmem:$0x7E00];
	v57 =	vsub.s32 v37, v56;
	s0 =	sadd.s32 s26, s0  }
0x228: {  	v39 =	vadd.s32 s0, v57  }
0x229: {  	vm14 =	vlt.s32 v39, s20  }
0x22a: {  	v39 =	vsel vm14, $0x80000000, v3  }
0x22b: {  	(xrf0) =	vmax.scan.msk.u32 $0xffff, v39  }
0x22c: {  	(xrf0) =	vadd.scan.msk.s32 $0xffff, v38;
	_ =	sdelay $0x4  }
0x22d: {  	v39, _, _ =	vpop (xrf0)  }
0x22e: {  	(v2sf) =	vpush v39, $0xF;
	v58, _, _ =	vpop (xrf0)  }
0x22f: {  	(v2sf) =	vpush v58, $0xF;
	_ =	sdelay $0xd  }
0x230: {  	s23 =	spop (v2sf)  }
0x231: {  	s28 =	spop (v2sf)  }
0x232: {  	v39 =	vld [tilespmem:$0x7D80];
	v59 =	vsub.s32 v38, v58;
	s0 =	sadd.s32 s28, s0  }
0x233: {  	v40 =	vadd.s32 s0, v59  }
0x234: {  	vm15 =	vlt.s32 v40, s20  }
0x235: {  	v40 =	vsel vm15, $0x80000000, v4  }
0x236: {  	(xrf0) =	vmax.scan.msk.u32 $0xffff, v40  }
0x237: {  	(xrf0) =	vadd.scan.msk.s32 $0xffff, v39;
	_ =	sdelay $0x4  }
0x238: {  	v40, _, _ =	vpop (xrf0)  }
0x239: {  	(v2sf) =	vpush v40, $0xF;
	v60, _, _ =	vpop (xrf0)  }
0x23a: {  	(v2sf) =	vpush v60, $0xF;
	_ =	sdelay $0xd  }
0x23b: {  	s24 =	spop (v2sf)  }
0x23c: {  	s29 =	spop (v2sf)  }
0x23d: {  	v40 =	vld [tilespmem:$0x7D00];
	v61 =	vsub.s32 v39, v60;
	s0 =	sadd.s32 s29, s0  }
0x23e: {  	v41 =	vadd.s32 s0, v61  }
0x23f: {  	vm4 =	vlt.s32 v41, s20  }
0x240: {  	v41 =	vsel vm4, $0x80000000, v5  }
0x241: {  	(xrf0) =	vmax.scan.msk.u32 $0xffff, v41  }
0x242: {  	(xrf0) =	vadd.scan.msk.s32 $0xffff, v40;
	_ =	sdelay $0x4  }
0x243: {  	v41, _, _ =	vpop (xrf0)  }
0x244: {  	(v2sf) =	vpush v41, $0xF;
	v62, _, _ =	vpop (xrf0)  }
0x245: {  	(v2sf) =	vpush v62, $0xF;
	_ =	sdelay $0xd  }
0x246: {  	s25 =	spop (v2sf)  }
0x247: {  	s30 =	spop (v2sf)  }
0x248: {  	v41 =	vld [tilespmem:$0x7C80];
	v63 =	vsub.s32 v40, v62;
	s0 =	sadd.s32 s30, s0  }
0x249: {  	v42 =	vadd.s32 s0, v63  }
0x24a: {  	vm5 =	vlt.s32 v42, s20  }
0x24b: {  	v42 =	vsel vm5, $0x80000000, v6  }
0x24c: {  	(xrf0) =	vmax.scan.msk.u32 $0xffff, v42  }
0x24d: {  	(xrf0) =	vadd.scan.msk.s32 $0xffff, v41;
	_ =	sdelay $0x4  }
0x24e: {  	v42, _, _ =	vpop (xrf0)  }
0x24f: {  	(v2sf) =	vpush v42, $0xF;
	v45, _, _ =	vpop (xrf0)  }
0x250: {  	(v2sf) =	vpush v45, $0xF;
	_ =	sdelay $0xd  }
0x251: {  	s26 =	spop (v2sf)  }
0x252: {  	s31 =	spop (v2sf)  }
0x253: {  	v42 =	vld [tilespmem:$0x7C00];
	v46 =	vsub.s32 v41, v45;
	s0 =	sadd.s32 s31, s0  }
0x254: {  	v43 =	vadd.s32 s0, v46  }
0x255: {  	vm6 =	vlt.s32 v43, s20  }
0x256: {  	v43 =	vsel vm6, $0x80000000, v7  }
0x257: {  	(xrf0) =	vmax.scan.msk.u32 $0xffff, v43  }
0x258: {  	(xrf0) =	vadd.scan.msk.s32 $0xffff, v42;
	_ =	sdelay $0x4  }
0x259: {  	v43, _, _ =	vpop (xrf0)  }
0x25a: {  	(v2sf) =	vpush v43, $0xF;
	v47, _, _ =	vpop (xrf0)  }
0x25b: {  	(v2sf) =	vpush v47, $0xF;
	_ =	sdelay $0xd  }
0x25c: {  	s28 =	spop (v2sf)  }
0x25d: {  	s13 =	spop (v2sf)  }
0x25e: {  	v43 =	vld [tilespmem:$0x7B80];
	v48 =	vsub.s32 v42, v47;
	s0 =	sadd.s32 s13, s0  }
0x25f: {  	v44 =	vadd.s32 s0, v48  }
0x260: {  	vm7 =	vlt.s32 v44, s20  }
0x261: {  	v44 =	vsel vm7, $0x80000000, v8  }
0x262: {  	(xrf0) =	vmax.scan.msk.u32 $0xffff, v44  }
0x263: {  	(xrf0) =	vadd.scan.msk.s32 $0xffff, v43;
	_ =	sdelay $0x4  }
0x264: {  	v44, _, _ =	vpop (xrf0)  }
0x265: {  	(v2sf) =	vpush v44, $0xF;
	v49, _, _ =	vpop (xrf0)  }
0x266: {  	(v2sf) =	vpush v49, $0xF;
	_ =	sdelay $0xd  }
0x267: {  	s29 =	spop (v2sf)  }
0x268: {  	s14 =	spop (v2sf)  }
0x269: {  	v44 =	vld [tilespmem:$0x7B00];
	v50 =	vsub.s32 v43, v49;
	s0 =	sadd.s32 s14, s0  }
0x26a: {  	v45 =	vadd.s32 s0, v50  }
0x26b: {  	vm8 =	vlt.s32 v45, s20  }
0x26c: {  	v45 =	vsel vm8, $0x80000000, v9  }
0x26d: {  	(xrf0) =	vmax.scan.msk.u32 $0xffff, v45  }
0x26e: {  	(xrf0) =	vadd.scan.msk.s32 $0xffff, v44;
	_ =	sdelay $0x4  }
0x26f: {  	v45, _, _ =	vpop (xrf0)  }
0x270: {  	(v2sf) =	vpush v45, $0xF;
	v51, _, _ =	vpop (xrf0)  }
0x271: {  	(v2sf) =	vpush v51, $0xF;
	_ =	sdelay $0xd  }
0x272: {  	s30 =	spop (v2sf)  }
0x273: {  	s15 =	spop (v2sf)  }
0x274: {  	v45 =	vld [tilespmem:$0x7A80];
	v52 =	vsub.s32 v44, v51;
	s0 =	sadd.s32 s15, s0  }
0x275: {  	v46 =	vadd.s32 s0, v52  }
0x276: {  	vm9 =	vlt.s32 v46, s20  }
0x277: {  	v46 =	vsel vm9, $0x80000000, v10  }
0x278: {  	(xrf0) =	vmax.scan.msk.u32 $0xffff, v46  }
0x279: {  	(xrf0) =	vadd.scan.msk.s32 $0xffff, v45;
	_ =	sdelay $0x4  }
0x27a: {  	v46, _, _ =	vpop (xrf0)  }
0x27b: {  	(v2sf) =	vpush v46, $0xF;
	v53, _, _ =	vpop (xrf0)  }
0x27c: {  	(v2sf) =	vpush v53, $0xF;
	_ =	sdelay $0xd  }
0x27d: {  	s31 =	spop (v2sf)  }
0x27e: {  	s16 =	spop (v2sf)  }
0x27f: {  	v46 =	vld [tilespmem:$0x7A00];
	v54 =	vsub.s32 v45, v53;
	s1 =	sadd.s32 s16, s0  }
0x280: {  	v47 =	vadd.s32 s1, v54  }
0x281: {  	vm10 =	vlt.s32 v47, s20  }
0x282: {  	v47 =	vsel vm10, $0x80000000, v11  }
0x283: {  	(xrf0) =	vmax.scan.msk.u32 $0xffff, v47  }
0x284: {  	(xrf0) =	vadd.scan.msk.s32 $0xffff, v46;
	_ =	sdelay $0x4  }
0x285: {  	v47, _, _ =	vpop (xrf0)  }
0x286: {  	(v2sf) =	vpush v47, $0xF;
	v55, _, _ =	vpop (xrf0)  }
0x287: {  	(v2sf) =	vpush v55, $0xF;
	_ =	sdelay $0xd  }
0x288: {  	s0 =	spop (v2sf)  }
0x289: {  	s17 =	spop (v2sf)  }
0x28a: {  	v47 =	vld [tilespmem:$0x7980];
	v56 =	vsub.s32 v46, v55;
	s1 =	sadd.s32 s17, s1  }
0x28b: {  	v48 =	vadd.s32 s1, v56  }
0x28c: {  	vm11 =	vlt.s32 v48, s20  }
0x28d: {  	v48 =	vsel vm11, $0x80000000, v12  }
0x28e: {  	(xrf0) =	vmax.scan.msk.u32 $0xffff, v48  }
0x28f: {  	(xrf0) =	vadd.scan.msk.s32 $0xffff, v47;
	_ =	sdelay $0x4  }
0x290: {  	v48, _, _ =	vpop (xrf0)  }
0x291: {  	(v2sf) =	vpush v48, $0xF;
	v57, _, _ =	vpop (xrf0)  }
0x292: {  	(v2sf) =	vpush v57, $0xF;
	_ =	sdelay $0xd  }
0x293: {  	s13 =	spop (v2sf)  }
0x294: {  	s14 =	spop (v2sf)  }
0x295: {  	v48 =	vld [tilespmem:$0x7900];
	v58 =	vsub.s32 v47, v57;
	s1 =	sadd.s32 s14, s1  }
0x296: {  	v49 =	vadd.s32 s1, v58  }
0x297: {  	vm12 =	vlt.s32 v49, s20  }
0x298: {  	v49 =	vsel vm12, $0x80000000, v13  }
0x299: {  	(xrf0) =	vmax.scan.msk.u32 $0xffff, v49  }
0x29a: {  	(xrf0) =	vadd.scan.msk.s32 $0xffff, v48;
	_ =	sdelay $0x4  }
0x29b: {  	v49, _, _ =	vpop (xrf0)  }
0x29c: {  	(v2sf) =	vpush v49, $0xF;
	v59, _, _ =	vpop (xrf0)  }
0x29d: {  	(v2sf) =	vpush v59, $0xF;
	_ =	sdelay $0xd  }
0x29e: {  	s14 =	spop (v2sf)  }
0x29f: {  	s15 =	spop (v2sf)  }
0x2a0: {  	v49 =	vld [tilespmem:$0x7880];
	v60 =	vsub.s32 v48, v59;
	s1 =	sadd.s32 s15, s1  }
0x2a1: {  	v50 =	vadd.s32 s1, v60  }
0x2a2: {  	vm13 =	vlt.s32 v50, s20  }
0x2a3: {  	v50 =	vsel vm13, $0x80000000, v16  }
0x2a4: {  	(xrf0) =	vmax.scan.msk.u32 $0xffff, v50  }
0x2a5: {  	(xrf0) =	vadd.scan.msk.s32 $0xffff, v49;
	_ =	sdelay $0x4  }
0x2a6: {  	v50, _, _ =	vpop (xrf0)  }
0x2a7: {  	(v2sf) =	vpush v50, $0xF;
	v61, _, _ =	vpop (xrf0)  }
0x2a8: {  	(v2sf) =	vpush v61, $0xF;
	_ =	sdelay $0xd  }
0x2a9: {  	s15 =	spop (v2sf)  }
0x2aa: {  	s16 =	spop (v2sf)  }
0x2ab: {  	v50 =	vld [tilespmem:$0x7800];
	v62 =	vsub.s32 v49, v61;
	s1 =	sadd.s32 s16, s1  }
0x2ac: {  	v51 =	vadd.s32 s1, v62  }
0x2ad: {  	vm14 =	vlt.s32 v51, s20  }
0x2ae: {  	v51 =	vsel vm14, $0x80000000, v18  }
0x2af: {  	(xrf0) =	vmax.scan.msk.u32 $0xffff, v51  }
0x2b0: {  	(xrf0) =	vadd.scan.msk.s32 $0xffff, v50;
	_ =	sdelay $0x4  }
0x2b1: {  	v51, _, _ =	vpop (xrf0)  }
0x2b2: {  	(v2sf) =	vpush v51, $0xF;
	v63, _, _ =	vpop (xrf0)  }
0x2b3: {  	(v2sf) =	vpush v63, $0xF;
	_ =	sdelay $0xd  }
0x2b4: {  	s16 =	spop (v2sf)  }
0x2b5: {  	s17 =	sxor.u32 $0x80000000, s21;
	s21 =	sxor.u32 $0x80000000, s22;
	s22 =	spop (v2sf)  }
0x2b6: {  	p1 =	sgt.s32 s17, s21;
	v51 =	vsub.s32 v50, v63;
	s1 =	sadd.s32 s22, s1  }
0x2b7: {  	s21 =	smov.u32 @p1 s17;
	v51 =	vadd.s32 s1, v51;
	s1 =	sxor.u32 $0x80000000, s23  }
0x2b8: {  	p1 =	sgt.s32 s21, s1;
	vm15 =	vlt.s32 v51, s20  }
0x2b9: {  	s17 =	sxor.u32 $0x80000000, s24;
	s1 =	smov.u32 @p1 s21;
	v51 =	vsel vm15, $0x80000000, v19  }
0x2ba: {  	p1 =	sgt.s32 s1, s17;
	(xrf0) =	vmax.scan.msk.u32 $0xffff, v51  }
0x2bb: {  	s17 =	smov.u32 @p1 s1;
	s1 =	sxor.u32 $0x80000000, s25  }
0x2bc: {  	p1 =	sgt.s32 s17, s1  }
0x2bd: {  	s1 =	smov.u32 @p1 s17;
	s17 =	sxor.u32 $0x80000000, s26  }
0x2be: {  	p1 =	sgt.s32 s1, s17  }
0x2bf: {  	s17 =	smov.u32 @p1 s1;
	s1 =	sxor.u32 $0x80000000, s28  }
0x2c0: {  	p1 =	sgt.s32 s17, s1;
	v51, _, _ =	vpop (xrf0)  }
0x2c1: {  	s1 =	smov.u32 @p1 s17;
	s17 =	sxor.u32 $0x80000000, s29;
	(v2sf) =	vpush v51, $0xF  }
0x2c2: {  	p1 =	sgt.s32 s1, s17  }
0x2c3: {  	s17 =	smov.u32 @p1 s1;
	s1 =	sxor.u32 $0x80000000, s30  }
0x2c4: {  	p1 =	sgt.s32 s17, s1  }
0x2c5: {  	s1 =	smov.u32 @p1 s17;
	s17 =	sxor.u32 $0x80000000, s31  }
0x2c6: {  	p1 =	sgt.s32 s1, s17  }
0x2c7: {  	s0 =	sxor.u32 $0x80000000, s0;
	s17 =	smov.u32 @p1 s1  }
0x2c8: {  	[tilespmem:$0x7E80] =	vst v15;
	p1 =	sgt.s32 s17, s0  }
0x2c9: {  	[tilespmem:$0x7F00] =	vst v15;
	s1 =	sxor.u32 $0x80000000, s13;
	s0 =	smov.u32 @p1 s17  }
0x2ca: {  	[tilespmem:$0x7F80] =	vst v15;
	p1 =	sgt.s32 s0, s1  }
0x2cb: {  	[tilespmem:$0x7E00] =	vst v15;
	s1 =	smov.u32 @p1 s0;
	s0 =	sxor.u32 $0x80000000, s14  }
0x2cc: {  	[tilespmem:$0x7D80] =	vst v15;
	p1 =	sgt.s32 s1, s0  }
0x2cd: {  	[tilespmem:$0x7D00] =	vst v15;
	s0 =	smov.u32 @p1 s1;
	s1 =	sxor.u32 $0x80000000, s15  }
0x2ce: {  	[tilespmem:$0x7C80] =	vst v15;
	p1 =	sgt.s32 s0, s1  }
0x2cf: {  	[tilespmem:$0x7C00] =	vst v15;
	s1 =	smov.u32 @p1 s0;
	s0 =	sxor.u32 $0x80000000, s16  }
0x2d0: {  	[tilespmem:$0x7B80] =	vst v15;
	p1 =	sgt.s32 s1, s0;
	s30 =	spop (v2sf)  }
0x2d1: {  	[tilespmem:$0x7B00] =	vst v15;
	s0 =	smov.u32 @p1 s1;
	s13 =	sxor.u32 $0x80000000, s30  }
0x2d2: {  	[tilespmem:$0x7A80] =	vst v15;
	p1 =	sgt.s32 s0, s13  }
0x2d3: {  	[tilespmem:$0x7A00] =	vst v15;
	s13 =	smov.u32 @p1 s0  }
0x2d4: {  	[tilespmem:$0x7980] =	vst v15;
	p1 =	sgt.s32 s13, $0x0  }
0x2d5: {  	[tilespmem:$0x7900] =	vst v15;
	s31 =	sshll.u32 s19, $0x8;
	s13 =	simm.s32 @!p1 $0x0  }
0x2d6: {  	[tilespmem:$0x7880] =	vst v15;
	s19 =	sadd.s32 s31, s13  }
0x2d7: {  	[tilespmem:$0x7800] =	vst v15;
	s14 =	simm.s32 $0x40;
	s0 =	simm.s32 $0x0;
	v51 =	vmov s19  }
.LBB2_9:
0x2d8: {  	p1 =	sne.s32 s14, $0x1FC0;
	v52 =	vld [tilespmem:s0+$0x0];
	_ =	sdelay $0x4  }
0x2d9: {  	v53 =	vshrl.u32 v52, $0x8;
	v54 =	vshll.u32 v52, $0x3  }
0x2da: {  	v52 =	vand.u32 $0xF, v52;
	vm0 =	veq.s32 v53, v51;
	v53 =	vand.u32 $0x780, v54  }
0x2db: {  	v52 =	vor.u32 v52, v53  }
.Ltmp4:
0x2dc: {  	(pc) =	sbr.rel @p1 .LBB2_9-.Ltmp4, $2  }
0x2dd: {  	_ =	sdelay $0x2  }
0x2de: {  	s0 =	sshra.s32 s14, $0x2;
	s14 =	sadd.s32 $0x40, s14;
	[tilespmem:v52+s8+$0x0] =	vst.idx.add.s32.msk vm0, v17  }
0x2df: {  	v52 =	vmov s13  }
0x2e0: {  	vm0 =	vlt.u32 v52, v0;
	vm1 =	vlt.u32 v52, v20  }
0x2e1: {  	vm14 =	vlt.u32 v52, v21;
	v50 =	vnsel vm0, $0x0, v50;
	v49 =	vnsel vm1, $0x0, v49  }
0x2e2: {  	vm15 =	vlt.u32 v52, v22;
	v48 =	vnsel vm14, $0x0, v48;
	v49 =	vadd.s32 v49, v50  }
0x2e3: {  	vm4 =	vlt.u32 v52, v23;
	v47 =	vnsel vm15, $0x0, v47;
	v48 =	vadd.s32 v48, v49  }
0x2e4: {  	vm5 =	vlt.u32 v52, v24;
	v46 =	vnsel vm4, $0x0, v46;
	v47 =	vadd.s32 v47, v48  }
0x2e5: {  	vm6 =	vlt.u32 v52, v25;
	v45 =	vnsel vm5, $0x0, v45;
	v46 =	vadd.s32 v46, v47  }
0x2e6: {  	vm7 =	vlt.u32 v52, v26;
	v44 =	vnsel vm6, $0x0, v44;
	v45 =	vadd.s32 v45, v46  }
0x2e7: {  	vm8 =	vlt.u32 v52, v27;
	v43 =	vnsel vm7, $0x0, v43;
	v44 =	vadd.s32 v44, v45  }
0x2e8: {  	vm9 =	vlt.u32 v52, v28;
	v42 =	vnsel vm8, $0x0, v42;
	v43 =	vadd.s32 v43, v44  }
0x2e9: {  	vm10 =	vlt.u32 v52, v29;
	v41 =	vnsel vm9, $0x0, v41;
	v42 =	vadd.s32 v42, v43  }
0x2ea: {  	vm11 =	vlt.u32 v52, v30;
	v40 =	vnsel vm10, $0x0, v40;
	v41 =	vadd.s32 v41, v42  }
0x2eb: {  	vm12 =	vlt.u32 v52, v31;
	v39 =	vnsel vm11, $0x0, v39;
	v40 =	vadd.s32 v40, v41  }
0x2ec: {  	vm13 =	vlt.u32 v52, v34;
	v38 =	vnsel vm12, $0x0, v38;
	v39 =	vadd.s32 v39, v40  }
0x2ed: {  	v63 =	vld [tilespmem:s0+$0x0];
	v37 =	vnsel vm13, $0x0, v37;
	vm14 =	vlt.u32 v52, v32;
	v38 =	vadd.s32 v38, v39  }
0x2ee: {  	vm15 =	vlt.u32 v52, v33;
	v36 =	vnsel vm14, $0x0, v36;
	v37 =	vadd.s32 v37, v38  }
0x2ef: {  	v35 =	vnsel vm15, $0x0, v35;
	v36 =	vadd.s32 v36, v37  }
0x2f0: {  	v35 =	vadd.s32 v35, v36  }
0x2f1: {  	(xrf0) =	vadd.scan.msk.s32 $0xffff, v35  }
0x2f2: {  	v42 =	vshll.u32 v63, $0x3;
	v41 =	vshrl.u32 v63, $0x8  }
0x2f3: {  	v43 =	vand.u32 $0xF, v63;
	v44 =	vand.u32 $0x780, v42;
	vm4 =	veq.s32 v41, v51  }
0x2f4: {  	v35 =	vor.u32 v43, v44;
	_ =	sdelay $0x2  }
0x2f5: {  	v45, _, _ =	vpop (xrf0)  }
0x2f6: {  	(v2sf) =	vpush v45, $0xF  }
0x2f7: {  	[tilespmem:v35+s8+$0x0] =	vst.idx.add.s32.msk vm4, v17  }
0x2f8: {  	v35 =	vld [tilespmem:$0x7F80];
	_ =	sdelay $0x4  }
0x2f9: {  	(xrf0) =	vadd.scan.msk.s32 $0xffff, v35;
	_ =	sdelay $0x5  }
0x2fa: {  	v46, _, _ =	vpop (xrf0)  }
0x2fb: {  	v47 =	vbroadcast v46, $0xF  }
0x2fc: {  	v36 =	vld [tilespmem:$0x7F00];
	v48 =	vsub.s32 v35, v46;
	s24 =	spop (v2sf)  }
0x2fd: {  	v38 =	vadd.s32 v47, v48;
	s20 =	ssub.s32 s20, s24  }
0x2fe: {  	vm5 =	vlt.s32 v38, s20  }
0x2ff: {  	v38 =	vsel vm5, $0x80000000, v1  }
0x300: {  	(xrf0) =	vmax.scan.msk.u32 $0xffff, v38  }
0x301: {  	(xrf0) =	vadd.scan.msk.s32 $0xffff, v36;
	_ =	sdelay $0x4  }
0x302: {  	(v2sf) =	vpush v46, $0xF;
	v49, _, _ =	vpop (xrf0)  }
0x303: {  	(v2sf) =	vpush v49, $0xF;
	v50, _, _ =	vpop (xrf0)  }
0x304: {  	(v2sf) =	vpush v50, $0xF;
	_ =	sdelay $0xc  }
0x305: {  	s25 =	spop (v2sf)  }
0x306: {  	s21 =	spop (v2sf)  }
0x307: {  	s1 =	spop (v2sf)  }
0x308: {  	v37 =	vld [tilespmem:$0x7E80];
	v51 =	vsub.s32 v36, v50;
	s0 =	sadd.s32 s25, s1  }
0x309: {  	v38 =	vadd.s32 s0, v51  }
0x30a: {  	vm6 =	vlt.s32 v38, s20  }
0x30b: {  	v38 =	vsel vm6, $0x80000000, v2  }
0x30c: {  	(xrf0) =	vmax.scan.msk.u32 $0xffff, v38  }
0x30d: {  	(xrf0) =	vadd.scan.msk.s32 $0xffff, v37;
	_ =	sdelay $0x4  }
0x30e: {  	v38, _, _ =	vpop (xrf0)  }
0x30f: {  	(v2sf) =	vpush v38, $0xF;
	v52, _, _ =	vpop (xrf0)  }
0x310: {  	(v2sf) =	vpush v52, $0xF;
	_ =	sdelay $0xd  }
0x311: {  	s22 =	spop (v2sf)  }
0x312: {  	s26 =	spop (v2sf)  }
0x313: {  	v38 =	vld [tilespmem:$0x7E00];
	v53 =	vsub.s32 v37, v52;
	s0 =	sadd.s32 s26, s0  }
0x314: {  	v39 =	vadd.s32 s0, v53  }
0x315: {  	vm7 =	vlt.s32 v39, s20  }
0x316: {  	v39 =	vsel vm7, $0x80000000, v3  }
0x317: {  	(xrf0) =	vmax.scan.msk.u32 $0xffff, v39  }
0x318: {  	(xrf0) =	vadd.scan.msk.s32 $0xffff, v38;
	_ =	sdelay $0x4  }
0x319: {  	v39, _, _ =	vpop (xrf0)  }
0x31a: {  	(v2sf) =	vpush v39, $0xF;
	v54, _, _ =	vpop (xrf0)  }
0x31b: {  	(v2sf) =	vpush v54, $0xF;
	_ =	sdelay $0xd  }
0x31c: {  	s23 =	spop (v2sf)  }
0x31d: {  	s28 =	spop (v2sf)  }
0x31e: {  	v39 =	vld [tilespmem:$0x7D80];
	v55 =	vsub.s32 v38, v54;
	s0 =	sadd.s32 s28, s0  }
0x31f: {  	v40 =	vadd.s32 s0, v55  }
0x320: {  	vm8 =	vlt.s32 v40, s20  }
0x321: {  	v40 =	vsel vm8, $0x80000000, v4  }
0x322: {  	(xrf0) =	vmax.scan.msk.u32 $0xffff, v40  }
0x323: {  	(xrf0) =	vadd.scan.msk.s32 $0xffff, v39;
	_ =	sdelay $0x4  }
0x324: {  	v40, _, _ =	vpop (xrf0)  }
0x325: {  	(v2sf) =	vpush v40, $0xF;
	v56, _, _ =	vpop (xrf0)  }
0x326: {  	(v2sf) =	vpush v56, $0xF;
	_ =	sdelay $0xd  }
0x327: {  	s24 =	spop (v2sf)  }
0x328: {  	s29 =	spop (v2sf)  }
0x329: {  	v40 =	vld [tilespmem:$0x7D00];
	v57 =	vsub.s32 v39, v56;
	s0 =	sadd.s32 s29, s0  }
0x32a: {  	v41 =	vadd.s32 s0, v57  }
0x32b: {  	vm9 =	vlt.s32 v41, s20  }
0x32c: {  	v41 =	vsel vm9, $0x80000000, v5  }
0x32d: {  	(xrf0) =	vmax.scan.msk.u32 $0xffff, v41  }
0x32e: {  	(xrf0) =	vadd.scan.msk.s32 $0xffff, v40;
	_ =	sdelay $0x4  }
0x32f: {  	v41, _, _ =	vpop (xrf0)  }
0x330: {  	(v2sf) =	vpush v41, $0xF;
	v58, _, _ =	vpop (xrf0)  }
0x331: {  	(v2sf) =	vpush v58, $0xF;
	_ =	sdelay $0xd  }
0x332: {  	s25 =	spop (v2sf)  }
0x333: {  	s30 =	spop (v2sf)  }
0x334: {  	v41 =	vld [tilespmem:$0x7C80];
	v59 =	vsub.s32 v40, v58;
	s0 =	sadd.s32 s30, s0  }
0x335: {  	v42 =	vadd.s32 s0, v59  }
0x336: {  	vm10 =	vlt.s32 v42, s20  }
0x337: {  	v42 =	vsel vm10, $0x80000000, v6  }
0x338: {  	(xrf0) =	vmax.scan.msk.u32 $0xffff, v42  }
0x339: {  	(xrf0) =	vadd.scan.msk.s32 $0xffff, v41;
	_ =	sdelay $0x4  }
0x33a: {  	v42, _, _ =	vpop (xrf0)  }
0x33b: {  	(v2sf) =	vpush v42, $0xF;
	v60, _, _ =	vpop (xrf0)  }
0x33c: {  	(v2sf) =	vpush v60, $0xF;
	_ =	sdelay $0xd  }
0x33d: {  	s26 =	spop (v2sf)  }
0x33e: {  	s31 =	spop (v2sf)  }
0x33f: {  	v42 =	vld [tilespmem:$0x7C00];
	v61 =	vsub.s32 v41, v60;
	s0 =	sadd.s32 s31, s0  }
0x340: {  	v43 =	vadd.s32 s0, v61  }
0x341: {  	vm11 =	vlt.s32 v43, s20  }
0x342: {  	v43 =	vsel vm11, $0x80000000, v7  }
0x343: {  	(xrf0) =	vmax.scan.msk.u32 $0xffff, v43  }
0x344: {  	(xrf0) =	vadd.scan.msk.s32 $0xffff, v42;
	_ =	sdelay $0x4  }
0x345: {  	v43, _, _ =	vpop (xrf0)  }
0x346: {  	(v2sf) =	vpush v43, $0xF;
	v62, _, _ =	vpop (xrf0)  }
0x347: {  	(v2sf) =	vpush v62, $0xF;
	_ =	sdelay $0xd  }
0x348: {  	s28 =	spop (v2sf)  }
0x349: {  	s13 =	spop (v2sf)  }
0x34a: {  	v43 =	vld [tilespmem:$0x7B80];
	v63 =	vsub.s32 v42, v62;
	s0 =	sadd.s32 s13, s0  }
0x34b: {  	v44 =	vadd.s32 s0, v63  }
0x34c: {  	vm12 =	vlt.s32 v44, s20  }
0x34d: {  	v44 =	vsel vm12, $0x80000000, v8  }
0x34e: {  	(xrf0) =	vmax.scan.msk.u32 $0xffff, v44  }
0x34f: {  	(xrf0) =	vadd.scan.msk.s32 $0xffff, v43;
	_ =	sdelay $0x4  }
0x350: {  	v44, _, _ =	vpop (xrf0)  }
0x351: {  	(v2sf) =	vpush v44, $0xF;
	v48, _, _ =	vpop (xrf0)  }
0x352: {  	(v2sf) =	vpush v48, $0xF;
	_ =	sdelay $0xd  }
0x353: {  	s29 =	spop (v2sf)  }
0x354: {  	s14 =	spop (v2sf)  }
0x355: {  	v44 =	vld [tilespmem:$0x7B00];
	v49 =	vsub.s32 v43, v48;
	s0 =	sadd.s32 s14, s0  }
0x356: {  	v45 =	vadd.s32 s0, v49  }
0x357: {  	vm13 =	vlt.s32 v45, s20  }
0x358: {  	v45 =	vsel vm13, $0x80000000, v9  }
0x359: {  	(xrf0) =	vmax.scan.msk.u32 $0xffff, v45  }
0x35a: {  	(xrf0) =	vadd.scan.msk.s32 $0xffff, v44;
	_ =	sdelay $0x4  }
0x35b: {  	v45, _, _ =	vpop (xrf0)  }
0x35c: {  	(v2sf) =	vpush v45, $0xF;
	v50, _, _ =	vpop (xrf0)  }
0x35d: {  	(v2sf) =	vpush v50, $0xF;
	_ =	sdelay $0xd  }
0x35e: {  	s30 =	spop (v2sf)  }
0x35f: {  	s15 =	spop (v2sf)  }
0x360: {  	v45 =	vld [tilespmem:$0x7A80];
	v51 =	vsub.s32 v44, v50;
	s0 =	sadd.s32 s15, s0  }
0x361: {  	v46 =	vadd.s32 s0, v51  }
0x362: {  	vm14 =	vlt.s32 v46, s20  }
0x363: {  	v46 =	vsel vm14, $0x80000000, v10  }
0x364: {  	(xrf0) =	vmax.scan.msk.u32 $0xffff, v46  }
0x365: {  	(xrf0) =	vadd.scan.msk.s32 $0xffff, v45;
	_ =	sdelay $0x4  }
0x366: {  	v46, _, _ =	vpop (xrf0)  }
0x367: {  	(v2sf) =	vpush v46, $0xF;
	v52, _, _ =	vpop (xrf0)  }
0x368: {  	(v2sf) =	vpush v52, $0xF;
	_ =	sdelay $0xd  }
0x369: {  	s31 =	spop (v2sf)  }
0x36a: {  	s16 =	spop (v2sf)  }
0x36b: {  	v46 =	vld [tilespmem:$0x7A00];
	v53 =	vsub.s32 v45, v52;
	s1 =	sadd.s32 s16, s0  }
0x36c: {  	v47 =	vadd.s32 s1, v53  }
0x36d: {  	vm15 =	vlt.s32 v47, s20  }
0x36e: {  	v47 =	vsel vm15, $0x80000000, v11  }
0x36f: {  	(xrf0) =	vmax.scan.msk.u32 $0xffff, v47  }
0x370: {  	(xrf0) =	vadd.scan.msk.s32 $0xffff, v46;
	_ =	sdelay $0x4  }
0x371: {  	v47, _, _ =	vpop (xrf0)  }
0x372: {  	(v2sf) =	vpush v47, $0xF;
	v54, _, _ =	vpop (xrf0)  }
0x373: {  	(v2sf) =	vpush v54, $0xF;
	_ =	sdelay $0xd  }
0x374: {  	s0 =	spop (v2sf)  }
0x375: {  	s17 =	spop (v2sf)  }
0x376: {  	v55 =	vld [tilespmem:$0x7980];
	v47 =	vsub.s32 v46, v54;
	s1 =	sadd.s32 s17, s1  }
0x377: {  	v47 =	vadd.s32 s1, v47  }
0x378: {  	vm4 =	vlt.s32 v47, s20  }
0x379: {  	v47 =	vsel vm4, $0x80000000, v12  }
0x37a: {  	(xrf0) =	vmax.scan.msk.u32 $0xffff, v47  }
0x37b: {  	(xrf0) =	vadd.scan.msk.s32 $0xffff, v55;
	_ =	sdelay $0x4  }
0x37c: {  	v47, _, _ =	vpop (xrf0)  }
0x37d: {  	(v2sf) =	vpush v47, $0xF;
	v56, _, _ =	vpop (xrf0)  }
0x37e: {  	(v2sf) =	vpush v56, $0xF;
	_ =	sdelay $0xd  }
0x37f: {  	s13 =	spop (v2sf)  }
0x380: {  	s14 =	spop (v2sf)  }
0x381: {  	v57 =	vld [tilespmem:$0x7900];
	v47 =	vsub.s32 v55, v56;
	s1 =	sadd.s32 s14, s1  }
0x382: {  	v47 =	vadd.s32 s1, v47  }
0x383: {  	vm5 =	vlt.s32 v47, s20  }
0x384: {  	v47 =	vsel vm5, $0x80000000, v13  }
0x385: {  	(xrf0) =	vmax.scan.msk.u32 $0xffff, v47  }
0x386: {  	(xrf0) =	vadd.scan.msk.s32 $0xffff, v57;
	_ =	sdelay $0x4  }
0x387: {  	v47, _, _ =	vpop (xrf0)  }
0x388: {  	(v2sf) =	vpush v47, $0xF;
	v58, _, _ =	vpop (xrf0)  }
0x389: {  	(v2sf) =	vpush v58, $0xF;
	_ =	sdelay $0xd  }
0x38a: {  	s14 =	spop (v2sf)  }
0x38b: {  	s15 =	spop (v2sf)  }
0x38c: {  	v59 =	vld [tilespmem:$0x7880];
	v47 =	vsub.s32 v57, v58;
	s1 =	sadd.s32 s15, s1  }
0x38d: {  	v47 =	vadd.s32 s1, v47  }
0x38e: {  	vm6 =	vlt.s32 v47, s20  }
0x38f: {  	v47 =	vsel vm6, $0x80000000, v16  }
0x390: {  	(xrf0) =	vmax.scan.msk.u32 $0xffff, v47  }
0x391: {  	(xrf0) =	vadd.scan.msk.s32 $0xffff, v59;
	_ =	sdelay $0x4  }
0x392: {  	v47, _, _ =	vpop (xrf0)  }
0x393: {  	(v2sf) =	vpush v47, $0xF;
	v60, _, _ =	vpop (xrf0)  }
0x394: {  	(v2sf) =	vpush v60, $0xF;
	_ =	sdelay $0xd  }
0x395: {  	s15 =	spop (v2sf)  }
0x396: {  	s16 =	spop (v2sf)  }
0x397: {  	v61 =	vld [tilespmem:$0x7800];
	v47 =	vsub.s32 v59, v60;
	s1 =	sadd.s32 s16, s1  }
0x398: {  	v47 =	vadd.s32 s1, v47  }
0x399: {  	vm7 =	vlt.s32 v47, s20  }
0x39a: {  	v47 =	vsel vm7, $0x80000000, v18  }
0x39b: {  	(xrf0) =	vmax.scan.msk.u32 $0xffff, v47  }
0x39c: {  	(xrf0) =	vadd.scan.msk.s32 $0xffff, v61;
	_ =	sdelay $0x4  }
0x39d: {  	v47, _, _ =	vpop (xrf0)  }
0x39e: {  	(v2sf) =	vpush v47, $0xF;
	v62, _, _ =	vpop (xrf0)  }
0x39f: {  	(v2sf) =	vpush v62, $0xF;
	_ =	sdelay $0xd  }
0x3a0: {  	s16 =	spop (v2sf)  }
0x3a1: {  	s17 =	sxor.u32 $0x80000000, s21;
	s21 =	sxor.u32 $0x80000000, s22;
	s22 =	spop (v2sf)  }
0x3a2: {  	p1 =	sgt.s32 s17, s21;
	v47 =	vsub.s32 v61, v62;
	s1 =	sadd.s32 s22, s1  }
0x3a3: {  	s21 =	smov.u32 @p1 s17;
	v47 =	vadd.s32 s1, v47;
	s1 =	sxor.u32 $0x80000000, s23  }
0x3a4: {  	p1 =	sgt.s32 s21, s1;
	vm8 =	vlt.s32 v47, s20  }
0x3a5: {  	s17 =	sxor.u32 $0x80000000, s24;
	s1 =	smov.u32 @p1 s21;
	v47 =	vsel vm8, $0x80000000, v19  }
0x3a6: {  	p1 =	sgt.s32 s1, s17;
	(xrf0) =	vmax.scan.msk.u32 $0xffff, v47  }
0x3a7: {  	s17 =	smov.u32 @p1 s1;
	s1 =	sxor.u32 $0x80000000, s25  }
0x3a8: {  	p1 =	sgt.s32 s17, s1  }
0x3a9: {  	s1 =	smov.u32 @p1 s17;
	s17 =	sxor.u32 $0x80000000, s26  }
0x3aa: {  	p1 =	sgt.s32 s1, s17  }
0x3ab: {  	s17 =	smov.u32 @p1 s1;
	s1 =	sxor.u32 $0x80000000, s28  }
0x3ac: {  	p1 =	sgt.s32 s17, s1;
	v47, _, _ =	vpop (xrf0)  }
0x3ad: {  	s1 =	smov.u32 @p1 s17;
	s17 =	sxor.u32 $0x80000000, s29;
	(v2sf) =	vpush v47, $0xF  }
0x3ae: {  	p1 =	sgt.s32 s1, s17  }
0x3af: {  	s17 =	smov.u32 @p1 s1;
	s1 =	sxor.u32 $0x80000000, s30  }
0x3b0: {  	p1 =	sgt.s32 s17, s1  }
0x3b1: {  	s1 =	smov.u32 @p1 s17;
	s17 =	sxor.u32 $0x80000000, s31  }
0x3b2: {  	p1 =	sgt.s32 s1, s17  }
0x3b3: {  	s0 =	sxor.u32 $0x80000000, s0;
	s17 =	smov.u32 @p1 s1  }
0x3b4: {  	p1 =	sgt.s32 s17, s0  }
0x3b5: {  	s1 =	sxor.u32 $0x80000000, s13;
	s0 =	smov.u32 @p1 s17  }
0x3b6: {  	p1 =	sgt.s32 s0, s1  }
0x3b7: {  	s1 =	smov.u32 @p1 s0;
	s0 =	sxor.u32 $0x80000000, s14  }
0x3b8: {  	p1 =	sgt.s32 s1, s0  }
0x3b9: {  	s0 =	smov.u32 @p1 s1;
	s1 =	sxor.u32 $0x80000000, s15  }
0x3ba: {  	p1 =	sgt.s32 s0, s1  }
0x3bb: {  	s13 =	sxor.u32 $0x80000000, s16;
	s1 =	smov.u32 @p1 s0  }
0x3bc: {  	p1 =	sgt.s32 s1, s13;
	s21 =	spop (v2sf)  }
0x3bd: {  	s13 =	smov.u32 @p1 s1;
	s0 =	sxor.u32 $0x80000000, s21  }
0x3be: {  	p1 =	sgt.s32 s13, s0  }
0x3bf: {  	s0 =	smov.u32 @p1 s13  }
0x3c0: {  	p1 =	sgt.s32 s0, $0x0  }
0x3c1: {  	s0 =	simm.s32 @!p1 $0x0  }
0x3c2: {  	v63 =	vmov s0  }
0x3c3: {  	vm9 =	vlt.u32 v63, v0;
	vm10 =	vlt.u32 v63, v20  }
0x3c4: {  	vm11 =	vlt.u32 v63, v21;
	v20 =	vnsel vm9, $0x0, v61;
	v50 =	vnsel vm10, $0x0, v59  }
0x3c5: {  	vm12 =	vlt.u32 v63, v22;
	v21 =	vnsel vm11, $0x0, v57;
	v20 =	vadd.s32 v50, v20  }
0x3c6: {  	vm13 =	vlt.u32 v63, v23;
	v20 =	vadd.s32 v21, v20;
	v21 =	vnsel vm12, $0x0, v55  }
0x3c7: {  	vm14 =	vlt.u32 v63, v24;
	v20 =	vadd.s32 v21, v20;
	v21 =	vnsel vm13, $0x0, v46  }
0x3c8: {  	vm15 =	vlt.u32 v63, v25;
	v20 =	vadd.s32 v21, v20;
	v21 =	vnsel vm14, $0x0, v45  }
0x3c9: {  	vm4 =	vlt.u32 v63, v26;
	v20 =	vadd.s32 v21, v20;
	v21 =	vnsel vm15, $0x0, v44  }
0x3ca: {  	vm5 =	vlt.u32 v63, v27;
	v20 =	vadd.s32 v21, v20;
	v21 =	vnsel vm4, $0x0, v43  }
0x3cb: {  	vm6 =	vlt.u32 v63, v28;
	v20 =	vadd.s32 v21, v20;
	v21 =	vnsel vm5, $0x0, v42  }
0x3cc: {  	vm7 =	vlt.u32 v63, v29;
	v20 =	vadd.s32 v21, v20;
	v21 =	vnsel vm6, $0x0, v41  }
0x3cd: {  	vm8 =	vlt.u32 v63, v30;
	v20 =	vadd.s32 v21, v20;
	v21 =	vnsel vm7, $0x0, v40  }
0x3ce: {  	vm9 =	vlt.u32 v63, v31;
	v20 =	vadd.s32 v21, v20;
	v21 =	vnsel vm8, $0x0, v39  }
0x3cf: {  	vm10 =	vlt.u32 v63, v34;
	v20 =	vadd.s32 v21, v20;
	v21 =	vnsel vm9, $0x0, v38  }
0x3d0: {  	vm11 =	vlt.u32 v63, v32;
	v20 =	vadd.s32 v21, v20;
	v21 =	vnsel vm10, $0x0, v37  }
0x3d1: {  	[tilespmem:$0x800] =	vst v14;
	vm12 =	vlt.u32 v63, v33;
	v20 =	vadd.s32 v21, v20;
	v21 =	vnsel vm11, $0x0, v36  }
0x3d2: {  	[tilespmem:$0x880] =	vst v14;
	v20 =	vadd.s32 v21, v20;
	v21 =	vnsel vm12, $0x0, v35  }
0x3d3: {  	[tilespmem:$0x900] =	vst v14;
	v20 =	vadd.s32 v21, v20  }
0x3d4: {  	[tilespmem:$0x980] =	vst v14;
	(xrf0) =	vadd.scan.msk.s32 $0xffff, v20  }
0x3d5: {  	[tilespmem:$0xA00] =	vst v14  }
0x3d6: {  	[tilespmem:$0xA80] =	vst v14  }
0x3d7: {  	[tilespmem:$0xB00] =	vst v14  }
0x3d8: {  	[tilespmem:$0xB80] =	vst v14  }
0x3d9: {  	[tilespmem:$0xC00] =	vst v14  }
0x3da: {  	[tilespmem:$0xC80] =	vst v14;
	v20, _, _ =	vpop (xrf0)  }
0x3db: {  	[tilespmem:$0xD00] =	vst v14;
	(v2sf) =	vpush v20, $0xF  }
0x3dc: {  	[tilespmem:$0xD80] =	vst v14  }
0x3dd: {  	[tilespmem:$0xE00] =	vst v14;
	s22 =	simm.s32 $0x0  }
0x3de: {  	v22 =	vld [tilespmem:s22+$0x0];
	_ =	sdelay $0x1  }
0x3df: {  	s23 =	sshll.u32 s19, $0x8  }
0x3e0: {  	s0 =	sadd.s32 s23, s0  }
0x3e1: {  	s1 =	sxor.u32 $0x80000000, s0;
	v21 =	vmov s0  }
0x3e2: {  	v23 =	vxor.u32 $0x80000000, v22;
	vm13 =	veq.s32 v22, v21;
	v20 =	vmov s1  }
0x3e3: {  	s24 =	simm.s32 $0x0;
	v22 =	vsel vm13, $0x1, v15;
	vm14 =	vgt.s32 v23, v20  }
0x3e4: {  	s0 =	sand.u32 $0x1FFF, s24;
	(xrf0) =	vadd.scan.msk.s32 $0xffff, v22;
	v23 =	vsel vm14, $0x1, v15  }
0x3e5: {  	p6 =	por $0x1, $0x1;
	p2 =	sne.s32 s0, $0x0;
	(xrf0) =	vadd.scan.msk.s32 $0xffff, v23  }
0x3e6: {  	p1 =	por !p6, !p2  }
0x3e7: {  	s0 =	simm.s32 $0x1;
	p1 =	por !p1, !p1  }
0x3e8: {  	s0 =	simm.s32 @!p1 $0x0  }
0x3e9: {  	s0 =	ssub.s32 $0x0, s0;
	s25 =	spop (v2sf)  }
0x3ea: {  	s26 =	sshll.u32 s0, $0xD;
	v23, _, _ =	vpop (xrf0);
	s1 =	ssub.s32 s20, s25  }
0x3eb: {  	s13 =	ssub.s32 $0x0, s26;
	(v2sf) =	vpush v23, $0xF;
	v24, _, _ =	vpop (xrf0);
	s28 =	ssub.s32 $0xCC, s1  }
0x3ec: {  	v25 =	vadd.s32 s13, v23;
	(v2sf) =	vpush v24, $0xF;
	v22 =	vmov s28  }
0x3ed: {  	v23 =	vadd.s32 s0, v24;
	v24 =	vadd.s32 v22, v25  }
0x3ee: {  	v23 =	vsel vm14, v23, v24  }
0x3ef: {  	v24 =	vadd.s32 $0xFFFFFFFF, v23  }
0x3f0: {  	vm2 =	vgt.s32 v24, $0x0  }
0x3f1: {  	v23 =	vmov s1;
	v24 =	vnsel vm2, $0x0, v24  }
0x3f2: {  	vm15 =	vle.s32 v25, v23;
	v24 =	vmin.u32 v24, $0xCF  }
0x3f3: {  	vm1 =	vmand vm13, vm15;
	v25 =	vshll.u32 v24, $0x3  }
0x3f4: {  	vm0 =	vmor vm14, vm1;
	v24 =	vand.u32 $0xF, v24;
	v25 =	vand.u32 $0x780, v25  }
0x3f5: {  	v24 =	vor.u32 v24, v25;
	_ =	sdelay $0x3  }
0x3f6: {  	v25 =	vor.u32 s3, v0  }
0x3f7: {  	s31 =	simm.s32 $0x10;
	s29 =	spop (v2sf);
	[tilespmem:v24+s10+$0x0] =	vst.idx.msk vm0, v25  }
0x3f8: {  	s30 =	spop (v2sf);
	v24 =	vld [tilespmem:s31+$0x0]  }
0x3f9: {  	s19 =	smov.u32 s3;
	s0 =	sadd.s32 s0, s30  }
0x3fa: {  	s14 =	simm.s32 $0x80;
	s13 =	sadd.s32 s13, s29;
	s15 =	sshll.u32 s0, $0xD  }
.LBB2_11:
0x3fb: {  	s1 =	sadd.s32 s15, s13  }
0x3fc: {  	s19 =	sadd.s32 $0x10, s19;
	s13 =	smov.u32 s14;
	s0 =	sadd.s32 $0x40, s14  }
0x3fd: {  	p1 =	sne.s32 s14, $0x1FC0;
	s14 =	sshra.s32 s1, $0x1F;
	s15 =	sand.u32 $0x1FFF, s1;
	v25 =	vxor.u32 $0x80000000, v24;
	vm0 =	veq.s32 v24, v21  }
0x3fe: {  	p2 =	slt.s32 s1, $0x1;
	s14 =	sshrl.u32 s14, $0x13;
	p3 =	sne.s32 s15, $0x0;
	vm1 =	vgt.s32 v25, v20;
	v24 =	vsel vm0, $0x1, v15  }
0x3ff: {  	s14 =	sadd.s32 s14, s1;
	p2 =	por !p2, !p3;
	v25 =	vsel vm1, $0x1, v15;
	(xrf0) =	vadd.scan.msk.s32 $0xffff, v24  }
0x400: {  	s15 =	simm.s32 $0x1;
	p2 =	por !p2, !p2;
	(xrf0) =	vadd.scan.msk.s32 $0xffff, v25  }
0x401: {  	s15 =	simm.s32 @!p2 $0x0  }
0x402: {  	s14 =	sshra.s32 s14, $0xD  }
0x403: {  	s14 =	ssub.s32 s14, s15  }
0x404: {  	s15 =	sshll.u32 s14, $0xD  }
0x405: {  	s1 =	ssub.s32 s1, s15;
	v24, _, _ =	vpop (xrf0)  }
0x406: {  	v25 =	vadd.s32 s1, v24;
	v26, _, _ =	vpop (xrf0);
	(v2sf) =	vpush v24, $0xF  }
0x407: {  	v24 =	vadd.s32 s14, v26;
	v27 =	vadd.s32 v22, v25;
	(v2sf) =	vpush v26, $0xF  }
0x408: {  	vm2 =	vle.s32 v25, v23;
	v24 =	vsel vm1, v24, v27  }
0x409: {  	vm0 =	vmand vm0, vm2;
	v24 =	vadd.s32 $0xFFFFFFFF, v24  }
0x40a: {  	vm0 =	vmor vm1, vm0;
	vm2 =	vgt.s32 v24, $0x0  }
0x40b: {  	v24 =	vnsel vm2, $0x0, v24  }
0x40c: {  	v24 =	vmin.u32 v24, $0xCF  }
0x40d: {  	v25 =	vshll.u32 v24, $0x3  }
0x40e: {  	v24 =	vand.u32 $0xF, v24;
	v25 =	vand.u32 $0x780, v25  }
0x40f: {  	v24 =	vor.u32 v24, v25;
	_ =	sdelay $0x3  }
0x410: {  	v25 =	vor.u32 s19, v0  }
.Ltmp5:
0x411: {  	s13 =	sshra.s32 s13, $0x2;
	[tilespmem:v24+s10+$0x0] =	vst.idx.msk vm0, v25;
	(pc) =	sbr.rel @p1 .LBB2_11-.Ltmp5, $4  }
0x412: {  	v24 =	vld [tilespmem:s13+$0x0];
	s13 =	spop (v2sf)  }
0x413: {  	s13 =	sadd.s32 s1, s13;
	s1 =	spop (v2sf)  }
0x414: {  	s1 =	sadd.s32 s14, s1  }
0x415: {  	s14 =	smov.u32 s0;
	s15 =	sshll.u32 s1, $0xD  }
0x416: {  	_ = 	snop  }
0x417: {  	s0 =	sadd.s32 s15, s13;
	v25 =	vxor.u32 $0x80000000, v24;
	vm0 =	veq.s32 v24, v21  }
0x418: {  	s1 =	sand.u32 $0x1FFF, s0;
	vm1 =	vgt.s32 v25, v20;
	v20 =	vsel vm0, $0x1, v15  }
0x419: {  	s13 =	sshra.s32 s0, $0x1F;
	p1 =	slt.s32 s0, $0x1;
	p2 =	sne.s32 s1, $0x0;
	v58 =	vsel vm1, $0x1, v15;
	(xrf0) =	vadd.scan.msk.s32 $0xffff, v20  }
0x41a: {  	s21 =	sshrl.u32 s13, $0x13;
	p1 =	por !p1, !p2;
	(xrf0) =	vadd.scan.msk.s32 $0xffff, v58  }
0x41b: {  	s13 =	simm.s32 $0x1;
	s1 =	sadd.s32 s21, s0;
	p1 =	por !p1, !p1  }
0x41c: {  	s1 =	sshra.s32 s1, $0xD;
	s13 =	simm.s32 @!p1 $0x0  }
0x41d: {  	s1 =	ssub.s32 s1, s13  }
0x41e: {  	s13 =	sshll.u32 s1, $0xD  }
0x41f: {  	s0 =	ssub.s32 s0, s13;
	v20, _, _ =	vpop (xrf0)  }
0x420: {  	v59 =	vadd.s32 s0, v20;
	v60, _, _ =	vpop (xrf0)  }
0x421: {  	v61 =	vadd.s32 s1, v60;
	v22 =	vadd.s32 v22, v59  }
0x422: {  	v22 =	vsel vm1, v61, v22  }
0x423: {  	v22 =	vadd.s32 $0xFFFFFFFF, v22  }
0x424: {  	vm2 =	vgt.s32 v22, $0x0  }
0x425: {  	v22 =	vnsel vm2, $0x0, v22  }
0x426: {  	vm15 =	vle.s32 v59, v23;
	v62 =	vmin.u32 v22, $0xCF  }
0x427: {  	vm0 =	vmand vm0, vm15;
	v22 =	vshll.u32 v62, $0x3  }
0x428: {  	vm0 =	vmor vm1, vm0;
	v21 =	vand.u32 $0xF, v62;
	v22 =	vand.u32 $0x780, v22  }
0x429: {  	v21 =	vor.u32 v21, v22;
	_ =	sdelay $0x2  }
0x42a: {  	s22 =	sadd.s32 $0x10, s19  }
0x42b: {  	v63 =	vor.u32 s22, v0  }
0x42c: {  	[tilespmem:v21+s10+$0x0] =	vst.idx.msk vm0, v63  }
0x42d: {  	[tilespmem:s12], [sflag:$0x1] =	stream.indirect.gather [hbm4b:s2+s11], $0x80, s10, s11, $0xb8;
	[tilespmem:$0x8000] =	vst v63  }
0x42e: {  	s23 =	simm.s32 $0x880;
	s24 =	simm.s32 $0x1800  }
0x42f: {  	[tilespmem:s24], [sflag:$0x1] =	stream.indirect.gather [hbm4b:s2+s11], $0x80, s23, s11, $0xb8;
	[tilespmem:$0x8000] =	vst v63  }
0x430: {  	s25 =	simm.s32 $0x900;
	s26 =	simm.s32 $0x2000  }
0x431: {  	[tilespmem:s26], [sflag:$0x1] =	stream.indirect.gather [hbm4b:s2+s11], $0x80, s25, s11, $0xb8;
	[tilespmem:$0x8000] =	vst v63  }
0x432: {  	s28 =	simm.s32 $0x980;
	s29 =	simm.s32 $0x2800  }
0x433: {  	(v2sf) =	vpush v20, $0xF;
	[tilespmem:s29], [sflag:$0x1] =	stream.indirect.gather [hbm4b:s2+s11], $0x80, s28, s11, $0xb8;
	[tilespmem:$0x8000] =	vst v63  }
0x434: {  	s30 =	simm.s32 $0xA00;
	s31 =	simm.s32 $0x3000  }
0x435: {  	(v2sf) =	vpush v60, $0xF;
	[tilespmem:s31], [sflag:$0x1] =	stream.indirect.gather [hbm4b:s2+s11], $0x80, s30, s11, $0xb8;
	[tilespmem:$0x8000] =	vst v63  }
0x436: {  	s14 =	simm.s32 $0x3800;
	s13 =	simm.s32 $0xA80  }
0x437: {  	[tilespmem:s14], [sflag:$0x1] =	stream.indirect.gather [hbm4b:s2+s11], $0x80, s13, s11, $0xb8;
	[tilespmem:$0x8000] =	vst v63  }
0x438: {  	s15 =	simm.s32 $0xB00;
	s16 =	simm.s32 $0x4000  }
0x439: {  	[tilespmem:s16], [sflag:$0x1] =	stream.indirect.gather [hbm4b:s2+s11], $0x80, s15, s11, $0xb8;
	[tilespmem:$0x8000] =	vst v63  }
0x43a: {  	s17 =	simm.s32 $0xB80;
	s19 =	simm.s32 $0x4800  }
0x43b: {  	[tilespmem:s19], [sflag:$0x1] =	stream.indirect.gather [hbm4b:s2+s11], $0x80, s17, s11, $0xb8;
	[tilespmem:$0x8000] =	vst v63  }
0x43c: {  	s20 =	simm.s32 $0xC00;
	s21 =	simm.s32 $0x5000  }
0x43d: {  	[tilespmem:s21], [sflag:$0x1] =	stream.indirect.gather [hbm4b:s2+s11], $0x80, s20, s11, $0xb8;
	[tilespmem:$0x8000] =	vst v63  }
0x43e: {  	s22 =	simm.s32 $0xC80;
	s23 =	simm.s32 $0x5800  }
0x43f: {  	[tilespmem:s23], [sflag:$0x1] =	stream.indirect.gather [hbm4b:s2+s11], $0x80, s22, s11, $0xb8;
	[tilespmem:$0x8000] =	vst v63  }
0x440: {  	s24 =	simm.s32 $0xD00;
	s25 =	simm.s32 $0x6000  }
0x441: {  	[tilespmem:s25], [sflag:$0x1] =	stream.indirect.gather [hbm4b:s2+s11], $0x80, s24, s11, $0xb8;
	[tilespmem:$0x8000] =	vst v63  }
0x442: {  	s0 =	simm.s32 $0xD80;
	s26 =	spop (v2sf);
	s28 =	simm.s32 $0x6800  }
0x443: {  	[tilespmem:s28], [sflag:$0x1] =	stream.indirect.gather [hbm4b:s2+s11], $0x80, s0, s11, $0xb8;
	[tilespmem:$0x8000] =	vst v63  }
0x444: {  	s29 =	spop (v2sf);
	s30 =	simm.s32 $0x7000;
	s0 =	simm.s32 $0xE00  }
0x445: {  	[tilespmem:s30], [sflag:$0x1] =	stream.indirect.gather [hbm4b:s2+s11], $0x80, s0, s11, $0xb8;
	[tilespmem:$0x8000] =	vst v63  }
0x446: {  	_ =	swait.ge [sflag:s9], $0x800  }
0x447: {  	[sflag:s9] =	ssyncset.done $0x0  }
0x448: {  	[sflag:s9] =	ssyncadd.s32 $0xFFFFF800  }
0x449: {  	_ =	swait.ge [sflag:s9], $0x800  }
0x44a: {  	[sflag:s9] =	ssyncset.done $0x0  }
0x44b: {  	[sflag:s9] =	ssyncadd.s32 $0xFFFFF800  }
0x44c: {  	_ =	swait.ge [sflag:s9], $0x800  }
0x44d: {  	[sflag:s9] =	ssyncset.done $0x0  }
0x44e: {  	[sflag:s9] =	ssyncadd.s32 $0xFFFFF800  }
0x44f: {  	_ =	swait.ge [sflag:s9], $0x800  }
0x450: {  	[sflag:s9] =	ssyncset.done $0x0  }
0x451: {  	[sflag:s9] =	ssyncadd.s32 $0xFFFFF800  }
0x452: {  	_ =	swait.ge [sflag:s9], $0x800  }
0x453: {  	[sflag:s9] =	ssyncset.done $0x0  }
0x454: {  	[sflag:s9] =	ssyncadd.s32 $0xFFFFF800  }
0x455: {  	_ =	swait.ge [sflag:s9], $0x800  }
0x456: {  	[sflag:s9] =	ssyncset.done $0x0  }
0x457: {  	[sflag:s9] =	ssyncadd.s32 $0xFFFFF800  }
0x458: {  	_ =	swait.ge [sflag:s9], $0x800  }
0x459: {  	[sflag:s9] =	ssyncset.done $0x0  }
0x45a: {  	[sflag:s9] =	ssyncadd.s32 $0xFFFFF800  }
0x45b: {  	_ =	swait.ge [sflag:s9], $0x800  }
0x45c: {  	[sflag:s9] =	ssyncset.done $0x0  }
0x45d: {  	[sflag:s9] =	ssyncadd.s32 $0xFFFFF800  }
0x45e: {  	_ =	swait.ge [sflag:s9], $0x800  }
0x45f: {  	[sflag:s9] =	ssyncset.done $0x0  }
0x460: {  	[sflag:s9] =	ssyncadd.s32 $0xFFFFF800  }
0x461: {  	_ =	swait.ge [sflag:s9], $0x800  }
0x462: {  	[sflag:s9] =	ssyncset.done $0x0  }
0x463: {  	[sflag:s9] =	ssyncadd.s32 $0xFFFFF800  }
0x464: {  	_ =	swait.ge [sflag:s9], $0x800  }
0x465: {  	[sflag:s9] =	ssyncset.done $0x0  }
0x466: {  	[sflag:s9] =	ssyncadd.s32 $0xFFFFF800  }
0x467: {  	_ =	swait.ge [sflag:s9], $0x800  }
0x468: {  	[sflag:s9] =	ssyncset.done $0x0  }
0x469: {  	[sflag:s9] =	ssyncadd.s32 $0xFFFFF800  }
0x46a: {  	s18 =	sadd.s32 $0x1, s18;
	_ =	swait.ge [sflag:s9], $0x800  }
0x46b: {  	p1 =	sne.s32 s18, s6;
	[sflag:s9] =	ssyncset.done $0x0  }
.Ltmp6:
0x46c: {  	s31 =	simm.s32 $0x0;
	[sflag:s9] =	ssyncadd.s32 $0xFFFFF800;
	(pc) =	sbr.rel @p1 .LBB2_2-.Ltmp6, $4  }
0x46d: {  	[hbm4b:s4+s31] =	stream.linear.scatter [tilespmem:s12], [sflag:$0x2], $0x6800, $0x38;
	[tilespmem:$0x8000] =	vst v63  }
0x46e: {  	_ =	swait.ge [sflag:s7], $0x6800  }
0x46f: {  	[sflag:s7] =	ssyncset.done $0x0  }
0x470: {  	[sflag:s7] =	ssyncadd.s32 $0xFFFF9800  }
.LBB2_13:
0x471: {  	_ =	sfence.sel $0x180000  }
0x472: {  	[bflag:$0x0] =	sbarrier.arrive $0xFFFF  }
0x473: {  	_ =	strace $0x90000047  }
0x474: {  	[bflag:$0x2] =	sbarrier.arrive $0xFFFF  }
0x475: {  	s0 =	rddreg [dreg:$0x2]  }
0x476: {  	s0 =	sadd.s32 @!p0 $0x100000, s0  }
0x477: {  	[sflag:s0] =	ssyncadd.tile.s32 @!p0 $0x1;
	_ =	shalt  }
.Lfunc_end2:
_tile_overlayer_lowered:
.L_overlay_start_2:
0x478: {  	(tag) =	ssettag $0x2  }
0x479: {  	s0 =	rddreg [dreg:$0x0];
	s2 =	stileid.u32  }
0x47a: {  	s1 =	rddreg [dreg:$0x1];
	p0 =	sne.s32 s2, $0x0  }
0x47b: {  	s3 =	rddreg [dreg:$0x2];
	[bflag:$0x3] =	sbarrier.arrive $0xFFFF;
	s2 =	simm.s32 @!p0 $0x1C02  }
0x47c: {  	[timem:s3], [sflag:s2] =	dma.local @!p0 [hbm:s0], s1  }
0x47d: {  	s0 =	simm.s32 @!p0 $0x2  }
0x47e: {  	_ =	swait.ge @!p0 [sflag:s0], s1  }
0x47f: {  	s1 =	ssub.s32 @!p0 $0x0, s1;
	[sflag:s0] =	ssyncset.done @!p0 $0x0  }
0x480: {  	[sflag:s0] =	ssyncadd.s32 @!p0 s1  }
0x481: {  	[bflag:$0x3] =	sbarrier.arrive $0xFFFF  }
0x482: {  	_ =	shalt  }

</sc_bundles>
